<compile_context>
chip_gen: v7x
topology: tpu7x:2x2x1
jax: 0.10.2.dev20260603
libtpu: 0.0.44.dev20260713+nightly
codegen_flags: <defaults>
</compile_context>

<pallas_src>
import functools

import jax
import jax.numpy as jnp
from jax import lax
from jax.experimental import pallas as pl
from jax.experimental.pallas import tpu as pltpu
from jax.experimental.pallas import tpu_sc as plsc

B, R, S = 256, 64, 64
N_PTS = 20000
K = 3
PAD_D = 16
N_IDX = 2 * B * R
N_WORKERS = 32
IDX_PER_W = N_IDX // N_WORKERS


PER_W = B * R // N_WORKERS


def _sc_gather_body(tbl, refi_hbm, srci_hbm, out_hbm,
                    refi_v, srci_v, idx3_v, vals_v, sem):
    wid = lax.axis_index("s") * 2 + lax.axis_index("c")
    base = wid * PER_W
    cp_r = pltpu.async_copy(refi_hbm.at[pl.ds(base, PER_W)], refi_v, sem)
    cp_s = pltpu.async_copy(srci_hbm.at[pl.ds(base, PER_W)], srci_v, sem)
    cp_r.wait()
    cp_s.wait()
    copies = []
    for cloud, idx_v in enumerate((refi_v, srci_v)):
        for c in range(3):
            k = 3 * cloud + c
            for j in range(PER_W // 16):
                sl = pl.ds(j * 16, 16)
                idx3_v[k][sl] = idx_v[sl] + k * N_PTS
            copies.append(pltpu.async_copy(tbl.at[idx3_v[k]], vals_v[k], sem))
    for k, cp in enumerate(copies):
        cp.wait()
        pltpu.sync_copy(vals_v[k], out_hbm.at[k, pl.ds(base, PER_W)])


@functools.cache
def _sc_gather():
    return pl.kernel(
        _sc_gather_body,
        out_type=jax.ShapeDtypeStruct((6, B * R), jnp.float32),
        mesh=plsc.VectorSubcoreMesh(core_axis_name="c", subcore_axis_name="s"),
        scratch_types=[
            pltpu.VMEM((PER_W,), jnp.int32),
            pltpu.VMEM((PER_W,), jnp.int32),
            [pltpu.VMEM((PER_W,), jnp.int32) for _ in range(6)],
            [pltpu.VMEM((PER_W,), jnp.float32) for _ in range(6)],
            pltpu.SemaphoreType.DMA,
        ],
        compiler_params=pltpu.CompilerParams(use_tc_tiling_on_sc=False,
                                             needs_layout_passes=False),
    )


def _jacobi4(n_mat, v_mat, sweeps=6):
    def get(i, j):
        return n_mat[(i, j)] if i <= j else n_mat[(j, i)]

    def put(i, j, val):
        n_mat[(i, j) if i <= j else (j, i)] = val

    for _ in range(sweeps):
        for p in range(4):
            for q in range(p + 1, 4):
                apq = get(p, q)
                app = get(p, p)
                aqq = get(q, q)
                tau = (aqq - app) / (2.0 * apq + 1e-30)
                sgn = jnp.where(tau >= 0, jnp.float32(1.0), jnp.float32(-1.0))
                t = sgn / (jnp.abs(tau) + jnp.sqrt(1.0 + tau * tau))
                small = jnp.abs(apq) < 1e-12
                c = jnp.where(small, 1.0, 1.0 / jnp.sqrt(1.0 + t * t))
                s = jnp.where(small, 0.0, t * c)
                for k in range(4):
                    if k != p and k != q:
                        akp = get(k, p)
                        akq = get(k, q)
                        put(k, p, c * akp - s * akq)
                        put(k, q, s * akp + c * akq)
                put(p, p, app - t * apq)
                put(q, q, aqq + t * apq)
                put(p, q, jnp.float32(0.0) * apq)
                for k in range(4):
                    vkp = v_mat[(k, p)]
                    vkq = v_mat[(k, q)]
                    v_mat[(k, p)] = c * vkp - s * vkq
                    v_mat[(k, q)] = s * vkp + c * vkq
    return [n_mat[(i, i)] for i in range(4)], v_mat


def _tc_body(score_ref, planes_ref, maskr_ref, masks_ref, conf_ref, out_ref):
    f32 = jnp.float32
    e = jnp.exp(score_ref[...])
    conf = conf_ref[0, 0]
    neg = f32(-jnp.inf)
    big = jnp.int32(1 << 20)

    def top3_mask(x, axis):
        iota = lax.broadcasted_iota(jnp.int32, (R, S, B), axis)
        for _ in range(3):
            m = jnp.max(x, axis=axis, keepdims=True)
            cand = jnp.where(x == m, iota, -big)
            imin = jnp.max(cand, axis=axis, keepdims=True)
            x = jnp.where(iota == imin, neg, x)
        return x == neg

    sel_row = top3_mask(e, 1)
    sel_col = top3_mask(e, 0)

    maskr = maskr_ref[...].astype(f32)
    masks = masks_ref[...].astype(f32)
    w = jnp.where(sel_row & sel_col & (e > conf), f32(1.0), f32(0.0))
    w = w * maskr[:, None, :] * masks[None, :, :]

    wr = jnp.sum(w, axis=1)
    ws = jnp.sum(w, axis=0)
    w_total = jnp.sum(wr)

    refc_p = [planes_ref[i] for i in range(3)]
    srcc_p = [planes_ref[3 + i] for i in range(3)]

    def sum2(x):
        return jnp.sum(jnp.sum(x, axis=0))

    p_s = [sum2(wr * rp) for rp in refc_p]
    q_s = [sum2(ws * sp) for sp in srcc_p]

    g_s = []
    for d in range(3):
        yd = jnp.sum(w * srcc_p[d][None, :, :], axis=1)
        g_s.append([sum2(yd * rp) for rp in refc_p])

    sw = w_total + f32(1e-8)
    ref_c = [p / sw for p in p_s]
    src_c = [q / sw for q in q_s]
    h = [[g_s[d][ee] - src_c[d] * p_s[ee] - q_s[d] * ref_c[ee]
          + w_total * src_c[d] * ref_c[ee] for ee in range(3)] for d in range(3)]

    sxx, sxy, sxz = h[0]
    syx, syy, syz = h[1]
    szx, szy, szz = h[2]
    n_mat = {
        (0, 0): sxx + syy + szz, (0, 1): syz - szy, (0, 2): szx - sxz, (0, 3): sxy - syx,
        (1, 1): sxx - syy - szz, (1, 2): sxy + syx, (1, 3): szx + sxz,
        (2, 2): -sxx + syy - szz, (2, 3): syz + szy,
        (3, 3): -sxx - syy + szz,
    }
    v_mat = {(i, j): f32(1.0) if i == j else f32(0.0)
             for i in range(4) for j in range(4)}
    evals, v_mat = _jacobi4(n_mat, v_mat)

    best = evals[0]
    q4 = [v_mat[(k, 0)] for k in range(4)]
    for j in range(1, 4):
        better = evals[j] > best
        q4 = [jnp.where(better, v_mat[(k, j)], q4[k]) for k in range(4)]
        best = jnp.where(better, evals[j], best)
    qn = f32(1.0) / jnp.sqrt(q4[0] ** 2 + q4[1] ** 2 + q4[2] ** 2 + q4[3] ** 2)
    qw, qx, qy, qz = [c * qn for c in q4]

    r00 = 1 - 2 * (qy * qy + qz * qz)
    r01 = 2 * (qx * qy - qw * qz)
    r02 = 2 * (qx * qz + qw * qy)
    r10 = 2 * (qx * qy + qw * qz)
    r11 = 1 - 2 * (qx * qx + qz * qz)
    r12 = 2 * (qy * qz - qw * qx)
    r20 = 2 * (qx * qz - qw * qy)
    r21 = 2 * (qy * qz + qw * qx)
    r22 = 1 - 2 * (qx * qx + qy * qy)
    rot = [[r00, r01, r02], [r10, r11, r12], [r20, r21, r22]]
    t_vec = [ref_c[i] - (rot[i][0] * src_c[0] + rot[i][1] * src_c[1]
                         + rot[i][2] * src_c[2]) for i in range(3)]

    ri = lax.broadcasted_iota(jnp.int32, (4, 4), 0)
    ci = lax.broadcasted_iota(jnp.int32, (4, 4), 1)
    t_out = jnp.where((ri == 3) & (ci == 3), f32(1.0), f32(0.0))
    for i in range(3):
        for j in range(3):
            t_out = jnp.where((ri == i) & (ci == j), rot[i][j], t_out)
        t_out = jnp.where((ri == i) & (ci == 3), t_vec[i], t_out)
    out_ref[...] = t_out


_tc_main = pl.pallas_call(
    _tc_body,
    out_shape=jax.ShapeDtypeStruct((4, 4), jnp.float32),
    in_specs=[
        pl.BlockSpec(memory_space=pltpu.VMEM),
        pl.BlockSpec(memory_space=pltpu.VMEM),
        pl.BlockSpec(memory_space=pltpu.VMEM),
        pl.BlockSpec(memory_space=pltpu.VMEM),
        pl.BlockSpec(memory_space=pltpu.SMEM),
    ],
    out_specs=pl.BlockSpec(memory_space=pltpu.VMEM),
)


def kernel(ref_knn_masks, src_knn_masks, ref_knn_indices, src_knn_indices,
           score_mat, src_points_f, ref_points_f, distance_threshold):
    f32 = jnp.float32
    tbl = jnp.concatenate([jnp.transpose(ref_points_f).reshape(-1),
                           jnp.transpose(src_points_f).reshape(-1)])
    planes = _sc_gather()(
        tbl,
        ref_knn_indices.T.reshape(-1).astype(jnp.int32),
        src_knn_indices.T.reshape(-1).astype(jnp.int32),
    )
    conf = jnp.reshape(distance_threshold.astype(f32), (1, 1))
    t_out = _tc_main(jnp.transpose(score_mat, (1, 2, 0)),
                     planes.reshape(6, R, B),
                     ref_knn_masks.T, src_knn_masks.T, conf)
    return t_out

# --- scband reference (transcript-rebuilt; emitter-appended) ---
"""Pipeline reference for scband-local-global-registration-68582037783100 (READ-ONLY COPY).

The authoritative reference and input builder live on the scoring server;
editing this copy changes nothing except your own understanding.
"""

import jax, jax.numpy as jnp
import numpy as np

K = 3
CONF = 0.05


def setup_inputs(seed: int = 0) -> dict:
    key = jax.random.key(seed)
    k1, k2, k3, k4, k5 = jax.random.split(key, 5)
    B, R, S = 256, 64, 64
    N = 20000
    return {
        "ref_knn_masks": jnp.ones((B, R), dtype=bool),
        "src_knn_masks": jnp.ones((B, S), dtype=bool),
        "ref_knn_indices": jax.random.randint(k1, (B, R), 0, N),
        "src_knn_indices": jax.random.randint(k2, (B, S), 0, N),
        "score_mat": jax.random.normal(k3, (B, R, S), dtype=jnp.float32),
        "src_points_f": jax.random.normal(k4, (N, 3), dtype=jnp.float32),
        "ref_points_f": jax.random.normal(k5, (N, 3), dtype=jnp.float32),
        "distance_threshold": jnp.float32(0.05),
    }


def _compute_correspondence_matrix(score_mat, ref_knn_masks, src_knn_masks, conf):
    score = jnp.exp(score_mat)
    B, R, S = score.shape
    mask_mat = jnp.logical_and(ref_knn_masks[:, :, None], src_knn_masks[:, None, :])
    # top-k along src dim (dim=2)
    ref_topk_scores, ref_topk_indices = jax.lax.top_k(score, K)
    b_idx = jnp.broadcast_to(jnp.arange(B)[:, None, None], (B, R, K))
    r_idx = jnp.broadcast_to(jnp.arange(R)[None, :, None], (B, R, K))
    ref_score_mat = jnp.zeros_like(score).at[b_idx, r_idx, ref_topk_indices].set(ref_topk_scores)
    ref_corr_mat = ref_score_mat > conf
    # top-k along ref dim (dim=1): transpose, topk over last dim, transpose back
    scoreT = jnp.swapaxes(score, 1, 2)  # [B, S, R]
    src_topk_scores, src_topk_indices = jax.lax.top_k(scoreT, K)
    b2_idx = jnp.broadcast_to(jnp.arange(B)[:, None, None], (B, S, K))
    s2_idx = jnp.broadcast_to(jnp.arange(S)[None, :, None], (B, S, K))
    src_score_matT = jnp.zeros_like(scoreT).at[b2_idx, s2_idx, src_topk_indices].set(src_topk_scores)
    src_corr_mat = jnp.swapaxes(src_score_matT, 1, 2) > conf
    corr_mat = jnp.logical_and(ref_corr_mat, src_corr_mat)  # mutual=True
    corr_mat = jnp.logical_and(corr_mat, mask_mat)
    return corr_mat


def _weighted_rigid_transform(corr_mat, ref_knn_indices, src_knn_indices, src_points_f, ref_points_f):
    # Closed-form Kabsch over all correspondences (static-shape surrogate for RANSAC)
    w = corr_mat.astype(jnp.float32)  # [B, R, S]
    ref_pts = ref_points_f[ref_knn_indices]  # gather -> [B, R, 3]
    src_pts = src_points_f[src_knn_indices]  # gather -> [B, S, 3]
    sw = w.sum() + 1e-8
    ref_c = jnp.einsum('brs,brd->d', w, ref_pts) / sw
    src_c = jnp.einsum('brs,bsd->d', w, src_pts) / sw
    H = jnp.einsum('brs,bsd,bre->de', w, src_pts - src_c, ref_pts - ref_c)
    U, _, Vt = jnp.linalg.svd(H)
    d = jnp.sign(jnp.linalg.det(Vt.T @ U.T))
    D = jnp.diag(jnp.array([1.0, 1.0, 1.0], dtype=H.dtype).at[2].set(d))
    Rm = Vt.T @ D @ U.T
    t = ref_c - Rm @ src_c
    T = jnp.eye(4, dtype=jnp.float32).at[:3, :3].set(Rm).at[:3, 3].set(t)
    return T


def reference(ref_knn_masks, src_knn_masks, ref_knn_indices, src_knn_indices, score_mat, src_points_f, ref_points_f, distance_threshold):
    corr_mat = _compute_correspondence_matrix(score_mat, ref_knn_masks, src_knn_masks, distance_threshold)
    estimated_transform = _weighted_rigid_transform(corr_mat, ref_knn_indices, src_knn_indices, src_points_f, ref_points_f)
    return estimated_transform

if __name__ == "__main__":
    import jax
    _d = setup_inputs()
    print(jax.jit(kernel)(*tuple(_d.values())))

</pallas_src>

<mosaic_0001>
#map = affine_map<(d0, d1) -> (0)>
#map1 = affine_map<(d0, d1) -> (0, 0)>
module attributes {stable_mosaic.version = 14 : i64} {
  func.func @_sc_gather_body(%arg0: i32, %arg1: i32, %arg2: memref<120000xf32, #tpu.memory_space<hbm>>, %arg3: memref<16384xi32, #tpu.memory_space<hbm>>, %arg4: memref<16384xi32, #tpu.memory_space<hbm>>, %arg5: memref<6x16384xf32, #tpu.memory_space<hbm>>, %arg6: memref<512xi32, #tpu.memory_space<vmem>>, %arg7: memref<512xi32, #tpu.memory_space<vmem>>, %arg8: memref<512xi32, #tpu.memory_space<vmem>>, %arg9: memref<512xi32, #tpu.memory_space<vmem>>, %arg10: memref<512xi32, #tpu.memory_space<vmem>>, %arg11: memref<512xi32, #tpu.memory_space<vmem>>, %arg12: memref<512xi32, #tpu.memory_space<vmem>>, %arg13: memref<512xi32, #tpu.memory_space<vmem>>, %arg14: memref<512xf32, #tpu.memory_space<vmem>>, %arg15: memref<512xf32, #tpu.memory_space<vmem>>, %arg16: memref<512xf32, #tpu.memory_space<vmem>>, %arg17: memref<512xf32, #tpu.memory_space<vmem>>, %arg18: memref<512xf32, #tpu.memory_space<vmem>>, %arg19: memref<512xf32, #tpu.memory_space<vmem>>, %arg20: memref<!tpu.dma_semaphore, #tpu.memory_space<semaphore_mem>>) attributes {dimension_semantics = [#tpu.dimension_semantics<core_parallel>, #tpu.dimension_semantics<subcore_parallel>], iteration_bounds = array<i64: 2, 16>, scalar_prefetch = 0 : i64, scratch_operands = 15 : i64, tpu.core_type = #tpu.core_type<sc_vector_subcore>, window_params = [{transform_indices = #map}, {transform_indices = #map}, {transform_indices = #map}, {transform_indices = #map1}]} {
    %mul3A = arith.constant 2 : i32
    %mul3A_0 = arith.muli %arg1, %mul3A : i32
    %add3A = arith.addi %mul3A_0, %arg0 : i32
    %mul3A_1 = arith.constant 512 : i32
    %mul3A_2 = arith.muli %add3A, %mul3A_1 : i32
    %dma_start3A = tpu.memref_slice %arg3[%mul3A_2] : memref<16384xi32, #tpu.memory_space<hbm>> -> memref<512xi32, #tpu.memory_space<hbm>>
    %dma_start3A_3 = tpu.memref_slice %arg3[%mul3A_2] : memref<16384xi32, #tpu.memory_space<hbm>> -> memref<512xi32, #tpu.memory_space<hbm>>
    tpu.enqueue_dma source(%dma_start3A_3 : memref<512xi32, #tpu.memory_space<hbm>>) target(%arg6 : memref<512xi32, #tpu.memory_space<vmem>>) target_semaphore(%arg20 : memref<!tpu.dma_semaphore, #tpu.memory_space<semaphore_mem>>)
    %dma_start3A_4 = tpu.memref_slice %arg4[%mul3A_2] : memref<16384xi32, #tpu.memory_space<hbm>> -> memref<512xi32, #tpu.memory_space<hbm>>
    %dma_start3A_5 = tpu.memref_slice %arg4[%mul3A_2] : memref<16384xi32, #tpu.memory_space<hbm>> -> memref<512xi32, #tpu.memory_space<hbm>>
    tpu.enqueue_dma source(%dma_start3A_5 : memref<512xi32, #tpu.memory_space<hbm>>) target(%arg7 : memref<512xi32, #tpu.memory_space<vmem>>) target_semaphore(%arg20 : memref<!tpu.dma_semaphore, #tpu.memory_space<semaphore_mem>>)
    %dma_wait3A = tpu.memref_slice %arg3[%mul3A_2] : memref<16384xi32, #tpu.memory_space<hbm>> -> memref<512xi32, #tpu.memory_space<hbm>>
    %dma_wait3A_6 = tpu.memref_slice %arg3[%mul3A_2] : memref<16384xi32, #tpu.memory_space<hbm>> -> memref<512xi32, #tpu.memory_space<hbm>>
    tpu.wait_dma2 semaphore(%arg20 : memref<!tpu.dma_semaphore, #tpu.memory_space<semaphore_mem>>) src(%dma_wait3A_6 : memref<512xi32, #tpu.memory_space<hbm>>) dst(%arg6 : memref<512xi32, #tpu.memory_space<vmem>>)
    %dma_wait3A_7 = tpu.memref_slice %arg4[%mul3A_2] : memref<16384xi32, #tpu.memory_space<hbm>> -> memref<512xi32, #tpu.memory_space<hbm>>
    %dma_wait3A_8 = tpu.memref_slice %arg4[%mul3A_2] : memref<16384xi32, #tpu.memory_space<hbm>> -> memref<512xi32, #tpu.memory_space<hbm>>
    tpu.wait_dma2 semaphore(%arg20 : memref<!tpu.dma_semaphore, #tpu.memory_space<semaphore_mem>>) src(%dma_wait3A_8 : memref<512xi32, #tpu.memory_space<hbm>>) dst(%arg7 : memref<512xi32, #tpu.memory_space<vmem>>)
    %get3A = arith.constant 0 : index
    %get3A_9 = tpu.vector_load %arg6[%get3A] {strides = array<i32>} : memref<512xi32, #tpu.memory_space<vmem>>, vector<16xi32>,
    %add3A_10 = arith.constant 0 : i32
    %add3A_11 = vector.broadcast %add3A_10 : i32 to vector<16xi32>
    %add3A_12 = arith.addi %get3A_9, %add3A_11 : vector<16xi32>
    %swap3A = arith.constant 0 : index
    %swap3A_13 = tpu.vector_load %arg8[%swap3A] {strides = array<i32>} : memref<512xi32, #tpu.memory_space<vmem>>, vector<16xi32>,
    tpu.vector_store %arg8[%swap3A], %add3A_12 {strides = array<i32>} : memref<512xi32, #tpu.memory_space<vmem>>, vector<16xi32>,
    %get3A_14 = arith.constant 16 : index
    %get3A_15 = tpu.vector_load %arg6[%get3A_14] {strides = array<i32>} : memref<512xi32, #tpu.memory_space<vmem>>, vector<16xi32>,
    %add3A_16 = arith.constant 0 : i32
    %add3A_17 = vector.broadcast %add3A_16 : i32 to vector<16xi32>
    %add3A_18 = arith.addi %get3A_15, %add3A_17 : vector<16xi32>
    %swap3A_19 = arith.constant 16 : index
    %swap3A_20 = tpu.vector_load %arg8[%swap3A_19] {strides = array<i32>} : memref<512xi32, #tpu.memory_space<vmem>>, vector<16xi32>,
    tpu.vector_store %arg8[%swap3A_19], %add3A_18 {strides = array<i32>} : memref<512xi32, #tpu.memory_space<vmem>>, vector<16xi32>,
    %get3A_21 = arith.constant 32 : index
    %get3A_22 = tpu.vector_load %arg6[%get3A_21] {strides = array<i32>} : memref<512xi32, #tpu.memory_space<vmem>>, vector<16xi32>,
    %add3A_23 = arith.constant 0 : i32
    %add3A_24 = vector.broadcast %add3A_23 : i32 to vector<16xi32>
    %add3A_25 = arith.addi %get3A_22, %add3A_24 : vector<16xi32>
    %swap3A_26 = arith.constant 32 : index
    %swap3A_27 = tpu.vector_load %arg8[%swap3A_26] {strides = array<i32>} : memref<512xi32, #tpu.memory_space<vmem>>, vector<16xi32>,
    tpu.vector_store %arg8[%swap3A_26], %add3A_25 {strides = array<i32>} : memref<512xi32, #tpu.memory_space<vmem>>, vector<16xi32>,
    %get3A_28 = arith.constant 48 : index
    %get3A_29 = tpu.vector_load %arg6[%get3A_28] {strides = array<i32>} : memref<512xi32, #tpu.memory_space<vmem>>, vector<16xi32>,
    %add3A_30 = arith.constant 0 : i32
    %add3A_31 = vector.broadcast %add3A_30 : i32 to vector<16xi32>
    %add3A_32 = arith.addi %get3A_29, %add3A_31 : vector<16xi32>
    %swap3A_33 = arith.constant 48 : index
    %swap3A_34 = tpu.vector_load %arg8[%swap3A_33] {strides = array<i32>} : memref<512xi32, #tpu.memory_space<vmem>>, vector<16xi32>,
    tpu.vector_store %arg8[%swap3A_33], %add3A_32 {strides = array<i32>} : memref<512xi32, #tpu.memory_space<vmem>>, vector<16xi32>,
    %get3A_35 = arith.constant 64 : index
    %get3A_36 = tpu.vector_load %arg6[%get3A_35] {strides = array<i32>} : memref<512xi32, #tpu.memory_space<vmem>>, vector<16xi32>,
    %add3A_37 = arith.constant 0 : i32
    %add3A_38 = vector.broadcast %add3A_37 : i32 to vector<16xi32>
    %add3A_39 = arith.addi %get3A_36, %add3A_38 : vector<16xi32>
    %swap3A_40 = arith.constant 64 : index
    %swap3A_41 = tpu.vector_load %arg8[%swap3A_40] {strides = array<i32>} : memref<512xi32, #tpu.memory_space<vmem>>, vector<16xi32>,
    tpu.vector_store %arg8[%swap3A_40], %add3A_39 {strides = array<i32>} : memref<512xi32, #tpu.memory_space<vmem>>, vector<16xi32>,
    %get3A_42 = arith.constant 80 : index
    %get3A_43 = tpu.vector_load %arg6[%get3A_42] {strides = array<i32>} : memref<512xi32, #tpu.memory_space<vmem>>, vector<16xi32>,
    %add3A_44 = arith.constant 0 : i32
    %add3A_45 = vector.broadcast %add3A_44 : i32 to vector<16xi32>
    %add3A_46 = arith.addi %get3A_43, %add3A_45 : vector<16xi32>
    %swap3A_47 = arith.constant 80 : index
    %swap3A_48 = tpu.vector_load %arg8[%swap3A_47] {strides = array<i32>} : memref<512xi32, #tpu.memory_space<vmem>>, vector<16xi32>,
    tpu.vector_store %arg8[%swap3A_47], %add3A_46 {strides = array<i32>} : memref<512xi32, #tpu.memory_space<vmem>>, vector<16xi32>,
    %get3A_49 = arith.constant 96 : index
    %get3A_50 = tpu.vector_load %arg6[%get3A_49] {strides = array<i32>} : memref<512xi32, #tpu.memory_space<vmem>>, vector<16xi32>,
    %add3A_51 = arith.constant 0 : i32
    %add3A_52 = vector.broadcast %add3A_51 : i32 to vector<16xi32>
    %add3A_53 = arith.addi %get3A_50, %add3A_52 : vector<16xi32>
    %swap3A_54 = arith.constant 96 : index
    %swap3A_55 = tpu.vector_load %arg8[%swap3A_54] {strides = array<i32>} : memref<512xi32, #tpu.memory_space<vmem>>, vector<16xi32>,
    tpu.vector_store %arg8[%swap3A_54], %add3A_53 {strides = array<i32>} : memref<512xi32, #tpu.memory_space<vmem>>, vector<16xi32>,
    %get3A_56 = arith.constant 112 : index
    %get3A_57 = tpu.vector_load %arg6[%get3A_56] {strides = array<i32>} : memref<512xi32, #tpu.memory_space<vmem>>, vector<16xi32>,
    %add3A_58 = arith.constant 0 : i32
    %add3A_59 = vector.broadcast %add3A_58 : i32 to vector<16xi32>
    %add3A_60 = arith.addi %get3A_57, %add3A_59 : vector<16xi32>
    %swap3A_61 = arith.constant 112 : index
    %swap3A_62 = tpu.vector_load %arg8[%swap3A_61] {strides = array<i32>} : memref<512xi32, #tpu.memory_space<vmem>>, vector<16xi32>,
    tpu.vector_store %arg8[%swap3A_61], %add3A_60 {strides = array<i32>} : memref<512xi32, #tpu.memory_space<vmem>>, vector<16xi32>,
    %get3A_63 = arith.constant 128 : index
    %get3A_64 = tpu.vector_load %arg6[%get3A_63] {strides = array<i32>} : memref<512xi32, #tpu.memory_space<vmem>>, vector<16xi32>,
    %add3A_65 = arith.constant 0 : i32
    %add3A_66 = vector.broadcast %add3A_65 : i32 to vector<16xi32>
    %add3A_67 = arith.addi %get3A_64, %add3A_66 : vector<16xi32>
    %swap3A_68 = arith.constant 128 : index
    %swap3A_69 = tpu.vector_load %arg8[%swap3A_68] {strides = array<i32>} : memref<512xi32, #tpu.memory_space<vmem>>, vector<16xi32>,
    tpu.vector_store %arg8[%swap3A_68], %add3A_67 {strides = array<i32>} : memref<512xi32, #tpu.memory_space<vmem>>, vector<16xi32>,
    %get3A_70 = arith.constant 144 : index
    %get3A_71 = tpu.vector_load %arg6[%get3A_70] {strides = array<i32>} : memref<512xi32, #tpu.memory_space<vmem>>, vector<16xi32>,
    %add3A_72 = arith.constant 0 : i32
    %add3A_73 = vector.broadcast %add3A_72 : i32 to vector<16xi32>
    %add3A_74 = arith.addi %get3A_71, %add3A_73 : vector<16xi32>
    %swap3A_75 = arith.constant 144 : index
    %swap3A_76 = tpu.vector_load %arg8[%swap3A_75] {strides = array<i32>} : memref<512xi32, #tpu.memory_space<vmem>>, vector<16xi32>,
    tpu.vector_store %arg8[%swap3A_75], %add3A_74 {strides = array<i32>} : memref<512xi32, #tpu.memory_space<vmem>>, vector<16xi32>,
    %get3A_77 = arith.constant 160 : index
    %get3A_78 = tpu.vector_load %arg6[%get3A_77] {strides = array<i32>} : memref<512xi32, #tpu.memory_space<vmem>>, vector<16xi32>,
    %add3A_79 = arith.constant 0 : i32
    %add3A_80 = vector.broadcast %add3A_79 : i32 to vector<16xi32>
    %add3A_81 = arith.addi %get3A_78, %add3A_80 : vector<16xi32>
    %swap3A_82 = arith.constant 160 : index
    %swap3A_83 = tpu.vector_load %arg8[%swap3A_82] {strides = array<i32>} : memref<512xi32, #tpu.memory_space<vmem>>, vector<16xi32>,
    tpu.vector_store %arg8[%swap3A_82], %add3A_81 {strides = array<i32>} : memref<512xi32, #tpu.memory_space<vmem>>, vector<16xi32>,
    %get3A_84 = arith.constant 176 : index
    %get3A_85 = tpu.vector_load %arg6[%get3A_84] {strides = array<i32>} : memref<512xi32, #tpu.memory_space<vmem>>, vector<16xi32>,
    %add3A_86 = arith.constant 0 : i32
    %add3A_87 = vector.broadcast %add3A_86 : i32 to vector<16xi32>
    %add3A_88 = arith.addi %get3A_85, %add3A_87 : vector<16xi32>
    %swap3A_89 = arith.constant 176 : index
    %swap3A_90 = tpu.vector_load %arg8[%swap3A_89] {strides = array<i32>} : memref<512xi32, #tpu.memory_space<vmem>>, vector<16xi32>,
    tpu.vector_store %arg8[%swap3A_89], %add3A_88 {strides = array<i32>} : memref<512xi32, #tpu.memory_space<vmem>>, vector<16xi32>,
    %get3A_91 = arith.constant 192 : index
    %get3A_92 = tpu.vector_load %arg6[%get3A_91] {strides = array<i32>} : memref<512xi32, #tpu.memory_space<vmem>>, vector<16xi32>,
    %add3A_93 = arith.constant 0 : i32
    %add3A_94 = vector.broadcast %add3A_93 : i32 to vector<16xi32>
    %add3A_95 = arith.addi %get3A_92, %add3A_94 : vector<16xi32>
    %swap3A_96 = arith.constant 192 : index
    %swap3A_97 = tpu.vector_load %arg8[%swap3A_96] {strides = array<i32>} : memref<512xi32, #tpu.memory_space<vmem>>, vector<16xi32>,
    tpu.vector_store %arg8[%swap3A_96], %add3A_95 {strides = array<i32>} : memref<512xi32, #tpu.memory_space<vmem>>, vector<16xi32>,
    %get3A_98 = arith.constant 208 : index
    %get3A_99 = tpu.vector_load %arg6[%get3A_98] {strides = array<i32>} : memref<512xi32, #tpu.memory_space<vmem>>, vector<16xi32>,
    %add3A_100 = arith.constant 0 : i32
    %add3A_101 = vector.broadcast %add3A_100 : i32 to vector<16xi32>
    %add3A_102 = arith.addi %get3A_99, %add3A_101 : vector<16xi32>
    %swap3A_103 = arith.constant 208 : index
    %swap3A_104 = tpu.vector_load %arg8[%swap3A_103] {strides = array<i32>} : memref<512xi32, #tpu.memory_space<vmem>>, vector<16xi32>,
    tpu.vector_store %arg8[%swap3A_103], %add3A_102 {strides = array<i32>} : memref<512xi32, #tpu.memory_space<vmem>>, vector<16xi32>,
    %get3A_105 = arith.constant 224 : index
    %get3A_106 = tpu.vector_load %arg6[%get3A_105] {strides = array<i32>} : memref<512xi32, #tpu.memory_space<vmem>>, vector<16xi32>,
    %add3A_107 = arith.constant 0 : i32
    %add3A_108 = vector.broadcast %add3A_107 : i32 to vector<16xi32>
    %add3A_109 = arith.addi %get3A_106, %add3A_108 : vector<16xi32>
    %swap3A_110 = arith.constant 224 : index
    %swap3A_111 = tpu.vector_load %arg8[%swap3A_110] {strides = array<i32>} : memref<512xi32, #tpu.memory_space<vmem>>, vector<16xi32>,
    tpu.vector_store %arg8[%swap3A_110], %add3A_109 {strides = array<i32>} : memref<512xi32, #tpu.memory_space<vmem>>, vector<16xi32>,
    %get3A_112 = arith.constant 240 : index
    %get3A_113 = tpu.vector_load %arg6[%get3A_112] {strides = array<i32>} : memref<512xi32, #tpu.memory_space<vmem>>, vector<16xi32>,
    %add3A_114 = arith.constant 0 : i32
    %add3A_115 = vector.broadcast %add3A_114 : i32 to vector<16xi32>
    %add3A_116 = arith.addi %get3A_113, %add3A_115 : vector<16xi32>
    %swap3A_117 = arith.constant 240 : index
    %swap3A_118 = tpu.vector_load %arg8[%swap3A_117] {strides = array<i32>} : memref<512xi32, #tpu.memory_space<vmem>>, vector<16xi32>,
    tpu.vector_store %arg8[%swap3A_117], %add3A_116 {strides = array<i32>} : memref<512xi32, #tpu.memory_space<vmem>>, vector<16xi32>,
    %get3A_119 = arith.constant 256 : index
    %get3A_120 = tpu.vector_load %arg6[%get3A_119] {strides = array<i32>} : memref<512xi32, #tpu.memory_space<vmem>>, vector<16xi32>,
    %add3A_121 = arith.constant 0 : i32
    %add3A_122 = vector.broadcast %add3A_121 : i32 to vector<16xi32>
    %add3A_123 = arith.addi %get3A_120, %add3A_122 : vector<16xi32>
    %swap3A_124 = arith.constant 256 : index
    %swap3A_125 = tpu.vector_load %arg8[%swap3A_124] {strides = array<i32>} : memref<512xi32, #tpu.memory_space<vmem>>, vector<16xi32>,
    tpu.vector_store %arg8[%swap3A_124], %add3A_123 {strides = array<i32>} : memref<512xi32, #tpu.memory_space<vmem>>, vector<16xi32>,
    %get3A_126 = arith.constant 272 : index
    %get3A_127 = tpu.vector_load %arg6[%get3A_126] {strides = array<i32>} : memref<512xi32, #tpu.memory_space<vmem>>, vector<16xi32>,
    %add3A_128 = arith.constant 0 : i32
    %add3A_129 = vector.broadcast %add3A_128 : i32 to vector<16xi32>
    %add3A_130 = arith.addi %get3A_127, %add3A_129 : vector<16xi32>
    %swap3A_131 = arith.constant 272 : index
    %swap3A_132 = tpu.vector_load %arg8[%swap3A_131] {strides = array<i32>} : memref<512xi32, #tpu.memory_space<vmem>>, vector<16xi32>,
    tpu.vector_store %arg8[%swap3A_131], %add3A_130 {strides = array<i32>} : memref<512xi32, #tpu.memory_space<vmem>>, vector<16xi32>,
    %get3A_133 = arith.constant 288 : index
    %get3A_134 = tpu.vector_load %arg6[%get3A_133] {strides = array<i32>} : memref<512xi32, #tpu.memory_space<vmem>>, vector<16xi32>,
    %add3A_135 = arith.constant 0 : i32
    %add3A_136 = vector.broadcast %add3A_135 : i32 to vector<16xi32>
    %add3A_137 = arith.addi %get3A_134, %add3A_136 : vector<16xi32>
    %swap3A_138 = arith.constant 288 : index
    %swap3A_139 = tpu.vector_load %arg8[%swap3A_138] {strides = array<i32>} : memref<512xi32, #tpu.memory_space<vmem>>, vector<16xi32>,
    tpu.vector_store %arg8[%swap3A_138], %add3A_137 {strides = array<i32>} : memref<512xi32, #tpu.memory_space<vmem>>, vector<16xi32>,
    %get3A_140 = arith.constant 304 : index
    %get3A_141 = tpu.vector_load %arg6[%get3A_140] {strides = array<i32>} : memref<512xi32, #tpu.memory_space<vmem>>, vector<16xi32>,
    %add3A_142 = arith.constant 0 : i32
    %add3A_143 = vector.broadcast %add3A_142 : i32 to vector<16xi32>
    %add3A_144 = arith.addi %get3A_141, %add3A_143 : vector<16xi32>
    %swap3A_145 = arith.constant 304 : index
    %swap3A_146 = tpu.vector_load %arg8[%swap3A_145] {strides = array<i32>} : memref<512xi32, #tpu.memory_space<vmem>>, vector<16xi32>,
    tpu.vector_store %arg8[%swap3A_145], %add3A_144 {strides = array<i32>} : memref<512xi32, #tpu.memory_space<vmem>>, vector<16xi32>,
    %get3A_147 = arith.constant 320 : index
    %get3A_148 = tpu.vector_load %arg6[%get3A_147] {strides = array<i32>} : memref<512xi32, #tpu.memory_space<vmem>>, vector<16xi32>,
    %add3A_149 = arith.constant 0 : i32
    %add3A_150 = vector.broadcast %add3A_149 : i32 to vector<16xi32>
    %add3A_151 = arith.addi %get3A_148, %add3A_150 : vector<16xi32>
    %swap3A_152 = arith.constant 320 : index
    %swap3A_153 = tpu.vector_load %arg8[%swap3A_152] {strides = array<i32>} : memref<512xi32, #tpu.memory_space<vmem>>, vector<16xi32>,
    tpu.vector_store %arg8[%swap3A_152], %add3A_151 {strides = array<i32>} : memref<512xi32, #tpu.memory_space<vmem>>, vector<16xi32>,
    %get3A_154 = arith.constant 336 : index
    %get3A_155 = tpu.vector_load %arg6[%get3A_154] {strides = array<i32>} : memref<512xi32, #tpu.memory_space<vmem>>, vector<16xi32>,
    %add3A_156 = arith.constant 0 : i32
    %add3A_157 = vector.broadcast %add3A_156 : i32 to vector<16xi32>
    %add3A_158 = arith.addi %get3A_155, %add3A_157 : vector<16xi32>
    %swap3A_159 = arith.constant 336 : index
    %swap3A_160 = tpu.vector_load %arg8[%swap3A_159] {strides = array<i32>} : memref<512xi32, #tpu.memory_space<vmem>>, vector<16xi32>,
    tpu.vector_store %arg8[%swap3A_159], %add3A_158 {strides = array<i32>} : memref<512xi32, #tpu.memory_space<vmem>>, vector<16xi32>,
    %get3A_161 = arith.constant 352 : index
    %get3A_162 = tpu.vector_load %arg6[%get3A_161] {strides = array<i32>} : memref<512xi32, #tpu.memory_space<vmem>>, vector<16xi32>,
    %add3A_163 = arith.constant 0 : i32
    %add3A_164 = vector.broadcast %add3A_163 : i32 to vector<16xi32>
    %add3A_165 = arith.addi %get3A_162, %add3A_164 : vector<16xi32>
    %swap3A_166 = arith.constant 352 : index
    %swap3A_167 = tpu.vector_load %arg8[%swap3A_166] {strides = array<i32>} : memref<512xi32, #tpu.memory_space<vmem>>, vector<16xi32>,
    tpu.vector_store %arg8[%swap3A_166], %add3A_165 {strides = array<i32>} : memref<512xi32, #tpu.memory_space<vmem>>, vector<16xi32>,
    %get3A_168 = arith.constant 368 : index
    %get3A_169 = tpu.vector_load %arg6[%get3A_168] {strides = array<i32>} : memref<512xi32, #tpu.memory_space<vmem>>, vector<16xi32>,
    %add3A_170 = arith.constant 0 : i32
    %add3A_171 = vector.broadcast %add3A_170 : i32 to vector<16xi32>
    %add3A_172 = arith.addi %get3A_169, %add3A_171 : vector<16xi32>
    %swap3A_173 = arith.constant 368 : index
    %swap3A_174 = tpu.vector_load %arg8[%swap3A_173] {strides = array<i32>} : memref<512xi32, #tpu.memory_space<vmem>>, vector<16xi32>,
    tpu.vector_store %arg8[%swap3A_173], %add3A_172 {strides = array<i32>} : memref<512xi32, #tpu.memory_space<vmem>>, vector<16xi32>,
    %get3A_175 = arith.constant 384 : index
    %get3A_176 = tpu.vector_load %arg6[%get3A_175] {strides = array<i32>} : memref<512xi32, #tpu.memory_space<vmem>>, vector<16xi32>,
    %add3A_177 = arith.constant 0 : i32
    %add3A_178 = vector.broadcast %add3A_177 : i32 to vector<16xi32>
    %add3A_179 = arith.addi %get3A_176, %add3A_178 : vector<16xi32>
    %swap3A_180 = arith.constant 384 : index
    %swap3A_181 = tpu.vector_load %arg8[%swap3A_180] {strides = array<i32>} : memref<512xi32, #tpu.memory_space<vmem>>, vector<16xi32>,
    tpu.vector_store %arg8[%swap3A_180], %add3A_179 {strides = array<i32>} : memref<512xi32, #tpu.memory_space<vmem>>, vector<16xi32>,
    %get3A_182 = arith.constant 400 : index
    %get3A_183 = tpu.vector_load %arg6[%get3A_182] {strides = array<i32>} : memref<512xi32, #tpu.memory_space<vmem>>, vector<16xi32>,
    %add3A_184 = arith.constant 0 : i32
    %add3A_185 = vector.broadcast %add3A_184 : i32 to vector<16xi32>
    %add3A_186 = arith.addi %get3A_183, %add3A_185 : vector<16xi32>
    %swap3A_187 = arith.constant 400 : index
    %swap3A_188 = tpu.vector_load %arg8[%swap3A_187] {strides = array<i32>} : memref<512xi32, #tpu.memory_space<vmem>>, vector<16xi32>,
    tpu.vector_store %arg8[%swap3A_187], %add3A_186 {strides = array<i32>} : memref<512xi32, #tpu.memory_space<vmem>>, vector<16xi32>,
    %get3A_189 = arith.constant 416 : index
    %get3A_190 = tpu.vector_load %arg6[%get3A_189] {strides = array<i32>} : memref<512xi32, #tpu.memory_space<vmem>>, vector<16xi32>,
    %add3A_191 = arith.constant 0 : i32
    %add3A_192 = vector.broadcast %add3A_191 : i32 to vector<16xi32>
    %add3A_193 = arith.addi %get3A_190, %add3A_192 : vector<16xi32>
    %swap3A_194 = arith.constant 416 : index
    %swap3A_195 = tpu.vector_load %arg8[%swap3A_194] {strides = array<i32>} : memref<512xi32, #tpu.memory_space<vmem>>, vector<16xi32>,
    tpu.vector_store %arg8[%swap3A_194], %add3A_193 {strides = array<i32>} : memref<512xi32, #tpu.memory_space<vmem>>, vector<16xi32>,
    %get3A_196 = arith.constant 432 : index
    %get3A_197 = tpu.vector_load %arg6[%get3A_196] {strides = array<i32>} : memref<512xi32, #tpu.memory_space<vmem>>, vector<16xi32>,
    %add3A_198 = arith.constant 0 : i32
    %add3A_199 = vector.broadcast %add3A_198 : i32 to vector<16xi32>
    %add3A_200 = arith.addi %get3A_197, %add3A_199 : vector<16xi32>
    %swap3A_201 = arith.constant 432 : index
    %swap3A_202 = tpu.vector_load %arg8[%swap3A_201] {strides = array<i32>} : memref<512xi32, #tpu.memory_space<vmem>>, vector<16xi32>,
    tpu.vector_store %arg8[%swap3A_201], %add3A_200 {strides = array<i32>} : memref<512xi32, #tpu.memory_space<vmem>>, vector<16xi32>,
    %get3A_203 = arith.constant 448 : index
    %get3A_204 = tpu.vector_load %arg6[%get3A_203] {strides = array<i32>} : memref<512xi32, #tpu.memory_space<vmem>>, vector<16xi32>,
    %add3A_205 = arith.constant 0 : i32
    %add3A_206 = vector.broadcast %add3A_205 : i32 to vector<16xi32>
    %add3A_207 = arith.addi %get3A_204, %add3A_206 : vector<16xi32>
    %swap3A_208 = arith.constant 448 : index
    %swap3A_209 = tpu.vector_load %arg8[%swap3A_208] {strides = array<i32>} : memref<512xi32, #tpu.memory_space<vmem>>, vector<16xi32>,
    tpu.vector_store %arg8[%swap3A_208], %add3A_207 {strides = array<i32>} : memref<512xi32, #tpu.memory_space<vmem>>, vector<16xi32>,
    %get3A_210 = arith.constant 464 : index
    %get3A_211 = tpu.vector_load %arg6[%get3A_210] {strides = array<i32>} : memref<512xi32, #tpu.memory_space<vmem>>, vector<16xi32>,
    %add3A_212 = arith.constant 0 : i32
    %add3A_213 = vector.broadcast %add3A_212 : i32 to vector<16xi32>
    %add3A_214 = arith.addi %get3A_211, %add3A_213 : vector<16xi32>
    %swap3A_215 = arith.constant 464 : index
    %swap3A_216 = tpu.vector_load %arg8[%swap3A_215] {strides = array<i32>} : memref<512xi32, #tpu.memory_space<vmem>>, vector<16xi32>,
    tpu.vector_store %arg8[%swap3A_215], %add3A_214 {strides = array<i32>} : memref<512xi32, #tpu.memory_space<vmem>>, vector<16xi32>,
    %get3A_217 = arith.constant 480 : index
    %get3A_218 = tpu.vector_load %arg6[%get3A_217] {strides = array<i32>} : memref<512xi32, #tpu.memory_space<vmem>>, vector<16xi32>,
    %add3A_219 = arith.constant 0 : i32
    %add3A_220 = vector.broadcast %add3A_219 : i32 to vector<16xi32>
    %add3A_221 = arith.addi %get3A_218, %add3A_220 : vector<16xi32>
    %swap3A_222 = arith.constant 480 : index
    %swap3A_223 = tpu.vector_load %arg8[%swap3A_222] {strides = array<i32>} : memref<512xi32, #tpu.memory_space<vmem>>, vector<16xi32>,
    tpu.vector_store %arg8[%swap3A_222], %add3A_221 {strides = array<i32>} : memref<512xi32, #tpu.memory_space<vmem>>, vector<16xi32>,
    %get3A_224 = arith.constant 496 : index
    %get3A_225 = tpu.vector_load %arg6[%get3A_224] {strides = array<i32>} : memref<512xi32, #tpu.memory_space<vmem>>, vector<16xi32>,
    %add3A_226 = arith.constant 0 : i32
    %add3A_227 = vector.broadcast %add3A_226 : i32 to vector<16xi32>
    %add3A_228 = arith.addi %get3A_225, %add3A_227 : vector<16xi32>
    %swap3A_229 = arith.constant 496 : index
    %swap3A_230 = tpu.vector_load %arg8[%swap3A_229] {strides = array<i32>} : memref<512xi32, #tpu.memory_space<vmem>>, vector<16xi32>,
    tpu.vector_store %arg8[%swap3A_229], %add3A_228 {strides = array<i32>} : memref<512xi32, #tpu.memory_space<vmem>>, vector<16xi32>,
    %dma_start3A_231 = arith.constant 0 : i32
    %dma_start3A_232 = tpu.memref_slice %arg2[%dma_start3A_231] : memref<120000xf32, #tpu.memory_space<hbm>> -> memref<120000xf32, #tpu.memory_space<hbm>>
    tpu.enqueue_indirect_dma source(%dma_start3A_232 : memref<120000xf32, #tpu.memory_space<hbm>>) target(%arg14 : memref<512xf32, #tpu.memory_space<vmem>>) offsets(%arg8 : memref<512xi32, #tpu.memory_space<vmem>>) semaphore(%arg20 : memref<!tpu.dma_semaphore, #tpu.memory_space<semaphore_mem>>)
    %get3A_233 = arith.constant 0 : index
    %get3A_234 = tpu.vector_load %arg6[%get3A_233] {strides = array<i32>} : memref<512xi32, #tpu.memory_space<vmem>>, vector<16xi32>,
    %add3A_235 = arith.constant 20000 : i32
    %add3A_236 = vector.broadcast %add3A_235 : i32 to vector<16xi32>
    %add3A_237 = arith.addi %get3A_234, %add3A_236 : vector<16xi32>
    %swap3A_238 = arith.constant 0 : index
    %swap3A_239 = tpu.vector_load %arg9[%swap3A_238] {strides = array<i32>} : memref<512xi32, #tpu.memory_space<vmem>>, vector<16xi32>,
    tpu.vector_store %arg9[%swap3A_238], %add3A_237 {strides = array<i32>} : memref<512xi32, #tpu.memory_space<vmem>>, vector<16xi32>,
    %get3A_240 = arith.constant 16 : index
    %get3A_241 = tpu.vector_load %arg6[%get3A_240] {strides = array<i32>} : memref<512xi32, #tpu.memory_space<vmem>>, vector<16xi32>,
    %add3A_242 = arith.constant 20000 : i32
    %add3A_243 = vector.broadcast %add3A_242 : i32 to vector<16xi32>
    %add3A_244 = arith.addi %get3A_241, %add3A_243 : vector<16xi32>
    %swap3A_245 = arith.constant 16 : index
    %swap3A_246 = tpu.vector_load %arg9[%swap3A_245] {strides = array<i32>} : memref<512xi32, #tpu.memory_space<vmem>>, vector<16xi32>,
    tpu.vector_store %arg9[%swap3A_245], %add3A_244 {strides = array<i32>} : memref<512xi32, #tpu.memory_space<vmem>>, vector<16xi32>,
    %get3A_247 = arith.constant 32 : index
    %get3A_248 = tpu.vector_load %arg6[%get3A_247] {strides = array<i32>} : memref<512xi32, #tpu.memory_space<vmem>>, vector<16xi32>,
    %add3A_249 = arith.constant 20000 : i32
    %add3A_250 = vector.broadcast %add3A_249 : i32 to vector<16xi32>
    %add3A_251 = arith.addi %get3A_248, %add3A_250 : vector<16xi32>
    %swap3A_252 = arith.constant 32 : index
    %swap3A_253 = tpu.vector_load %arg9[%swap3A_252] {strides = array<i32>} : memref<512xi32, #tpu.memory_space<vmem>>, vector<16xi32>,
    tpu.vector_store %arg9[%swap3A_252], %add3A_251 {strides = array<i32>} : memref<512xi32, #tpu.memory_space<vmem>>, vector<16xi32>,
    %get3A_254 = arith.constant 48 : index
    %get3A_255 = tpu.vector_load %arg6[%get3A_254] {strides = array<i32>} : memref<512xi32, #tpu.memory_space<vmem>>, vector<16xi32>,
    %add3A_256 = arith.constant 20000 : i32
    %add3A_257 = vector.broadcast %add3A_256 : i32 to vector<16xi32>
    %add3A_258 = arith.addi %get3A_255, %add3A_257 : vector<16xi32>
    %swap3A_259 = arith.constant 48 : index
    %swap3A_260 = tpu.vector_load %arg9[%swap3A_259] {strides = array<i32>} : memref<512xi32, #tpu.memory_space<vmem>>, vector<16xi32>,
    tpu.vector_store %arg9[%swap3A_259], %add3A_258 {strides = array<i32>} : memref<512xi32, #tpu.memory_space<vmem>>, vector<16xi32>,
    %get3A_261 = arith.constant 64 : index
    %get3A_262 = tpu.vector_load %arg6[%get3A_261] {strides = array<i32>} : memref<512xi32, #tpu.memory_space<vmem>>, vector<16xi32>,
    %add3A_263 = arith.constant 20000 : i32
    %add3A_264 = vector.broadcast %add3A_263 : i32 to vector<16xi32>
    %add3A_265 = arith.addi %get3A_262, %add3A_264 : vector<16xi32>
    %swap3A_266 = arith.constant 64 : index
    %swap3A_267 = tpu.vector_load %arg9[%swap3A_266] {strides = array<i32>} : memref<512xi32, #tpu.memory_space<vmem>>, vector<16xi32>,
    tpu.vector_store %arg9[%swap3A_266], %add3A_265 {strides = array<i32>} : memref<512xi32, #tpu.memory_space<vmem>>, vector<16xi32>,
    %get3A_268 = arith.constant 80 : index
    %get3A_269 = tpu.vector_load %arg6[%get3A_268] {strides = array<i32>} : memref<512xi32, #tpu.memory_space<vmem>>, vector<16xi32>,
    %add3A_270 = arith.constant 20000 : i32
    %add3A_271 = vector.broadcast %add3A_270 : i32 to vector<16xi32>
    %add3A_272 = arith.addi %get3A_269, %add3A_271 : vector<16xi32>
    %swap3A_273 = arith.constant 80 : index
    %swap3A_274 = tpu.vector_load %arg9[%swap3A_273] {strides = array<i32>} : memref<512xi32, #tpu.memory_space<vmem>>, vector<16xi32>,
    tpu.vector_store %arg9[%swap3A_273], %add3A_272 {strides = array<i32>} : memref<512xi32, #tpu.memory_space<vmem>>, vector<16xi32>,
    %get3A_275 = arith.constant 96 : index
    %get3A_276 = tpu.vector_load %arg6[%get3A_275] {strides = array<i32>} : memref<512xi32, #tpu.memory_space<vmem>>, vector<16xi32>,
    %add3A_277 = arith.constant 20000 : i32
    %add3A_278 = vector.broadcast %add3A_277 : i32 to vector<16xi32>
    %add3A_279 = arith.addi %get3A_276, %add3A_278 : vector<16xi32>
    %swap3A_280 = arith.constant 96 : index
    %swap3A_281 = tpu.vector_load %arg9[%swap3A_280] {strides = array<i32>} : memref<512xi32, #tpu.memory_space<vmem>>, vector<16xi32>,
    tpu.vector_store %arg9[%swap3A_280], %add3A_279 {strides = array<i32>} : memref<512xi32, #tpu.memory_space<vmem>>, vector<16xi32>,
    %get3A_282 = arith.constant 112 : index
    %get3A_283 = tpu.vector_load %arg6[%get3A_282] {strides = array<i32>} : memref<512xi32, #tpu.memory_space<vmem>>, vector<16xi32>,
    %add3A_284 = arith.constant 20000 : i32
    %add3A_285 = vector.broadcast %add3A_284 : i32 to vector<16xi32>
    %add3A_286 = arith.addi %get3A_283, %add3A_285 : vector<16xi32>
    %swap3A_287 = arith.constant 112 : index
    %swap3A_288 = tpu.vector_load %arg9[%swap3A_287] {strides = array<i32>} : memref<512xi32, #tpu.memory_space<vmem>>, vector<16xi32>,
    tpu.vector_store %arg9[%swap3A_287], %add3A_286 {strides = array<i32>} : memref<512xi32, #tpu.memory_space<vmem>>, vector<16xi32>,
    %get3A_289 = arith.constant 128 : index
    %get3A_290 = tpu.vector_load %arg6[%get3A_289] {strides = array<i32>} : memref<512xi32, #tpu.memory_space<vmem>>, vector<16xi32>,
    %add3A_291 = arith.constant 20000 : i32
    %add3A_292 = vector.broadcast %add3A_291 : i32 to vector<16xi32>
    %add3A_293 = arith.addi %get3A_290, %add3A_292 : vector<16xi32>
    %swap3A_294 = arith.constant 128 : index
    %swap3A_295 = tpu.vector_load %arg9[%swap3A_294] {strides = array<i32>} : memref<512xi32, #tpu.memory_space<vmem>>, vector<16xi32>,
    tpu.vector_store %arg9[%swap3A_294], %add3A_293 {strides = array<i32>} : memref<512xi32, #tpu.memory_space<vmem>>, vector<16xi32>,
    %get3A_296 = arith.constant 144 : index
    %get3A_297 = tpu.vector_load %arg6[%get3A_296] {strides = array<i32>} : memref<512xi32, #tpu.memory_space<vmem>>, vector<16xi32>,
    %add3A_298 = arith.constant 20000 : i32
    %add3A_299 = vector.broadcast %add3A_298 : i32 to vector<16xi32>
    %add3A_300 = arith.addi %get3A_297, %add3A_299 : vector<16xi32>
    %swap3A_301 = arith.constant 144 : index
    %swap3A_302 = tpu.vector_load %arg9[%swap3A_301] {strides = array<i32>} : memref<512xi32, #tpu.memory_space<vmem>>, vector<16xi32>,
    tpu.vector_store %arg9[%swap3A_301], %add3A_300 {strides = array<i32>} : memref<512xi32, #tpu.memory_space<vmem>>, vector<16xi32>,
    %get3A_303 = arith.constant 160 : index
    %get3A_304 = tpu.vector_load %arg6[%get3A_303] {strides = array<i32>} : memref<512xi32, #tpu.memory_space<vmem>>, vector<16xi32>,
    %add3A_305 = arith.constant 20000 : i32
    %add3A_306 = vector.broadcast %add3A_305 : i32 to vector<16xi32>
    %add3A_307 = arith.addi %get3A_304, %add3A_306 : vector<16xi32>
    %swap3A_308 = arith.constant 160 : index
    %swap3A_309 = tpu.vector_load %arg9[%swap3A_308] {strides = array<i32>} : memref<512xi32, #tpu.memory_space<vmem>>, vector<16xi32>,
    tpu.vector_store %arg9[%swap3A_308], %add3A_307 {strides = array<i32>} : memref<512xi32, #tpu.memory_space<vmem>>, vector<16xi32>,
    %get3A_310 = arith.constant 176 : index
    %get3A_311 = tpu.vector_load %arg6[%get3A_310] {strides = array<i32>} : memref<512xi32, #tpu.memory_space<vmem>>, vector<16xi32>,
    %add3A_312 = arith.constant 20000 : i32
    %add3A_313 = vector.broadcast %add3A_312 : i32 to vector<16xi32>
    %add3A_314 = arith.addi %get3A_311, %add3A_313 : vector<16xi32>
    %swap3A_315 = arith.constant 176 : index
    %swap3A_316 = tpu.vector_load %arg9[%swap3A_315] {strides = array<i32>} : memref<512xi32, #tpu.memory_space<vmem>>, vector<16xi32>,
    tpu.vector_store %arg9[%swap3A_315], %add3A_314 {strides = array<i32>} : memref<512xi32, #tpu.memory_space<vmem>>, vector<16xi32>,
    %get3A_317 = arith.constant 192 : index
    %get3A_318 = tpu.vector_load %arg6[%get3A_317] {strides = array<i32>} : memref<512xi32, #tpu.memory_space<vmem>>, vector<16xi32>,
    %add3A_319 = arith.constant 20000 : i32
    %add3A_320 = vector.broadcast %add3A_319 : i32 to vector<16xi32>
    %add3A_321 = arith.addi %get3A_318, %add3A_320 : vector<16xi32>
    %swap3A_322 = arith.constant 192 : index
    %swap3A_323 = tpu.vector_load %arg9[%swap3A_322] {strides = array<i32>} : memref<512xi32, #tpu.memory_space<vmem>>, vector<16xi32>,
    tpu.vector_store %arg9[%swap3A_322], %add3A_321 {strides = array<i32>} : memref<512xi32, #tpu.memory_space<vmem>>, vector<16xi32>,
    %get3A_324 = arith.constant 208 : index
    %get3A_325 = tpu.vector_load %arg6[%get3A_324] {strides = array<i32>} : memref<512xi32, #tpu.memory_space<vmem>>, vector<16xi32>,
    %add3A_326 = arith.constant 20000 : i32
    %add3A_327 = vector.broadcast %add3A_326 : i32 to vector<16xi32>
    %add3A_328 = arith.addi %get3A_325, %add3A_327 : vector<16xi32>
    %swap3A_329 = arith.constant 208 : index
    %swap3A_330 = tpu.vector_load %arg9[%swap3A_329] {strides = array<i32>} : memref<512xi32, #tpu.memory_space<vmem>>, vector<16xi32>,
    tpu.vector_store %arg9[%swap3A_329], %add3A_328 {strides = array<i32>} : memref<512xi32, #tpu.memory_space<vmem>>, vector<16xi32>,
    %get3A_331 = arith.constant 224 : index
    %get3A_332 = tpu.vector_load %arg6[%get3A_331] {strides = array<i32>} : memref<512xi32, #tpu.memory_space<vmem>>, vector<16xi32>,
    %add3A_333 = arith.constant 20000 : i32
    %add3A_334 = vector.broadcast %add3A_333 : i32 to vector<16xi32>
    %add3A_335 = arith.addi %get3A_332, %add3A_334 : vector<16xi32>
    %swap3A_336 = arith.constant 224 : index
    %swap3A_337 = tpu.vector_load %arg9[%swap3A_336] {strides = array<i32>} : memref<512xi32, #tpu.memory_space<vmem>>, vector<16xi32>,
    tpu.vector_store %arg9[%swap3A_336], %add3A_335 {strides = array<i32>} : memref<512xi32, #tpu.memory_space<vmem>>, vector<16xi32>,
    %get3A_338 = arith.constant 240 : index
    %get3A_339 = tpu.vector_load %arg6[%get3A_338] {strides = array<i32>} : memref<512xi32, #tpu.memory_space<vmem>>, vector<16xi32>,
    %add3A_340 = arith.constant 20000 : i32
    %add3A_341 = vector.broadcast %add3A_340 : i32 to vector<16xi32>
    %add3A_342 = arith.addi %get3A_339, %add3A_341 : vector<16xi32>
    %swap3A_343 = arith.constant 240 : index
    %swap3A_344 = tpu.vector_load %arg9[%swap3A_343] {strides = array<i32>} : memref<512xi32, #tpu.memory_space<vmem>>, vector<16xi32>,
    tpu.vector_store %arg9[%swap3A_343], %add3A_342 {strides = array<i32>} : memref<512xi32, #tpu.memory_space<vmem>>, vector<16xi32>,
    %get3A_345 = arith.constant 256 : index
    %get3A_346 = tpu.vector_load %arg6[%get3A_345] {strides = array<i32>} : memref<512xi32, #tpu.memory_space<vmem>>, vector<16xi32>,
    %add3A_347 = arith.constant 20000 : i32
    %add3A_348 = vector.broadcast %add3A_347 : i32 to vector<16xi32>
    %add3A_349 = arith.addi %get3A_346, %add3A_348 : vector<16xi32>
    %swap3A_350 = arith.constant 256 : index
    %swap3A_351 = tpu.vector_load %arg9[%swap3A_350] {strides = array<i32>} : memref<512xi32, #tpu.memory_space<vmem>>, vector<16xi32>,
    tpu.vector_store %arg9[%swap3A_350], %add3A_349 {strides = array<i32>} : memref<512xi32, #tpu.memory_space<vmem>>, vector<16xi32>,
    %get3A_352 = arith.constant 272 : index
    %get3A_353 = tpu.vector_load %arg6[%get3A_352] {strides = array<i32>} : memref<512xi32, #tpu.memory_space<vmem>>, vector<16xi32>,
    %add3A_354 = arith.constant 20000 : i32
    %add3A_355 = vector.broadcast %add3A_354 : i32 to vector<16xi32>
    %add3A_356 = arith.addi %get3A_353, %add3A_355 : vector<16xi32>
    %swap3A_357 = arith.constant 272 : index
    %swap3A_358 = tpu.vector_load %arg9[%swap3A_357] {strides = array<i32>} : memref<512xi32, #tpu.memory_space<vmem>>, vector<16xi32>,
    tpu.vector_store %arg9[%swap3A_357], %add3A_356 {strides = array<i32>} : memref<512xi32, #tpu.memory_space<vmem>>, vector<16xi32>,
    %get3A_359 = arith.constant 288 : index
    %get3A_360 = tpu.vector_load %arg6[%get3A_359] {strides = array<i32>} : memref<512xi32, #tpu.memory_space<vmem>>, vector<16xi32>,
    %add3A_361 = arith.constant 20000 : i32
    %add3A_362 = vector.broadcast %add3A_361 : i32 to vector<16xi32>
    %add3A_363 = arith.addi %get3A_360, %add3A_362 : vector<16xi32>
    %swap3A_364 = arith.constant 288 : index
    %swap3A_365 = tpu.vector_load %arg9[%swap3A_364] {strides = array<i32>} : memref<512xi32, #tpu.memory_space<vmem>>, vector<16xi32>,
    tpu.vector_store %arg9[%swap3A_364], %add3A_363 {strides = array<i32>} : memref<512xi32, #tpu.memory_space<vmem>>, vector<16xi32>,
    %get3A_366 = arith.constant 304 : index
    %get3A_367 = tpu.vector_load %arg6[%get3A_366] {strides = array<i32>} : memref<512xi32, #tpu.memory_space<vmem>>, vector<16xi32>,
    %add3A_368 = arith.constant 20000 : i32
    %add3A_369 = vector.broadcast %add3A_368 : i32 to vector<16xi32>
    %add3A_370 = arith.addi %get3A_367, %add3A_369 : vector<16xi32>
    %swap3A_371 = arith.constant 304 : index
    %swap3A_372 = tpu.vector_load %arg9[%swap3A_371] {strides = array<i32>} : memref<512xi32, #tpu.memory_space<vmem>>, vector<16xi32>,
    tpu.vector_store %arg9[%swap3A_371], %add3A_370 {strides = array<i32>} : memref<512xi32, #tpu.memory_space<vmem>>, vector<16xi32>,
    %get3A_373 = arith.constant 320 : index
    %get3A_374 = tpu.vector_load %arg6[%get3A_373] {strides = array<i32>} : memref<512xi32, #tpu.memory_space<vmem>>, vector<16xi32>,
    %add3A_375 = arith.constant 20000 : i32
    %add3A_376 = vector.broadcast %add3A_375 : i32 to vector<16xi32>
    %add3A_377 = arith.addi %get3A_374, %add3A_376 : vector<16xi32>
    %swap3A_378 = arith.constant 320 : index
    %swap3A_379 = tpu.vector_load %arg9[%swap3A_378] {strides = array<i32>} : memref<512xi32, #tpu.memory_space<vmem>>, vector<16xi32>,
    tpu.vector_store %arg9[%swap3A_378], %add3A_377 {strides = array<i32>} : memref<512xi32, #tpu.memory_space<vmem>>, vector<16xi32>,
    %get3A_380 = arith.constant 336 : index
    %get3A_381 = tpu.vector_load %arg6[%get3A_380] {strides = array<i32>} : memref<512xi32, #tpu.memory_space<vmem>>, vector<16xi32>,
    %add3A_382 = arith.constant 20000 : i32
    %add3A_383 = vector.broadcast %add3A_382 : i32 to vector<16xi32>
    %add3A_384 = arith.addi %get3A_381, %add3A_383 : vector<16xi32>
    %swap3A_385 = arith.constant 336 : index
    %swap3A_386 = tpu.vector_load %arg9[%swap3A_385] {strides = array<i32>} : memref<512xi32, #tpu.memory_space<vmem>>, vector<16xi32>,
    tpu.vector_store %arg9[%swap3A_385], %add3A_384 {strides = array<i32>} : memref<512xi32, #tpu.memory_space<vmem>>, vector<16xi32>,
    %get3A_387 = arith.constant 352 : index
    %get3A_388 = tpu.vector_load %arg6[%get3A_387] {strides = array<i32>} : memref<512xi32, #tpu.memory_space<vmem>>, vector<16xi32>,
    %add3A_389 = arith.constant 20000 : i32
    %add3A_390 = vector.broadcast %add3A_389 : i32 to vector<16xi32>
    %add3A_391 = arith.addi %get3A_388, %add3A_390 : vector<16xi32>
    %swap3A_392 = arith.constant 352 : index
    %swap3A_393 = tpu.vector_load %arg9[%swap3A_392] {strides = array<i32>} : memref<512xi32, #tpu.memory_space<vmem>>, vector<16xi32>,
    tpu.vector_store %arg9[%swap3A_392], %add3A_391 {strides = array<i32>} : memref<512xi32, #tpu.memory_space<vmem>>, vector<16xi32>,
    %get3A_394 = arith.constant 368 : index
    %get3A_395 = tpu.vector_load %arg6[%get3A_394] {strides = array<i32>} : memref<512xi32, #tpu.memory_space<vmem>>, vector<16xi32>,
    %add3A_396 = arith.constant 20000 : i32
    %add3A_397 = vector.broadcast %add3A_396 : i32 to vector<16xi32>
    %add3A_398 = arith.addi %get3A_395, %add3A_397 : vector<16xi32>
    %swap3A_399 = arith.constant 368 : index
    %swap3A_400 = tpu.vector_load %arg9[%swap3A_399] {strides = array<i32>} : memref<512xi32, #tpu.memory_space<vmem>>, vector<16xi32>,
    tpu.vector_store %arg9[%swap3A_399], %add3A_398 {strides = array<i32>} : memref<512xi32, #tpu.memory_space<vmem>>, vector<16xi32>,
    %get3A_401 = arith.constant 384 : index
    %get3A_402 = tpu.vector_load %arg6[%get3A_401] {strides = array<i32>} : memref<512xi32, #tpu.memory_space<vmem>>, vector<16xi32>,
    %add3A_403 = arith.constant 20000 : i32
    %add3A_404 = vector.broadcast %add3A_403 : i32 to vector<16xi32>
    %add3A_405 = arith.addi %get3A_402, %add3A_404 : vector<16xi32>
    %swap3A_406 = arith.constant 384 : index
    %swap3A_407 = tpu.vector_load %arg9[%swap3A_406] {strides = array<i32>} : memref<512xi32, #tpu.memory_space<vmem>>, vector<16xi32>,
    tpu.vector_store %arg9[%swap3A_406], %add3A_405 {strides = array<i32>} : memref<512xi32, #tpu.memory_space<vmem>>, vector<16xi32>,
    %get3A_408 = arith.constant 400 : index
    %get3A_409 = tpu.vector_load %arg6[%get3A_408] {strides = array<i32>} : memref<512xi32, #tpu.memory_space<vmem>>, vector<16xi32>,
    %add3A_410 = arith.constant 20000 : i32
    %add3A_411 = vector.broadcast %add3A_410 : i32 to vector<16xi32>
    %add3A_412 = arith.addi %get3A_409, %add3A_411 : vector<16xi32>
    %swap3A_413 = arith.constant 400 : index
    %swap3A_414 = tpu.vector_load %arg9[%swap3A_413] {strides = array<i32>} : memref<512xi32, #tpu.memory_space<vmem>>, vector<16xi32>,
    tpu.vector_store %arg9[%swap3A_413], %add3A_412 {strides = array<i32>} : memref<512xi32, #tpu.memory_space<vmem>>, vector<16xi32>,
    %get3A_415 = arith.constant 416 : index
    %get3A_416 = tpu.vector_load %arg6[%get3A_415] {strides = array<i32>} : memref<512xi32, #tpu.memory_space<vmem>>, vector<16xi32>,
    %add3A_417 = arith.constant 20000 : i32
    %add3A_418 = vector.broadcast %add3A_417 : i32 to vector<16xi32>
    %add3A_419 = arith.addi %get3A_416, %add3A_418 : vector<16xi32>
    %swap3A_420 = arith.constant 416 : index
    %swap3A_421 = tpu.vector_load %arg9[%swap3A_420] {strides = array<i32>} : memref<512xi32, #tpu.memory_space<vmem>>, vector<16xi32>,
    tpu.vector_store %arg9[%swap3A_420], %add3A_419 {strides = array<i32>} : memref<512xi32, #tpu.memory_space<vmem>>, vector<16xi32>,
    %get3A_422 = arith.constant 432 : index
    %get3A_423 = tpu.vector_load %arg6[%get3A_422] {strides = array<i32>} : memref<512xi32, #tpu.memory_space<vmem>>, vector<16xi32>,
    %add3A_424 = arith.constant 20000 : i32
    %add3A_425 = vector.broadcast %add3A_424 : i32 to vector<16xi32>
    %add3A_426 = arith.addi %get3A_423, %add3A_425 : vector<16xi32>
    %swap3A_427 = arith.constant 432 : index
    %swap3A_428 = tpu.vector_load %arg9[%swap3A_427] {strides = array<i32>} : memref<512xi32, #tpu.memory_space<vmem>>, vector<16xi32>,
    tpu.vector_store %arg9[%swap3A_427], %add3A_426 {strides = array<i32>} : memref<512xi32, #tpu.memory_space<vmem>>, vector<16xi32>,
    %get3A_429 = arith.constant 448 : index
    %get3A_430 = tpu.vector_load %arg6[%get3A_429] {strides = array<i32>} : memref<512xi32, #tpu.memory_space<vmem>>, vector<16xi32>,
    %add3A_431 = arith.constant 20000 : i32
    %add3A_432 = vector.broadcast %add3A_431 : i32 to vector<16xi32>
    %add3A_433 = arith.addi %get3A_430, %add3A_432 : vector<16xi32>
    %swap3A_434 = arith.constant 448 : index
    %swap3A_435 = tpu.vector_load %arg9[%swap3A_434] {strides = array<i32>} : memref<512xi32, #tpu.memory_space<vmem>>, vector<16xi32>,
    tpu.vector_store %arg9[%swap3A_434], %add3A_433 {strides = array<i32>} : memref<512xi32, #tpu.memory_space<vmem>>, vector<16xi32>,
    %get3A_436 = arith.constant 464 : index
    %get3A_437 = tpu.vector_load %arg6[%get3A_436] {strides = array<i32>} : memref<512xi32, #tpu.memory_space<vmem>>, vector<16xi32>,
    %add3A_438 = arith.constant 20000 : i32
    %add3A_439 = vector.broadcast %add3A_438 : i32 to vector<16xi32>
    %add3A_440 = arith.addi %get3A_437, %add3A_439 : vector<16xi32>
    %swap3A_441 = arith.constant 464 : index
    %swap3A_442 = tpu.vector_load %arg9[%swap3A_441] {strides = array<i32>} : memref<512xi32, #tpu.memory_space<vmem>>, vector<16xi32>,
    tpu.vector_store %arg9[%swap3A_441], %add3A_440 {strides = array<i32>} : memref<512xi32, #tpu.memory_space<vmem>>, vector<16xi32>,
    %get3A_443 = arith.constant 480 : index
    %get3A_444 = tpu.vector_load %arg6[%get3A_443] {strides = array<i32>} : memref<512xi32, #tpu.memory_space<vmem>>, vector<16xi32>,
    %add3A_445 = arith.constant 20000 : i32
    %add3A_446 = vector.broadcast %add3A_445 : i32 to vector<16xi32>
    %add3A_447 = arith.addi %get3A_444, %add3A_446 : vector<16xi32>
    %swap3A_448 = arith.constant 480 : index
    %swap3A_449 = tpu.vector_load %arg9[%swap3A_448] {strides = array<i32>} : memref<512xi32, #tpu.memory_space<vmem>>, vector<16xi32>,
    tpu.vector_store %arg9[%swap3A_448], %add3A_447 {strides = array<i32>} : memref<512xi32, #tpu.memory_space<vmem>>, vector<16xi32>,
    %get3A_450 = arith.constant 496 : index
    %get3A_451 = tpu.vector_load %arg6[%get3A_450] {strides = array<i32>} : memref<512xi32, #tpu.memory_space<vmem>>, vector<16xi32>,
    %add3A_452 = arith.constant 20000 : i32
    %add3A_453 = vector.broadcast %add3A_452 : i32 to vector<16xi32>
    %add3A_454 = arith.addi %get3A_451, %add3A_453 : vector<16xi32>
    %swap3A_455 = arith.constant 496 : index
    %swap3A_456 = tpu.vector_load %arg9[%swap3A_455] {strides = array<i32>} : memref<512xi32, #tpu.memory_space<vmem>>, vector<16xi32>,
    tpu.vector_store %arg9[%swap3A_455], %add3A_454 {strides = array<i32>} : memref<512xi32, #tpu.memory_space<vmem>>, vector<16xi32>,
    %dma_start3A_457 = arith.constant 0 : i32
    %dma_start3A_458 = tpu.memref_slice %arg2[%dma_start3A_457] : memref<120000xf32, #tpu.memory_space<hbm>> -> memref<120000xf32, #tpu.memory_space<hbm>>
    tpu.enqueue_indirect_dma source(%dma_start3A_458 : memref<120000xf32, #tpu.memory_space<hbm>>) target(%arg15 : memref<512xf32, #tpu.memory_space<vmem>>) offsets(%arg9 : memref<512xi32, #tpu.memory_space<vmem>>) semaphore(%arg20 : memref<!tpu.dma_semaphore, #tpu.memory_space<semaphore_mem>>)
    %get3A_459 = arith.constant 0 : index
    %get3A_460 = tpu.vector_load %arg6[%get3A_459] {strides = array<i32>} : memref<512xi32, #tpu.memory_space<vmem>>, vector<16xi32>,
    %add3A_461 = arith.constant 40000 : i32
    %add3A_462 = vector.broadcast %add3A_461 : i32 to vector<16xi32>
    %add3A_463 = arith.addi %get3A_460, %add3A_462 : vector<16xi32>
    %swap3A_464 = arith.constant 0 : index
    %swap3A_465 = tpu.vector_load %arg10[%swap3A_464] {strides = array<i32>} : memref<512xi32, #tpu.memory_space<vmem>>, vector<16xi32>,
    tpu.vector_store %arg10[%swap3A_464], %add3A_463 {strides = array<i32>} : memref<512xi32, #tpu.memory_space<vmem>>, vector<16xi32>,
    %get3A_466 = arith.constant 16 : index
    %get3A_467 = tpu.vector_load %arg6[%get3A_466] {strides = array<i32>} : memref<512xi32, #tpu.memory_space<vmem>>, vector<16xi32>,
    %add3A_468 = arith.constant 40000 : i32
    %add3A_469 = vector.broadcast %add3A_468 : i32 to vector<16xi32>
    %add3A_470 = arith.addi %get3A_467, %add3A_469 : vector<16xi32>
    %swap3A_471 = arith.constant 16 : index
    %swap3A_472 = tpu.vector_load %arg10[%swap3A_471] {strides = array<i32>} : memref<512xi32, #tpu.memory_space<vmem>>, vector<16xi32>,
    tpu.vector_store %arg10[%swap3A_471], %add3A_470 {strides = array<i32>} : memref<512xi32, #tpu.memory_space<vmem>>, vector<16xi32>,
    %get3A_473 = arith.constant 32 : index
    %get3A_474 = tpu.vector_load %arg6[%get3A_473] {strides = array<i32>} : memref<512xi32, #tpu.memory_space<vmem>>, vector<16xi32>,
    %add3A_475 = arith.constant 40000 : i32
    %add3A_476 = vector.broadcast %add3A_475 : i32 to vector<16xi32>
    %add3A_477 = arith.addi %get3A_474, %add3A_476 : vector<16xi32>
    %swap3A_478 = arith.constant 32 : index
    %swap3A_479 = tpu.vector_load %arg10[%swap3A_478] {strides = array<i32>} : memref<512xi32, #tpu.memory_space<vmem>>, vector<16xi32>,
    tpu.vector_store %arg10[%swap3A_478], %add3A_477 {strides = array<i32>} : memref<512xi32, #tpu.memory_space<vmem>>, vector<16xi32>,
    %get3A_480 = arith.constant 48 : index
    %get3A_481 = tpu.vector_load %arg6[%get3A_480] {strides = array<i32>} : memref<512xi32, #tpu.memory_space<vmem>>, vector<16xi32>,
    %add3A_482 = arith.constant 40000 : i32
    %add3A_483 = vector.broadcast %add3A_482 : i32 to vector<16xi32>
    %add3A_484 = arith.addi %get3A_481, %add3A_483 : vector<16xi32>
    %swap3A_485 = arith.constant 48 : index
    %swap3A_486 = tpu.vector_load %arg10[%swap3A_485] {strides = array<i32>} : memref<512xi32, #tpu.memory_space<vmem>>, vector<16xi32>,
    tpu.vector_store %arg10[%swap3A_485], %add3A_484 {strides = array<i32>} : memref<512xi32, #tpu.memory_space<vmem>>, vector<16xi32>,
    %get3A_487 = arith.constant 64 : index
    %get3A_488 = tpu.vector_load %arg6[%get3A_487] {strides = array<i32>} : memref<512xi32, #tpu.memory_space<vmem>>, vector<16xi32>,
    %add3A_489 = arith.constant 40000 : i32
    %add3A_490 = vector.broadcast %add3A_489 : i32 to vector<16xi32>
    %add3A_491 = arith.addi %get3A_488, %add3A_490 : vector<16xi32>
    %swap3A_492 = arith.constant 64 : index
    %swap3A_493 = tpu.vector_load %arg10[%swap3A_492] {strides = array<i32>} : memref<512xi32, #tpu.memory_space<vmem>>, vector<16xi32>,
    tpu.vector_store %arg10[%swap3A_492], %add3A_491 {strides = array<i32>} : memref<512xi32, #tpu.memory_space<vmem>>, vector<16xi32>,
    %get3A_494 = arith.constant 80 : index
    %get3A_495 = tpu.vector_load %arg6[%get3A_494] {strides = array<i32>} : memref<512xi32, #tpu.memory_space<vmem>>, vector<16xi32>,
    %add3A_496 = arith.constant 40000 : i32
    %add3A_497 = vector.broadcast %add3A_496 : i32 to vector<16xi32>
    %add3A_498 = arith.addi %get3A_495, %add3A_497 : vector<16xi32>
    %swap3A_499 = arith.constant 80 : index
    %swap3A_500 = tpu.vector_load %arg10[%swap3A_499] {strides = array<i32>} : memref<512xi32, #tpu.memory_space<vmem>>, vector<16xi32>,
    tpu.vector_store %arg10[%swap3A_499], %add3A_498 {strides = array<i32>} : memref<512xi32, #tpu.memory_space<vmem>>, vector<16xi32>,
    %get3A_501 = arith.constant 96 : index
    %get3A_502 = tpu.vector_load %arg6[%get3A_501] {strides = array<i32>} : memref<512xi32, #tpu.memory_space<vmem>>, vector<16xi32>,
    %add3A_503 = arith.constant 40000 : i32
    %add3A_504 = vector.broadcast %add3A_503 : i32 to vector<16xi32>
    %add3A_505 = arith.addi %get3A_502, %add3A_504 : vector<16xi32>
    %swap3A_506 = arith.constant 96 : index
    %swap3A_507 = tpu.vector_load %arg10[%swap3A_506] {strides = array<i32>} : memref<512xi32, #tpu.memory_space<vmem>>, vector<16xi32>,
    tpu.vector_store %arg10[%swap3A_506], %add3A_505 {strides = array<i32>} : memref<512xi32, #tpu.memory_space<vmem>>, vector<16xi32>,
    %get3A_508 = arith.constant 112 : index
    %get3A_509 = tpu.vector_load %arg6[%get3A_508] {strides = array<i32>} : memref<512xi32, #tpu.memory_space<vmem>>, vector<16xi32>,
    %add3A_510 = arith.constant 40000 : i32
    %add3A_511 = vector.broadcast %add3A_510 : i32 to vector<16xi32>
    %add3A_512 = arith.addi %get3A_509, %add3A_511 : vector<16xi32>
    %swap3A_513 = arith.constant 112 : index
    %swap3A_514 = tpu.vector_load %arg10[%swap3A_513] {strides = array<i32>} : memref<512xi32, #tpu.memory_space<vmem>>, vector<16xi32>,
    tpu.vector_store %arg10[%swap3A_513], %add3A_512 {strides = array<i32>} : memref<512xi32, #tpu.memory_space<vmem>>, vector<16xi32>,
    %get3A_515 = arith.constant 128 : index
    %get3A_516 = tpu.vector_load %arg6[%get3A_515] {strides = array<i32>} : memref<512xi32, #tpu.memory_space<vmem>>, vector<16xi32>,
    %add3A_517 = arith.constant 40000 : i32
    %add3A_518 = vector.broadcast %add3A_517 : i32 to vector<16xi32>
    %add3A_519 = arith.addi %get3A_516, %add3A_518 : vector<16xi32>
    %swap3A_520 = arith.constant 128 : index
    %swap3A_521 = tpu.vector_load %arg10[%swap3A_520] {strides = array<i32>} : memref<512xi32, #tpu.memory_space<vmem>>, vector<16xi32>,
    tpu.vector_store %arg10[%swap3A_520], %add3A_519 {strides = array<i32>} : memref<512xi32, #tpu.memory_space<vmem>>, vector<16xi32>,
    %get3A_522 = arith.constant 144 : index
    %get3A_523 = tpu.vector_load %arg6[%get3A_522] {strides = array<i32>} : memref<512xi32, #tpu.memory_space<vmem>>, vector<16xi32>,
    %add3A_524 = arith.constant 40000 : i32
    %add3A_525 = vector.broadcast %add3A_524 : i32 to vector<16xi32>
    %add3A_526 = arith.addi %get3A_523, %add3A_525 : vector<16xi32>
    %swap3A_527 = arith.constant 144 : index
    %swap3A_528 = tpu.vector_load %arg10[%swap3A_527] {strides = array<i32>} : memref<512xi32, #tpu.memory_space<vmem>>, vector<16xi32>,
    tpu.vector_store %arg10[%swap3A_527], %add3A_526 {strides = array<i32>} : memref<512xi32, #tpu.memory_space<vmem>>, vector<16xi32>,
    %get3A_529 = arith.constant 160 : index
    %get3A_530 = tpu.vector_load %arg6[%get3A_529] {strides = array<i32>} : memref<512xi32, #tpu.memory_space<vmem>>, vector<16xi32>,
    %add3A_531 = arith.constant 40000 : i32
    %add3A_532 = vector.broadcast %add3A_531 : i32 to vector<16xi32>
    %add3A_533 = arith.addi %get3A_530, %add3A_532 : vector<16xi32>
    %swap3A_534 = arith.constant 160 : index
    %swap3A_535 = tpu.vector_load %arg10[%swap3A_534] {strides = array<i32>} : memref<512xi32, #tpu.memory_space<vmem>>, vector<16xi32>,
    tpu.vector_store %arg10[%swap3A_534], %add3A_533 {strides = array<i32>} : memref<512xi32, #tpu.memory_space<vmem>>, vector<16xi32>,
    %get3A_536 = arith.constant 176 : index
    %get3A_537 = tpu.vector_load %arg6[%get3A_536] {strides = array<i32>} : memref<512xi32, #tpu.memory_space<vmem>>, vector<16xi32>,
    %add3A_538 = arith.constant 40000 : i32
    %add3A_539 = vector.broadcast %add3A_538 : i32 to vector<16xi32>
    %add3A_540 = arith.addi %get3A_537, %add3A_539 : vector<16xi32>
    %swap3A_541 = arith.constant 176 : index
    %swap3A_542 = tpu.vector_load %arg10[%swap3A_541] {strides = array<i32>} : memref<512xi32, #tpu.memory_space<vmem>>, vector<16xi32>,
    tpu.vector_store %arg10[%swap3A_541], %add3A_540 {strides = array<i32>} : memref<512xi32, #tpu.memory_space<vmem>>, vector<16xi32>,
    %get3A_543 = arith.constant 192 : index
    %get3A_544 = tpu.vector_load %arg6[%get3A_543] {strides = array<i32>} : memref<512xi32, #tpu.memory_space<vmem>>, vector<16xi32>,
    %add3A_545 = arith.constant 40000 : i32
    %add3A_546 = vector.broadcast %add3A_545 : i32 to vector<16xi32>
    %add3A_547 = arith.addi %get3A_544, %add3A_546 : vector<16xi32>
    %swap3A_548 = arith.constant 192 : index
    %swap3A_549 = tpu.vector_load %arg10[%swap3A_548] {strides = array<i32>} : memref<512xi32, #tpu.memory_space<vmem>>, vector<16xi32>,
    tpu.vector_store %arg10[%swap3A_548], %add3A_547 {strides = array<i32>} : memref<512xi32, #tpu.memory_space<vmem>>, vector<16xi32>,
    %get3A_550 = arith.constant 208 : index
    %get3A_551 = tpu.vector_load %arg6[%get3A_550] {strides = array<i32>} : memref<512xi32, #tpu.memory_space<vmem>>, vector<16xi32>,
    %add3A_552 = arith.constant 40000 : i32
    %add3A_553 = vector.broadcast %add3A_552 : i32 to vector<16xi32>
    %add3A_554 = arith.addi %get3A_551, %add3A_553 : vector<16xi32>
    %swap3A_555 = arith.constant 208 : index
    %swap3A_556 = tpu.vector_load %arg10[%swap3A_555] {strides = array<i32>} : memref<512xi32, #tpu.memory_space<vmem>>, vector<16xi32>,
    tpu.vector_store %arg10[%swap3A_555], %add3A_554 {strides = array<i32>} : memref<512xi32, #tpu.memory_space<vmem>>, vector<16xi32>,
    %get3A_557 = arith.constant 224 : index
    %get3A_558 = tpu.vector_load %arg6[%get3A_557] {strides = array<i32>} : memref<512xi32, #tpu.memory_space<vmem>>, vector<16xi32>,
    %add3A_559 = arith.constant 40000 : i32
    %add3A_560 = vector.broadcast %add3A_559 : i32 to vector<16xi32>
    %add3A_561 = arith.addi %get3A_558, %add3A_560 : vector<16xi32>
    %swap3A_562 = arith.constant 224 : index
    %swap3A_563 = tpu.vector_load %arg10[%swap3A_562] {strides = array<i32>} : memref<512xi32, #tpu.memory_space<vmem>>, vector<16xi32>,
    tpu.vector_store %arg10[%swap3A_562], %add3A_561 {strides = array<i32>} : memref<512xi32, #tpu.memory_space<vmem>>, vector<16xi32>,
    %get3A_564 = arith.constant 240 : index
    %get3A_565 = tpu.vector_load %arg6[%get3A_564] {strides = array<i32>} : memref<512xi32, #tpu.memory_space<vmem>>, vector<16xi32>,
    %add3A_566 = arith.constant 40000 : i32
    %add3A_567 = vector.broadcast %add3A_566 : i32 to vector<16xi32>
    %add3A_568 = arith.addi %get3A_565, %add3A_567 : vector<16xi32>
    %swap3A_569 = arith.constant 240 : index
    %swap3A_570 = tpu.vector_load %arg10[%swap3A_569] {strides = array<i32>} : memref<512xi32, #tpu.memory_space<vmem>>, vector<16xi32>,
    tpu.vector_store %arg10[%swap3A_569], %add3A_568 {strides = array<i32>} : memref<512xi32, #tpu.memory_space<vmem>>, vector<16xi32>,
    %get3A_571 = arith.constant 256 : index
    %get3A_572 = tpu.vector_load %arg6[%get3A_571] {strides = array<i32>} : memref<512xi32, #tpu.memory_space<vmem>>, vector<16xi32>,
    %add3A_573 = arith.constant 40000 : i32
    %add3A_574 = vector.broadcast %add3A_573 : i32 to vector<16xi32>
    %add3A_575 = arith.addi %get3A_572, %add3A_574 : vector<16xi32>
    %swap3A_576 = arith.constant 256 : index
    %swap3A_577 = tpu.vector_load %arg10[%swap3A_576] {strides = array<i32>} : memref<512xi32, #tpu.memory_space<vmem>>, vector<16xi32>,
    tpu.vector_store %arg10[%swap3A_576], %add3A_575 {strides = array<i32>} : memref<512xi32, #tpu.memory_space<vmem>>, vector<16xi32>,
    %get3A_578 = arith.constant 272 : index
    %get3A_579 = tpu.vector_load %arg6[%get3A_578] {strides = array<i32>} : memref<512xi32, #tpu.memory_space<vmem>>, vector<16xi32>,
    %add3A_580 = arith.constant 40000 : i32
    %add3A_581 = vector.broadcast %add3A_580 : i32 to vector<16xi32>
    %add3A_582 = arith.addi %get3A_579, %add3A_581 : vector<16xi32>
    %swap3A_583 = arith.constant 272 : index
    %swap3A_584 = tpu.vector_load %arg10[%swap3A_583] {strides = array<i32>} : memref<512xi32, #tpu.memory_space<vmem>>, vector<16xi32>,
    tpu.vector_store %arg10[%swap3A_583], %add3A_582 {strides = array<i32>} : memref<512xi32, #tpu.memory_space<vmem>>, vector<16xi32>,
    %get3A_585 = arith.constant 288 : index
    %get3A_586 = tpu.vector_load %arg6[%get3A_585] {strides = array<i32>} : memref<512xi32, #tpu.memory_space<vmem>>, vector<16xi32>,
    %add3A_587 = arith.constant 40000 : i32
    %add3A_588 = vector.broadcast %add3A_587 : i32 to vector<16xi32>
    %add3A_589 = arith.addi %get3A_586, %add3A_588 : vector<16xi32>
    %swap3A_590 = arith.constant 288 : index
    %swap3A_591 = tpu.vector_load %arg10[%swap3A_590] {strides = array<i32>} : memref<512xi32, #tpu.memory_space<vmem>>, vector<16xi32>,
    tpu.vector_store %arg10[%swap3A_590], %add3A_589 {strides = array<i32>} : memref<512xi32, #tpu.memory_space<vmem>>, vector<16xi32>,
    %get3A_592 = arith.constant 304 : index
    %get3A_593 = tpu.vector_load %arg6[%get3A_592] {strides = array<i32>} : memref<512xi32, #tpu.memory_space<vmem>>, vector<16xi32>,
    %add3A_594 = arith.constant 40000 : i32
    %add3A_595 = vector.broadcast %add3A_594 : i32 to vector<16xi32>
    %add3A_596 = arith.addi %get3A_593, %add3A_595 : vector<16xi32>
    %swap3A_597 = arith.constant 304 : index
    %swap3A_598 = tpu.vector_load %arg10[%swap3A_597] {strides = array<i32>} : memref<512xi32, #tpu.memory_space<vmem>>, vector<16xi32>,
    tpu.vector_store %arg10[%swap3A_597], %add3A_596 {strides = array<i32>} : memref<512xi32, #tpu.memory_space<vmem>>, vector<16xi32>,
    %get3A_599 = arith.constant 320 : index
    %get3A_600 = tpu.vector_load %arg6[%get3A_599] {strides = array<i32>} : memref<512xi32, #tpu.memory_space<vmem>>, vector<16xi32>,
    %add3A_601 = arith.constant 40000 : i32
    %add3A_602 = vector.broadcast %add3A_601 : i32 to vector<16xi32>
    %add3A_603 = arith.addi %get3A_600, %add3A_602 : vector<16xi32>
    %swap3A_604 = arith.constant 320 : index
    %swap3A_605 = tpu.vector_load %arg10[%swap3A_604] {strides = array<i32>} : memref<512xi32, #tpu.memory_space<vmem>>, vector<16xi32>,
    tpu.vector_store %arg10[%swap3A_604], %add3A_603 {strides = array<i32>} : memref<512xi32, #tpu.memory_space<vmem>>, vector<16xi32>,
    %get3A_606 = arith.constant 336 : index
    %get3A_607 = tpu.vector_load %arg6[%get3A_606] {strides = array<i32>} : memref<512xi32, #tpu.memory_space<vmem>>, vector<16xi32>,
    %add3A_608 = arith.constant 40000 : i32
    %add3A_609 = vector.broadcast %add3A_608 : i32 to vector<16xi32>
    %add3A_610 = arith.addi %get3A_607, %add3A_609 : vector<16xi32>
    %swap3A_611 = arith.constant 336 : index
    %swap3A_612 = tpu.vector_load %arg10[%swap3A_611] {strides = array<i32>} : memref<512xi32, #tpu.memory_space<vmem>>, vector<16xi32>,
    tpu.vector_store %arg10[%swap3A_611], %add3A_610 {strides = array<i32>} : memref<512xi32, #tpu.memory_space<vmem>>, vector<16xi32>,
    %get3A_613 = arith.constant 352 : index
    %get3A_614 = tpu.vector_load %arg6[%get3A_613] {strides = array<i32>} : memref<512xi32, #tpu.memory_space<vmem>>, vector<16xi32>,
    %add3A_615 = arith.constant 40000 : i32
    %add3A_616 = vector.broadcast %add3A_615 : i32 to vector<16xi32>
    %add3A_617 = arith.addi %get3A_614, %add3A_616 : vector<16xi32>
    %swap3A_618 = arith.constant 352 : index
    %swap3A_619 = tpu.vector_load %arg10[%swap3A_618] {strides = array<i32>} : memref<512xi32, #tpu.memory_space<vmem>>, vector<16xi32>,
    tpu.vector_store %arg10[%swap3A_618], %add3A_617 {strides = array<i32>} : memref<512xi32, #tpu.memory_space<vmem>>, vector<16xi32>,
    %get3A_620 = arith.constant 368 : index
    %get3A_621 = tpu.vector_load %arg6[%get3A_620] {strides = array<i32>} : memref<512xi32, #tpu.memory_space<vmem>>, vector<16xi32>,
    %add3A_622 = arith.constant 40000 : i32
    %add3A_623 = vector.broadcast %add3A_622 : i32 to vector<16xi32>
    %add3A_624 = arith.addi %get3A_621, %add3A_623 : vector<16xi32>
    %swap3A_625 = arith.constant 368 : index
    %swap3A_626 = tpu.vector_load %arg10[%swap3A_625] {strides = array<i32>} : memref<512xi32, #tpu.memory_space<vmem>>, vector<16xi32>,
    tpu.vector_store %arg10[%swap3A_625], %add3A_624 {strides = array<i32>} : memref<512xi32, #tpu.memory_space<vmem>>, vector<16xi32>,
    %get3A_627 = arith.constant 384 : index
    %get3A_628 = tpu.vector_load %arg6[%get3A_627] {strides = array<i32>} : memref<512xi32, #tpu.memory_space<vmem>>, vector<16xi32>,
    %add3A_629 = arith.constant 40000 : i32
    %add3A_630 = vector.broadcast %add3A_629 : i32 to vector<16xi32>
    %add3A_631 = arith.addi %get3A_628, %add3A_630 : vector<16xi32>
    %swap3A_632 = arith.constant 384 : index
    %swap3A_633 = tpu.vector_load %arg10[%swap3A_632] {strides = array<i32>} : memref<512xi32, #tpu.memory_space<vmem>>, vector<16xi32>,
    tpu.vector_store %arg10[%swap3A_632], %add3A_631 {strides = array<i32>} : memref<512xi32, #tpu.memory_space<vmem>>, vector<16xi32>,
    %get3A_634 = arith.constant 400 : index
    %get3A_635 = tpu.vector_load %arg6[%get3A_634] {strides = array<i32>} : memref<512xi32, #tpu.memory_space<vmem>>, vector<16xi32>,
    %add3A_636 = arith.constant 40000 : i32
    %add3A_637 = vector.broadcast %add3A_636 : i32 to vector<16xi32>
    %add3A_638 = arith.addi %get3A_635, %add3A_637 : vector<16xi32>
    %swap3A_639 = arith.constant 400 : index
    %swap3A_640 = tpu.vector_load %arg10[%swap3A_639] {strides = array<i32>} : memref<512xi32, #tpu.memory_space<vmem>>, vector<16xi32>,
    tpu.vector_store %arg10[%swap3A_639], %add3A_638 {strides = array<i32>} : memref<512xi32, #tpu.memory_space<vmem>>, vector<16xi32>,
    %get3A_641 = arith.constant 416 : index
    %get3A_642 = tpu.vector_load %arg6[%get3A_641] {strides = array<i32>} : memref<512xi32, #tpu.memory_space<vmem>>, vector<16xi32>,
    %add3A_643 = arith.constant 40000 : i32
    %add3A_644 = vector.broadcast %add3A_643 : i32 to vector<16xi32>
    %add3A_645 = arith.addi %get3A_642, %add3A_644 : vector<16xi32>
    %swap3A_646 = arith.constant 416 : index
    %swap3A_647 = tpu.vector_load %arg10[%swap3A_646] {strides = array<i32>} : memref<512xi32, #tpu.memory_space<vmem>>, vector<16xi32>,
    tpu.vector_store %arg10[%swap3A_646], %add3A_645 {strides = array<i32>} : memref<512xi32, #tpu.memory_space<vmem>>, vector<16xi32>,
    %get3A_648 = arith.constant 432 : index
    %get3A_649 = tpu.vector_load %arg6[%get3A_648] {strides = array<i32>} : memref<512xi32, #tpu.memory_space<vmem>>, vector<16xi32>,
    %add3A_650 = arith.constant 40000 : i32
    %add3A_651 = vector.broadcast %add3A_650 : i32 to vector<16xi32>
    %add3A_652 = arith.addi %get3A_649, %add3A_651 : vector<16xi32>
    %swap3A_653 = arith.constant 432 : index
    %swap3A_654 = tpu.vector_load %arg10[%swap3A_653] {strides = array<i32>} : memref<512xi32, #tpu.memory_space<vmem>>, vector<16xi32>,
    tpu.vector_store %arg10[%swap3A_653], %add3A_652 {strides = array<i32>} : memref<512xi32, #tpu.memory_space<vmem>>, vector<16xi32>,
    %get3A_655 = arith.constant 448 : index
    %get3A_656 = tpu.vector_load %arg6[%get3A_655] {strides = array<i32>} : memref<512xi32, #tpu.memory_space<vmem>>, vector<16xi32>,
    %add3A_657 = arith.constant 40000 : i32
    %add3A_658 = vector.broadcast %add3A_657 : i32 to vector<16xi32>
    %add3A_659 = arith.addi %get3A_656, %add3A_658 : vector<16xi32>
    %swap3A_660 = arith.constant 448 : index
    %swap3A_661 = tpu.vector_load %arg10[%swap3A_660] {strides = array<i32>} : memref<512xi32, #tpu.memory_space<vmem>>, vector<16xi32>,
    tpu.vector_store %arg10[%swap3A_660], %add3A_659 {strides = array<i32>} : memref<512xi32, #tpu.memory_space<vmem>>, vector<16xi32>,
    %get3A_662 = arith.constant 464 : index
    %get3A_663 = tpu.vector_load %arg6[%get3A_662] {strides = array<i32>} : memref<512xi32, #tpu.memory_space<vmem>>, vector<16xi32>,
    %add3A_664 = arith.constant 40000 : i32
    %add3A_665 = vector.broadcast %add3A_664 : i32 to vector<16xi32>
    %add3A_666 = arith.addi %get3A_663, %add3A_665 : vector<16xi32>
    %swap3A_667 = arith.constant 464 : index
    %swap3A_668 = tpu.vector_load %arg10[%swap3A_667] {strides = array<i32>} : memref<512xi32, #tpu.memory_space<vmem>>, vector<16xi32>,
    tpu.vector_store %arg10[%swap3A_667], %add3A_666 {strides = array<i32>} : memref<512xi32, #tpu.memory_space<vmem>>, vector<16xi32>,
    %get3A_669 = arith.constant 480 : index
    %get3A_670 = tpu.vector_load %arg6[%get3A_669] {strides = array<i32>} : memref<512xi32, #tpu.memory_space<vmem>>, vector<16xi32>,
    %add3A_671 = arith.constant 40000 : i32
    %add3A_672 = vector.broadcast %add3A_671 : i32 to vector<16xi32>
    %add3A_673 = arith.addi %get3A_670, %add3A_672 : vector<16xi32>
    %swap3A_674 = arith.constant 480 : index
    %swap3A_675 = tpu.vector_load %arg10[%swap3A_674] {strides = array<i32>} : memref<512xi32, #tpu.memory_space<vmem>>, vector<16xi32>,
    tpu.vector_store %arg10[%swap3A_674], %add3A_673 {strides = array<i32>} : memref<512xi32, #tpu.memory_space<vmem>>, vector<16xi32>,
    %get3A_676 = arith.constant 496 : index
    %get3A_677 = tpu.vector_load %arg6[%get3A_676] {strides = array<i32>} : memref<512xi32, #tpu.memory_space<vmem>>, vector<16xi32>,
    %add3A_678 = arith.constant 40000 : i32
    %add3A_679 = vector.broadcast %add3A_678 : i32 to vector<16xi32>
    %add3A_680 = arith.addi %get3A_677, %add3A_679 : vector<16xi32>
    %swap3A_681 = arith.constant 496 : index
    %swap3A_682 = tpu.vector_load %arg10[%swap3A_681] {strides = array<i32>} : memref<512xi32, #tpu.memory_space<vmem>>, vector<16xi32>,
    tpu.vector_store %arg10[%swap3A_681], %add3A_680 {strides = array<i32>} : memref<512xi32, #tpu.memory_space<vmem>>, vector<16xi32>,
    %dma_start3A_683 = arith.constant 0 : i32
    %dma_start3A_684 = tpu.memref_slice %arg2[%dma_start3A_683] : memref<120000xf32, #tpu.memory_space<hbm>> -> memref<120000xf32, #tpu.memory_space<hbm>>
    tpu.enqueue_indirect_dma source(%dma_start3A_684 : memref<120000xf32, #tpu.memory_space<hbm>>) target(%arg16 : memref<512xf32, #tpu.memory_space<vmem>>) offsets(%arg10 : memref<512xi32, #tpu.memory_space<vmem>>) semaphore(%arg20 : memref<!tpu.dma_semaphore, #tpu.memory_space<semaphore_mem>>)
    %get3A_685 = arith.constant 0 : index
    %get3A_686 = tpu.vector_load %arg7[%get3A_685] {strides = array<i32>} : memref<512xi32, #tpu.memory_space<vmem>>, vector<16xi32>,
    %add3A_687 = arith.constant 60000 : i32
    %add3A_688 = vector.broadcast %add3A_687 : i32 to vector<16xi32>
    %add3A_689 = arith.addi %get3A_686, %add3A_688 : vector<16xi32>
    %swap3A_690 = arith.constant 0 : index
    %swap3A_691 = tpu.vector_load %arg11[%swap3A_690] {strides = array<i32>} : memref<512xi32, #tpu.memory_space<vmem>>, vector<16xi32>,
    tpu.vector_store %arg11[%swap3A_690], %add3A_689 {strides = array<i32>} : memref<512xi32, #tpu.memory_space<vmem>>, vector<16xi32>,
    %get3A_692 = arith.constant 16 : index
    %get3A_693 = tpu.vector_load %arg7[%get3A_692] {strides = array<i32>} : memref<512xi32, #tpu.memory_space<vmem>>, vector<16xi32>,
    %add3A_694 = arith.constant 60000 : i32
    %add3A_695 = vector.broadcast %add3A_694 : i32 to vector<16xi32>
    %add3A_696 = arith.addi %get3A_693, %add3A_695 : vector<16xi32>
    %swap3A_697 = arith.constant 16 : index
    %swap3A_698 = tpu.vector_load %arg11[%swap3A_697] {strides = array<i32>} : memref<512xi32, #tpu.memory_space<vmem>>, vector<16xi32>,
    tpu.vector_store %arg11[%swap3A_697], %add3A_696 {strides = array<i32>} : memref<512xi32, #tpu.memory_space<vmem>>, vector<16xi32>,
    %get3A_699 = arith.constant 32 : index
    %get3A_700 = tpu.vector_load %arg7[%get3A_699] {strides = array<i32>} : memref<512xi32, #tpu.memory_space<vmem>>, vector<16xi32>,
    %add3A_701 = arith.constant 60000 : i32
    %add3A_702 = vector.broadcast %add3A_701 : i32 to vector<16xi32>
    %add3A_703 = arith.addi %get3A_700, %add3A_702 : vector<16xi32>
    %swap3A_704 = arith.constant 32 : index
    %swap3A_705 = tpu.vector_load %arg11[%swap3A_704] {strides = array<i32>} : memref<512xi32, #tpu.memory_space<vmem>>, vector<16xi32>,
    tpu.vector_store %arg11[%swap3A_704], %add3A_703 {strides = array<i32>} : memref<512xi32, #tpu.memory_space<vmem>>, vector<16xi32>,
    %get3A_706 = arith.constant 48 : index
    %get3A_707 = tpu.vector_load %arg7[%get3A_706] {strides = array<i32>} : memref<512xi32, #tpu.memory_space<vmem>>, vector<16xi32>,
    %add3A_708 = arith.constant 60000 : i32
    %add3A_709 = vector.broadcast %add3A_708 : i32 to vector<16xi32>
    %add3A_710 = arith.addi %get3A_707, %add3A_709 : vector<16xi32>
    %swap3A_711 = arith.constant 48 : index
    %swap3A_712 = tpu.vector_load %arg11[%swap3A_711] {strides = array<i32>} : memref<512xi32, #tpu.memory_space<vmem>>, vector<16xi32>,
    tpu.vector_store %arg11[%swap3A_711], %add3A_710 {strides = array<i32>} : memref<512xi32, #tpu.memory_space<vmem>>, vector<16xi32>,
    %get3A_713 = arith.constant 64 : index
    %get3A_714 = tpu.vector_load %arg7[%get3A_713] {strides = array<i32>} : memref<512xi32, #tpu.memory_space<vmem>>, vector<16xi32>,
    %add3A_715 = arith.constant 60000 : i32
    %add3A_716 = vector.broadcast %add3A_715 : i32 to vector<16xi32>
    %add3A_717 = arith.addi %get3A_714, %add3A_716 : vector<16xi32>
    %swap3A_718 = arith.constant 64 : index
    %swap3A_719 = tpu.vector_load %arg11[%swap3A_718] {strides = array<i32>} : memref<512xi32, #tpu.memory_space<vmem>>, vector<16xi32>,
    tpu.vector_store %arg11[%swap3A_718], %add3A_717 {strides = array<i32>} : memref<512xi32, #tpu.memory_space<vmem>>, vector<16xi32>,
    %get3A_720 = arith.constant 80 : index
    %get3A_721 = tpu.vector_load %arg7[%get3A_720] {strides = array<i32>} : memref<512xi32, #tpu.memory_space<vmem>>, vector<16xi32>,
    %add3A_722 = arith.constant 60000 : i32
    %add3A_723 = vector.broadcast %add3A_722 : i32 to vector<16xi32>
    %add3A_724 = arith.addi %get3A_721, %add3A_723 : vector<16xi32>
    %swap3A_725 = arith.constant 80 : index
    %swap3A_726 = tpu.vector_load %arg11[%swap3A_725] {strides = array<i32>} : memref<512xi32, #tpu.memory_space<vmem>>, vector<16xi32>,
    tpu.vector_store %arg11[%swap3A_725], %add3A_724 {strides = array<i32>} : memref<512xi32, #tpu.memory_space<vmem>>, vector<16xi32>,
    %get3A_727 = arith.constant 96 : index
    %get3A_728 = tpu.vector_load %arg7[%get3A_727] {strides = array<i32>} : memref<512xi32, #tpu.memory_space<vmem>>, vector<16xi32>,
    %add3A_729 = arith.constant 60000 : i32
    %add3A_730 = vector.broadcast %add3A_729 : i32 to vector<16xi32>
    %add3A_731 = arith.addi %get3A_728, %add3A_730 : vector<16xi32>
    %swap3A_732 = arith.constant 96 : index
    %swap3A_733 = tpu.vector_load %arg11[%swap3A_732] {strides = array<i32>} : memref<512xi32, #tpu.memory_space<vmem>>, vector<16xi32>,
    tpu.vector_store %arg11[%swap3A_732], %add3A_731 {strides = array<i32>} : memref<512xi32, #tpu.memory_space<vmem>>, vector<16xi32>,
    %get3A_734 = arith.constant 112 : index
    %get3A_735 = tpu.vector_load %arg7[%get3A_734] {strides = array<i32>} : memref<512xi32, #tpu.memory_space<vmem>>, vector<16xi32>,
    %add3A_736 = arith.constant 60000 : i32
    %add3A_737 = vector.broadcast %add3A_736 : i32 to vector<16xi32>
    %add3A_738 = arith.addi %get3A_735, %add3A_737 : vector<16xi32>
    %swap3A_739 = arith.constant 112 : index
    %swap3A_740 = tpu.vector_load %arg11[%swap3A_739] {strides = array<i32>} : memref<512xi32, #tpu.memory_space<vmem>>, vector<16xi32>,
    tpu.vector_store %arg11[%swap3A_739], %add3A_738 {strides = array<i32>} : memref<512xi32, #tpu.memory_space<vmem>>, vector<16xi32>,
    %get3A_741 = arith.constant 128 : index
    %get3A_742 = tpu.vector_load %arg7[%get3A_741] {strides = array<i32>} : memref<512xi32, #tpu.memory_space<vmem>>, vector<16xi32>,
    %add3A_743 = arith.constant 60000 : i32
    %add3A_744 = vector.broadcast %add3A_743 : i32 to vector<16xi32>
    %add3A_745 = arith.addi %get3A_742, %add3A_744 : vector<16xi32>
    %swap3A_746 = arith.constant 128 : index
    %swap3A_747 = tpu.vector_load %arg11[%swap3A_746] {strides = array<i32>} : memref<512xi32, #tpu.memory_space<vmem>>, vector<16xi32>,
    tpu.vector_store %arg11[%swap3A_746], %add3A_745 {strides = array<i32>} : memref<512xi32, #tpu.memory_space<vmem>>, vector<16xi32>,
    %get3A_748 = arith.constant 144 : index
    %get3A_749 = tpu.vector_load %arg7[%get3A_748] {strides = array<i32>} : memref<512xi32, #tpu.memory_space<vmem>>, vector<16xi32>,
    %add3A_750 = arith.constant 60000 : i32
    %add3A_751 = vector.broadcast %add3A_750 : i32 to vector<16xi32>
    %add3A_752 = arith.addi %get3A_749, %add3A_751 : vector<16xi32>
    %swap3A_753 = arith.constant 144 : index
    %swap3A_754 = tpu.vector_load %arg11[%swap3A_753] {strides = array<i32>} : memref<512xi32, #tpu.memory_space<vmem>>, vector<16xi32>,
    tpu.vector_store %arg11[%swap3A_753], %add3A_752 {strides = array<i32>} : memref<512xi32, #tpu.memory_space<vmem>>, vector<16xi32>,
    %get3A_755 = arith.constant 160 : index
    %get3A_756 = tpu.vector_load %arg7[%get3A_755] {strides = array<i32>} : memref<512xi32, #tpu.memory_space<vmem>>, vector<16xi32>,
    %add3A_757 = arith.constant 60000 : i32
    %add3A_758 = vector.broadcast %add3A_757 : i32 to vector<16xi32>
    %add3A_759 = arith.addi %get3A_756, %add3A_758 : vector<16xi32>
    %swap3A_760 = arith.constant 160 : index
    %swap3A_761 = tpu.vector_load %arg11[%swap3A_760] {strides = array<i32>} : memref<512xi32, #tpu.memory_space<vmem>>, vector<16xi32>,
    tpu.vector_store %arg11[%swap3A_760], %add3A_759 {strides = array<i32>} : memref<512xi32, #tpu.memory_space<vmem>>, vector<16xi32>,
    %get3A_762 = arith.constant 176 : index
    %get3A_763 = tpu.vector_load %arg7[%get3A_762] {strides = array<i32>} : memref<512xi32, #tpu.memory_space<vmem>>, vector<16xi32>,
    %add3A_764 = arith.constant 60000 : i32
    %add3A_765 = vector.broadcast %add3A_764 : i32 to vector<16xi32>
    %add3A_766 = arith.addi %get3A_763, %add3A_765 : vector<16xi32>
    %swap3A_767 = arith.constant 176 : index
    %swap3A_768 = tpu.vector_load %arg11[%swap3A_767] {strides = array<i32>} : memref<512xi32, #tpu.memory_space<vmem>>, vector<16xi32>,
    tpu.vector_store %arg11[%swap3A_767], %add3A_766 {strides = array<i32>} : memref<512xi32, #tpu.memory_space<vmem>>, vector<16xi32>,
    %get3A_769 = arith.constant 192 : index
    %get3A_770 = tpu.vector_load %arg7[%get3A_769] {strides = array<i32>} : memref<512xi32, #tpu.memory_space<vmem>>, vector<16xi32>,
    %add3A_771 = arith.constant 60000 : i32
    %add3A_772 = vector.broadcast %add3A_771 : i32 to vector<16xi32>
    %add3A_773 = arith.addi %get3A_770, %add3A_772 : vector<16xi32>
    %swap3A_774 = arith.constant 192 : index
    %swap3A_775 = tpu.vector_load %arg11[%swap3A_774] {strides = array<i32>} : memref<512xi32, #tpu.memory_space<vmem>>, vector<16xi32>,
    tpu.vector_store %arg11[%swap3A_774], %add3A_773 {strides = array<i32>} : memref<512xi32, #tpu.memory_space<vmem>>, vector<16xi32>,
    %get3A_776 = arith.constant 208 : index
    %get3A_777 = tpu.vector_load %arg7[%get3A_776] {strides = array<i32>} : memref<512xi32, #tpu.memory_space<vmem>>, vector<16xi32>,
    %add3A_778 = arith.constant 60000 : i32
    %add3A_779 = vector.broadcast %add3A_778 : i32 to vector<16xi32>
    %add3A_780 = arith.addi %get3A_777, %add3A_779 : vector<16xi32>
    %swap3A_781 = arith.constant 208 : index
    %swap3A_782 = tpu.vector_load %arg11[%swap3A_781] {strides = array<i32>} : memref<512xi32, #tpu.memory_space<vmem>>, vector<16xi32>,
    tpu.vector_store %arg11[%swap3A_781], %add3A_780 {strides = array<i32>} : memref<512xi32, #tpu.memory_space<vmem>>, vector<16xi32>,
    %get3A_783 = arith.constant 224 : index
    %get3A_784 = tpu.vector_load %arg7[%get3A_783] {strides = array<i32>} : memref<512xi32, #tpu.memory_space<vmem>>, vector<16xi32>,
    %add3A_785 = arith.constant 60000 : i32
    %add3A_786 = vector.broadcast %add3A_785 : i32 to vector<16xi32>
    %add3A_787 = arith.addi %get3A_784, %add3A_786 : vector<16xi32>
    %swap3A_788 = arith.constant 224 : index
    %swap3A_789 = tpu.vector_load %arg11[%swap3A_788] {strides = array<i32>} : memref<512xi32, #tpu.memory_space<vmem>>, vector<16xi32>,
    tpu.vector_store %arg11[%swap3A_788], %add3A_787 {strides = array<i32>} : memref<512xi32, #tpu.memory_space<vmem>>, vector<16xi32>,
    %get3A_790 = arith.constant 240 : index
    %get3A_791 = tpu.vector_load %arg7[%get3A_790] {strides = array<i32>} : memref<512xi32, #tpu.memory_space<vmem>>, vector<16xi32>,
    %add3A_792 = arith.constant 60000 : i32
    %add3A_793 = vector.broadcast %add3A_792 : i32 to vector<16xi32>
    %add3A_794 = arith.addi %get3A_791, %add3A_793 : vector<16xi32>
    %swap3A_795 = arith.constant 240 : index
    %swap3A_796 = tpu.vector_load %arg11[%swap3A_795] {strides = array<i32>} : memref<512xi32, #tpu.memory_space<vmem>>, vector<16xi32>,
    tpu.vector_store %arg11[%swap3A_795], %add3A_794 {strides = array<i32>} : memref<512xi32, #tpu.memory_space<vmem>>, vector<16xi32>,
    %get3A_797 = arith.constant 256 : index
    %get3A_798 = tpu.vector_load %arg7[%get3A_797] {strides = array<i32>} : memref<512xi32, #tpu.memory_space<vmem>>, vector<16xi32>,
    %add3A_799 = arith.constant 60000 : i32
    %add3A_800 = vector.broadcast %add3A_799 : i32 to vector<16xi32>
    %add3A_801 = arith.addi %get3A_798, %add3A_800 : vector<16xi32>
    %swap3A_802 = arith.constant 256 : index
    %swap3A_803 = tpu.vector_load %arg11[%swap3A_802] {strides = array<i32>} : memref<512xi32, #tpu.memory_space<vmem>>, vector<16xi32>,
    tpu.vector_store %arg11[%swap3A_802], %add3A_801 {strides = array<i32>} : memref<512xi32, #tpu.memory_space<vmem>>, vector<16xi32>,
    %get3A_804 = arith.constant 272 : index
    %get3A_805 = tpu.vector_load %arg7[%get3A_804] {strides = array<i32>} : memref<512xi32, #tpu.memory_space<vmem>>, vector<16xi32>,
    %add3A_806 = arith.constant 60000 : i32
    %add3A_807 = vector.broadcast %add3A_806 : i32 to vector<16xi32>
    %add3A_808 = arith.addi %get3A_805, %add3A_807 : vector<16xi32>
    %swap3A_809 = arith.constant 272 : index
    %swap3A_810 = tpu.vector_load %arg11[%swap3A_809] {strides = array<i32>} : memref<512xi32, #tpu.memory_space<vmem>>, vector<16xi32>,
    tpu.vector_store %arg11[%swap3A_809], %add3A_808 {strides = array<i32>} : memref<512xi32, #tpu.memory_space<vmem>>, vector<16xi32>,
    %get3A_811 = arith.constant 288 : index
    %get3A_812 = tpu.vector_load %arg7[%get3A_811] {strides = array<i32>} : memref<512xi32, #tpu.memory_space<vmem>>, vector<16xi32>,
    %add3A_813 = arith.constant 60000 : i32
    %add3A_814 = vector.broadcast %add3A_813 : i32 to vector<16xi32>
    %add3A_815 = arith.addi %get3A_812, %add3A_814 : vector<16xi32>
    %swap3A_816 = arith.constant 288 : index
    %swap3A_817 = tpu.vector_load %arg11[%swap3A_816] {strides = array<i32>} : memref<512xi32, #tpu.memory_space<vmem>>, vector<16xi32>,
    tpu.vector_store %arg11[%swap3A_816], %add3A_815 {strides = array<i32>} : memref<512xi32, #tpu.memory_space<vmem>>, vector<16xi32>,
    %get3A_818 = arith.constant 304 : index
    %get3A_819 = tpu.vector_load %arg7[%get3A_818] {strides = array<i32>} : memref<512xi32, #tpu.memory_space<vmem>>, vector<16xi32>,
    %add3A_820 = arith.constant 60000 : i32
    %add3A_821 = vector.broadcast %add3A_820 : i32 to vector<16xi32>
    %add3A_822 = arith.addi %get3A_819, %add3A_821 : vector<16xi32>
    %swap3A_823 = arith.constant 304 : index
    %swap3A_824 = tpu.vector_load %arg11[%swap3A_823] {strides = array<i32>} : memref<512xi32, #tpu.memory_space<vmem>>, vector<16xi32>,
    tpu.vector_store %arg11[%swap3A_823], %add3A_822 {strides = array<i32>} : memref<512xi32, #tpu.memory_space<vmem>>, vector<16xi32>,
    %get3A_825 = arith.constant 320 : index
    %get3A_826 = tpu.vector_load %arg7[%get3A_825] {strides = array<i32>} : memref<512xi32, #tpu.memory_space<vmem>>, vector<16xi32>,
    %add3A_827 = arith.constant 60000 : i32
    %add3A_828 = vector.broadcast %add3A_827 : i32 to vector<16xi32>
    %add3A_829 = arith.addi %get3A_826, %add3A_828 : vector<16xi32>
    %swap3A_830 = arith.constant 320 : index
    %swap3A_831 = tpu.vector_load %arg11[%swap3A_830] {strides = array<i32>} : memref<512xi32, #tpu.memory_space<vmem>>, vector<16xi32>,
    tpu.vector_store %arg11[%swap3A_830], %add3A_829 {strides = array<i32>} : memref<512xi32, #tpu.memory_space<vmem>>, vector<16xi32>,
    %get3A_832 = arith.constant 336 : index
    %get3A_833 = tpu.vector_load %arg7[%get3A_832] {strides = array<i32>} : memref<512xi32, #tpu.memory_space<vmem>>, vector<16xi32>,
    %add3A_834 = arith.constant 60000 : i32
    %add3A_835 = vector.broadcast %add3A_834 : i32 to vector<16xi32>
    %add3A_836 = arith.addi %get3A_833, %add3A_835 : vector<16xi32>
    %swap3A_837 = arith.constant 336 : index
    %swap3A_838 = tpu.vector_load %arg11[%swap3A_837] {strides = array<i32>} : memref<512xi32, #tpu.memory_space<vmem>>, vector<16xi32>,
    tpu.vector_store %arg11[%swap3A_837], %add3A_836 {strides = array<i32>} : memref<512xi32, #tpu.memory_space<vmem>>, vector<16xi32>,
    %get3A_839 = arith.constant 352 : index
    %get3A_840 = tpu.vector_load %arg7[%get3A_839] {strides = array<i32>} : memref<512xi32, #tpu.memory_space<vmem>>, vector<16xi32>,
    %add3A_841 = arith.constant 60000 : i32
    %add3A_842 = vector.broadcast %add3A_841 : i32 to vector<16xi32>
    %add3A_843 = arith.addi %get3A_840, %add3A_842 : vector<16xi32>
    %swap3A_844 = arith.constant 352 : index
    %swap3A_845 = tpu.vector_load %arg11[%swap3A_844] {strides = array<i32>} : memref<512xi32, #tpu.memory_space<vmem>>, vector<16xi32>,
    tpu.vector_store %arg11[%swap3A_844], %add3A_843 {strides = array<i32>} : memref<512xi32, #tpu.memory_space<vmem>>, vector<16xi32>,
    %get3A_846 = arith.constant 368 : index
    %get3A_847 = tpu.vector_load %arg7[%get3A_846] {strides = array<i32>} : memref<512xi32, #tpu.memory_space<vmem>>, vector<16xi32>,
    %add3A_848 = arith.constant 60000 : i32
    %add3A_849 = vector.broadcast %add3A_848 : i32 to vector<16xi32>
    %add3A_850 = arith.addi %get3A_847, %add3A_849 : vector<16xi32>
    %swap3A_851 = arith.constant 368 : index
    %swap3A_852 = tpu.vector_load %arg11[%swap3A_851] {strides = array<i32>} : memref<512xi32, #tpu.memory_space<vmem>>, vector<16xi32>,
    tpu.vector_store %arg11[%swap3A_851], %add3A_850 {strides = array<i32>} : memref<512xi32, #tpu.memory_space<vmem>>, vector<16xi32>,
    %get3A_853 = arith.constant 384 : index
    %get3A_854 = tpu.vector_load %arg7[%get3A_853] {strides = array<i32>} : memref<512xi32, #tpu.memory_space<vmem>>, vector<16xi32>,
    %add3A_855 = arith.constant 60000 : i32
    %add3A_856 = vector.broadcast %add3A_855 : i32 to vector<16xi32>
    %add3A_857 = arith.addi %get3A_854, %add3A_856 : vector<16xi32>
    %swap3A_858 = arith.constant 384 : index
    %swap3A_859 = tpu.vector_load %arg11[%swap3A_858] {strides = array<i32>} : memref<512xi32, #tpu.memory_space<vmem>>, vector<16xi32>,
    tpu.vector_store %arg11[%swap3A_858], %add3A_857 {strides = array<i32>} : memref<512xi32, #tpu.memory_space<vmem>>, vector<16xi32>,
    %get3A_860 = arith.constant 400 : index
    %get3A_861 = tpu.vector_load %arg7[%get3A_860] {strides = array<i32>} : memref<512xi32, #tpu.memory_space<vmem>>, vector<16xi32>,
    %add3A_862 = arith.constant 60000 : i32
    %add3A_863 = vector.broadcast %add3A_862 : i32 to vector<16xi32>
    %add3A_864 = arith.addi %get3A_861, %add3A_863 : vector<16xi32>
    %swap3A_865 = arith.constant 400 : index
    %swap3A_866 = tpu.vector_load %arg11[%swap3A_865] {strides = array<i32>} : memref<512xi32, #tpu.memory_space<vmem>>, vector<16xi32>,
    tpu.vector_store %arg11[%swap3A_865], %add3A_864 {strides = array<i32>} : memref<512xi32, #tpu.memory_space<vmem>>, vector<16xi32>,
    %get3A_867 = arith.constant 416 : index
    %get3A_868 = tpu.vector_load %arg7[%get3A_867] {strides = array<i32>} : memref<512xi32, #tpu.memory_space<vmem>>, vector<16xi32>,
    %add3A_869 = arith.constant 60000 : i32
    %add3A_870 = vector.broadcast %add3A_869 : i32 to vector<16xi32>
    %add3A_871 = arith.addi %get3A_868, %add3A_870 : vector<16xi32>
    %swap3A_872 = arith.constant 416 : index
    %swap3A_873 = tpu.vector_load %arg11[%swap3A_872] {strides = array<i32>} : memref<512xi32, #tpu.memory_space<vmem>>, vector<16xi32>,
    tpu.vector_store %arg11[%swap3A_872], %add3A_871 {strides = array<i32>} : memref<512xi32, #tpu.memory_space<vmem>>, vector<16xi32>,
    %get3A_874 = arith.constant 432 : index
    %get3A_875 = tpu.vector_load %arg7[%get3A_874] {strides = array<i32>} : memref<512xi32, #tpu.memory_space<vmem>>, vector<16xi32>,
    %add3A_876 = arith.constant 60000 : i32
    %add3A_877 = vector.broadcast %add3A_876 : i32 to vector<16xi32>
    %add3A_878 = arith.addi %get3A_875, %add3A_877 : vector<16xi32>
    %swap3A_879 = arith.constant 432 : index
    %swap3A_880 = tpu.vector_load %arg11[%swap3A_879] {strides = array<i32>} : memref<512xi32, #tpu.memory_space<vmem>>, vector<16xi32>,
    tpu.vector_store %arg11[%swap3A_879], %add3A_878 {strides = array<i32>} : memref<512xi32, #tpu.memory_space<vmem>>, vector<16xi32>,
    %get3A_881 = arith.constant 448 : index
    %get3A_882 = tpu.vector_load %arg7[%get3A_881] {strides = array<i32>} : memref<512xi32, #tpu.memory_space<vmem>>, vector<16xi32>,
    %add3A_883 = arith.constant 60000 : i32
    %add3A_884 = vector.broadcast %add3A_883 : i32 to vector<16xi32>
    %add3A_885 = arith.addi %get3A_882, %add3A_884 : vector<16xi32>
    %swap3A_886 = arith.constant 448 : index
    %swap3A_887 = tpu.vector_load %arg11[%swap3A_886] {strides = array<i32>} : memref<512xi32, #tpu.memory_space<vmem>>, vector<16xi32>,
    tpu.vector_store %arg11[%swap3A_886], %add3A_885 {strides = array<i32>} : memref<512xi32, #tpu.memory_space<vmem>>, vector<16xi32>,
    %get3A_888 = arith.constant 464 : index
    %get3A_889 = tpu.vector_load %arg7[%get3A_888] {strides = array<i32>} : memref<512xi32, #tpu.memory_space<vmem>>, vector<16xi32>,
    %add3A_890 = arith.constant 60000 : i32
    %add3A_891 = vector.broadcast %add3A_890 : i32 to vector<16xi32>
    %add3A_892 = arith.addi %get3A_889, %add3A_891 : vector<16xi32>
    %swap3A_893 = arith.constant 464 : index
    %swap3A_894 = tpu.vector_load %arg11[%swap3A_893] {strides = array<i32>} : memref<512xi32, #tpu.memory_space<vmem>>, vector<16xi32>,
    tpu.vector_store %arg11[%swap3A_893], %add3A_892 {strides = array<i32>} : memref<512xi32, #tpu.memory_space<vmem>>, vector<16xi32>,
    %get3A_895 = arith.constant 480 : index
    %get3A_896 = tpu.vector_load %arg7[%get3A_895] {strides = array<i32>} : memref<512xi32, #tpu.memory_space<vmem>>, vector<16xi32>,
    %add3A_897 = arith.constant 60000 : i32
    %add3A_898 = vector.broadcast %add3A_897 : i32 to vector<16xi32>
    %add3A_899 = arith.addi %get3A_896, %add3A_898 : vector<16xi32>
    %swap3A_900 = arith.constant 480 : index
    %swap3A_901 = tpu.vector_load %arg11[%swap3A_900] {strides = array<i32>} : memref<512xi32, #tpu.memory_space<vmem>>, vector<16xi32>,
    tpu.vector_store %arg11[%swap3A_900], %add3A_899 {strides = array<i32>} : memref<512xi32, #tpu.memory_space<vmem>>, vector<16xi32>,
    %get3A_902 = arith.constant 496 : index
    %get3A_903 = tpu.vector_load %arg7[%get3A_902] {strides = array<i32>} : memref<512xi32, #tpu.memory_space<vmem>>, vector<16xi32>,
    %add3A_904 = arith.constant 60000 : i32
    %add3A_905 = vector.broadcast %add3A_904 : i32 to vector<16xi32>
    %add3A_906 = arith.addi %get3A_903, %add3A_905 : vector<16xi32>
    %swap3A_907 = arith.constant 496 : index
    %swap3A_908 = tpu.vector_load %arg11[%swap3A_907] {strides = array<i32>} : memref<512xi32, #tpu.memory_space<vmem>>, vector<16xi32>,
    tpu.vector_store %arg11[%swap3A_907], %add3A_906 {strides = array<i32>} : memref<512xi32, #tpu.memory_space<vmem>>, vector<16xi32>,
    %dma_start3A_909 = arith.constant 0 : i32
    %dma_start3A_910 = tpu.memref_slice %arg2[%dma_start3A_909] : memref<120000xf32, #tpu.memory_space<hbm>> -> memref<120000xf32, #tpu.memory_space<hbm>>
    tpu.enqueue_indirect_dma source(%dma_start3A_910 : memref<120000xf32, #tpu.memory_space<hbm>>) target(%arg17 : memref<512xf32, #tpu.memory_space<vmem>>) offsets(%arg11 : memref<512xi32, #tpu.memory_space<vmem>>) semaphore(%arg20 : memref<!tpu.dma_semaphore, #tpu.memory_space<semaphore_mem>>)
    %get3A_911 = arith.constant 0 : index
    %get3A_912 = tpu.vector_load %arg7[%get3A_911] {strides = array<i32>} : memref<512xi32, #tpu.memory_space<vmem>>, vector<16xi32>,
    %add3A_913 = arith.constant 80000 : i32
    %add3A_914 = vector.broadcast %add3A_913 : i32 to vector<16xi32>
    %add3A_915 = arith.addi %get3A_912, %add3A_914 : vector<16xi32>
    %swap3A_916 = arith.constant 0 : index
    %swap3A_917 = tpu.vector_load %arg12[%swap3A_916] {strides = array<i32>} : memref<512xi32, #tpu.memory_space<vmem>>, vector<16xi32>,
    tpu.vector_store %arg12[%swap3A_916], %add3A_915 {strides = array<i32>} : memref<512xi32, #tpu.memory_space<vmem>>, vector<16xi32>,
    %get3A_918 = arith.constant 16 : index
    %get3A_919 = tpu.vector_load %arg7[%get3A_918] {strides = array<i32>} : memref<512xi32, #tpu.memory_space<vmem>>, vector<16xi32>,
    %add3A_920 = arith.constant 80000 : i32
    %add3A_921 = vector.broadcast %add3A_920 : i32 to vector<16xi32>
    %add3A_922 = arith.addi %get3A_919, %add3A_921 : vector<16xi32>
    %swap3A_923 = arith.constant 16 : index
    %swap3A_924 = tpu.vector_load %arg12[%swap3A_923] {strides = array<i32>} : memref<512xi32, #tpu.memory_space<vmem>>, vector<16xi32>,
    tpu.vector_store %arg12[%swap3A_923], %add3A_922 {strides = array<i32>} : memref<512xi32, #tpu.memory_space<vmem>>, vector<16xi32>,
    %get3A_925 = arith.constant 32 : index
    %get3A_926 = tpu.vector_load %arg7[%get3A_925] {strides = array<i32>} : memref<512xi32, #tpu.memory_space<vmem>>, vector<16xi32>,
    %add3A_927 = arith.constant 80000 : i32
    %add3A_928 = vector.broadcast %add3A_927 : i32 to vector<16xi32>
    %add3A_929 = arith.addi %get3A_926, %add3A_928 : vector<16xi32>
    %swap3A_930 = arith.constant 32 : index
    %swap3A_931 = tpu.vector_load %arg12[%swap3A_930] {strides = array<i32>} : memref<512xi32, #tpu.memory_space<vmem>>, vector<16xi32>,
    tpu.vector_store %arg12[%swap3A_930], %add3A_929 {strides = array<i32>} : memref<512xi32, #tpu.memory_space<vmem>>, vector<16xi32>,
    %get3A_932 = arith.constant 48 : index
    %get3A_933 = tpu.vector_load %arg7[%get3A_932] {strides = array<i32>} : memref<512xi32, #tpu.memory_space<vmem>>, vector<16xi32>,
    %add3A_934 = arith.constant 80000 : i32
    %add3A_935 = vector.broadcast %add3A_934 : i32 to vector<16xi32>
    %add3A_936 = arith.addi %get3A_933, %add3A_935 : vector<16xi32>
    %swap3A_937 = arith.constant 48 : index
    %swap3A_938 = tpu.vector_load %arg12[%swap3A_937] {strides = array<i32>} : memref<512xi32, #tpu.memory_space<vmem>>, vector<16xi32>,
    tpu.vector_store %arg12[%swap3A_937], %add3A_936 {strides = array<i32>} : memref<512xi32, #tpu.memory_space<vmem>>, vector<16xi32>,
    %get3A_939 = arith.constant 64 : index
    %get3A_940 = tpu.vector_load %arg7[%get3A_939] {strides = array<i32>} : memref<512xi32, #tpu.memory_space<vmem>>, vector<16xi32>,
    %add3A_941 = arith.constant 80000 : i32
    %add3A_942 = vector.broadcast %add3A_941 : i32 to vector<16xi32>
    %add3A_943 = arith.addi %get3A_940, %add3A_942 : vector<16xi32>
    %swap3A_944 = arith.constant 64 : index
    %swap3A_945 = tpu.vector_load %arg12[%swap3A_944] {strides = array<i32>} : memref<512xi32, #tpu.memory_space<vmem>>, vector<16xi32>,
    tpu.vector_store %arg12[%swap3A_944], %add3A_943 {strides = array<i32>} : memref<512xi32, #tpu.memory_space<vmem>>, vector<16xi32>,
    %get3A_946 = arith.constant 80 : index
    %get3A_947 = tpu.vector_load %arg7[%get3A_946] {strides = array<i32>} : memref<512xi32, #tpu.memory_space<vmem>>, vector<16xi32>,
    %add3A_948 = arith.constant 80000 : i32
    %add3A_949 = vector.broadcast %add3A_948 : i32 to vector<16xi32>
    %add3A_950 = arith.addi %get3A_947, %add3A_949 : vector<16xi32>
    %swap3A_951 = arith.constant 80 : index
    %swap3A_952 = tpu.vector_load %arg12[%swap3A_951] {strides = array<i32>} : memref<512xi32, #tpu.memory_space<vmem>>, vector<16xi32>,
    tpu.vector_store %arg12[%swap3A_951], %add3A_950 {strides = array<i32>} : memref<512xi32, #tpu.memory_space<vmem>>, vector<16xi32>,
    %get3A_953 = arith.constant 96 : index
    %get3A_954 = tpu.vector_load %arg7[%get3A_953] {strides = array<i32>} : memref<512xi32, #tpu.memory_space<vmem>>, vector<16xi32>,
    %add3A_955 = arith.constant 80000 : i32
    %add3A_956 = vector.broadcast %add3A_955 : i32 to vector<16xi32>
    %add3A_957 = arith.addi %get3A_954, %add3A_956 : vector<16xi32>
    %swap3A_958 = arith.constant 96 : index
    %swap3A_959 = tpu.vector_load %arg12[%swap3A_958] {strides = array<i32>} : memref<512xi32, #tpu.memory_space<vmem>>, vector<16xi32>,
    tpu.vector_store %arg12[%swap3A_958], %add3A_957 {strides = array<i32>} : memref<512xi32, #tpu.memory_space<vmem>>, vector<16xi32>,
    %get3A_960 = arith.constant 112 : index
    %get3A_961 = tpu.vector_load %arg7[%get3A_960] {strides = array<i32>} : memref<512xi32, #tpu.memory_space<vmem>>, vector<16xi32>,
    %add3A_962 = arith.constant 80000 : i32
    %add3A_963 = vector.broadcast %add3A_962 : i32 to vector<16xi32>
    %add3A_964 = arith.addi %get3A_961, %add3A_963 : vector<16xi32>
    %swap3A_965 = arith.constant 112 : index
    %swap3A_966 = tpu.vector_load %arg12[%swap3A_965] {strides = array<i32>} : memref<512xi32, #tpu.memory_space<vmem>>, vector<16xi32>,
    tpu.vector_store %arg12[%swap3A_965], %add3A_964 {strides = array<i32>} : memref<512xi32, #tpu.memory_space<vmem>>, vector<16xi32>,
    %get3A_967 = arith.constant 128 : index
    %get3A_968 = tpu.vector_load %arg7[%get3A_967] {strides = array<i32>} : memref<512xi32, #tpu.memory_space<vmem>>, vector<16xi32>,
    %add3A_969 = arith.constant 80000 : i32
    %add3A_970 = vector.broadcast %add3A_969 : i32 to vector<16xi32>
    %add3A_971 = arith.addi %get3A_968, %add3A_970 : vector<16xi32>
    %swap3A_972 = arith.constant 128 : index
    %swap3A_973 = tpu.vector_load %arg12[%swap3A_972] {strides = array<i32>} : memref<512xi32, #tpu.memory_space<vmem>>, vector<16xi32>,
    tpu.vector_store %arg12[%swap3A_972], %add3A_971 {strides = array<i32>} : memref<512xi32, #tpu.memory_space<vmem>>, vector<16xi32>,
    %get3A_974 = arith.constant 144 : index
    %get3A_975 = tpu.vector_load %arg7[%get3A_974] {strides = array<i32>} : memref<512xi32, #tpu.memory_space<vmem>>, vector<16xi32>,
    %add3A_976 = arith.constant 80000 : i32
    %add3A_977 = vector.broadcast %add3A_976 : i32 to vector<16xi32>
    %add3A_978 = arith.addi %get3A_975, %add3A_977 : vector<16xi32>
    %swap3A_979 = arith.constant 144 : index
    %swap3A_980 = tpu.vector_load %arg12[%swap3A_979] {strides = array<i32>} : memref<512xi32, #tpu.memory_space<vmem>>, vector<16xi32>,
    tpu.vector_store %arg12[%swap3A_979], %add3A_978 {strides = array<i32>} : memref<512xi32, #tpu.memory_space<vmem>>, vector<16xi32>,
    %get3A_981 = arith.constant 160 : index
    %get3A_982 = tpu.vector_load %arg7[%get3A_981] {strides = array<i32>} : memref<512xi32, #tpu.memory_space<vmem>>, vector<16xi32>,
    %add3A_983 = arith.constant 80000 : i32
    %add3A_984 = vector.broadcast %add3A_983 : i32 to vector<16xi32>
    %add3A_985 = arith.addi %get3A_982, %add3A_984 : vector<16xi32>
    %swap3A_986 = arith.constant 160 : index
    %swap3A_987 = tpu.vector_load %arg12[%swap3A_986] {strides = array<i32>} : memref<512xi32, #tpu.memory_space<vmem>>, vector<16xi32>,
    tpu.vector_store %arg12[%swap3A_986], %add3A_985 {strides = array<i32>} : memref<512xi32, #tpu.memory_space<vmem>>, vector<16xi32>,
    %get3A_988 = arith.constant 176 : index
    %get3A_989 = tpu.vector_load %arg7[%get3A_988] {strides = array<i32>} : memref<512xi32, #tpu.memory_space<vmem>>, vector<16xi32>,
    %add3A_990 = arith.constant 80000 : i32
    %add3A_991 = vector.broadcast %add3A_990 : i32 to vector<16xi32>
    %add3A_992 = arith.addi %get3A_989, %add3A_991 : vector<16xi32>
    %swap3A_993 = arith.constant 176 : index
    %swap3A_994 = tpu.vector_load %arg12[%swap3A_993] {strides = array<i32>} : memref<512xi32, #tpu.memory_space<vmem>>, vector<16xi32>,
    tpu.vector_store %arg12[%swap3A_993], %add3A_992 {strides = array<i32>} : memref<512xi32, #tpu.memory_space<vmem>>, vector<16xi32>,
    %get3A_995 = arith.constant 192 : index
    %get3A_996 = tpu.vector_load %arg7[%get3A_995] {strides = array<i32>} : memref<512xi32, #tpu.memory_space<vmem>>, vector<16xi32>,
    %add3A_997 = arith.constant 80000 : i32
    %add3A_998 = vector.broadcast %add3A_997 : i32 to vector<16xi32>
    %add3A_999 = arith.addi %get3A_996, %add3A_998 : vector<16xi32>
    %swap3A_1000 = arith.constant 192 : index
    %swap3A_1001 = tpu.vector_load %arg12[%swap3A_1000] {strides = array<i32>} : memref<512xi32, #tpu.memory_space<vmem>>, vector<16xi32>,
    tpu.vector_store %arg12[%swap3A_1000], %add3A_999 {strides = array<i32>} : memref<512xi32, #tpu.memory_space<vmem>>, vector<16xi32>,
    %get3A_1002 = arith.constant 208 : index
    %get3A_1003 = tpu.vector_load %arg7[%get3A_1002] {strides = array<i32>} : memref<512xi32, #tpu.memory_space<vmem>>, vector<16xi32>,
    %add3A_1004 = arith.constant 80000 : i32
    %add3A_1005 = vector.broadcast %add3A_1004 : i32 to vector<16xi32>
    %add3A_1006 = arith.addi %get3A_1003, %add3A_1005 : vector<16xi32>
    %swap3A_1007 = arith.constant 208 : index
    %swap3A_1008 = tpu.vector_load %arg12[%swap3A_1007] {strides = array<i32>} : memref<512xi32, #tpu.memory_space<vmem>>, vector<16xi32>,
    tpu.vector_store %arg12[%swap3A_1007], %add3A_1006 {strides = array<i32>} : memref<512xi32, #tpu.memory_space<vmem>>, vector<16xi32>,
    %get3A_1009 = arith.constant 224 : index
    %get3A_1010 = tpu.vector_load %arg7[%get3A_1009] {strides = array<i32>} : memref<512xi32, #tpu.memory_space<vmem>>, vector<16xi32>,
    %add3A_1011 = arith.constant 80000 : i32
    %add3A_1012 = vector.broadcast %add3A_1011 : i32 to vector<16xi32>
    %add3A_1013 = arith.addi %get3A_1010, %add3A_1012 : vector<16xi32>
    %swap3A_1014 = arith.constant 224 : index
    %swap3A_1015 = tpu.vector_load %arg12[%swap3A_1014] {strides = array<i32>} : memref<512xi32, #tpu.memory_space<vmem>>, vector<16xi32>,
    tpu.vector_store %arg12[%swap3A_1014], %add3A_1013 {strides = array<i32>} : memref<512xi32, #tpu.memory_space<vmem>>, vector<16xi32>,
    %get3A_1016 = arith.constant 240 : index
    %get3A_1017 = tpu.vector_load %arg7[%get3A_1016] {strides = array<i32>} : memref<512xi32, #tpu.memory_space<vmem>>, vector<16xi32>,
    %add3A_1018 = arith.constant 80000 : i32
    %add3A_1019 = vector.broadcast %add3A_1018 : i32 to vector<16xi32>
    %add3A_1020 = arith.addi %get3A_1017, %add3A_1019 : vector<16xi32>
    %swap3A_1021 = arith.constant 240 : index
    %swap3A_1022 = tpu.vector_load %arg12[%swap3A_1021] {strides = array<i32>} : memref<512xi32, #tpu.memory_space<vmem>>, vector<16xi32>,
    tpu.vector_store %arg12[%swap3A_1021], %add3A_1020 {strides = array<i32>} : memref<512xi32, #tpu.memory_space<vmem>>, vector<16xi32>,
    %get3A_1023 = arith.constant 256 : index
    %get3A_1024 = tpu.vector_load %arg7[%get3A_1023] {strides = array<i32>} : memref<512xi32, #tpu.memory_space<vmem>>, vector<16xi32>,
    %add3A_1025 = arith.constant 80000 : i32
    %add3A_1026 = vector.broadcast %add3A_1025 : i32 to vector<16xi32>
    %add3A_1027 = arith.addi %get3A_1024, %add3A_1026 : vector<16xi32>
    %swap3A_1028 = arith.constant 256 : index
    %swap3A_1029 = tpu.vector_load %arg12[%swap3A_1028] {strides = array<i32>} : memref<512xi32, #tpu.memory_space<vmem>>, vector<16xi32>,
    tpu.vector_store %arg12[%swap3A_1028], %add3A_1027 {strides = array<i32>} : memref<512xi32, #tpu.memory_space<vmem>>, vector<16xi32>,
    %get3A_1030 = arith.constant 272 : index
    %get3A_1031 = tpu.vector_load %arg7[%get3A_1030] {strides = array<i32>} : memref<512xi32, #tpu.memory_space<vmem>>, vector<16xi32>,
    %add3A_1032 = arith.constant 80000 : i32
    %add3A_1033 = vector.broadcast %add3A_1032 : i32 to vector<16xi32>
    %add3A_1034 = arith.addi %get3A_1031, %add3A_1033 : vector<16xi32>
    %swap3A_1035 = arith.constant 272 : index
    %swap3A_1036 = tpu.vector_load %arg12[%swap3A_1035] {strides = array<i32>} : memref<512xi32, #tpu.memory_space<vmem>>, vector<16xi32>,
    tpu.vector_store %arg12[%swap3A_1035], %add3A_1034 {strides = array<i32>} : memref<512xi32, #tpu.memory_space<vmem>>, vector<16xi32>,
    %get3A_1037 = arith.constant 288 : index
    %get3A_1038 = tpu.vector_load %arg7[%get3A_1037] {strides = array<i32>} : memref<512xi32, #tpu.memory_space<vmem>>, vector<16xi32>,
    %add3A_1039 = arith.constant 80000 : i32
    %add3A_1040 = vector.broadcast %add3A_1039 : i32 to vector<16xi32>
    %add3A_1041 = arith.addi %get3A_1038, %add3A_1040 : vector<16xi32>
    %swap3A_1042 = arith.constant 288 : index
    %swap3A_1043 = tpu.vector_load %arg12[%swap3A_1042] {strides = array<i32>} : memref<512xi32, #tpu.memory_space<vmem>>, vector<16xi32>,
    tpu.vector_store %arg12[%swap3A_1042], %add3A_1041 {strides = array<i32>} : memref<512xi32, #tpu.memory_space<vmem>>, vector<16xi32>,
    %get3A_1044 = arith.constant 304 : index
    %get3A_1045 = tpu.vector_load %arg7[%get3A_1044] {strides = array<i32>} : memref<512xi32, #tpu.memory_space<vmem>>, vector<16xi32>,
    %add3A_1046 = arith.constant 80000 : i32
    %add3A_1047 = vector.broadcast %add3A_1046 : i32 to vector<16xi32>
    %add3A_1048 = arith.addi %get3A_1045, %add3A_1047 : vector<16xi32>
    %swap3A_1049 = arith.constant 304 : index
    %swap3A_1050 = tpu.vector_load %arg12[%swap3A_1049] {strides = array<i32>} : memref<512xi32, #tpu.memory_space<vmem>>, vector<16xi32>,
    tpu.vector_store %arg12[%swap3A_1049], %add3A_1048 {strides = array<i32>} : memref<512xi32, #tpu.memory_space<vmem>>, vector<16xi32>,
    %get3A_1051 = arith.constant 320 : index
    %get3A_1052 = tpu.vector_load %arg7[%get3A_1051] {strides = array<i32>} : memref<512xi32, #tpu.memory_space<vmem>>, vector<16xi32>,
    %add3A_1053 = arith.constant 80000 : i32
    %add3A_1054 = vector.broadcast %add3A_1053 : i32 to vector<16xi32>
    %add3A_1055 = arith.addi %get3A_1052, %add3A_1054 : vector<16xi32>
    %swap3A_1056 = arith.constant 320 : index
    %swap3A_1057 = tpu.vector_load %arg12[%swap3A_1056] {strides = array<i32>} : memref<512xi32, #tpu.memory_space<vmem>>, vector<16xi32>,
    tpu.vector_store %arg12[%swap3A_1056], %add3A_1055 {strides = array<i32>} : memref<512xi32, #tpu.memory_space<vmem>>, vector<16xi32>,
    %get3A_1058 = arith.constant 336 : index
    %get3A_1059 = tpu.vector_load %arg7[%get3A_1058] {strides = array<i32>} : memref<512xi32, #tpu.memory_space<vmem>>, vector<16xi32>,
    %add3A_1060 = arith.constant 80000 : i32
    %add3A_1061 = vector.broadcast %add3A_1060 : i32 to vector<16xi32>
    %add3A_1062 = arith.addi %get3A_1059, %add3A_1061 : vector<16xi32>
    %swap3A_1063 = arith.constant 336 : index
    %swap3A_1064 = tpu.vector_load %arg12[%swap3A_1063] {strides = array<i32>} : memref<512xi32, #tpu.memory_space<vmem>>, vector<16xi32>,
    tpu.vector_store %arg12[%swap3A_1063], %add3A_1062 {strides = array<i32>} : memref<512xi32, #tpu.memory_space<vmem>>, vector<16xi32>,
    %get3A_1065 = arith.constant 352 : index
    %get3A_1066 = tpu.vector_load %arg7[%get3A_1065] {strides = array<i32>} : memref<512xi32, #tpu.memory_space<vmem>>, vector<16xi32>,
    %add3A_1067 = arith.constant 80000 : i32
    %add3A_1068 = vector.broadcast %add3A_1067 : i32 to vector<16xi32>
    %add3A_1069 = arith.addi %get3A_1066, %add3A_1068 : vector<16xi32>
    %swap3A_1070 = arith.constant 352 : index
    %swap3A_1071 = tpu.vector_load %arg12[%swap3A_1070] {strides = array<i32>} : memref<512xi32, #tpu.memory_space<vmem>>, vector<16xi32>,
    tpu.vector_store %arg12[%swap3A_1070], %add3A_1069 {strides = array<i32>} : memref<512xi32, #tpu.memory_space<vmem>>, vector<16xi32>,
    %get3A_1072 = arith.constant 368 : index
    %get3A_1073 = tpu.vector_load %arg7[%get3A_1072] {strides = array<i32>} : memref<512xi32, #tpu.memory_space<vmem>>, vector<16xi32>,
    %add3A_1074 = arith.constant 80000 : i32
    %add3A_1075 = vector.broadcast %add3A_1074 : i32 to vector<16xi32>
    %add3A_1076 = arith.addi %get3A_1073, %add3A_1075 : vector<16xi32>
    %swap3A_1077 = arith.constant 368 : index
    %swap3A_1078 = tpu.vector_load %arg12[%swap3A_1077] {strides = array<i32>} : memref<512xi32, #tpu.memory_space<vmem>>, vector<16xi32>,
    tpu.vector_store %arg12[%swap3A_1077], %add3A_1076 {strides = array<i32>} : memref<512xi32, #tpu.memory_space<vmem>>, vector<16xi32>,
    %get3A_1079 = arith.constant 384 : index
    %get3A_1080 = tpu.vector_load %arg7[%get3A_1079] {strides = array<i32>} : memref<512xi32, #tpu.memory_space<vmem>>, vector<16xi32>,
    %add3A_1081 = arith.constant 80000 : i32
    %add3A_1082 = vector.broadcast %add3A_1081 : i32 to vector<16xi32>
    %add3A_1083 = arith.addi %get3A_1080, %add3A_1082 : vector<16xi32>
    %swap3A_1084 = arith.constant 384 : index
    %swap3A_1085 = tpu.vector_load %arg12[%swap3A_1084] {strides = array<i32>} : memref<512xi32, #tpu.memory_space<vmem>>, vector<16xi32>,
    tpu.vector_store %arg12[%swap3A_1084], %add3A_1083 {strides = array<i32>} : memref<512xi32, #tpu.memory_space<vmem>>, vector<16xi32>,
    %get3A_1086 = arith.constant 400 : index
    %get3A_1087 = tpu.vector_load %arg7[%get3A_1086] {strides = array<i32>} : memref<512xi32, #tpu.memory_space<vmem>>, vector<16xi32>,
    %add3A_1088 = arith.constant 80000 : i32
    %add3A_1089 = vector.broadcast %add3A_1088 : i32 to vector<16xi32>
    %add3A_1090 = arith.addi %get3A_1087, %add3A_1089 : vector<16xi32>
    %swap3A_1091 = arith.constant 400 : index
    %swap3A_1092 = tpu.vector_load %arg12[%swap3A_1091] {strides = array<i32>} : memref<512xi32, #tpu.memory_space<vmem>>, vector<16xi32>,
    tpu.vector_store %arg12[%swap3A_1091], %add3A_1090 {strides = array<i32>} : memref<512xi32, #tpu.memory_space<vmem>>, vector<16xi32>,
    %get3A_1093 = arith.constant 416 : index
    %get3A_1094 = tpu.vector_load %arg7[%get3A_1093] {strides = array<i32>} : memref<512xi32, #tpu.memory_space<vmem>>, vector<16xi32>,
    %add3A_1095 = arith.constant 80000 : i32
    %add3A_1096 = vector.broadcast %add3A_1095 : i32 to vector<16xi32>
    %add3A_1097 = arith.addi %get3A_1094, %add3A_1096 : vector<16xi32>
    %swap3A_1098 = arith.constant 416 : index
    %swap3A_1099 = tpu.vector_load %arg12[%swap3A_1098] {strides = array<i32>} : memref<512xi32, #tpu.memory_space<vmem>>, vector<16xi32>,
    tpu.vector_store %arg12[%swap3A_1098], %add3A_1097 {strides = array<i32>} : memref<512xi32, #tpu.memory_space<vmem>>, vector<16xi32>,
    %get3A_1100 = arith.constant 432 : index
    %get3A_1101 = tpu.vector_load %arg7[%get3A_1100] {strides = array<i32>} : memref<512xi32, #tpu.memory_space<vmem>>, vector<16xi32>,
    %add3A_1102 = arith.constant 80000 : i32
    %add3A_1103 = vector.broadcast %add3A_1102 : i32 to vector<16xi32>
    %add3A_1104 = arith.addi %get3A_1101, %add3A_1103 : vector<16xi32>
    %swap3A_1105 = arith.constant 432 : index
    %swap3A_1106 = tpu.vector_load %arg12[%swap3A_1105] {strides = array<i32>} : memref<512xi32, #tpu.memory_space<vmem>>, vector<16xi32>,
    tpu.vector_store %arg12[%swap3A_1105], %add3A_1104 {strides = array<i32>} : memref<512xi32, #tpu.memory_space<vmem>>, vector<16xi32>,
    %get3A_1107 = arith.constant 448 : index
    %get3A_1108 = tpu.vector_load %arg7[%get3A_1107] {strides = array<i32>} : memref<512xi32, #tpu.memory_space<vmem>>, vector<16xi32>,
    %add3A_1109 = arith.constant 80000 : i32
    %add3A_1110 = vector.broadcast %add3A_1109 : i32 to vector<16xi32>
    %add3A_1111 = arith.addi %get3A_1108, %add3A_1110 : vector<16xi32>
    %swap3A_1112 = arith.constant 448 : index
    %swap3A_1113 = tpu.vector_load %arg12[%swap3A_1112] {strides = array<i32>} : memref<512xi32, #tpu.memory_space<vmem>>, vector<16xi32>,
    tpu.vector_store %arg12[%swap3A_1112], %add3A_1111 {strides = array<i32>} : memref<512xi32, #tpu.memory_space<vmem>>, vector<16xi32>,
    %get3A_1114 = arith.constant 464 : index
    %get3A_1115 = tpu.vector_load %arg7[%get3A_1114] {strides = array<i32>} : memref<512xi32, #tpu.memory_space<vmem>>, vector<16xi32>,
    %add3A_1116 = arith.constant 80000 : i32
    %add3A_1117 = vector.broadcast %add3A_1116 : i32 to vector<16xi32>
    %add3A_1118 = arith.addi %get3A_1115, %add3A_1117 : vector<16xi32>
    %swap3A_1119 = arith.constant 464 : index
    %swap3A_1120 = tpu.vector_load %arg12[%swap3A_1119] {strides = array<i32>} : memref<512xi32, #tpu.memory_space<vmem>>, vector<16xi32>,
    tpu.vector_store %arg12[%swap3A_1119], %add3A_1118 {strides = array<i32>} : memref<512xi32, #tpu.memory_space<vmem>>, vector<16xi32>,
    %get3A_1121 = arith.constant 480 : index
    %get3A_1122 = tpu.vector_load %arg7[%get3A_1121] {strides = array<i32>} : memref<512xi32, #tpu.memory_space<vmem>>, vector<16xi32>,
    %add3A_1123 = arith.constant 80000 : i32
    %add3A_1124 = vector.broadcast %add3A_1123 : i32 to vector<16xi32>
    %add3A_1125 = arith.addi %get3A_1122, %add3A_1124 : vector<16xi32>
    %swap3A_1126 = arith.constant 480 : index
    %swap3A_1127 = tpu.vector_load %arg12[%swap3A_1126] {strides = array<i32>} : memref<512xi32, #tpu.memory_space<vmem>>, vector<16xi32>,
    tpu.vector_store %arg12[%swap3A_1126], %add3A_1125 {strides = array<i32>} : memref<512xi32, #tpu.memory_space<vmem>>, vector<16xi32>,
    %get3A_1128 = arith.constant 496 : index
    %get3A_1129 = tpu.vector_load %arg7[%get3A_1128] {strides = array<i32>} : memref<512xi32, #tpu.memory_space<vmem>>, vector<16xi32>,
    %add3A_1130 = arith.constant 80000 : i32
    %add3A_1131 = vector.broadcast %add3A_1130 : i32 to vector<16xi32>
    %add3A_1132 = arith.addi %get3A_1129, %add3A_1131 : vector<16xi32>
    %swap3A_1133 = arith.constant 496 : index
    %swap3A_1134 = tpu.vector_load %arg12[%swap3A_1133] {strides = array<i32>} : memref<512xi32, #tpu.memory_space<vmem>>, vector<16xi32>,
    tpu.vector_store %arg12[%swap3A_1133], %add3A_1132 {strides = array<i32>} : memref<512xi32, #tpu.memory_space<vmem>>, vector<16xi32>,
    %dma_start3A_1135 = arith.constant 0 : i32
    %dma_start3A_1136 = tpu.memref_slice %arg2[%dma_start3A_1135] : memref<120000xf32, #tpu.memory_space<hbm>> -> memref<120000xf32, #tpu.memory_space<hbm>>
    tpu.enqueue_indirect_dma source(%dma_start3A_1136 : memref<120000xf32, #tpu.memory_space<hbm>>) target(%arg18 : memref<512xf32, #tpu.memory_space<vmem>>) offsets(%arg12 : memref<512xi32, #tpu.memory_space<vmem>>) semaphore(%arg20 : memref<!tpu.dma_semaphore, #tpu.memory_space<semaphore_mem>>)
    %get3A_1137 = arith.constant 0 : index
    %get3A_1138 = tpu.vector_load %arg7[%get3A_1137] {strides = array<i32>} : memref<512xi32, #tpu.memory_space<vmem>>, vector<16xi32>,
    %add3A_1139 = arith.constant 100000 : i32
    %add3A_1140 = vector.broadcast %add3A_1139 : i32 to vector<16xi32>
    %add3A_1141 = arith.addi %get3A_1138, %add3A_1140 : vector<16xi32>
    %swap3A_1142 = arith.constant 0 : index
    %swap3A_1143 = tpu.vector_load %arg13[%swap3A_1142] {strides = array<i32>} : memref<512xi32, #tpu.memory_space<vmem>>, vector<16xi32>,
    tpu.vector_store %arg13[%swap3A_1142], %add3A_1141 {strides = array<i32>} : memref<512xi32, #tpu.memory_space<vmem>>, vector<16xi32>,
    %get3A_1144 = arith.constant 16 : index
    %get3A_1145 = tpu.vector_load %arg7[%get3A_1144] {strides = array<i32>} : memref<512xi32, #tpu.memory_space<vmem>>, vector<16xi32>,
    %add3A_1146 = arith.constant 100000 : i32
    %add3A_1147 = vector.broadcast %add3A_1146 : i32 to vector<16xi32>
    %add3A_1148 = arith.addi %get3A_1145, %add3A_1147 : vector<16xi32>
    %swap3A_1149 = arith.constant 16 : index
    %swap3A_1150 = tpu.vector_load %arg13[%swap3A_1149] {strides = array<i32>} : memref<512xi32, #tpu.memory_space<vmem>>, vector<16xi32>,
    tpu.vector_store %arg13[%swap3A_1149], %add3A_1148 {strides = array<i32>} : memref<512xi32, #tpu.memory_space<vmem>>, vector<16xi32>,
    %get3A_1151 = arith.constant 32 : index
    %get3A_1152 = tpu.vector_load %arg7[%get3A_1151] {strides = array<i32>} : memref<512xi32, #tpu.memory_space<vmem>>, vector<16xi32>,
    %add3A_1153 = arith.constant 100000 : i32
    %add3A_1154 = vector.broadcast %add3A_1153 : i32 to vector<16xi32>
    %add3A_1155 = arith.addi %get3A_1152, %add3A_1154 : vector<16xi32>
    %swap3A_1156 = arith.constant 32 : index
    %swap3A_1157 = tpu.vector_load %arg13[%swap3A_1156] {strides = array<i32>} : memref<512xi32, #tpu.memory_space<vmem>>, vector<16xi32>,
    tpu.vector_store %arg13[%swap3A_1156], %add3A_1155 {strides = array<i32>} : memref<512xi32, #tpu.memory_space<vmem>>, vector<16xi32>,
    %get3A_1158 = arith.constant 48 : index
    %get3A_1159 = tpu.vector_load %arg7[%get3A_1158] {strides = array<i32>} : memref<512xi32, #tpu.memory_space<vmem>>, vector<16xi32>,
    %add3A_1160 = arith.constant 100000 : i32
    %add3A_1161 = vector.broadcast %add3A_1160 : i32 to vector<16xi32>
    %add3A_1162 = arith.addi %get3A_1159, %add3A_1161 : vector<16xi32>
    %swap3A_1163 = arith.constant 48 : index
    %swap3A_1164 = tpu.vector_load %arg13[%swap3A_1163] {strides = array<i32>} : memref<512xi32, #tpu.memory_space<vmem>>, vector<16xi32>,
    tpu.vector_store %arg13[%swap3A_1163], %add3A_1162 {strides = array<i32>} : memref<512xi32, #tpu.memory_space<vmem>>, vector<16xi32>,
    %get3A_1165 = arith.constant 64 : index
    %get3A_1166 = tpu.vector_load %arg7[%get3A_1165] {strides = array<i32>} : memref<512xi32, #tpu.memory_space<vmem>>, vector<16xi32>,
    %add3A_1167 = arith.constant 100000 : i32
    %add3A_1168 = vector.broadcast %add3A_1167 : i32 to vector<16xi32>
    %add3A_1169 = arith.addi %get3A_1166, %add3A_1168 : vector<16xi32>
    %swap3A_1170 = arith.constant 64 : index
    %swap3A_1171 = tpu.vector_load %arg13[%swap3A_1170] {strides = array<i32>} : memref<512xi32, #tpu.memory_space<vmem>>, vector<16xi32>,
    tpu.vector_store %arg13[%swap3A_1170], %add3A_1169 {strides = array<i32>} : memref<512xi32, #tpu.memory_space<vmem>>, vector<16xi32>,
    %get3A_1172 = arith.constant 80 : index
    %get3A_1173 = tpu.vector_load %arg7[%get3A_1172] {strides = array<i32>} : memref<512xi32, #tpu.memory_space<vmem>>, vector<16xi32>,
    %add3A_1174 = arith.constant 100000 : i32
    %add3A_1175 = vector.broadcast %add3A_1174 : i32 to vector<16xi32>
    %add3A_1176 = arith.addi %get3A_1173, %add3A_1175 : vector<16xi32>
    %swap3A_1177 = arith.constant 80 : index
    %swap3A_1178 = tpu.vector_load %arg13[%swap3A_1177] {strides = array<i32>} : memref<512xi32, #tpu.memory_space<vmem>>, vector<16xi32>,
    tpu.vector_store %arg13[%swap3A_1177], %add3A_1176 {strides = array<i32>} : memref<512xi32, #tpu.memory_space<vmem>>, vector<16xi32>,
    %get3A_1179 = arith.constant 96 : index
    %get3A_1180 = tpu.vector_load %arg7[%get3A_1179] {strides = array<i32>} : memref<512xi32, #tpu.memory_space<vmem>>, vector<16xi32>,
    %add3A_1181 = arith.constant 100000 : i32
    %add3A_1182 = vector.broadcast %add3A_1181 : i32 to vector<16xi32>
    %add3A_1183 = arith.addi %get3A_1180, %add3A_1182 : vector<16xi32>
    %swap3A_1184 = arith.constant 96 : index
    %swap3A_1185 = tpu.vector_load %arg13[%swap3A_1184] {strides = array<i32>} : memref<512xi32, #tpu.memory_space<vmem>>, vector<16xi32>,
    tpu.vector_store %arg13[%swap3A_1184], %add3A_1183 {strides = array<i32>} : memref<512xi32, #tpu.memory_space<vmem>>, vector<16xi32>,
    %get3A_1186 = arith.constant 112 : index
    %get3A_1187 = tpu.vector_load %arg7[%get3A_1186] {strides = array<i32>} : memref<512xi32, #tpu.memory_space<vmem>>, vector<16xi32>,
    %add3A_1188 = arith.constant 100000 : i32
    %add3A_1189 = vector.broadcast %add3A_1188 : i32 to vector<16xi32>
    %add3A_1190 = arith.addi %get3A_1187, %add3A_1189 : vector<16xi32>
    %swap3A_1191 = arith.constant 112 : index
    %swap3A_1192 = tpu.vector_load %arg13[%swap3A_1191] {strides = array<i32>} : memref<512xi32, #tpu.memory_space<vmem>>, vector<16xi32>,
    tpu.vector_store %arg13[%swap3A_1191], %add3A_1190 {strides = array<i32>} : memref<512xi32, #tpu.memory_space<vmem>>, vector<16xi32>,
    %get3A_1193 = arith.constant 128 : index
    %get3A_1194 = tpu.vector_load %arg7[%get3A_1193] {strides = array<i32>} : memref<512xi32, #tpu.memory_space<vmem>>, vector<16xi32>,
    %add3A_1195 = arith.constant 100000 : i32
    %add3A_1196 = vector.broadcast %add3A_1195 : i32 to vector<16xi32>
    %add3A_1197 = arith.addi %get3A_1194, %add3A_1196 : vector<16xi32>
    %swap3A_1198 = arith.constant 128 : index
    %swap3A_1199 = tpu.vector_load %arg13[%swap3A_1198] {strides = array<i32>} : memref<512xi32, #tpu.memory_space<vmem>>, vector<16xi32>,
    tpu.vector_store %arg13[%swap3A_1198], %add3A_1197 {strides = array<i32>} : memref<512xi32, #tpu.memory_space<vmem>>, vector<16xi32>,
    %get3A_1200 = arith.constant 144 : index
    %get3A_1201 = tpu.vector_load %arg7[%get3A_1200] {strides = array<i32>} : memref<512xi32, #tpu.memory_space<vmem>>, vector<16xi32>,
    %add3A_1202 = arith.constant 100000 : i32
    %add3A_1203 = vector.broadcast %add3A_1202 : i32 to vector<16xi32>
    %add3A_1204 = arith.addi %get3A_1201, %add3A_1203 : vector<16xi32>
    %swap3A_1205 = arith.constant 144 : index
    %swap3A_1206 = tpu.vector_load %arg13[%swap3A_1205] {strides = array<i32>} : memref<512xi32, #tpu.memory_space<vmem>>, vector<16xi32>,
    tpu.vector_store %arg13[%swap3A_1205], %add3A_1204 {strides = array<i32>} : memref<512xi32, #tpu.memory_space<vmem>>, vector<16xi32>,
    %get3A_1207 = arith.constant 160 : index
    %get3A_1208 = tpu.vector_load %arg7[%get3A_1207] {strides = array<i32>} : memref<512xi32, #tpu.memory_space<vmem>>, vector<16xi32>,
    %add3A_1209 = arith.constant 100000 : i32
    %add3A_1210 = vector.broadcast %add3A_1209 : i32 to vector<16xi32>
    %add3A_1211 = arith.addi %get3A_1208, %add3A_1210 : vector<16xi32>
    %swap3A_1212 = arith.constant 160 : index
    %swap3A_1213 = tpu.vector_load %arg13[%swap3A_1212] {strides = array<i32>} : memref<512xi32, #tpu.memory_space<vmem>>, vector<16xi32>,
    tpu.vector_store %arg13[%swap3A_1212], %add3A_1211 {strides = array<i32>} : memref<512xi32, #tpu.memory_space<vmem>>, vector<16xi32>,
    %get3A_1214 = arith.constant 176 : index
    %get3A_1215 = tpu.vector_load %arg7[%get3A_1214] {strides = array<i32>} : memref<512xi32, #tpu.memory_space<vmem>>, vector<16xi32>,
    %add3A_1216 = arith.constant 100000 : i32
    %add3A_1217 = vector.broadcast %add3A_1216 : i32 to vector<16xi32>
    %add3A_1218 = arith.addi %get3A_1215, %add3A_1217 : vector<16xi32>
    %swap3A_1219 = arith.constant 176 : index
    %swap3A_1220 = tpu.vector_load %arg13[%swap3A_1219] {strides = array<i32>} : memref<512xi32, #tpu.memory_space<vmem>>, vector<16xi32>,
    tpu.vector_store %arg13[%swap3A_1219], %add3A_1218 {strides = array<i32>} : memref<512xi32, #tpu.memory_space<vmem>>, vector<16xi32>,
    %get3A_1221 = arith.constant 192 : index
    %get3A_1222 = tpu.vector_load %arg7[%get3A_1221] {strides = array<i32>} : memref<512xi32, #tpu.memory_space<vmem>>, vector<16xi32>,
    %add3A_1223 = arith.constant 100000 : i32
    %add3A_1224 = vector.broadcast %add3A_1223 : i32 to vector<16xi32>
    %add3A_1225 = arith.addi %get3A_1222, %add3A_1224 : vector<16xi32>
    %swap3A_1226 = arith.constant 192 : index
    %swap3A_1227 = tpu.vector_load %arg13[%swap3A_1226] {strides = array<i32>} : memref<512xi32, #tpu.memory_space<vmem>>, vector<16xi32>,
    tpu.vector_store %arg13[%swap3A_1226], %add3A_1225 {strides = array<i32>} : memref<512xi32, #tpu.memory_space<vmem>>, vector<16xi32>,
    %get3A_1228 = arith.constant 208 : index
    %get3A_1229 = tpu.vector_load %arg7[%get3A_1228] {strides = array<i32>} : memref<512xi32, #tpu.memory_space<vmem>>, vector<16xi32>,
    %add3A_1230 = arith.constant 100000 : i32
    %add3A_1231 = vector.broadcast %add3A_1230 : i32 to vector<16xi32>
    %add3A_1232 = arith.addi %get3A_1229, %add3A_1231 : vector<16xi32>
    %swap3A_1233 = arith.constant 208 : index
    %swap3A_1234 = tpu.vector_load %arg13[%swap3A_1233] {strides = array<i32>} : memref<512xi32, #tpu.memory_space<vmem>>, vector<16xi32>,
    tpu.vector_store %arg13[%swap3A_1233], %add3A_1232 {strides = array<i32>} : memref<512xi32, #tpu.memory_space<vmem>>, vector<16xi32>,
    %get3A_1235 = arith.constant 224 : index
    %get3A_1236 = tpu.vector_load %arg7[%get3A_1235] {strides = array<i32>} : memref<512xi32, #tpu.memory_space<vmem>>, vector<16xi32>,
    %add3A_1237 = arith.constant 100000 : i32
    %add3A_1238 = vector.broadcast %add3A_1237 : i32 to vector<16xi32>
    %add3A_1239 = arith.addi %get3A_1236, %add3A_1238 : vector<16xi32>
    %swap3A_1240 = arith.constant 224 : index
    %swap3A_1241 = tpu.vector_load %arg13[%swap3A_1240] {strides = array<i32>} : memref<512xi32, #tpu.memory_space<vmem>>, vector<16xi32>,
    tpu.vector_store %arg13[%swap3A_1240], %add3A_1239 {strides = array<i32>} : memref<512xi32, #tpu.memory_space<vmem>>, vector<16xi32>,
    %get3A_1242 = arith.constant 240 : index
    %get3A_1243 = tpu.vector_load %arg7[%get3A_1242] {strides = array<i32>} : memref<512xi32, #tpu.memory_space<vmem>>, vector<16xi32>,
    %add3A_1244 = arith.constant 100000 : i32
    %add3A_1245 = vector.broadcast %add3A_1244 : i32 to vector<16xi32>
    %add3A_1246 = arith.addi %get3A_1243, %add3A_1245 : vector<16xi32>
    %swap3A_1247 = arith.constant 240 : index
    %swap3A_1248 = tpu.vector_load %arg13[%swap3A_1247] {strides = array<i32>} : memref<512xi32, #tpu.memory_space<vmem>>, vector<16xi32>,
    tpu.vector_store %arg13[%swap3A_1247], %add3A_1246 {strides = array<i32>} : memref<512xi32, #tpu.memory_space<vmem>>, vector<16xi32>,
    %get3A_1249 = arith.constant 256 : index
    %get3A_1250 = tpu.vector_load %arg7[%get3A_1249] {strides = array<i32>} : memref<512xi32, #tpu.memory_space<vmem>>, vector<16xi32>,
    %add3A_1251 = arith.constant 100000 : i32
    %add3A_1252 = vector.broadcast %add3A_1251 : i32 to vector<16xi32>
    %add3A_1253 = arith.addi %get3A_1250, %add3A_1252 : vector<16xi32>
    %swap3A_1254 = arith.constant 256 : index
    %swap3A_1255 = tpu.vector_load %arg13[%swap3A_1254] {strides = array<i32>} : memref<512xi32, #tpu.memory_space<vmem>>, vector<16xi32>,
    tpu.vector_store %arg13[%swap3A_1254], %add3A_1253 {strides = array<i32>} : memref<512xi32, #tpu.memory_space<vmem>>, vector<16xi32>,
    %get3A_1256 = arith.constant 272 : index
    %get3A_1257 = tpu.vector_load %arg7[%get3A_1256] {strides = array<i32>} : memref<512xi32, #tpu.memory_space<vmem>>, vector<16xi32>,
    %add3A_1258 = arith.constant 100000 : i32
    %add3A_1259 = vector.broadcast %add3A_1258 : i32 to vector<16xi32>
    %add3A_1260 = arith.addi %get3A_1257, %add3A_1259 : vector<16xi32>
    %swap3A_1261 = arith.constant 272 : index
    %swap3A_1262 = tpu.vector_load %arg13[%swap3A_1261] {strides = array<i32>} : memref<512xi32, #tpu.memory_space<vmem>>, vector<16xi32>,
    tpu.vector_store %arg13[%swap3A_1261], %add3A_1260 {strides = array<i32>} : memref<512xi32, #tpu.memory_space<vmem>>, vector<16xi32>,
    %get3A_1263 = arith.constant 288 : index
    %get3A_1264 = tpu.vector_load %arg7[%get3A_1263] {strides = array<i32>} : memref<512xi32, #tpu.memory_space<vmem>>, vector<16xi32>,
    %add3A_1265 = arith.constant 100000 : i32
    %add3A_1266 = vector.broadcast %add3A_1265 : i32 to vector<16xi32>
    %add3A_1267 = arith.addi %get3A_1264, %add3A_1266 : vector<16xi32>
    %swap3A_1268 = arith.constant 288 : index
    %swap3A_1269 = tpu.vector_load %arg13[%swap3A_1268] {strides = array<i32>} : memref<512xi32, #tpu.memory_space<vmem>>, vector<16xi32>,
    tpu.vector_store %arg13[%swap3A_1268], %add3A_1267 {strides = array<i32>} : memref<512xi32, #tpu.memory_space<vmem>>, vector<16xi32>,
    %get3A_1270 = arith.constant 304 : index
    %get3A_1271 = tpu.vector_load %arg7[%get3A_1270] {strides = array<i32>} : memref<512xi32, #tpu.memory_space<vmem>>, vector<16xi32>,
    %add3A_1272 = arith.constant 100000 : i32
    %add3A_1273 = vector.broadcast %add3A_1272 : i32 to vector<16xi32>
    %add3A_1274 = arith.addi %get3A_1271, %add3A_1273 : vector<16xi32>
    %swap3A_1275 = arith.constant 304 : index
    %swap3A_1276 = tpu.vector_load %arg13[%swap3A_1275] {strides = array<i32>} : memref<512xi32, #tpu.memory_space<vmem>>, vector<16xi32>,
    tpu.vector_store %arg13[%swap3A_1275], %add3A_1274 {strides = array<i32>} : memref<512xi32, #tpu.memory_space<vmem>>, vector<16xi32>,
    %get3A_1277 = arith.constant 320 : index
    %get3A_1278 = tpu.vector_load %arg7[%get3A_1277] {strides = array<i32>} : memref<512xi32, #tpu.memory_space<vmem>>, vector<16xi32>,
    %add3A_1279 = arith.constant 100000 : i32
    %add3A_1280 = vector.broadcast %add3A_1279 : i32 to vector<16xi32>
    %add3A_1281 = arith.addi %get3A_1278, %add3A_1280 : vector<16xi32>
    %swap3A_1282 = arith.constant 320 : index
    %swap3A_1283 = tpu.vector_load %arg13[%swap3A_1282] {strides = array<i32>} : memref<512xi32, #tpu.memory_space<vmem>>, vector<16xi32>,
    tpu.vector_store %arg13[%swap3A_1282], %add3A_1281 {strides = array<i32>} : memref<512xi32, #tpu.memory_space<vmem>>, vector<16xi32>,
    %get3A_1284 = arith.constant 336 : index
    %get3A_1285 = tpu.vector_load %arg7[%get3A_1284] {strides = array<i32>} : memref<512xi32, #tpu.memory_space<vmem>>, vector<16xi32>,
    %add3A_1286 = arith.constant 100000 : i32
    %add3A_1287 = vector.broadcast %add3A_1286 : i32 to vector<16xi32>
    %add3A_1288 = arith.addi %get3A_1285, %add3A_1287 : vector<16xi32>
    %swap3A_1289 = arith.constant 336 : index
    %swap3A_1290 = tpu.vector_load %arg13[%swap3A_1289] {strides = array<i32>} : memref<512xi32, #tpu.memory_space<vmem>>, vector<16xi32>,
    tpu.vector_store %arg13[%swap3A_1289], %add3A_1288 {strides = array<i32>} : memref<512xi32, #tpu.memory_space<vmem>>, vector<16xi32>,
    %get3A_1291 = arith.constant 352 : index
    %get3A_1292 = tpu.vector_load %arg7[%get3A_1291] {strides = array<i32>} : memref<512xi32, #tpu.memory_space<vmem>>, vector<16xi32>,
    %add3A_1293 = arith.constant 100000 : i32
    %add3A_1294 = vector.broadcast %add3A_1293 : i32 to vector<16xi32>
    %add3A_1295 = arith.addi %get3A_1292, %add3A_1294 : vector<16xi32>
    %swap3A_1296 = arith.constant 352 : index
    %swap3A_1297 = tpu.vector_load %arg13[%swap3A_1296] {strides = array<i32>} : memref<512xi32, #tpu.memory_space<vmem>>, vector<16xi32>,
    tpu.vector_store %arg13[%swap3A_1296], %add3A_1295 {strides = array<i32>} : memref<512xi32, #tpu.memory_space<vmem>>, vector<16xi32>,
    %get3A_1298 = arith.constant 368 : index
    %get3A_1299 = tpu.vector_load %arg7[%get3A_1298] {strides = array<i32>} : memref<512xi32, #tpu.memory_space<vmem>>, vector<16xi32>,
    %add3A_1300 = arith.constant 100000 : i32
    %add3A_1301 = vector.broadcast %add3A_1300 : i32 to vector<16xi32>
    %add3A_1302 = arith.addi %get3A_1299, %add3A_1301 : vector<16xi32>
    %swap3A_1303 = arith.constant 368 : index
    %swap3A_1304 = tpu.vector_load %arg13[%swap3A_1303] {strides = array<i32>} : memref<512xi32, #tpu.memory_space<vmem>>, vector<16xi32>,
    tpu.vector_store %arg13[%swap3A_1303], %add3A_1302 {strides = array<i32>} : memref<512xi32, #tpu.memory_space<vmem>>, vector<16xi32>,
    %get3A_1305 = arith.constant 384 : index
    %get3A_1306 = tpu.vector_load %arg7[%get3A_1305] {strides = array<i32>} : memref<512xi32, #tpu.memory_space<vmem>>, vector<16xi32>,
    %add3A_1307 = arith.constant 100000 : i32
    %add3A_1308 = vector.broadcast %add3A_1307 : i32 to vector<16xi32>
    %add3A_1309 = arith.addi %get3A_1306, %add3A_1308 : vector<16xi32>
    %swap3A_1310 = arith.constant 384 : index
    %swap3A_1311 = tpu.vector_load %arg13[%swap3A_1310] {strides = array<i32>} : memref<512xi32, #tpu.memory_space<vmem>>, vector<16xi32>,
    tpu.vector_store %arg13[%swap3A_1310], %add3A_1309 {strides = array<i32>} : memref<512xi32, #tpu.memory_space<vmem>>, vector<16xi32>,
    %get3A_1312 = arith.constant 400 : index
    %get3A_1313 = tpu.vector_load %arg7[%get3A_1312] {strides = array<i32>} : memref<512xi32, #tpu.memory_space<vmem>>, vector<16xi32>,
    %add3A_1314 = arith.constant 100000 : i32
    %add3A_1315 = vector.broadcast %add3A_1314 : i32 to vector<16xi32>
    %add3A_1316 = arith.addi %get3A_1313, %add3A_1315 : vector<16xi32>
    %swap3A_1317 = arith.constant 400 : index
    %swap3A_1318 = tpu.vector_load %arg13[%swap3A_1317] {strides = array<i32>} : memref<512xi32, #tpu.memory_space<vmem>>, vector<16xi32>,
    tpu.vector_store %arg13[%swap3A_1317], %add3A_1316 {strides = array<i32>} : memref<512xi32, #tpu.memory_space<vmem>>, vector<16xi32>,
    %get3A_1319 = arith.constant 416 : index
    %get3A_1320 = tpu.vector_load %arg7[%get3A_1319] {strides = array<i32>} : memref<512xi32, #tpu.memory_space<vmem>>, vector<16xi32>,
    %add3A_1321 = arith.constant 100000 : i32
    %add3A_1322 = vector.broadcast %add3A_1321 : i32 to vector<16xi32>
    %add3A_1323 = arith.addi %get3A_1320, %add3A_1322 : vector<16xi32>
    %swap3A_1324 = arith.constant 416 : index
    %swap3A_1325 = tpu.vector_load %arg13[%swap3A_1324] {strides = array<i32>} : memref<512xi32, #tpu.memory_space<vmem>>, vector<16xi32>,
    tpu.vector_store %arg13[%swap3A_1324], %add3A_1323 {strides = array<i32>} : memref<512xi32, #tpu.memory_space<vmem>>, vector<16xi32>,
    %get3A_1326 = arith.constant 432 : index
    %get3A_1327 = tpu.vector_load %arg7[%get3A_1326] {strides = array<i32>} : memref<512xi32, #tpu.memory_space<vmem>>, vector<16xi32>,
    %add3A_1328 = arith.constant 100000 : i32
    %add3A_1329 = vector.broadcast %add3A_1328 : i32 to vector<16xi32>
    %add3A_1330 = arith.addi %get3A_1327, %add3A_1329 : vector<16xi32>
    %swap3A_1331 = arith.constant 432 : index
    %swap3A_1332 = tpu.vector_load %arg13[%swap3A_1331] {strides = array<i32>} : memref<512xi32, #tpu.memory_space<vmem>>, vector<16xi32>,
    tpu.vector_store %arg13[%swap3A_1331], %add3A_1330 {strides = array<i32>} : memref<512xi32, #tpu.memory_space<vmem>>, vector<16xi32>,
    %get3A_1333 = arith.constant 448 : index
    %get3A_1334 = tpu.vector_load %arg7[%get3A_1333] {strides = array<i32>} : memref<512xi32, #tpu.memory_space<vmem>>, vector<16xi32>,
    %add3A_1335 = arith.constant 100000 : i32
    %add3A_1336 = vector.broadcast %add3A_1335 : i32 to vector<16xi32>
    %add3A_1337 = arith.addi %get3A_1334, %add3A_1336 : vector<16xi32>
    %swap3A_1338 = arith.constant 448 : index
    %swap3A_1339 = tpu.vector_load %arg13[%swap3A_1338] {strides = array<i32>} : memref<512xi32, #tpu.memory_space<vmem>>, vector<16xi32>,
    tpu.vector_store %arg13[%swap3A_1338], %add3A_1337 {strides = array<i32>} : memref<512xi32, #tpu.memory_space<vmem>>, vector<16xi32>,
    %get3A_1340 = arith.constant 464 : index
    %get3A_1341 = tpu.vector_load %arg7[%get3A_1340] {strides = array<i32>} : memref<512xi32, #tpu.memory_space<vmem>>, vector<16xi32>,
    %add3A_1342 = arith.constant 100000 : i32
    %add3A_1343 = vector.broadcast %add3A_1342 : i32 to vector<16xi32>
    %add3A_1344 = arith.addi %get3A_1341, %add3A_1343 : vector<16xi32>
    %swap3A_1345 = arith.constant 464 : index
    %swap3A_1346 = tpu.vector_load %arg13[%swap3A_1345] {strides = array<i32>} : memref<512xi32, #tpu.memory_space<vmem>>, vector<16xi32>,
    tpu.vector_store %arg13[%swap3A_1345], %add3A_1344 {strides = array<i32>} : memref<512xi32, #tpu.memory_space<vmem>>, vector<16xi32>,
    %get3A_1347 = arith.constant 480 : index
    %get3A_1348 = tpu.vector_load %arg7[%get3A_1347] {strides = array<i32>} : memref<512xi32, #tpu.memory_space<vmem>>, vector<16xi32>,
    %add3A_1349 = arith.constant 100000 : i32
    %add3A_1350 = vector.broadcast %add3A_1349 : i32 to vector<16xi32>
    %add3A_1351 = arith.addi %get3A_1348, %add3A_1350 : vector<16xi32>
    %swap3A_1352 = arith.constant 480 : index
    %swap3A_1353 = tpu.vector_load %arg13[%swap3A_1352] {strides = array<i32>} : memref<512xi32, #tpu.memory_space<vmem>>, vector<16xi32>,
    tpu.vector_store %arg13[%swap3A_1352], %add3A_1351 {strides = array<i32>} : memref<512xi32, #tpu.memory_space<vmem>>, vector<16xi32>,
    %get3A_1354 = arith.constant 496 : index
    %get3A_1355 = tpu.vector_load %arg7[%get3A_1354] {strides = array<i32>} : memref<512xi32, #tpu.memory_space<vmem>>, vector<16xi32>,
    %add3A_1356 = arith.constant 100000 : i32
    %add3A_1357 = vector.broadcast %add3A_1356 : i32 to vector<16xi32>
    %add3A_1358 = arith.addi %get3A_1355, %add3A_1357 : vector<16xi32>
    %swap3A_1359 = arith.constant 496 : index
    %swap3A_1360 = tpu.vector_load %arg13[%swap3A_1359] {strides = array<i32>} : memref<512xi32, #tpu.memory_space<vmem>>, vector<16xi32>,
    tpu.vector_store %arg13[%swap3A_1359], %add3A_1358 {strides = array<i32>} : memref<512xi32, #tpu.memory_space<vmem>>, vector<16xi32>,
    %dma_start3A_1361 = arith.constant 0 : i32
    %dma_start3A_1362 = tpu.memref_slice %arg2[%dma_start3A_1361] : memref<120000xf32, #tpu.memory_space<hbm>> -> memref<120000xf32, #tpu.memory_space<hbm>>
    tpu.enqueue_indirect_dma source(%dma_start3A_1362 : memref<120000xf32, #tpu.memory_space<hbm>>) target(%arg19 : memref<512xf32, #tpu.memory_space<vmem>>) offsets(%arg13 : memref<512xi32, #tpu.memory_space<vmem>>) semaphore(%arg20 : memref<!tpu.dma_semaphore, #tpu.memory_space<semaphore_mem>>)
    %dma_wait3A_1363 = arith.constant 0 : i32
    %dma_wait3A_1364 = tpu.memref_slice %arg2[%dma_wait3A_1363] : memref<120000xf32, #tpu.memory_space<hbm>> -> memref<120000xf32, #tpu.memory_space<hbm>>
    tpu.wait_indirect_dma semaphore(%arg20 : memref<!tpu.dma_semaphore, #tpu.memory_space<semaphore_mem>>) src(%dma_wait3A_1364 : memref<120000xf32, #tpu.memory_space<hbm>>) dst(%arg14 : memref<512xf32, #tpu.memory_space<vmem>>)
    %run_scoped3A = arith.constant 0 : i32
    "tpu.region"() ({
      %run_scoped3A_1380 = tpu.sem_alloc : memref<!tpu.dma_semaphore, #tpu.memory_space<semaphore_mem>>
      %dma_start3A_1381 = tpu.memref_slice %arg5[%run_scoped3A, %mul3A_2] : memref<6x16384xf32, #tpu.memory_space<hbm>> -> memref<1x512xf32, #tpu.memory_space<hbm>>
      %dma_start3A_1382 = tpu.memref_squeeze %dma_start3A_1381 : memref<1x512xf32, #tpu.memory_space<hbm>> -> memref<512xf32, #tpu.memory_space<hbm>>
      %dma_start3A_1383 = tpu.memref_slice %arg5[%run_scoped3A, %mul3A_2] : memref<6x16384xf32, #tpu.memory_space<hbm>> -> memref<1x512xf32, #tpu.memory_space<hbm>>
      %dma_start3A_1384 = tpu.memref_squeeze %dma_start3A_1383 : memref<1x512xf32, #tpu.memory_space<hbm>> -> memref<512xf32, #tpu.memory_space<hbm>>
      tpu.enqueue_dma source(%arg14 : memref<512xf32, #tpu.memory_space<vmem>>) target(%dma_start3A_1384 : memref<512xf32, #tpu.memory_space<hbm>>) target_semaphore(%run_scoped3A_1380 : memref<!tpu.dma_semaphore, #tpu.memory_space<semaphore_mem>>)
      %dma_wait3A_1385 = tpu.memref_slice %arg5[%run_scoped3A, %mul3A_2] : memref<6x16384xf32, #tpu.memory_space<hbm>> -> memref<1x512xf32, #tpu.memory_space<hbm>>
      %dma_wait3A_1386 = tpu.memref_squeeze %dma_wait3A_1385 : memref<1x512xf32, #tpu.memory_space<hbm>> -> memref<512xf32, #tpu.memory_space<hbm>>
      %dma_wait3A_1387 = tpu.memref_slice %arg5[%run_scoped3A, %mul3A_2] : memref<6x16384xf32, #tpu.memory_space<hbm>> -> memref<1x512xf32, #tpu.memory_space<hbm>>
      %dma_wait3A_1388 = tpu.memref_squeeze %dma_wait3A_1387 : memref<1x512xf32, #tpu.memory_space<hbm>> -> memref<512xf32, #tpu.memory_space<hbm>>
      tpu.wait_dma2 semaphore(%run_scoped3A_1380 : memref<!tpu.dma_semaphore, #tpu.memory_space<semaphore_mem>>) src(%arg14 : memref<512xf32, #tpu.memory_space<vmem>>) dst(%dma_wait3A_1388 : memref<512xf32, #tpu.memory_space<hbm>>)
      tpu.yield
    }) : () -> ()
    %dma_wait3A_1365 = arith.constant 0 : i32
    %dma_wait3A_1366 = tpu.memref_slice %arg2[%dma_wait3A_1365] : memref<120000xf32, #tpu.memory_space<hbm>> -> memref<120000xf32, #tpu.memory_space<hbm>>
    tpu.wait_indirect_dma semaphore(%arg20 : memref<!tpu.dma_semaphore, #tpu.memory_space<semaphore_mem>>) src(%dma_wait3A_1366 : memref<120000xf32, #tpu.memory_space<hbm>>) dst(%arg15 : memref<512xf32, #tpu.memory_space<vmem>>)
    %run_scoped3A_1367 = arith.constant 1 : i32
    "tpu.region"() ({
      %run_scoped3A_1380 = tpu.sem_alloc : memref<!tpu.dma_semaphore, #tpu.memory_space<semaphore_mem>>
      %dma_start3A_1381 = tpu.memref_slice %arg5[%run_scoped3A_1367, %mul3A_2] : memref<6x16384xf32, #tpu.memory_space<hbm>> -> memref<1x512xf32, #tpu.memory_space<hbm>>
      %dma_start3A_1382 = tpu.memref_squeeze %dma_start3A_1381 : memref<1x512xf32, #tpu.memory_space<hbm>> -> memref<512xf32, #tpu.memory_space<hbm>>
      %dma_start3A_1383 = tpu.memref_slice %arg5[%run_scoped3A_1367, %mul3A_2] : memref<6x16384xf32, #tpu.memory_space<hbm>> -> memref<1x512xf32, #tpu.memory_space<hbm>>
      %dma_start3A_1384 = tpu.memref_squeeze %dma_start3A_1383 : memref<1x512xf32, #tpu.memory_space<hbm>> -> memref<512xf32, #tpu.memory_space<hbm>>
      tpu.enqueue_dma source(%arg15 : memref<512xf32, #tpu.memory_space<vmem>>) target(%dma_start3A_1384 : memref<512xf32, #tpu.memory_space<hbm>>) target_semaphore(%run_scoped3A_1380 : memref<!tpu.dma_semaphore, #tpu.memory_space<semaphore_mem>>)
      %dma_wait3A_1385 = tpu.memref_slice %arg5[%run_scoped3A_1367, %mul3A_2] : memref<6x16384xf32, #tpu.memory_space<hbm>> -> memref<1x512xf32, #tpu.memory_space<hbm>>
      %dma_wait3A_1386 = tpu.memref_squeeze %dma_wait3A_1385 : memref<1x512xf32, #tpu.memory_space<hbm>> -> memref<512xf32, #tpu.memory_space<hbm>>
      %dma_wait3A_1387 = tpu.memref_slice %arg5[%run_scoped3A_1367, %mul3A_2] : memref<6x16384xf32, #tpu.memory_space<hbm>> -> memref<1x512xf32, #tpu.memory_space<hbm>>
      %dma_wait3A_1388 = tpu.memref_squeeze %dma_wait3A_1387 : memref<1x512xf32, #tpu.memory_space<hbm>> -> memref<512xf32, #tpu.memory_space<hbm>>
      tpu.wait_dma2 semaphore(%run_scoped3A_1380 : memref<!tpu.dma_semaphore, #tpu.memory_space<semaphore_mem>>) src(%arg15 : memref<512xf32, #tpu.memory_space<vmem>>) dst(%dma_wait3A_1388 : memref<512xf32, #tpu.memory_space<hbm>>)
      tpu.yield
    }) : () -> ()
    %dma_wait3A_1368 = arith.constant 0 : i32
    %dma_wait3A_1369 = tpu.memref_slice %arg2[%dma_wait3A_1368] : memref<120000xf32, #tpu.memory_space<hbm>> -> memref<120000xf32, #tpu.memory_space<hbm>>
    tpu.wait_indirect_dma semaphore(%arg20 : memref<!tpu.dma_semaphore, #tpu.memory_space<semaphore_mem>>) src(%dma_wait3A_1369 : memref<120000xf32, #tpu.memory_space<hbm>>) dst(%arg16 : memref<512xf32, #tpu.memory_space<vmem>>)
    %run_scoped3A_1370 = arith.constant 2 : i32
    "tpu.region"() ({
      %run_scoped3A_1380 = tpu.sem_alloc : memref<!tpu.dma_semaphore, #tpu.memory_space<semaphore_mem>>
      %dma_start3A_1381 = tpu.memref_slice %arg5[%run_scoped3A_1370, %mul3A_2] : memref<6x16384xf32, #tpu.memory_space<hbm>> -> memref<1x512xf32, #tpu.memory_space<hbm>>
      %dma_start3A_1382 = tpu.memref_squeeze %dma_start3A_1381 : memref<1x512xf32, #tpu.memory_space<hbm>> -> memref<512xf32, #tpu.memory_space<hbm>>
      %dma_start3A_1383 = tpu.memref_slice %arg5[%run_scoped3A_1370, %mul3A_2] : memref<6x16384xf32, #tpu.memory_space<hbm>> -> memref<1x512xf32, #tpu.memory_space<hbm>>
      %dma_start3A_1384 = tpu.memref_squeeze %dma_start3A_1383 : memref<1x512xf32, #tpu.memory_space<hbm>> -> memref<512xf32, #tpu.memory_space<hbm>>
      tpu.enqueue_dma source(%arg16 : memref<512xf32, #tpu.memory_space<vmem>>) target(%dma_start3A_1384 : memref<512xf32, #tpu.memory_space<hbm>>) target_semaphore(%run_scoped3A_1380 : memref<!tpu.dma_semaphore, #tpu.memory_space<semaphore_mem>>)
      %dma_wait3A_1385 = tpu.memref_slice %arg5[%run_scoped3A_1370, %mul3A_2] : memref<6x16384xf32, #tpu.memory_space<hbm>> -> memref<1x512xf32, #tpu.memory_space<hbm>>
      %dma_wait3A_1386 = tpu.memref_squeeze %dma_wait3A_1385 : memref<1x512xf32, #tpu.memory_space<hbm>> -> memref<512xf32, #tpu.memory_space<hbm>>
      %dma_wait3A_1387 = tpu.memref_slice %arg5[%run_scoped3A_1370, %mul3A_2] : memref<6x16384xf32, #tpu.memory_space<hbm>> -> memref<1x512xf32, #tpu.memory_space<hbm>>
      %dma_wait3A_1388 = tpu.memref_squeeze %dma_wait3A_1387 : memref<1x512xf32, #tpu.memory_space<hbm>> -> memref<512xf32, #tpu.memory_space<hbm>>
      tpu.wait_dma2 semaphore(%run_scoped3A_1380 : memref<!tpu.dma_semaphore, #tpu.memory_space<semaphore_mem>>) src(%arg16 : memref<512xf32, #tpu.memory_space<vmem>>) dst(%dma_wait3A_1388 : memref<512xf32, #tpu.memory_space<hbm>>)
      tpu.yield
    }) : () -> ()
    %dma_wait3A_1371 = arith.constant 0 : i32
    %dma_wait3A_1372 = tpu.memref_slice %arg2[%dma_wait3A_1371] : memref<120000xf32, #tpu.memory_space<hbm>> -> memref<120000xf32, #tpu.memory_space<hbm>>
    tpu.wait_indirect_dma semaphore(%arg20 : memref<!tpu.dma_semaphore, #tpu.memory_space<semaphore_mem>>) src(%dma_wait3A_1372 : memref<120000xf32, #tpu.memory_space<hbm>>) dst(%arg17 : memref<512xf32, #tpu.memory_space<vmem>>)
    %run_scoped3A_1373 = arith.constant 3 : i32
    "tpu.region"() ({
      %run_scoped3A_1380 = tpu.sem_alloc : memref<!tpu.dma_semaphore, #tpu.memory_space<semaphore_mem>>
      %dma_start3A_1381 = tpu.memref_slice %arg5[%run_scoped3A_1373, %mul3A_2] : memref<6x16384xf32, #tpu.memory_space<hbm>> -> memref<1x512xf32, #tpu.memory_space<hbm>>
      %dma_start3A_1382 = tpu.memref_squeeze %dma_start3A_1381 : memref<1x512xf32, #tpu.memory_space<hbm>> -> memref<512xf32, #tpu.memory_space<hbm>>
      %dma_start3A_1383 = tpu.memref_slice %arg5[%run_scoped3A_1373, %mul3A_2] : memref<6x16384xf32, #tpu.memory_space<hbm>> -> memref<1x512xf32, #tpu.memory_space<hbm>>
      %dma_start3A_1384 = tpu.memref_squeeze %dma_start3A_1383 : memref<1x512xf32, #tpu.memory_space<hbm>> -> memref<512xf32, #tpu.memory_space<hbm>>
      tpu.enqueue_dma source(%arg17 : memref<512xf32, #tpu.memory_space<vmem>>) target(%dma_start3A_1384 : memref<512xf32, #tpu.memory_space<hbm>>) target_semaphore(%run_scoped3A_1380 : memref<!tpu.dma_semaphore, #tpu.memory_space<semaphore_mem>>)
      %dma_wait3A_1385 = tpu.memref_slice %arg5[%run_scoped3A_1373, %mul3A_2] : memref<6x16384xf32, #tpu.memory_space<hbm>> -> memref<1x512xf32, #tpu.memory_space<hbm>>
      %dma_wait3A_1386 = tpu.memref_squeeze %dma_wait3A_1385 : memref<1x512xf32, #tpu.memory_space<hbm>> -> memref<512xf32, #tpu.memory_space<hbm>>
      %dma_wait3A_1387 = tpu.memref_slice %arg5[%run_scoped3A_1373, %mul3A_2] : memref<6x16384xf32, #tpu.memory_space<hbm>> -> memref<1x512xf32, #tpu.memory_space<hbm>>
      %dma_wait3A_1388 = tpu.memref_squeeze %dma_wait3A_1387 : memref<1x512xf32, #tpu.memory_space<hbm>> -> memref<512xf32, #tpu.memory_space<hbm>>
      tpu.wait_dma2 semaphore(%run_scoped3A_1380 : memref<!tpu.dma_semaphore, #tpu.memory_space<semaphore_mem>>) src(%arg17 : memref<512xf32, #tpu.memory_space<vmem>>) dst(%dma_wait3A_1388 : memref<512xf32, #tpu.memory_space<hbm>>)
      tpu.yield
    }) : () -> ()
    %dma_wait3A_1374 = arith.constant 0 : i32
    %dma_wait3A_1375 = tpu.memref_slice %arg2[%dma_wait3A_1374] : memref<120000xf32, #tpu.memory_space<hbm>> -> memref<120000xf32, #tpu.memory_space<hbm>>
    tpu.wait_indirect_dma semaphore(%arg20 : memref<!tpu.dma_semaphore, #tpu.memory_space<semaphore_mem>>) src(%dma_wait3A_1375 : memref<120000xf32, #tpu.memory_space<hbm>>) dst(%arg18 : memref<512xf32, #tpu.memory_space<vmem>>)
    %run_scoped3A_1376 = arith.constant 4 : i32
    "tpu.region"() ({
      %run_scoped3A_1380 = tpu.sem_alloc : memref<!tpu.dma_semaphore, #tpu.memory_space<semaphore_mem>>
      %dma_start3A_1381 = tpu.memref_slice %arg5[%run_scoped3A_1376, %mul3A_2] : memref<6x16384xf32, #tpu.memory_space<hbm>> -> memref<1x512xf32, #tpu.memory_space<hbm>>
      %dma_start3A_1382 = tpu.memref_squeeze %dma_start3A_1381 : memref<1x512xf32, #tpu.memory_space<hbm>> -> memref<512xf32, #tpu.memory_space<hbm>>
      %dma_start3A_1383 = tpu.memref_slice %arg5[%run_scoped3A_1376, %mul3A_2] : memref<6x16384xf32, #tpu.memory_space<hbm>> -> memref<1x512xf32, #tpu.memory_space<hbm>>
      %dma_start3A_1384 = tpu.memref_squeeze %dma_start3A_1383 : memref<1x512xf32, #tpu.memory_space<hbm>> -> memref<512xf32, #tpu.memory_space<hbm>>
      tpu.enqueue_dma source(%arg18 : memref<512xf32, #tpu.memory_space<vmem>>) target(%dma_start3A_1384 : memref<512xf32, #tpu.memory_space<hbm>>) target_semaphore(%run_scoped3A_1380 : memref<!tpu.dma_semaphore, #tpu.memory_space<semaphore_mem>>)
      %dma_wait3A_1385 = tpu.memref_slice %arg5[%run_scoped3A_1376, %mul3A_2] : memref<6x16384xf32, #tpu.memory_space<hbm>> -> memref<1x512xf32, #tpu.memory_space<hbm>>
      %dma_wait3A_1386 = tpu.memref_squeeze %dma_wait3A_1385 : memref<1x512xf32, #tpu.memory_space<hbm>> -> memref<512xf32, #tpu.memory_space<hbm>>
      %dma_wait3A_1387 = tpu.memref_slice %arg5[%run_scoped3A_1376, %mul3A_2] : memref<6x16384xf32, #tpu.memory_space<hbm>> -> memref<1x512xf32, #tpu.memory_space<hbm>>
      %dma_wait3A_1388 = tpu.memref_squeeze %dma_wait3A_1387 : memref<1x512xf32, #tpu.memory_space<hbm>> -> memref<512xf32, #tpu.memory_space<hbm>>
      tpu.wait_dma2 semaphore(%run_scoped3A_1380 : memref<!tpu.dma_semaphore, #tpu.memory_space<semaphore_mem>>) src(%arg18 : memref<512xf32, #tpu.memory_space<vmem>>) dst(%dma_wait3A_1388 : memref<512xf32, #tpu.memory_space<hbm>>)
      tpu.yield
    }) : () -> ()
    %dma_wait3A_1377 = arith.constant 0 : i32
    %dma_wait3A_1378 = tpu.memref_slice %arg2[%dma_wait3A_1377] : memref<120000xf32, #tpu.memory_space<hbm>> -> memref<120000xf32, #tpu.memory_space<hbm>>
    tpu.wait_indirect_dma semaphore(%arg20 : memref<!tpu.dma_semaphore, #tpu.memory_space<semaphore_mem>>) src(%dma_wait3A_1378 : memref<120000xf32, #tpu.memory_space<hbm>>) dst(%arg19 : memref<512xf32, #tpu.memory_space<vmem>>)
    %run_scoped3A_1379 = arith.constant 5 : i32
    "tpu.region"() ({
      %run_scoped3A_1380 = tpu.sem_alloc : memref<!tpu.dma_semaphore, #tpu.memory_space<semaphore_mem>>
      %dma_start3A_1381 = tpu.memref_slice %arg5[%run_scoped3A_1379, %mul3A_2] : memref<6x16384xf32, #tpu.memory_space<hbm>> -> memref<1x512xf32, #tpu.memory_space<hbm>>
      %dma_start3A_1382 = tpu.memref_squeeze %dma_start3A_1381 : memref<1x512xf32, #tpu.memory_space<hbm>> -> memref<512xf32, #tpu.memory_space<hbm>>
      %dma_start3A_1383 = tpu.memref_slice %arg5[%run_scoped3A_1379, %mul3A_2] : memref<6x16384xf32, #tpu.memory_space<hbm>> -> memref<1x512xf32, #tpu.memory_space<hbm>>
      %dma_start3A_1384 = tpu.memref_squeeze %dma_start3A_1383 : memref<1x512xf32, #tpu.memory_space<hbm>> -> memref<512xf32, #tpu.memory_space<hbm>>
      tpu.enqueue_dma source(%arg19 : memref<512xf32, #tpu.memory_space<vmem>>) target(%dma_start3A_1384 : memref<512xf32, #tpu.memory_space<hbm>>) target_semaphore(%run_scoped3A_1380 : memref<!tpu.dma_semaphore, #tpu.memory_space<semaphore_mem>>)
      %dma_wait3A_1385 = tpu.memref_slice %arg5[%run_scoped3A_1379, %mul3A_2] : memref<6x16384xf32, #tpu.memory_space<hbm>> -> memref<1x512xf32, #tpu.memory_space<hbm>>
      %dma_wait3A_1386 = tpu.memref_squeeze %dma_wait3A_1385 : memref<1x512xf32, #tpu.memory_space<hbm>> -> memref<512xf32, #tpu.memory_space<hbm>>
      %dma_wait3A_1387 = tpu.memref_slice %arg5[%run_scoped3A_1379, %mul3A_2] : memref<6x16384xf32, #tpu.memory_space<hbm>> -> memref<1x512xf32, #tpu.memory_space<hbm>>
      %dma_wait3A_1388 = tpu.memref_squeeze %dma_wait3A_1387 : memref<1x512xf32, #tpu.memory_space<hbm>> -> memref<512xf32, #tpu.memory_space<hbm>>
      tpu.wait_dma2 semaphore(%run_scoped3A_1380 : memref<!tpu.dma_semaphore, #tpu.memory_space<semaphore_mem>>) src(%arg19 : memref<512xf32, #tpu.memory_space<vmem>>) dst(%dma_wait3A_1388 : memref<512xf32, #tpu.memory_space<hbm>>)
      tpu.yield
    }) : () -> ()
    return
  }
}

module attributes {stable_mosaic.version = 14 : i64} {
  func.func @_tc_body(%arg0: memref<64x64x256xf32, #tpu.memory_space<vmem>>, %arg1: memref<6x64x256xf32, #tpu.memory_space<vmem>>, %arg2: memref<64x256xi32, #tpu.memory_space<vmem>>, %arg3: memref<64x256xi32, #tpu.memory_space<vmem>>, %arg4: memref<1x1xf32, #tpu.memory_space<smem>>, %arg5: memref<4x4xf32, #tpu.memory_space<vmem>>) attributes {dimension_semantics = [], scalar_prefetch = 0 : i64, scratch_operands = 0 : i64, tpu.core_type = #tpu.core_type<tc>} {
    %get3A = arith.constant 0 : index
    %get3A_0 = arith.constant 0 : index
    %get3A_1 = arith.constant 0 : index
    %get3A_2 = vector.load %arg0[%get3A, %get3A_0, %get3A_1] : memref<64x64x256xf32, #tpu.memory_space<vmem>>, vector<64x64x256xf32>
    %exp3A = math.exp %get3A_2 : vector<64x64x256xf32>
    %get3A_3 = arith.constant 0 : index
    %get3A_4 = arith.constant 0 : index
    %get3A_5 = memref.load %arg4[%get3A_3, %get3A_4] : memref<1x1xf32, #tpu.memory_space<smem>>
    %iota3A = tpu.iota {dimensions = array<i32: 1>} : vector<64x64x256xi32>
    %reduce_max3A = arith.constant dense<0xFF800000> : vector<64x256xf32>
    %reduce_max3A_6 = vector.multi_reduction <maximumf>, %exp3A, %reduce_max3A [1] : vector<64x64x256xf32> to vector<64x256xf32>
    %broadcast_in_dim3A = vector.shape_cast %reduce_max3A_6 : vector<64x256xf32> to vector<64x1x256xf32>
    %eq3A = vector.broadcast %broadcast_in_dim3A : vector<64x1x256xf32> to vector<64x64x256xf32>
    %eq3A_7 = arith.cmpf oeq, %exp3A, %eq3A : vector<64x64x256xf32>
    %neg3A = arith.constant 0 : i32
    %neg3A_8 = arith.constant 1048576 : i32
    %neg3A_9 = arith.subi %neg3A, %neg3A_8 : i32
    %broadcast_in_dim3A_10 = vector.broadcast %neg3A_9 : i32 to vector<64x64x256xi32>
    %select_n3A = arith.select %eq3A_7, %iota3A, %broadcast_in_dim3A_10 : vector<64x64x256xi1>, vector<64x64x256xi32>
    %reduce_max3A_11 = arith.constant dense<-2147483648> : vector<64x256xi32>
    %reduce_max3A_12 = vector.multi_reduction <maxsi>, %select_n3A, %reduce_max3A_11 [1] : vector<64x64x256xi32> to vector<64x256xi32>
    %broadcast_in_dim3A_13 = vector.shape_cast %reduce_max3A_12 : vector<64x256xi32> to vector<64x1x256xi32>
    %eq3A_14 = vector.broadcast %broadcast_in_dim3A_13 : vector<64x1x256xi32> to vector<64x64x256xi32>
    %eq3A_15 = arith.cmpi eq, %iota3A, %eq3A_14 : vector<64x64x256xi32>
    %jit3A = arith.constant 0xFF800000 : f32
    %broadcast_in_dim3A_16 = vector.broadcast %jit3A : f32 to vector<64x64x256xf32>
    %select_n3A_17 = arith.select %eq3A_15, %broadcast_in_dim3A_16, %exp3A : vector<64x64x256xi1>, vector<64x64x256xf32>
    %reduce_max3A_18 = arith.constant dense<0xFF800000> : vector<64x256xf32>
    %reduce_max3A_19 = vector.multi_reduction <maximumf>, %select_n3A_17, %reduce_max3A_18 [1] : vector<64x64x256xf32> to vector<64x256xf32>
    %broadcast_in_dim3A_20 = vector.shape_cast %reduce_max3A_19 : vector<64x256xf32> to vector<64x1x256xf32>
    %eq3A_21 = vector.broadcast %broadcast_in_dim3A_20 : vector<64x1x256xf32> to vector<64x64x256xf32>
    %eq3A_22 = arith.cmpf oeq, %select_n3A_17, %eq3A_21 : vector<64x64x256xf32>
    %neg3A_23 = arith.constant 0 : i32
    %neg3A_24 = arith.constant 1048576 : i32
    %neg3A_25 = arith.subi %neg3A_23, %neg3A_24 : i32
    %broadcast_in_dim3A_26 = vector.broadcast %neg3A_25 : i32 to vector<64x64x256xi32>
    %select_n3A_27 = arith.select %eq3A_22, %iota3A, %broadcast_in_dim3A_26 : vector<64x64x256xi1>, vector<64x64x256xi32>
    %reduce_max3A_28 = arith.constant dense<-2147483648> : vector<64x256xi32>
    %reduce_max3A_29 = vector.multi_reduction <maxsi>, %select_n3A_27, %reduce_max3A_28 [1] : vector<64x64x256xi32> to vector<64x256xi32>
    %broadcast_in_dim3A_30 = vector.shape_cast %reduce_max3A_29 : vector<64x256xi32> to vector<64x1x256xi32>
    %eq3A_31 = vector.broadcast %broadcast_in_dim3A_30 : vector<64x1x256xi32> to vector<64x64x256xi32>
    %eq3A_32 = arith.cmpi eq, %iota3A, %eq3A_31 : vector<64x64x256xi32>
    %jit3A_33 = arith.constant 0xFF800000 : f32
    %broadcast_in_dim3A_34 = vector.broadcast %jit3A_33 : f32 to vector<64x64x256xf32>
    %select_n3A_35 = arith.select %eq3A_32, %broadcast_in_dim3A_34, %select_n3A_17 : vector<64x64x256xi1>, vector<64x64x256xf32>
    %reduce_max3A_36 = arith.constant dense<0xFF800000> : vector<64x256xf32>
    %reduce_max3A_37 = vector.multi_reduction <maximumf>, %select_n3A_35, %reduce_max3A_36 [1] : vector<64x64x256xf32> to vector<64x256xf32>
    %broadcast_in_dim3A_38 = vector.shape_cast %reduce_max3A_37 : vector<64x256xf32> to vector<64x1x256xf32>
    %eq3A_39 = vector.broadcast %broadcast_in_dim3A_38 : vector<64x1x256xf32> to vector<64x64x256xf32>
    %eq3A_40 = arith.cmpf oeq, %select_n3A_35, %eq3A_39 : vector<64x64x256xf32>
    %neg3A_41 = arith.constant 0 : i32
    %neg3A_42 = arith.constant 1048576 : i32
    %neg3A_43 = arith.subi %neg3A_41, %neg3A_42 : i32
    %broadcast_in_dim3A_44 = vector.broadcast %neg3A_43 : i32 to vector<64x64x256xi32>
    %select_n3A_45 = arith.select %eq3A_40, %iota3A, %broadcast_in_dim3A_44 : vector<64x64x256xi1>, vector<64x64x256xi32>
    %reduce_max3A_46 = arith.constant dense<-2147483648> : vector<64x256xi32>
    %reduce_max3A_47 = vector.multi_reduction <maxsi>, %select_n3A_45, %reduce_max3A_46 [1] : vector<64x64x256xi32> to vector<64x256xi32>
    %broadcast_in_dim3A_48 = vector.shape_cast %reduce_max3A_47 : vector<64x256xi32> to vector<64x1x256xi32>
    %eq3A_49 = vector.broadcast %broadcast_in_dim3A_48 : vector<64x1x256xi32> to vector<64x64x256xi32>
    %eq3A_50 = arith.cmpi eq, %iota3A, %eq3A_49 : vector<64x64x256xi32>
    %jit3A_51 = arith.constant 0xFF800000 : f32
    %broadcast_in_dim3A_52 = vector.broadcast %jit3A_51 : f32 to vector<64x64x256xf32>
    %select_n3A_53 = arith.select %eq3A_50, %broadcast_in_dim3A_52, %select_n3A_35 : vector<64x64x256xi1>, vector<64x64x256xf32>
    %eq3A_54 = arith.constant 0xFF800000 : f32
    %eq3A_55 = vector.broadcast %eq3A_54 : f32 to vector<64x64x256xf32>
    %eq3A_56 = arith.cmpf oeq, %select_n3A_53, %eq3A_55 : vector<64x64x256xf32>
    %iota3A_57 = tpu.iota {dimensions = array<i32: 0>} : vector<64x64x256xi32>
    %reduce_max3A_58 = arith.constant dense<0xFF800000> : vector<64x256xf32>
    %reduce_max3A_59 = vector.multi_reduction <maximumf>, %exp3A, %reduce_max3A_58 [0] : vector<64x64x256xf32> to vector<64x256xf32>
    %broadcast_in_dim3A_60 = vector.shape_cast %reduce_max3A_59 : vector<64x256xf32> to vector<1x64x256xf32>
    %eq3A_61 = vector.broadcast %broadcast_in_dim3A_60 : vector<1x64x256xf32> to vector<64x64x256xf32>
    %eq3A_62 = arith.cmpf oeq, %exp3A, %eq3A_61 : vector<64x64x256xf32>
    %neg3A_63 = arith.constant 0 : i32
    %neg3A_64 = arith.constant 1048576 : i32
    %neg3A_65 = arith.subi %neg3A_63, %neg3A_64 : i32
    %broadcast_in_dim3A_66 = vector.broadcast %neg3A_65 : i32 to vector<64x64x256xi32>
    %select_n3A_67 = arith.select %eq3A_62, %iota3A_57, %broadcast_in_dim3A_66 : vector<64x64x256xi1>, vector<64x64x256xi32>
    %reduce_max3A_68 = arith.constant dense<-2147483648> : vector<64x256xi32>
    %reduce_max3A_69 = vector.multi_reduction <maxsi>, %select_n3A_67, %reduce_max3A_68 [0] : vector<64x64x256xi32> to vector<64x256xi32>
    %broadcast_in_dim3A_70 = vector.shape_cast %reduce_max3A_69 : vector<64x256xi32> to vector<1x64x256xi32>
    %eq3A_71 = vector.broadcast %broadcast_in_dim3A_70 : vector<1x64x256xi32> to vector<64x64x256xi32>
    %eq3A_72 = arith.cmpi eq, %iota3A_57, %eq3A_71 : vector<64x64x256xi32>
    %jit3A_73 = arith.constant 0xFF800000 : f32
    %broadcast_in_dim3A_74 = vector.broadcast %jit3A_73 : f32 to vector<64x64x256xf32>
    %select_n3A_75 = arith.select %eq3A_72, %broadcast_in_dim3A_74, %exp3A : vector<64x64x256xi1>, vector<64x64x256xf32>
    %reduce_max3A_76 = arith.constant dense<0xFF800000> : vector<64x256xf32>
    %reduce_max3A_77 = vector.multi_reduction <maximumf>, %select_n3A_75, %reduce_max3A_76 [0] : vector<64x64x256xf32> to vector<64x256xf32>
    %broadcast_in_dim3A_78 = vector.shape_cast %reduce_max3A_77 : vector<64x256xf32> to vector<1x64x256xf32>
    %eq3A_79 = vector.broadcast %broadcast_in_dim3A_78 : vector<1x64x256xf32> to vector<64x64x256xf32>
    %eq3A_80 = arith.cmpf oeq, %select_n3A_75, %eq3A_79 : vector<64x64x256xf32>
    %neg3A_81 = arith.constant 0 : i32
    %neg3A_82 = arith.constant 1048576 : i32
    %neg3A_83 = arith.subi %neg3A_81, %neg3A_82 : i32
    %broadcast_in_dim3A_84 = vector.broadcast %neg3A_83 : i32 to vector<64x64x256xi32>
    %select_n3A_85 = arith.select %eq3A_80, %iota3A_57, %broadcast_in_dim3A_84 : vector<64x64x256xi1>, vector<64x64x256xi32>
    %reduce_max3A_86 = arith.constant dense<-2147483648> : vector<64x256xi32>
    %reduce_max3A_87 = vector.multi_reduction <maxsi>, %select_n3A_85, %reduce_max3A_86 [0] : vector<64x64x256xi32> to vector<64x256xi32>
    %broadcast_in_dim3A_88 = vector.shape_cast %reduce_max3A_87 : vector<64x256xi32> to vector<1x64x256xi32>
    %eq3A_89 = vector.broadcast %broadcast_in_dim3A_88 : vector<1x64x256xi32> to vector<64x64x256xi32>
    %eq3A_90 = arith.cmpi eq, %iota3A_57, %eq3A_89 : vector<64x64x256xi32>
    %jit3A_91 = arith.constant 0xFF800000 : f32
    %broadcast_in_dim3A_92 = vector.broadcast %jit3A_91 : f32 to vector<64x64x256xf32>
    %select_n3A_93 = arith.select %eq3A_90, %broadcast_in_dim3A_92, %select_n3A_75 : vector<64x64x256xi1>, vector<64x64x256xf32>
    %reduce_max3A_94 = arith.constant dense<0xFF800000> : vector<64x256xf32>
    %reduce_max3A_95 = vector.multi_reduction <maximumf>, %select_n3A_93, %reduce_max3A_94 [0] : vector<64x64x256xf32> to vector<64x256xf32>
    %broadcast_in_dim3A_96 = vector.shape_cast %reduce_max3A_95 : vector<64x256xf32> to vector<1x64x256xf32>
    %eq3A_97 = vector.broadcast %broadcast_in_dim3A_96 : vector<1x64x256xf32> to vector<64x64x256xf32>
    %eq3A_98 = arith.cmpf oeq, %select_n3A_93, %eq3A_97 : vector<64x64x256xf32>
    %neg3A_99 = arith.constant 0 : i32
    %neg3A_100 = arith.constant 1048576 : i32
    %neg3A_101 = arith.subi %neg3A_99, %neg3A_100 : i32
    %broadcast_in_dim3A_102 = vector.broadcast %neg3A_101 : i32 to vector<64x64x256xi32>
    %select_n3A_103 = arith.select %eq3A_98, %iota3A_57, %broadcast_in_dim3A_102 : vector<64x64x256xi1>, vector<64x64x256xi32>
    %reduce_max3A_104 = arith.constant dense<-2147483648> : vector<64x256xi32>
    %reduce_max3A_105 = vector.multi_reduction <maxsi>, %select_n3A_103, %reduce_max3A_104 [0] : vector<64x64x256xi32> to vector<64x256xi32>
    %broadcast_in_dim3A_106 = vector.shape_cast %reduce_max3A_105 : vector<64x256xi32> to vector<1x64x256xi32>
    %eq3A_107 = vector.broadcast %broadcast_in_dim3A_106 : vector<1x64x256xi32> to vector<64x64x256xi32>
    %eq3A_108 = arith.cmpi eq, %iota3A_57, %eq3A_107 : vector<64x64x256xi32>
    %jit3A_109 = arith.constant 0xFF800000 : f32
    %broadcast_in_dim3A_110 = vector.broadcast %jit3A_109 : f32 to vector<64x64x256xf32>
    %select_n3A_111 = arith.select %eq3A_108, %broadcast_in_dim3A_110, %select_n3A_93 : vector<64x64x256xi1>, vector<64x64x256xf32>
    %eq3A_112 = arith.constant 0xFF800000 : f32
    %eq3A_113 = vector.broadcast %eq3A_112 : f32 to vector<64x64x256xf32>
    %eq3A_114 = arith.cmpf oeq, %select_n3A_111, %eq3A_113 : vector<64x64x256xf32>
    %get3A_115 = arith.constant 0 : index
    %get3A_116 = arith.constant 0 : index
    %get3A_117 = vector.load %arg2[%get3A_115, %get3A_116] : memref<64x256xi32, #tpu.memory_space<vmem>>, vector<64x256xi32>
    %get3A_118 = arith.constant dense<0> : vector<64x256xi32>
    %get3A_119 = arith.cmpi ne, %get3A_117, %get3A_118 : vector<64x256xi32>
    %convert_element_type3A = arith.extui %get3A_119 : vector<64x256xi1> to vector<64x256xi32>
    %convert_element_type3A_120 = arith.sitofp %convert_element_type3A : vector<64x256xi32> to vector<64x256xf32>
    %get3A_121 = arith.constant 0 : index
    %get3A_122 = arith.constant 0 : index
    %get3A_123 = vector.load %arg3[%get3A_121, %get3A_122] : memref<64x256xi32, #tpu.memory_space<vmem>>, vector<64x256xi32>
    %get3A_124 = arith.constant dense<0> : vector<64x256xi32>
    %get3A_125 = arith.cmpi ne, %get3A_123, %get3A_124 : vector<64x256xi32>
    %convert_element_type3A_126 = arith.extui %get3A_125 : vector<64x256xi1> to vector<64x256xi32>
    %convert_element_type3A_127 = arith.sitofp %convert_element_type3A_126 : vector<64x256xi32> to vector<64x256xf32>
    %and3A = arith.andi %eq3A_56, %eq3A_114 : vector<64x64x256xi1>
    %gt3A = vector.broadcast %get3A_5 : f32 to vector<64x64x256xf32>
    %gt3A_128 = arith.cmpf ogt, %exp3A, %gt3A : vector<64x64x256xf32>
    %and3A_129 = arith.andi %and3A, %gt3A_128 : vector<64x64x256xi1>
    %jit3A_130 = arith.constant 1.000000e+00 : f32
    %jit3A_131 = arith.constant 0.000000e+00 : f32
    %broadcast_in_dim3A_132 = vector.broadcast %jit3A_130 : f32 to vector<64x64x256xf32>
    %broadcast_in_dim3A_133 = vector.broadcast %jit3A_131 : f32 to vector<64x64x256xf32>
    %select_n3A_134 = arith.select %and3A_129, %broadcast_in_dim3A_132, %broadcast_in_dim3A_133 : vector<64x64x256xi1>, vector<64x64x256xf32>
    %broadcast_in_dim3A_135 = vector.shape_cast %convert_element_type3A_120 : vector<64x256xf32> to vector<64x1x256xf32>
    %mul3A = vector.broadcast %broadcast_in_dim3A_135 : vector<64x1x256xf32> to vector<64x64x256xf32>
    %mul3A_136 = arith.mulf %select_n3A_134, %mul3A : vector<64x64x256xf32>
    %broadcast_in_dim3A_137 = vector.shape_cast %convert_element_type3A_127 : vector<64x256xf32> to vector<1x64x256xf32>
    %mul3A_138 = vector.broadcast %broadcast_in_dim3A_137 : vector<1x64x256xf32> to vector<64x64x256xf32>
    %mul3A_139 = arith.mulf %mul3A_136, %mul3A_138 : vector<64x64x256xf32>
    %reduce_sum3A = arith.constant dense<0.000000e+00> : vector<64x256xf32>
    %reduce_sum3A_140 = vector.multi_reduction <add>, %mul3A_139, %reduce_sum3A [1] : vector<64x64x256xf32> to vector<64x256xf32>
    %reduce_sum3A_141 = arith.constant dense<0.000000e+00> : vector<64x256xf32>
    %reduce_sum3A_142 = vector.multi_reduction <add>, %mul3A_139, %reduce_sum3A_141 [0] : vector<64x64x256xf32> to vector<64x256xf32>
    %reduce_sum3A_143 = vector.shape_cast %reduce_sum3A_140 : vector<64x256xf32> to vector<1x64x256xf32>
    %reduce_sum3A_144 = arith.constant dense<0.000000e+00> : vector<1xf32>
    %reduce_sum3A_145 = vector.multi_reduction <add>, %reduce_sum3A_143, %reduce_sum3A_144 [1, 2] : vector<1x64x256xf32> to vector<1xf32>
    %reduce_sum3A_146 = vector.shape_cast %reduce_sum3A_145 : vector<1xf32> to vector<1x1x1xf32>
    %reduce_sum3A_147 = vector.extract %reduce_sum3A_146[0, 0, 0] : f32 from vector<1x1x1xf32>
    %get3A_148 = arith.constant 0 : index
    %get3A_149 = arith.constant 0 : index
    %get3A_150 = arith.constant 0 : index
    %get3A_151 = vector.load %arg1[%get3A_148, %get3A_149, %get3A_150] : memref<6x64x256xf32, #tpu.memory_space<vmem>>, vector<1x64x256xf32>
    %get3A_152 = vector.shape_cast %get3A_151 : vector<1x64x256xf32> to vector<64x256xf32>
    %get3A_153 = arith.constant 1 : index
    %get3A_154 = arith.constant 0 : index
    %get3A_155 = arith.constant 0 : index
    %get3A_156 = vector.load %arg1[%get3A_153, %get3A_154, %get3A_155] : memref<6x64x256xf32, #tpu.memory_space<vmem>>, vector<1x64x256xf32>
    %get3A_157 = vector.shape_cast %get3A_156 : vector<1x64x256xf32> to vector<64x256xf32>
    %get3A_158 = arith.constant 2 : index
    %get3A_159 = arith.constant 0 : index
    %get3A_160 = arith.constant 0 : index
    %get3A_161 = vector.load %arg1[%get3A_158, %get3A_159, %get3A_160] : memref<6x64x256xf32, #tpu.memory_space<vmem>>, vector<1x64x256xf32>
    %get3A_162 = vector.shape_cast %get3A_161 : vector<1x64x256xf32> to vector<64x256xf32>
    %get3A_163 = arith.constant 3 : index
    %get3A_164 = arith.constant 0 : index
    %get3A_165 = arith.constant 0 : index
    %get3A_166 = vector.load %arg1[%get3A_163, %get3A_164, %get3A_165] : memref<6x64x256xf32, #tpu.memory_space<vmem>>, vector<1x64x256xf32>
    %get3A_167 = vector.shape_cast %get3A_166 : vector<1x64x256xf32> to vector<64x256xf32>
    %get3A_168 = arith.constant 4 : index
    %get3A_169 = arith.constant 0 : index
    %get3A_170 = arith.constant 0 : index
    %get3A_171 = vector.load %arg1[%get3A_168, %get3A_169, %get3A_170] : memref<6x64x256xf32, #tpu.memory_space<vmem>>, vector<1x64x256xf32>
    %get3A_172 = vector.shape_cast %get3A_171 : vector<1x64x256xf32> to vector<64x256xf32>
    %get3A_173 = arith.constant 5 : index
    %get3A_174 = arith.constant 0 : index
    %get3A_175 = arith.constant 0 : index
    %get3A_176 = vector.load %arg1[%get3A_173, %get3A_174, %get3A_175] : memref<6x64x256xf32, #tpu.memory_space<vmem>>, vector<1x64x256xf32>
    %get3A_177 = vector.shape_cast %get3A_176 : vector<1x64x256xf32> to vector<64x256xf32>
    %mul3A_178 = arith.mulf %reduce_sum3A_140, %get3A_152 : vector<64x256xf32>
    %reduce_sum3A_179 = arith.constant dense<0.000000e+00> : vector<256xf32>
    %reduce_sum3A_180 = vector.multi_reduction <add>, %mul3A_178, %reduce_sum3A_179 [0] : vector<64x256xf32> to vector<256xf32>
    %reduce_sum3A_181 = vector.shape_cast %reduce_sum3A_180 : vector<256xf32> to vector<1x256xf32>
    %reduce_sum3A_182 = arith.constant dense<0.000000e+00> : vector<1xf32>
    %reduce_sum3A_183 = vector.multi_reduction <add>, %reduce_sum3A_181, %reduce_sum3A_182 [1] : vector<1x256xf32> to vector<1xf32>
    %reduce_sum3A_184 = vector.shape_cast %reduce_sum3A_183 : vector<1xf32> to vector<1x1xf32>
    %reduce_sum3A_185 = vector.extract %reduce_sum3A_184[0, 0] : f32 from vector<1x1xf32>
    %mul3A_186 = arith.mulf %reduce_sum3A_140, %get3A_157 : vector<64x256xf32>
    %reduce_sum3A_187 = arith.constant dense<0.000000e+00> : vector<256xf32>
    %reduce_sum3A_188 = vector.multi_reduction <add>, %mul3A_186, %reduce_sum3A_187 [0] : vector<64x256xf32> to vector<256xf32>
    %reduce_sum3A_189 = vector.shape_cast %reduce_sum3A_188 : vector<256xf32> to vector<1x256xf32>
    %reduce_sum3A_190 = arith.constant dense<0.000000e+00> : vector<1xf32>
    %reduce_sum3A_191 = vector.multi_reduction <add>, %reduce_sum3A_189, %reduce_sum3A_190 [1] : vector<1x256xf32> to vector<1xf32>
    %reduce_sum3A_192 = vector.shape_cast %reduce_sum3A_191 : vector<1xf32> to vector<1x1xf32>
    %reduce_sum3A_193 = vector.extract %reduce_sum3A_192[0, 0] : f32 from vector<1x1xf32>
    %mul3A_194 = arith.mulf %reduce_sum3A_140, %get3A_162 : vector<64x256xf32>
    %reduce_sum3A_195 = arith.constant dense<0.000000e+00> : vector<256xf32>
    %reduce_sum3A_196 = vector.multi_reduction <add>, %mul3A_194, %reduce_sum3A_195 [0] : vector<64x256xf32> to vector<256xf32>
    %reduce_sum3A_197 = vector.shape_cast %reduce_sum3A_196 : vector<256xf32> to vector<1x256xf32>
    %reduce_sum3A_198 = arith.constant dense<0.000000e+00> : vector<1xf32>
    %reduce_sum3A_199 = vector.multi_reduction <add>, %reduce_sum3A_197, %reduce_sum3A_198 [1] : vector<1x256xf32> to vector<1xf32>
    %reduce_sum3A_200 = vector.shape_cast %reduce_sum3A_199 : vector<1xf32> to vector<1x1xf32>
    %reduce_sum3A_201 = vector.extract %reduce_sum3A_200[0, 0] : f32 from vector<1x1xf32>
    %mul3A_202 = arith.mulf %reduce_sum3A_142, %get3A_167 : vector<64x256xf32>
    %reduce_sum3A_203 = arith.constant dense<0.000000e+00> : vector<256xf32>
    %reduce_sum3A_204 = vector.multi_reduction <add>, %mul3A_202, %reduce_sum3A_203 [0] : vector<64x256xf32> to vector<256xf32>
    %reduce_sum3A_205 = vector.shape_cast %reduce_sum3A_204 : vector<256xf32> to vector<1x256xf32>
    %reduce_sum3A_206 = arith.constant dense<0.000000e+00> : vector<1xf32>
    %reduce_sum3A_207 = vector.multi_reduction <add>, %reduce_sum3A_205, %reduce_sum3A_206 [1] : vector<1x256xf32> to vector<1xf32>
    %reduce_sum3A_208 = vector.shape_cast %reduce_sum3A_207 : vector<1xf32> to vector<1x1xf32>
    %reduce_sum3A_209 = vector.extract %reduce_sum3A_208[0, 0] : f32 from vector<1x1xf32>
    %mul3A_210 = arith.mulf %reduce_sum3A_142, %get3A_172 : vector<64x256xf32>
    %reduce_sum3A_211 = arith.constant dense<0.000000e+00> : vector<256xf32>
    %reduce_sum3A_212 = vector.multi_reduction <add>, %mul3A_210, %reduce_sum3A_211 [0] : vector<64x256xf32> to vector<256xf32>
    %reduce_sum3A_213 = vector.shape_cast %reduce_sum3A_212 : vector<256xf32> to vector<1x256xf32>
    %reduce_sum3A_214 = arith.constant dense<0.000000e+00> : vector<1xf32>
    %reduce_sum3A_215 = vector.multi_reduction <add>, %reduce_sum3A_213, %reduce_sum3A_214 [1] : vector<1x256xf32> to vector<1xf32>
    %reduce_sum3A_216 = vector.shape_cast %reduce_sum3A_215 : vector<1xf32> to vector<1x1xf32>
    %reduce_sum3A_217 = vector.extract %reduce_sum3A_216[0, 0] : f32 from vector<1x1xf32>
    %mul3A_218 = arith.mulf %reduce_sum3A_142, %get3A_177 : vector<64x256xf32>
    %reduce_sum3A_219 = arith.constant dense<0.000000e+00> : vector<256xf32>
    %reduce_sum3A_220 = vector.multi_reduction <add>, %mul3A_218, %reduce_sum3A_219 [0] : vector<64x256xf32> to vector<256xf32>
    %reduce_sum3A_221 = vector.shape_cast %reduce_sum3A_220 : vector<256xf32> to vector<1x256xf32>
    %reduce_sum3A_222 = arith.constant dense<0.000000e+00> : vector<1xf32>
    %reduce_sum3A_223 = vector.multi_reduction <add>, %reduce_sum3A_221, %reduce_sum3A_222 [1] : vector<1x256xf32> to vector<1xf32>
    %reduce_sum3A_224 = vector.shape_cast %reduce_sum3A_223 : vector<1xf32> to vector<1x1xf32>
    %reduce_sum3A_225 = vector.extract %reduce_sum3A_224[0, 0] : f32 from vector<1x1xf32>
    %broadcast_in_dim3A_226 = vector.shape_cast %get3A_167 : vector<64x256xf32> to vector<1x64x256xf32>
    %mul3A_227 = vector.broadcast %broadcast_in_dim3A_226 : vector<1x64x256xf32> to vector<64x64x256xf32>
    %mul3A_228 = arith.mulf %mul3A_139, %mul3A_227 : vector<64x64x256xf32>
    %reduce_sum3A_229 = arith.constant dense<0.000000e+00> : vector<64x256xf32>
    %reduce_sum3A_230 = vector.multi_reduction <add>, %mul3A_228, %reduce_sum3A_229 [1] : vector<64x64x256xf32> to vector<64x256xf32>
    %mul3A_231 = arith.mulf %reduce_sum3A_230, %get3A_152 : vector<64x256xf32>
    %reduce_sum3A_232 = arith.constant dense<0.000000e+00> : vector<256xf32>
    %reduce_sum3A_233 = vector.multi_reduction <add>, %mul3A_231, %reduce_sum3A_232 [0] : vector<64x256xf32> to vector<256xf32>
    %reduce_sum3A_234 = vector.shape_cast %reduce_sum3A_233 : vector<256xf32> to vector<1x256xf32>
    %reduce_sum3A_235 = arith.constant dense<0.000000e+00> : vector<1xf32>
    %reduce_sum3A_236 = vector.multi_reduction <add>, %reduce_sum3A_234, %reduce_sum3A_235 [1] : vector<1x256xf32> to vector<1xf32>
    %reduce_sum3A_237 = vector.shape_cast %reduce_sum3A_236 : vector<1xf32> to vector<1x1xf32>
    %reduce_sum3A_238 = vector.extract %reduce_sum3A_237[0, 0] : f32 from vector<1x1xf32>
    %mul3A_239 = arith.mulf %reduce_sum3A_230, %get3A_157 : vector<64x256xf32>
    %reduce_sum3A_240 = arith.constant dense<0.000000e+00> : vector<256xf32>
    %reduce_sum3A_241 = vector.multi_reduction <add>, %mul3A_239, %reduce_sum3A_240 [0] : vector<64x256xf32> to vector<256xf32>
    %reduce_sum3A_242 = vector.shape_cast %reduce_sum3A_241 : vector<256xf32> to vector<1x256xf32>
    %reduce_sum3A_243 = arith.constant dense<0.000000e+00> : vector<1xf32>
    %reduce_sum3A_244 = vector.multi_reduction <add>, %reduce_sum3A_242, %reduce_sum3A_243 [1] : vector<1x256xf32> to vector<1xf32>
    %reduce_sum3A_245 = vector.shape_cast %reduce_sum3A_244 : vector<1xf32> to vector<1x1xf32>
    %reduce_sum3A_246 = vector.extract %reduce_sum3A_245[0, 0] : f32 from vector<1x1xf32>
    %mul3A_247 = arith.mulf %reduce_sum3A_230, %get3A_162 : vector<64x256xf32>
    %reduce_sum3A_248 = arith.constant dense<0.000000e+00> : vector<256xf32>
    %reduce_sum3A_249 = vector.multi_reduction <add>, %mul3A_247, %reduce_sum3A_248 [0] : vector<64x256xf32> to vector<256xf32>
    %reduce_sum3A_250 = vector.shape_cast %reduce_sum3A_249 : vector<256xf32> to vector<1x256xf32>
    %reduce_sum3A_251 = arith.constant dense<0.000000e+00> : vector<1xf32>
    %reduce_sum3A_252 = vector.multi_reduction <add>, %reduce_sum3A_250, %reduce_sum3A_251 [1] : vector<1x256xf32> to vector<1xf32>
    %reduce_sum3A_253 = vector.shape_cast %reduce_sum3A_252 : vector<1xf32> to vector<1x1xf32>
    %reduce_sum3A_254 = vector.extract %reduce_sum3A_253[0, 0] : f32 from vector<1x1xf32>
    %broadcast_in_dim3A_255 = vector.shape_cast %get3A_172 : vector<64x256xf32> to vector<1x64x256xf32>
    %mul3A_256 = vector.broadcast %broadcast_in_dim3A_255 : vector<1x64x256xf32> to vector<64x64x256xf32>
    %mul3A_257 = arith.mulf %mul3A_139, %mul3A_256 : vector<64x64x256xf32>
    %reduce_sum3A_258 = arith.constant dense<0.000000e+00> : vector<64x256xf32>
    %reduce_sum3A_259 = vector.multi_reduction <add>, %mul3A_257, %reduce_sum3A_258 [1] : vector<64x64x256xf32> to vector<64x256xf32>
    %mul3A_260 = arith.mulf %reduce_sum3A_259, %get3A_152 : vector<64x256xf32>
    %reduce_sum3A_261 = arith.constant dense<0.000000e+00> : vector<256xf32>
    %reduce_sum3A_262 = vector.multi_reduction <add>, %mul3A_260, %reduce_sum3A_261 [0] : vector<64x256xf32> to vector<256xf32>
    %reduce_sum3A_263 = vector.shape_cast %reduce_sum3A_262 : vector<256xf32> to vector<1x256xf32>
    %reduce_sum3A_264 = arith.constant dense<0.000000e+00> : vector<1xf32>
    %reduce_sum3A_265 = vector.multi_reduction <add>, %reduce_sum3A_263, %reduce_sum3A_264 [1] : vector<1x256xf32> to vector<1xf32>
    %reduce_sum3A_266 = vector.shape_cast %reduce_sum3A_265 : vector<1xf32> to vector<1x1xf32>
    %reduce_sum3A_267 = vector.extract %reduce_sum3A_266[0, 0] : f32 from vector<1x1xf32>
    %mul3A_268 = arith.mulf %reduce_sum3A_259, %get3A_157 : vector<64x256xf32>
    %reduce_sum3A_269 = arith.constant dense<0.000000e+00> : vector<256xf32>
    %reduce_sum3A_270 = vector.multi_reduction <add>, %mul3A_268, %reduce_sum3A_269 [0] : vector<64x256xf32> to vector<256xf32>
    %reduce_sum3A_271 = vector.shape_cast %reduce_sum3A_270 : vector<256xf32> to vector<1x256xf32>
    %reduce_sum3A_272 = arith.constant dense<0.000000e+00> : vector<1xf32>
    %reduce_sum3A_273 = vector.multi_reduction <add>, %reduce_sum3A_271, %reduce_sum3A_272 [1] : vector<1x256xf32> to vector<1xf32>
    %reduce_sum3A_274 = vector.shape_cast %reduce_sum3A_273 : vector<1xf32> to vector<1x1xf32>
    %reduce_sum3A_275 = vector.extract %reduce_sum3A_274[0, 0] : f32 from vector<1x1xf32>
    %mul3A_276 = arith.mulf %reduce_sum3A_259, %get3A_162 : vector<64x256xf32>
    %reduce_sum3A_277 = arith.constant dense<0.000000e+00> : vector<256xf32>
    %reduce_sum3A_278 = vector.multi_reduction <add>, %mul3A_276, %reduce_sum3A_277 [0] : vector<64x256xf32> to vector<256xf32>
    %reduce_sum3A_279 = vector.shape_cast %reduce_sum3A_278 : vector<256xf32> to vector<1x256xf32>
    %reduce_sum3A_280 = arith.constant dense<0.000000e+00> : vector<1xf32>
    %reduce_sum3A_281 = vector.multi_reduction <add>, %reduce_sum3A_279, %reduce_sum3A_280 [1] : vector<1x256xf32> to vector<1xf32>
    %reduce_sum3A_282 = vector.shape_cast %reduce_sum3A_281 : vector<1xf32> to vector<1x1xf32>
    %reduce_sum3A_283 = vector.extract %reduce_sum3A_282[0, 0] : f32 from vector<1x1xf32>
    %broadcast_in_dim3A_284 = vector.shape_cast %get3A_177 : vector<64x256xf32> to vector<1x64x256xf32>
    %mul3A_285 = vector.broadcast %broadcast_in_dim3A_284 : vector<1x64x256xf32> to vector<64x64x256xf32>
    %mul3A_286 = arith.mulf %mul3A_139, %mul3A_285 : vector<64x64x256xf32>
    %reduce_sum3A_287 = arith.constant dense<0.000000e+00> : vector<64x256xf32>
    %reduce_sum3A_288 = vector.multi_reduction <add>, %mul3A_286, %reduce_sum3A_287 [1] : vector<64x64x256xf32> to vector<64x256xf32>
    %mul3A_289 = arith.mulf %reduce_sum3A_288, %get3A_152 : vector<64x256xf32>
    %reduce_sum3A_290 = arith.constant dense<0.000000e+00> : vector<256xf32>
    %reduce_sum3A_291 = vector.multi_reduction <add>, %mul3A_289, %reduce_sum3A_290 [0] : vector<64x256xf32> to vector<256xf32>
    %reduce_sum3A_292 = vector.shape_cast %reduce_sum3A_291 : vector<256xf32> to vector<1x256xf32>
    %reduce_sum3A_293 = arith.constant dense<0.000000e+00> : vector<1xf32>
    %reduce_sum3A_294 = vector.multi_reduction <add>, %reduce_sum3A_292, %reduce_sum3A_293 [1] : vector<1x256xf32> to vector<1xf32>
    %reduce_sum3A_295 = vector.shape_cast %reduce_sum3A_294 : vector<1xf32> to vector<1x1xf32>
    %reduce_sum3A_296 = vector.extract %reduce_sum3A_295[0, 0] : f32 from vector<1x1xf32>
    %mul3A_297 = arith.mulf %reduce_sum3A_288, %get3A_157 : vector<64x256xf32>
    %reduce_sum3A_298 = arith.constant dense<0.000000e+00> : vector<256xf32>
    %reduce_sum3A_299 = vector.multi_reduction <add>, %mul3A_297, %reduce_sum3A_298 [0] : vector<64x256xf32> to vector<256xf32>
    %reduce_sum3A_300 = vector.shape_cast %reduce_sum3A_299 : vector<256xf32> to vector<1x256xf32>
    %reduce_sum3A_301 = arith.constant dense<0.000000e+00> : vector<1xf32>
    %reduce_sum3A_302 = vector.multi_reduction <add>, %reduce_sum3A_300, %reduce_sum3A_301 [1] : vector<1x256xf32> to vector<1xf32>
    %reduce_sum3A_303 = vector.shape_cast %reduce_sum3A_302 : vector<1xf32> to vector<1x1xf32>
    %reduce_sum3A_304 = vector.extract %reduce_sum3A_303[0, 0] : f32 from vector<1x1xf32>
    %mul3A_305 = arith.mulf %reduce_sum3A_288, %get3A_162 : vector<64x256xf32>
    %reduce_sum3A_306 = arith.constant dense<0.000000e+00> : vector<256xf32>
    %reduce_sum3A_307 = vector.multi_reduction <add>, %mul3A_305, %reduce_sum3A_306 [0] : vector<64x256xf32> to vector<256xf32>
    %reduce_sum3A_308 = vector.shape_cast %reduce_sum3A_307 : vector<256xf32> to vector<1x256xf32>
    %reduce_sum3A_309 = arith.constant dense<0.000000e+00> : vector<1xf32>
    %reduce_sum3A_310 = vector.multi_reduction <add>, %reduce_sum3A_308, %reduce_sum3A_309 [1] : vector<1x256xf32> to vector<1xf32>
    %reduce_sum3A_311 = vector.shape_cast %reduce_sum3A_310 : vector<1xf32> to vector<1x1xf32>
    %reduce_sum3A_312 = vector.extract %reduce_sum3A_311[0, 0] : f32 from vector<1x1xf32>
    %add3A = arith.constant 9.99999993E-9 : f32
    %add3A_313 = arith.addf %reduce_sum3A_147, %add3A : f32
    %div3A = arith.divf %reduce_sum3A_185, %add3A_313 : f32
    %div3A_314 = arith.divf %reduce_sum3A_193, %add3A_313 : f32
    %div3A_315 = arith.divf %reduce_sum3A_201, %add3A_313 : f32
    %div3A_316 = arith.divf %reduce_sum3A_209, %add3A_313 : f32
    %div3A_317 = arith.divf %reduce_sum3A_217, %add3A_313 : f32
    %div3A_318 = arith.divf %reduce_sum3A_225, %add3A_313 : f32
    %mul3A_319 = arith.mulf %div3A_316, %reduce_sum3A_185 : f32
    %sub3A = arith.subf %reduce_sum3A_238, %mul3A_319 : f32
    %mul3A_320 = arith.mulf %reduce_sum3A_209, %div3A : f32
    %sub3A_321 = arith.subf %sub3A, %mul3A_320 : f32
    %mul3A_322 = arith.mulf %reduce_sum3A_147, %div3A_316 : f32
    %mul3A_323 = arith.mulf %mul3A_322, %div3A : f32
    %add3A_324 = arith.addf %sub3A_321, %mul3A_323 : f32
    %mul3A_325 = arith.mulf %div3A_316, %reduce_sum3A_193 : f32
    %sub3A_326 = arith.subf %reduce_sum3A_246, %mul3A_325 : f32
    %mul3A_327 = arith.mulf %reduce_sum3A_209, %div3A_314 : f32
    %sub3A_328 = arith.subf %sub3A_326, %mul3A_327 : f32
    %mul3A_329 = arith.mulf %reduce_sum3A_147, %div3A_316 : f32
    %mul3A_330 = arith.mulf %mul3A_329, %div3A_314 : f32
    %add3A_331 = arith.addf %sub3A_328, %mul3A_330 : f32
    %mul3A_332 = arith.mulf %div3A_316, %reduce_sum3A_201 : f32
    %sub3A_333 = arith.subf %reduce_sum3A_254, %mul3A_332 : f32
    %mul3A_334 = arith.mulf %reduce_sum3A_209, %div3A_315 : f32
    %sub3A_335 = arith.subf %sub3A_333, %mul3A_334 : f32
    %mul3A_336 = arith.mulf %reduce_sum3A_147, %div3A_316 : f32
    %mul3A_337 = arith.mulf %mul3A_336, %div3A_315 : f32
    %add3A_338 = arith.addf %sub3A_335, %mul3A_337 : f32
    %mul3A_339 = arith.mulf %div3A_317, %reduce_sum3A_185 : f32
    %sub3A_340 = arith.subf %reduce_sum3A_267, %mul3A_339 : f32
    %mul3A_341 = arith.mulf %reduce_sum3A_217, %div3A : f32
    %sub3A_342 = arith.subf %sub3A_340, %mul3A_341 : f32
    %mul3A_343 = arith.mulf %reduce_sum3A_147, %div3A_317 : f32
    %mul3A_344 = arith.mulf %mul3A_343, %div3A : f32
    %add3A_345 = arith.addf %sub3A_342, %mul3A_344 : f32
    %mul3A_346 = arith.mulf %div3A_317, %reduce_sum3A_193 : f32
    %sub3A_347 = arith.subf %reduce_sum3A_275, %mul3A_346 : f32
    %mul3A_348 = arith.mulf %reduce_sum3A_217, %div3A_314 : f32
    %sub3A_349 = arith.subf %sub3A_347, %mul3A_348 : f32
    %mul3A_350 = arith.mulf %reduce_sum3A_147, %div3A_317 : f32
    %mul3A_351 = arith.mulf %mul3A_350, %div3A_314 : f32
    %add3A_352 = arith.addf %sub3A_349, %mul3A_351 : f32
    %mul3A_353 = arith.mulf %div3A_317, %reduce_sum3A_201 : f32
    %sub3A_354 = arith.subf %reduce_sum3A_283, %mul3A_353 : f32
    %mul3A_355 = arith.mulf %reduce_sum3A_217, %div3A_315 : f32
    %sub3A_356 = arith.subf %sub3A_354, %mul3A_355 : f32
    %mul3A_357 = arith.mulf %reduce_sum3A_147, %div3A_317 : f32
    %mul3A_358 = arith.mulf %mul3A_357, %div3A_315 : f32
    %add3A_359 = arith.addf %sub3A_356, %mul3A_358 : f32
    %mul3A_360 = arith.mulf %div3A_318, %reduce_sum3A_185 : f32
    %sub3A_361 = arith.subf %reduce_sum3A_296, %mul3A_360 : f32
    %mul3A_362 = arith.mulf %reduce_sum3A_225, %div3A : f32
    %sub3A_363 = arith.subf %sub3A_361, %mul3A_362 : f32
    %mul3A_364 = arith.mulf %reduce_sum3A_147, %div3A_318 : f32
    %mul3A_365 = arith.mulf %mul3A_364, %div3A : f32
    %add3A_366 = arith.addf %sub3A_363, %mul3A_365 : f32
    %mul3A_367 = arith.mulf %div3A_318, %reduce_sum3A_193 : f32
    %sub3A_368 = arith.subf %reduce_sum3A_304, %mul3A_367 : f32
    %mul3A_369 = arith.mulf %reduce_sum3A_225, %div3A_314 : f32
    %sub3A_370 = arith.subf %sub3A_368, %mul3A_369 : f32
    %mul3A_371 = arith.mulf %reduce_sum3A_147, %div3A_318 : f32
    %mul3A_372 = arith.mulf %mul3A_371, %div3A_314 : f32
    %add3A_373 = arith.addf %sub3A_370, %mul3A_372 : f32
    %mul3A_374 = arith.mulf %div3A_318, %reduce_sum3A_201 : f32
    %sub3A_375 = arith.subf %reduce_sum3A_312, %mul3A_374 : f32
    %mul3A_376 = arith.mulf %reduce_sum3A_225, %div3A_315 : f32
    %sub3A_377 = arith.subf %sub3A_375, %mul3A_376 : f32
    %mul3A_378 = arith.mulf %reduce_sum3A_147, %div3A_318 : f32
    %mul3A_379 = arith.mulf %mul3A_378, %div3A_315 : f32
    %add3A_380 = arith.addf %sub3A_377, %mul3A_379 : f32
    %add3A_381 = arith.addf %add3A_324, %add3A_352 : f32
    %add3A_382 = arith.addf %add3A_381, %add3A_380 : f32
    %sub3A_383 = arith.subf %add3A_359, %add3A_373 : f32
    %sub3A_384 = arith.subf %add3A_366, %add3A_338 : f32
    %sub3A_385 = arith.subf %add3A_331, %add3A_345 : f32
    %sub3A_386 = arith.subf %add3A_324, %add3A_352 : f32
    %sub3A_387 = arith.subf %sub3A_386, %add3A_380 : f32
    %add3A_388 = arith.addf %add3A_331, %add3A_345 : f32
    %add3A_389 = arith.addf %add3A_366, %add3A_338 : f32
    %neg3A_390 = arith.constant 0.000000e+00 : f32
    %neg3A_391 = arith.subf %neg3A_390, %add3A_324 : f32
    %add3A_392 = arith.addf %neg3A_391, %add3A_352 : f32
    %sub3A_393 = arith.subf %add3A_392, %add3A_380 : f32
    %add3A_394 = arith.addf %add3A_359, %add3A_373 : f32
    %neg3A_395 = arith.constant 0.000000e+00 : f32
    %neg3A_396 = arith.subf %neg3A_395, %add3A_324 : f32
    %sub3A_397 = arith.subf %neg3A_396, %add3A_352 : f32
    %add3A_398 = arith.addf %sub3A_397, %add3A_380 : f32
    %sub3A_399 = arith.subf %sub3A_387, %add3A_382 : f32
    %mul3A_400 = arith.constant 2.000000e+00 : f32
    %mul3A_401 = arith.mulf %mul3A_400, %sub3A_383 : f32
    %add3A_402 = arith.constant 1.000000e-30 : f32
    %add3A_403 = arith.addf %mul3A_401, %add3A_402 : f32
    %div3A_404 = arith.divf %sub3A_399, %add3A_403 : f32
    %ge3A = arith.constant 0.000000e+00 : f32
    %ge3A_405 = arith.cmpf oge, %div3A_404, %ge3A : f32
    %jit3A_406 = arith.constant 1.000000e+00 : f32
    %jit3A_407 = arith.constant -1.000000e+00 : f32
    %select_n3A_408 = arith.select %ge3A_405, %jit3A_406, %jit3A_407 : f32
    %abs3A = math.absf %div3A_404 : f32
    %mul3A_409 = arith.mulf %div3A_404, %div3A_404 : f32
    %add3A_410 = arith.constant 1.000000e+00 : f32
    %add3A_411 = arith.addf %add3A_410, %mul3A_409 : f32
    %sqrt3A = math.sqrt %add3A_411 : f32
    %add3A_412 = arith.addf %abs3A, %sqrt3A : f32
    %div3A_413 = arith.divf %select_n3A_408, %add3A_412 : f32
    %abs3A_414 = math.absf %sub3A_383 : f32
    %lt3A = arith.constant 9.99999996E-13 : f32
    %lt3A_415 = arith.cmpf olt, %abs3A_414, %lt3A : f32
    %mul3A_416 = arith.mulf %div3A_413, %div3A_413 : f32
    %add3A_417 = arith.constant 1.000000e+00 : f32
    %add3A_418 = arith.addf %add3A_417, %mul3A_416 : f32
    %sqrt3A_419 = math.sqrt %add3A_418 : f32
    %div3A_420 = arith.constant 1.000000e+00 : f32
    %div3A_421 = arith.divf %div3A_420, %sqrt3A_419 : f32
    %jit3A_422 = arith.constant 1.000000e+00 : f32
    %select_n3A_423 = arith.select %lt3A_415, %jit3A_422, %div3A_421 : f32
    %mul3A_424 = arith.mulf %div3A_413, %select_n3A_423 : f32
    %jit3A_425 = arith.constant 0.000000e+00 : f32
    %select_n3A_426 = arith.select %lt3A_415, %jit3A_425, %mul3A_424 : f32
    %mul3A_427 = arith.mulf %select_n3A_423, %sub3A_384 : f32
    %mul3A_428 = arith.mulf %select_n3A_426, %add3A_388 : f32
    %sub3A_429 = arith.subf %mul3A_427, %mul3A_428 : f32
    %mul3A_430 = arith.mulf %select_n3A_426, %sub3A_384 : f32
    %mul3A_431 = arith.mulf %select_n3A_423, %add3A_388 : f32
    %add3A_432 = arith.addf %mul3A_430, %mul3A_431 : f32
    %mul3A_433 = arith.mulf %select_n3A_423, %sub3A_385 : f32
    %mul3A_434 = arith.mulf %select_n3A_426, %add3A_389 : f32
    %sub3A_435 = arith.subf %mul3A_433, %mul3A_434 : f32
    %mul3A_436 = arith.mulf %select_n3A_426, %sub3A_385 : f32
    %mul3A_437 = arith.mulf %select_n3A_423, %add3A_389 : f32
    %add3A_438 = arith.addf %mul3A_436, %mul3A_437 : f32
    %mul3A_439 = arith.mulf %div3A_413, %sub3A_383 : f32
    %sub3A_440 = arith.subf %add3A_382, %mul3A_439 : f32
    %mul3A_441 = arith.mulf %div3A_413, %sub3A_383 : f32
    %add3A_442 = arith.addf %sub3A_387, %mul3A_441 : f32
    %mul3A_443 = arith.constant 0.000000e+00 : f32
    %mul3A_444 = arith.mulf %mul3A_443, %sub3A_383 : f32
    %mul3A_445 = arith.constant 1.000000e+00 : f32
    %mul3A_446 = arith.mulf %select_n3A_423, %mul3A_445 : f32
    %mul3A_447 = arith.constant 0.000000e+00 : f32
    %mul3A_448 = arith.mulf %select_n3A_426, %mul3A_447 : f32
    %sub3A_449 = arith.subf %mul3A_446, %mul3A_448 : f32
    %mul3A_450 = arith.constant 1.000000e+00 : f32
    %mul3A_451 = arith.mulf %select_n3A_426, %mul3A_450 : f32
    %mul3A_452 = arith.constant 0.000000e+00 : f32
    %mul3A_453 = arith.mulf %select_n3A_423, %mul3A_452 : f32
    %add3A_454 = arith.addf %mul3A_451, %mul3A_453 : f32
    %mul3A_455 = arith.constant 0.000000e+00 : f32
    %mul3A_456 = arith.mulf %select_n3A_423, %mul3A_455 : f32
    %mul3A_457 = arith.constant 1.000000e+00 : f32
    %mul3A_458 = arith.mulf %select_n3A_426, %mul3A_457 : f32
    %sub3A_459 = arith.subf %mul3A_456, %mul3A_458 : f32
    %mul3A_460 = arith.constant 0.000000e+00 : f32
    %mul3A_461 = arith.mulf %select_n3A_426, %mul3A_460 : f32
    %mul3A_462 = arith.constant 1.000000e+00 : f32
    %mul3A_463 = arith.mulf %select_n3A_423, %mul3A_462 : f32
    %add3A_464 = arith.addf %mul3A_461, %mul3A_463 : f32
    %mul3A_465 = arith.constant 0.000000e+00 : f32
    %mul3A_466 = arith.mulf %select_n3A_423, %mul3A_465 : f32
    %mul3A_467 = arith.constant 0.000000e+00 : f32
    %mul3A_468 = arith.mulf %select_n3A_426, %mul3A_467 : f32
    %sub3A_469 = arith.subf %mul3A_466, %mul3A_468 : f32
    %mul3A_470 = arith.constant 0.000000e+00 : f32
    %mul3A_471 = arith.mulf %select_n3A_426, %mul3A_470 : f32
    %mul3A_472 = arith.constant 0.000000e+00 : f32
    %mul3A_473 = arith.mulf %select_n3A_423, %mul3A_472 : f32
    %add3A_474 = arith.addf %mul3A_471, %mul3A_473 : f32
    %mul3A_475 = arith.constant 0.000000e+00 : f32
    %mul3A_476 = arith.mulf %select_n3A_423, %mul3A_475 : f32
    %mul3A_477 = arith.constant 0.000000e+00 : f32
    %mul3A_478 = arith.mulf %select_n3A_426, %mul3A_477 : f32
    %sub3A_479 = arith.subf %mul3A_476, %mul3A_478 : f32
    %mul3A_480 = arith.constant 0.000000e+00 : f32
    %mul3A_481 = arith.mulf %select_n3A_426, %mul3A_480 : f32
    %mul3A_482 = arith.constant 0.000000e+00 : f32
    %mul3A_483 = arith.mulf %select_n3A_423, %mul3A_482 : f32
    %add3A_484 = arith.addf %mul3A_481, %mul3A_483 : f32
    %sub3A_485 = arith.subf %sub3A_393, %sub3A_440 : f32
    %mul3A_486 = arith.constant 2.000000e+00 : f32
    %mul3A_487 = arith.mulf %mul3A_486, %sub3A_429 : f32
    %add3A_488 = arith.constant 1.000000e-30 : f32
    %add3A_489 = arith.addf %mul3A_487, %add3A_488 : f32
    %div3A_490 = arith.divf %sub3A_485, %add3A_489 : f32
    %ge3A_491 = arith.constant 0.000000e+00 : f32
    %ge3A_492 = arith.cmpf oge, %div3A_490, %ge3A_491 : f32
    %jit3A_493 = arith.constant 1.000000e+00 : f32
    %jit3A_494 = arith.constant -1.000000e+00 : f32
    %select_n3A_495 = arith.select %ge3A_492, %jit3A_493, %jit3A_494 : f32
    %abs3A_496 = math.absf %div3A_490 : f32
    %mul3A_497 = arith.mulf %div3A_490, %div3A_490 : f32
    %add3A_498 = arith.constant 1.000000e+00 : f32
    %add3A_499 = arith.addf %add3A_498, %mul3A_497 : f32
    %sqrt3A_500 = math.sqrt %add3A_499 : f32
    %add3A_501 = arith.addf %abs3A_496, %sqrt3A_500 : f32
    %div3A_502 = arith.divf %select_n3A_495, %add3A_501 : f32
    %abs3A_503 = math.absf %sub3A_429 : f32
    %lt3A_504 = arith.constant 9.99999996E-13 : f32
    %lt3A_505 = arith.cmpf olt, %abs3A_503, %lt3A_504 : f32
    %mul3A_506 = arith.mulf %div3A_502, %div3A_502 : f32
    %add3A_507 = arith.constant 1.000000e+00 : f32
    %add3A_508 = arith.addf %add3A_507, %mul3A_506 : f32
    %sqrt3A_509 = math.sqrt %add3A_508 : f32
    %div3A_510 = arith.constant 1.000000e+00 : f32
    %div3A_511 = arith.divf %div3A_510, %sqrt3A_509 : f32
    %jit3A_512 = arith.constant 1.000000e+00 : f32
    %select_n3A_513 = arith.select %lt3A_505, %jit3A_512, %div3A_511 : f32
    %mul3A_514 = arith.mulf %div3A_502, %select_n3A_513 : f32
    %jit3A_515 = arith.constant 0.000000e+00 : f32
    %select_n3A_516 = arith.select %lt3A_505, %jit3A_515, %mul3A_514 : f32
    %mul3A_517 = arith.mulf %select_n3A_513, %mul3A_444 : f32
    %mul3A_518 = arith.mulf %select_n3A_516, %add3A_432 : f32
    %sub3A_519 = arith.subf %mul3A_517, %mul3A_518 : f32
    %mul3A_520 = arith.mulf %select_n3A_516, %mul3A_444 : f32
    %mul3A_521 = arith.mulf %select_n3A_513, %add3A_432 : f32
    %add3A_522 = arith.addf %mul3A_520, %mul3A_521 : f32
    %mul3A_523 = arith.mulf %select_n3A_513, %sub3A_435 : f32
    %mul3A_524 = arith.mulf %select_n3A_516, %add3A_394 : f32
    %sub3A_525 = arith.subf %mul3A_523, %mul3A_524 : f32
    %mul3A_526 = arith.mulf %select_n3A_516, %sub3A_435 : f32
    %mul3A_527 = arith.mulf %select_n3A_513, %add3A_394 : f32
    %add3A_528 = arith.addf %mul3A_526, %mul3A_527 : f32
    %mul3A_529 = arith.mulf %div3A_502, %sub3A_429 : f32
    %sub3A_530 = arith.subf %sub3A_440, %mul3A_529 : f32
    %mul3A_531 = arith.mulf %div3A_502, %sub3A_429 : f32
    %add3A_532 = arith.addf %sub3A_393, %mul3A_531 : f32
    %mul3A_533 = arith.constant 0.000000e+00 : f32
    %mul3A_534 = arith.mulf %mul3A_533, %sub3A_429 : f32
    %mul3A_535 = arith.mulf %select_n3A_513, %sub3A_449 : f32
    %mul3A_536 = arith.constant 0.000000e+00 : f32
    %mul3A_537 = arith.mulf %select_n3A_516, %mul3A_536 : f32
    %sub3A_538 = arith.subf %mul3A_535, %mul3A_537 : f32
    %mul3A_539 = arith.mulf %select_n3A_516, %sub3A_449 : f32
    %mul3A_540 = arith.constant 0.000000e+00 : f32
    %mul3A_541 = arith.mulf %select_n3A_513, %mul3A_540 : f32
    %add3A_542 = arith.addf %mul3A_539, %mul3A_541 : f32
    %mul3A_543 = arith.mulf %select_n3A_513, %sub3A_459 : f32
    %mul3A_544 = arith.constant 0.000000e+00 : f32
    %mul3A_545 = arith.mulf %select_n3A_516, %mul3A_544 : f32
    %sub3A_546 = arith.subf %mul3A_543, %mul3A_545 : f32
    %mul3A_547 = arith.mulf %select_n3A_516, %sub3A_459 : f32
    %mul3A_548 = arith.constant 0.000000e+00 : f32
    %mul3A_549 = arith.mulf %select_n3A_513, %mul3A_548 : f32
    %add3A_550 = arith.addf %mul3A_547, %mul3A_549 : f32
    %mul3A_551 = arith.mulf %select_n3A_513, %sub3A_469 : f32
    %mul3A_552 = arith.constant 1.000000e+00 : f32
    %mul3A_553 = arith.mulf %select_n3A_516, %mul3A_552 : f32
    %sub3A_554 = arith.subf %mul3A_551, %mul3A_553 : f32
    %mul3A_555 = arith.mulf %select_n3A_516, %sub3A_469 : f32
    %mul3A_556 = arith.constant 1.000000e+00 : f32
    %mul3A_557 = arith.mulf %select_n3A_513, %mul3A_556 : f32
    %add3A_558 = arith.addf %mul3A_555, %mul3A_557 : f32
    %mul3A_559 = arith.mulf %select_n3A_513, %sub3A_479 : f32
    %mul3A_560 = arith.constant 0.000000e+00 : f32
    %mul3A_561 = arith.mulf %select_n3A_516, %mul3A_560 : f32
    %sub3A_562 = arith.subf %mul3A_559, %mul3A_561 : f32
    %mul3A_563 = arith.mulf %select_n3A_516, %sub3A_479 : f32
    %mul3A_564 = arith.constant 0.000000e+00 : f32
    %mul3A_565 = arith.mulf %select_n3A_513, %mul3A_564 : f32
    %add3A_566 = arith.addf %mul3A_563, %mul3A_565 : f32
    %sub3A_567 = arith.subf %add3A_398, %sub3A_530 : f32
    %mul3A_568 = arith.constant 2.000000e+00 : f32
    %mul3A_569 = arith.mulf %mul3A_568, %sub3A_525 : f32
    %add3A_570 = arith.constant 1.000000e-30 : f32
    %add3A_571 = arith.addf %mul3A_569, %add3A_570 : f32
    %div3A_572 = arith.divf %sub3A_567, %add3A_571 : f32
    %ge3A_573 = arith.constant 0.000000e+00 : f32
    %ge3A_574 = arith.cmpf oge, %div3A_572, %ge3A_573 : f32
    %jit3A_575 = arith.constant 1.000000e+00 : f32
    %jit3A_576 = arith.constant -1.000000e+00 : f32
    %select_n3A_577 = arith.select %ge3A_574, %jit3A_575, %jit3A_576 : f32
    %abs3A_578 = math.absf %div3A_572 : f32
    %mul3A_579 = arith.mulf %div3A_572, %div3A_572 : f32
    %add3A_580 = arith.constant 1.000000e+00 : f32
    %add3A_581 = arith.addf %add3A_580, %mul3A_579 : f32
    %sqrt3A_582 = math.sqrt %add3A_581 : f32
    %add3A_583 = arith.addf %abs3A_578, %sqrt3A_582 : f32
    %div3A_584 = arith.divf %select_n3A_577, %add3A_583 : f32
    %abs3A_585 = math.absf %sub3A_525 : f32
    %lt3A_586 = arith.constant 9.99999996E-13 : f32
    %lt3A_587 = arith.cmpf olt, %abs3A_585, %lt3A_586 : f32
    %mul3A_588 = arith.mulf %div3A_584, %div3A_584 : f32
    %add3A_589 = arith.constant 1.000000e+00 : f32
    %add3A_590 = arith.addf %add3A_589, %mul3A_588 : f32
    %sqrt3A_591 = math.sqrt %add3A_590 : f32
    %div3A_592 = arith.constant 1.000000e+00 : f32
    %div3A_593 = arith.divf %div3A_592, %sqrt3A_591 : f32
    %jit3A_594 = arith.constant 1.000000e+00 : f32
    %select_n3A_595 = arith.select %lt3A_587, %jit3A_594, %div3A_593 : f32
    %mul3A_596 = arith.mulf %div3A_584, %select_n3A_595 : f32
    %jit3A_597 = arith.constant 0.000000e+00 : f32
    %select_n3A_598 = arith.select %lt3A_587, %jit3A_597, %mul3A_596 : f32
    %mul3A_599 = arith.mulf %select_n3A_595, %sub3A_519 : f32
    %mul3A_600 = arith.mulf %select_n3A_598, %add3A_438 : f32
    %sub3A_601 = arith.subf %mul3A_599, %mul3A_600 : f32
    %mul3A_602 = arith.mulf %select_n3A_598, %sub3A_519 : f32
    %mul3A_603 = arith.mulf %select_n3A_595, %add3A_438 : f32
    %add3A_604 = arith.addf %mul3A_602, %mul3A_603 : f32
    %mul3A_605 = arith.mulf %select_n3A_595, %mul3A_534 : f32
    %mul3A_606 = arith.mulf %select_n3A_598, %add3A_528 : f32
    %sub3A_607 = arith.subf %mul3A_605, %mul3A_606 : f32
    %mul3A_608 = arith.mulf %select_n3A_598, %mul3A_534 : f32
    %mul3A_609 = arith.mulf %select_n3A_595, %add3A_528 : f32
    %add3A_610 = arith.addf %mul3A_608, %mul3A_609 : f32
    %mul3A_611 = arith.mulf %div3A_584, %sub3A_525 : f32
    %sub3A_612 = arith.subf %sub3A_530, %mul3A_611 : f32
    %mul3A_613 = arith.mulf %div3A_584, %sub3A_525 : f32
    %add3A_614 = arith.addf %add3A_398, %mul3A_613 : f32
    %mul3A_615 = arith.constant 0.000000e+00 : f32
    %mul3A_616 = arith.mulf %mul3A_615, %sub3A_525 : f32
    %mul3A_617 = arith.mulf %select_n3A_595, %sub3A_538 : f32
    %mul3A_618 = arith.constant 0.000000e+00 : f32
    %mul3A_619 = arith.mulf %select_n3A_598, %mul3A_618 : f32
    %sub3A_620 = arith.subf %mul3A_617, %mul3A_619 : f32
    %mul3A_621 = arith.mulf %select_n3A_598, %sub3A_538 : f32
    %mul3A_622 = arith.constant 0.000000e+00 : f32
    %mul3A_623 = arith.mulf %select_n3A_595, %mul3A_622 : f32
    %add3A_624 = arith.addf %mul3A_621, %mul3A_623 : f32
    %mul3A_625 = arith.mulf %select_n3A_595, %sub3A_546 : f32
    %mul3A_626 = arith.constant 0.000000e+00 : f32
    %mul3A_627 = arith.mulf %select_n3A_598, %mul3A_626 : f32
    %sub3A_628 = arith.subf %mul3A_625, %mul3A_627 : f32
    %mul3A_629 = arith.mulf %select_n3A_598, %sub3A_546 : f32
    %mul3A_630 = arith.constant 0.000000e+00 : f32
    %mul3A_631 = arith.mulf %select_n3A_595, %mul3A_630 : f32
    %add3A_632 = arith.addf %mul3A_629, %mul3A_631 : f32
    %mul3A_633 = arith.mulf %select_n3A_595, %sub3A_554 : f32
    %mul3A_634 = arith.constant 0.000000e+00 : f32
    %mul3A_635 = arith.mulf %select_n3A_598, %mul3A_634 : f32
    %sub3A_636 = arith.subf %mul3A_633, %mul3A_635 : f32
    %mul3A_637 = arith.mulf %select_n3A_598, %sub3A_554 : f32
    %mul3A_638 = arith.constant 0.000000e+00 : f32
    %mul3A_639 = arith.mulf %select_n3A_595, %mul3A_638 : f32
    %add3A_640 = arith.addf %mul3A_637, %mul3A_639 : f32
    %mul3A_641 = arith.mulf %select_n3A_595, %sub3A_562 : f32
    %mul3A_642 = arith.constant 1.000000e+00 : f32
    %mul3A_643 = arith.mulf %select_n3A_598, %mul3A_642 : f32
    %sub3A_644 = arith.subf %mul3A_641, %mul3A_643 : f32
    %mul3A_645 = arith.mulf %select_n3A_598, %sub3A_562 : f32
    %mul3A_646 = arith.constant 1.000000e+00 : f32
    %mul3A_647 = arith.mulf %select_n3A_595, %mul3A_646 : f32
    %add3A_648 = arith.addf %mul3A_645, %mul3A_647 : f32
    %sub3A_649 = arith.subf %add3A_532, %add3A_442 : f32
    %mul3A_650 = arith.constant 2.000000e+00 : f32
    %mul3A_651 = arith.mulf %mul3A_650, %add3A_522 : f32
    %add3A_652 = arith.constant 1.000000e-30 : f32
    %add3A_653 = arith.addf %mul3A_651, %add3A_652 : f32
    %div3A_654 = arith.divf %sub3A_649, %add3A_653 : f32
    %ge3A_655 = arith.constant 0.000000e+00 : f32
    %ge3A_656 = arith.cmpf oge, %div3A_654, %ge3A_655 : f32
    %jit3A_657 = arith.constant 1.000000e+00 : f32
    %jit3A_658 = arith.constant -1.000000e+00 : f32
    %select_n3A_659 = arith.select %ge3A_656, %jit3A_657, %jit3A_658 : f32
    %abs3A_660 = math.absf %div3A_654 : f32
    %mul3A_661 = arith.mulf %div3A_654, %div3A_654 : f32
    %add3A_662 = arith.constant 1.000000e+00 : f32
    %add3A_663 = arith.addf %add3A_662, %mul3A_661 : f32
    %sqrt3A_664 = math.sqrt %add3A_663 : f32
    %add3A_665 = arith.addf %abs3A_660, %sqrt3A_664 : f32
    %div3A_666 = arith.divf %select_n3A_659, %add3A_665 : f32
    %abs3A_667 = math.absf %add3A_522 : f32
    %lt3A_668 = arith.constant 9.99999996E-13 : f32
    %lt3A_669 = arith.cmpf olt, %abs3A_667, %lt3A_668 : f32
    %mul3A_670 = arith.mulf %div3A_666, %div3A_666 : f32
    %add3A_671 = arith.constant 1.000000e+00 : f32
    %add3A_672 = arith.addf %add3A_671, %mul3A_670 : f32
    %sqrt3A_673 = math.sqrt %add3A_672 : f32
    %div3A_674 = arith.constant 1.000000e+00 : f32
    %div3A_675 = arith.divf %div3A_674, %sqrt3A_673 : f32
    %jit3A_676 = arith.constant 1.000000e+00 : f32
    %select_n3A_677 = arith.select %lt3A_669, %jit3A_676, %div3A_675 : f32
    %mul3A_678 = arith.mulf %div3A_666, %select_n3A_677 : f32
    %jit3A_679 = arith.constant 0.000000e+00 : f32
    %select_n3A_680 = arith.select %lt3A_669, %jit3A_679, %mul3A_678 : f32
    %mul3A_681 = arith.mulf %select_n3A_677, %sub3A_601 : f32
    %mul3A_682 = arith.mulf %select_n3A_680, %sub3A_607 : f32
    %sub3A_683 = arith.subf %mul3A_681, %mul3A_682 : f32
    %mul3A_684 = arith.mulf %select_n3A_680, %sub3A_601 : f32
    %mul3A_685 = arith.mulf %select_n3A_677, %sub3A_607 : f32
    %add3A_686 = arith.addf %mul3A_684, %mul3A_685 : f32
    %mul3A_687 = arith.mulf %select_n3A_677, %add3A_604 : f32
    %mul3A_688 = arith.mulf %select_n3A_680, %add3A_610 : f32
    %sub3A_689 = arith.subf %mul3A_687, %mul3A_688 : f32
    %mul3A_690 = arith.mulf %select_n3A_680, %add3A_604 : f32
    %mul3A_691 = arith.mulf %select_n3A_677, %add3A_610 : f32
    %add3A_692 = arith.addf %mul3A_690, %mul3A_691 : f32
    %mul3A_693 = arith.mulf %div3A_666, %add3A_522 : f32
    %sub3A_694 = arith.subf %add3A_442, %mul3A_693 : f32
    %mul3A_695 = arith.mulf %div3A_666, %add3A_522 : f32
    %add3A_696 = arith.addf %add3A_532, %mul3A_695 : f32
    %mul3A_697 = arith.constant 0.000000e+00 : f32
    %mul3A_698 = arith.mulf %mul3A_697, %add3A_522 : f32
    %mul3A_699 = arith.mulf %select_n3A_677, %add3A_454 : f32
    %mul3A_700 = arith.mulf %select_n3A_680, %add3A_542 : f32
    %sub3A_701 = arith.subf %mul3A_699, %mul3A_700 : f32
    %mul3A_702 = arith.mulf %select_n3A_680, %add3A_454 : f32
    %mul3A_703 = arith.mulf %select_n3A_677, %add3A_542 : f32
    %add3A_704 = arith.addf %mul3A_702, %mul3A_703 : f32
    %mul3A_705 = arith.mulf %select_n3A_677, %add3A_464 : f32
    %mul3A_706 = arith.mulf %select_n3A_680, %add3A_550 : f32
    %sub3A_707 = arith.subf %mul3A_705, %mul3A_706 : f32
    %mul3A_708 = arith.mulf %select_n3A_680, %add3A_464 : f32
    %mul3A_709 = arith.mulf %select_n3A_677, %add3A_550 : f32
    %add3A_710 = arith.addf %mul3A_708, %mul3A_709 : f32
    %mul3A_711 = arith.mulf %select_n3A_677, %add3A_474 : f32
    %mul3A_712 = arith.mulf %select_n3A_680, %add3A_558 : f32
    %sub3A_713 = arith.subf %mul3A_711, %mul3A_712 : f32
    %mul3A_714 = arith.mulf %select_n3A_680, %add3A_474 : f32
    %mul3A_715 = arith.mulf %select_n3A_677, %add3A_558 : f32
    %add3A_716 = arith.addf %mul3A_714, %mul3A_715 : f32
    %mul3A_717 = arith.mulf %select_n3A_677, %add3A_484 : f32
    %mul3A_718 = arith.mulf %select_n3A_680, %add3A_566 : f32
    %sub3A_719 = arith.subf %mul3A_717, %mul3A_718 : f32
    %mul3A_720 = arith.mulf %select_n3A_680, %add3A_484 : f32
    %mul3A_721 = arith.mulf %select_n3A_677, %add3A_566 : f32
    %add3A_722 = arith.addf %mul3A_720, %mul3A_721 : f32
    %sub3A_723 = arith.subf %add3A_614, %sub3A_694 : f32
    %mul3A_724 = arith.constant 2.000000e+00 : f32
    %mul3A_725 = arith.mulf %mul3A_724, %sub3A_689 : f32
    %add3A_726 = arith.constant 1.000000e-30 : f32
    %add3A_727 = arith.addf %mul3A_725, %add3A_726 : f32
    %div3A_728 = arith.divf %sub3A_723, %add3A_727 : f32
    %ge3A_729 = arith.constant 0.000000e+00 : f32
    %ge3A_730 = arith.cmpf oge, %div3A_728, %ge3A_729 : f32
    %jit3A_731 = arith.constant 1.000000e+00 : f32
    %jit3A_732 = arith.constant -1.000000e+00 : f32
    %select_n3A_733 = arith.select %ge3A_730, %jit3A_731, %jit3A_732 : f32
    %abs3A_734 = math.absf %div3A_728 : f32
    %mul3A_735 = arith.mulf %div3A_728, %div3A_728 : f32
    %add3A_736 = arith.constant 1.000000e+00 : f32
    %add3A_737 = arith.addf %add3A_736, %mul3A_735 : f32
    %sqrt3A_738 = math.sqrt %add3A_737 : f32
    %add3A_739 = arith.addf %abs3A_734, %sqrt3A_738 : f32
    %div3A_740 = arith.divf %select_n3A_733, %add3A_739 : f32
    %abs3A_741 = math.absf %sub3A_689 : f32
    %lt3A_742 = arith.constant 9.99999996E-13 : f32
    %lt3A_743 = arith.cmpf olt, %abs3A_741, %lt3A_742 : f32
    %mul3A_744 = arith.mulf %div3A_740, %div3A_740 : f32
    %add3A_745 = arith.constant 1.000000e+00 : f32
    %add3A_746 = arith.addf %add3A_745, %mul3A_744 : f32
    %sqrt3A_747 = math.sqrt %add3A_746 : f32
    %div3A_748 = arith.constant 1.000000e+00 : f32
    %div3A_749 = arith.divf %div3A_748, %sqrt3A_747 : f32
    %jit3A_750 = arith.constant 1.000000e+00 : f32
    %select_n3A_751 = arith.select %lt3A_743, %jit3A_750, %div3A_749 : f32
    %mul3A_752 = arith.mulf %div3A_740, %select_n3A_751 : f32
    %jit3A_753 = arith.constant 0.000000e+00 : f32
    %select_n3A_754 = arith.select %lt3A_743, %jit3A_753, %mul3A_752 : f32
    %mul3A_755 = arith.mulf %select_n3A_751, %sub3A_683 : f32
    %mul3A_756 = arith.mulf %select_n3A_754, %mul3A_616 : f32
    %sub3A_757 = arith.subf %mul3A_755, %mul3A_756 : f32
    %mul3A_758 = arith.mulf %select_n3A_754, %sub3A_683 : f32
    %mul3A_759 = arith.mulf %select_n3A_751, %mul3A_616 : f32
    %add3A_760 = arith.addf %mul3A_758, %mul3A_759 : f32
    %mul3A_761 = arith.mulf %select_n3A_751, %mul3A_698 : f32
    %mul3A_762 = arith.mulf %select_n3A_754, %add3A_692 : f32
    %sub3A_763 = arith.subf %mul3A_761, %mul3A_762 : f32
    %mul3A_764 = arith.mulf %select_n3A_754, %mul3A_698 : f32
    %mul3A_765 = arith.mulf %select_n3A_751, %add3A_692 : f32
    %add3A_766 = arith.addf %mul3A_764, %mul3A_765 : f32
    %mul3A_767 = arith.mulf %div3A_740, %sub3A_689 : f32
    %sub3A_768 = arith.subf %sub3A_694, %mul3A_767 : f32
    %mul3A_769 = arith.mulf %div3A_740, %sub3A_689 : f32
    %add3A_770 = arith.addf %add3A_614, %mul3A_769 : f32
    %mul3A_771 = arith.constant 0.000000e+00 : f32
    %mul3A_772 = arith.mulf %mul3A_771, %sub3A_689 : f32
    %mul3A_773 = arith.mulf %select_n3A_751, %sub3A_701 : f32
    %mul3A_774 = arith.mulf %select_n3A_754, %add3A_624 : f32
    %sub3A_775 = arith.subf %mul3A_773, %mul3A_774 : f32
    %mul3A_776 = arith.mulf %select_n3A_754, %sub3A_701 : f32
    %mul3A_777 = arith.mulf %select_n3A_751, %add3A_624 : f32
    %add3A_778 = arith.addf %mul3A_776, %mul3A_777 : f32
    %mul3A_779 = arith.mulf %select_n3A_751, %sub3A_707 : f32
    %mul3A_780 = arith.mulf %select_n3A_754, %add3A_632 : f32
    %sub3A_781 = arith.subf %mul3A_779, %mul3A_780 : f32
    %mul3A_782 = arith.mulf %select_n3A_754, %sub3A_707 : f32
    %mul3A_783 = arith.mulf %select_n3A_751, %add3A_632 : f32
    %add3A_784 = arith.addf %mul3A_782, %mul3A_783 : f32
    %mul3A_785 = arith.mulf %select_n3A_751, %sub3A_713 : f32
    %mul3A_786 = arith.mulf %select_n3A_754, %add3A_640 : f32
    %sub3A_787 = arith.subf %mul3A_785, %mul3A_786 : f32
    %mul3A_788 = arith.mulf %select_n3A_754, %sub3A_713 : f32
    %mul3A_789 = arith.mulf %select_n3A_751, %add3A_640 : f32
    %add3A_790 = arith.addf %mul3A_788, %mul3A_789 : f32
    %mul3A_791 = arith.mulf %select_n3A_751, %sub3A_719 : f32
    %mul3A_792 = arith.mulf %select_n3A_754, %add3A_648 : f32
    %sub3A_793 = arith.subf %mul3A_791, %mul3A_792 : f32
    %mul3A_794 = arith.mulf %select_n3A_754, %sub3A_719 : f32
    %mul3A_795 = arith.mulf %select_n3A_751, %add3A_648 : f32
    %add3A_796 = arith.addf %mul3A_794, %mul3A_795 : f32
    %sub3A_797 = arith.subf %add3A_770, %add3A_696 : f32
    %mul3A_798 = arith.constant 2.000000e+00 : f32
    %mul3A_799 = arith.mulf %mul3A_798, %add3A_766 : f32
    %add3A_800 = arith.constant 1.000000e-30 : f32
    %add3A_801 = arith.addf %mul3A_799, %add3A_800 : f32
    %div3A_802 = arith.divf %sub3A_797, %add3A_801 : f32
    %ge3A_803 = arith.constant 0.000000e+00 : f32
    %ge3A_804 = arith.cmpf oge, %div3A_802, %ge3A_803 : f32
    %jit3A_805 = arith.constant 1.000000e+00 : f32
    %jit3A_806 = arith.constant -1.000000e+00 : f32
    %select_n3A_807 = arith.select %ge3A_804, %jit3A_805, %jit3A_806 : f32
    %abs3A_808 = math.absf %div3A_802 : f32
    %mul3A_809 = arith.mulf %div3A_802, %div3A_802 : f32
    %add3A_810 = arith.constant 1.000000e+00 : f32
    %add3A_811 = arith.addf %add3A_810, %mul3A_809 : f32
    %sqrt3A_812 = math.sqrt %add3A_811 : f32
    %add3A_813 = arith.addf %abs3A_808, %sqrt3A_812 : f32
    %div3A_814 = arith.divf %select_n3A_807, %add3A_813 : f32
    %abs3A_815 = math.absf %add3A_766 : f32
    %lt3A_816 = arith.constant 9.99999996E-13 : f32
    %lt3A_817 = arith.cmpf olt, %abs3A_815, %lt3A_816 : f32
    %mul3A_818 = arith.mulf %div3A_814, %div3A_814 : f32
    %add3A_819 = arith.constant 1.000000e+00 : f32
    %add3A_820 = arith.addf %add3A_819, %mul3A_818 : f32
    %sqrt3A_821 = math.sqrt %add3A_820 : f32
    %div3A_822 = arith.constant 1.000000e+00 : f32
    %div3A_823 = arith.divf %div3A_822, %sqrt3A_821 : f32
    %jit3A_824 = arith.constant 1.000000e+00 : f32
    %select_n3A_825 = arith.select %lt3A_817, %jit3A_824, %div3A_823 : f32
    %mul3A_826 = arith.mulf %div3A_814, %select_n3A_825 : f32
    %jit3A_827 = arith.constant 0.000000e+00 : f32
    %select_n3A_828 = arith.select %lt3A_817, %jit3A_827, %mul3A_826 : f32
    %mul3A_829 = arith.mulf %select_n3A_825, %add3A_686 : f32
    %mul3A_830 = arith.mulf %select_n3A_828, %add3A_760 : f32
    %sub3A_831 = arith.subf %mul3A_829, %mul3A_830 : f32
    %mul3A_832 = arith.mulf %select_n3A_828, %add3A_686 : f32
    %mul3A_833 = arith.mulf %select_n3A_825, %add3A_760 : f32
    %add3A_834 = arith.addf %mul3A_832, %mul3A_833 : f32
    %mul3A_835 = arith.mulf %select_n3A_825, %sub3A_763 : f32
    %mul3A_836 = arith.mulf %select_n3A_828, %mul3A_772 : f32
    %sub3A_837 = arith.subf %mul3A_835, %mul3A_836 : f32
    %mul3A_838 = arith.mulf %select_n3A_828, %sub3A_763 : f32
    %mul3A_839 = arith.mulf %select_n3A_825, %mul3A_772 : f32
    %add3A_840 = arith.addf %mul3A_838, %mul3A_839 : f32
    %mul3A_841 = arith.mulf %div3A_814, %add3A_766 : f32
    %sub3A_842 = arith.subf %add3A_696, %mul3A_841 : f32
    %mul3A_843 = arith.mulf %div3A_814, %add3A_766 : f32
    %add3A_844 = arith.addf %add3A_770, %mul3A_843 : f32
    %mul3A_845 = arith.constant 0.000000e+00 : f32
    %mul3A_846 = arith.mulf %mul3A_845, %add3A_766 : f32
    %mul3A_847 = arith.mulf %select_n3A_825, %add3A_704 : f32
    %mul3A_848 = arith.mulf %select_n3A_828, %add3A_778 : f32
    %sub3A_849 = arith.subf %mul3A_847, %mul3A_848 : f32
    %mul3A_850 = arith.mulf %select_n3A_828, %add3A_704 : f32
    %mul3A_851 = arith.mulf %select_n3A_825, %add3A_778 : f32
    %add3A_852 = arith.addf %mul3A_850, %mul3A_851 : f32
    %mul3A_853 = arith.mulf %select_n3A_825, %add3A_710 : f32
    %mul3A_854 = arith.mulf %select_n3A_828, %add3A_784 : f32
    %sub3A_855 = arith.subf %mul3A_853, %mul3A_854 : f32
    %mul3A_856 = arith.mulf %select_n3A_828, %add3A_710 : f32
    %mul3A_857 = arith.mulf %select_n3A_825, %add3A_784 : f32
    %add3A_858 = arith.addf %mul3A_856, %mul3A_857 : f32
    %mul3A_859 = arith.mulf %select_n3A_825, %add3A_716 : f32
    %mul3A_860 = arith.mulf %select_n3A_828, %add3A_790 : f32
    %sub3A_861 = arith.subf %mul3A_859, %mul3A_860 : f32
    %mul3A_862 = arith.mulf %select_n3A_828, %add3A_716 : f32
    %mul3A_863 = arith.mulf %select_n3A_825, %add3A_790 : f32
    %add3A_864 = arith.addf %mul3A_862, %mul3A_863 : f32
    %mul3A_865 = arith.mulf %select_n3A_825, %add3A_722 : f32
    %mul3A_866 = arith.mulf %select_n3A_828, %add3A_796 : f32
    %sub3A_867 = arith.subf %mul3A_865, %mul3A_866 : f32
    %mul3A_868 = arith.mulf %select_n3A_828, %add3A_722 : f32
    %mul3A_869 = arith.mulf %select_n3A_825, %add3A_796 : f32
    %add3A_870 = arith.addf %mul3A_868, %mul3A_869 : f32
    %sub3A_871 = arith.subf %sub3A_768, %sub3A_612 : f32
    %mul3A_872 = arith.constant 2.000000e+00 : f32
    %mul3A_873 = arith.mulf %mul3A_872, %sub3A_757 : f32
    %add3A_874 = arith.constant 1.000000e-30 : f32
    %add3A_875 = arith.addf %mul3A_873, %add3A_874 : f32
    %div3A_876 = arith.divf %sub3A_871, %add3A_875 : f32
    %ge3A_877 = arith.constant 0.000000e+00 : f32
    %ge3A_878 = arith.cmpf oge, %div3A_876, %ge3A_877 : f32
    %jit3A_879 = arith.constant 1.000000e+00 : f32
    %jit3A_880 = arith.constant -1.000000e+00 : f32
    %select_n3A_881 = arith.select %ge3A_878, %jit3A_879, %jit3A_880 : f32
    %abs3A_882 = math.absf %div3A_876 : f32
    %mul3A_883 = arith.mulf %div3A_876, %div3A_876 : f32
    %add3A_884 = arith.constant 1.000000e+00 : f32
    %add3A_885 = arith.addf %add3A_884, %mul3A_883 : f32
    %sqrt3A_886 = math.sqrt %add3A_885 : f32
    %add3A_887 = arith.addf %abs3A_882, %sqrt3A_886 : f32
    %div3A_888 = arith.divf %select_n3A_881, %add3A_887 : f32
    %abs3A_889 = math.absf %sub3A_757 : f32
    %lt3A_890 = arith.constant 9.99999996E-13 : f32
    %lt3A_891 = arith.cmpf olt, %abs3A_889, %lt3A_890 : f32
    %mul3A_892 = arith.mulf %div3A_888, %div3A_888 : f32
    %add3A_893 = arith.constant 1.000000e+00 : f32
    %add3A_894 = arith.addf %add3A_893, %mul3A_892 : f32
    %sqrt3A_895 = math.sqrt %add3A_894 : f32
    %div3A_896 = arith.constant 1.000000e+00 : f32
    %div3A_897 = arith.divf %div3A_896, %sqrt3A_895 : f32
    %jit3A_898 = arith.constant 1.000000e+00 : f32
    %select_n3A_899 = arith.select %lt3A_891, %jit3A_898, %div3A_897 : f32
    %mul3A_900 = arith.mulf %div3A_888, %select_n3A_899 : f32
    %jit3A_901 = arith.constant 0.000000e+00 : f32
    %select_n3A_902 = arith.select %lt3A_891, %jit3A_901, %mul3A_900 : f32
    %mul3A_903 = arith.mulf %select_n3A_899, %sub3A_831 : f32
    %mul3A_904 = arith.mulf %select_n3A_902, %sub3A_837 : f32
    %sub3A_905 = arith.subf %mul3A_903, %mul3A_904 : f32
    %mul3A_906 = arith.mulf %select_n3A_902, %sub3A_831 : f32
    %mul3A_907 = arith.mulf %select_n3A_899, %sub3A_837 : f32
    %add3A_908 = arith.addf %mul3A_906, %mul3A_907 : f32
    %mul3A_909 = arith.mulf %select_n3A_899, %add3A_834 : f32
    %mul3A_910 = arith.mulf %select_n3A_902, %add3A_840 : f32
    %sub3A_911 = arith.subf %mul3A_909, %mul3A_910 : f32
    %mul3A_912 = arith.mulf %select_n3A_902, %add3A_834 : f32
    %mul3A_913 = arith.mulf %select_n3A_899, %add3A_840 : f32
    %add3A_914 = arith.addf %mul3A_912, %mul3A_913 : f32
    %mul3A_915 = arith.mulf %div3A_888, %sub3A_757 : f32
    %sub3A_916 = arith.subf %sub3A_612, %mul3A_915 : f32
    %mul3A_917 = arith.mulf %div3A_888, %sub3A_757 : f32
    %add3A_918 = arith.addf %sub3A_768, %mul3A_917 : f32
    %mul3A_919 = arith.constant 0.000000e+00 : f32
    %mul3A_920 = arith.mulf %mul3A_919, %sub3A_757 : f32
    %mul3A_921 = arith.mulf %select_n3A_899, %sub3A_620 : f32
    %mul3A_922 = arith.mulf %select_n3A_902, %sub3A_775 : f32
    %sub3A_923 = arith.subf %mul3A_921, %mul3A_922 : f32
    %mul3A_924 = arith.mulf %select_n3A_902, %sub3A_620 : f32
    %mul3A_925 = arith.mulf %select_n3A_899, %sub3A_775 : f32
    %add3A_926 = arith.addf %mul3A_924, %mul3A_925 : f32
    %mul3A_927 = arith.mulf %select_n3A_899, %sub3A_628 : f32
    %mul3A_928 = arith.mulf %select_n3A_902, %sub3A_781 : f32
    %sub3A_929 = arith.subf %mul3A_927, %mul3A_928 : f32
    %mul3A_930 = arith.mulf %select_n3A_902, %sub3A_628 : f32
    %mul3A_931 = arith.mulf %select_n3A_899, %sub3A_781 : f32
    %add3A_932 = arith.addf %mul3A_930, %mul3A_931 : f32
    %mul3A_933 = arith.mulf %select_n3A_899, %sub3A_636 : f32
    %mul3A_934 = arith.mulf %select_n3A_902, %sub3A_787 : f32
    %sub3A_935 = arith.subf %mul3A_933, %mul3A_934 : f32
    %mul3A_936 = arith.mulf %select_n3A_902, %sub3A_636 : f32
    %mul3A_937 = arith.mulf %select_n3A_899, %sub3A_787 : f32
    %add3A_938 = arith.addf %mul3A_936, %mul3A_937 : f32
    %mul3A_939 = arith.mulf %select_n3A_899, %sub3A_644 : f32
    %mul3A_940 = arith.mulf %select_n3A_902, %sub3A_793 : f32
    %sub3A_941 = arith.subf %mul3A_939, %mul3A_940 : f32
    %mul3A_942 = arith.mulf %select_n3A_902, %sub3A_644 : f32
    %mul3A_943 = arith.mulf %select_n3A_899, %sub3A_793 : f32
    %add3A_944 = arith.addf %mul3A_942, %mul3A_943 : f32
    %sub3A_945 = arith.subf %sub3A_842, %sub3A_916 : f32
    %mul3A_946 = arith.constant 2.000000e+00 : f32
    %mul3A_947 = arith.mulf %mul3A_946, %sub3A_905 : f32
    %add3A_948 = arith.constant 1.000000e-30 : f32
    %add3A_949 = arith.addf %mul3A_947, %add3A_948 : f32
    %div3A_950 = arith.divf %sub3A_945, %add3A_949 : f32
    %ge3A_951 = arith.constant 0.000000e+00 : f32
    %ge3A_952 = arith.cmpf oge, %div3A_950, %ge3A_951 : f32
    %jit3A_953 = arith.constant 1.000000e+00 : f32
    %jit3A_954 = arith.constant -1.000000e+00 : f32
    %select_n3A_955 = arith.select %ge3A_952, %jit3A_953, %jit3A_954 : f32
    %abs3A_956 = math.absf %div3A_950 : f32
    %mul3A_957 = arith.mulf %div3A_950, %div3A_950 : f32
    %add3A_958 = arith.constant 1.000000e+00 : f32
    %add3A_959 = arith.addf %add3A_958, %mul3A_957 : f32
    %sqrt3A_960 = math.sqrt %add3A_959 : f32
    %add3A_961 = arith.addf %abs3A_956, %sqrt3A_960 : f32
    %div3A_962 = arith.divf %select_n3A_955, %add3A_961 : f32
    %abs3A_963 = math.absf %sub3A_905 : f32
    %lt3A_964 = arith.constant 9.99999996E-13 : f32
    %lt3A_965 = arith.cmpf olt, %abs3A_963, %lt3A_964 : f32
    %mul3A_966 = arith.mulf %div3A_962, %div3A_962 : f32
    %add3A_967 = arith.constant 1.000000e+00 : f32
    %add3A_968 = arith.addf %add3A_967, %mul3A_966 : f32
    %sqrt3A_969 = math.sqrt %add3A_968 : f32
    %div3A_970 = arith.constant 1.000000e+00 : f32
    %div3A_971 = arith.divf %div3A_970, %sqrt3A_969 : f32
    %jit3A_972 = arith.constant 1.000000e+00 : f32
    %select_n3A_973 = arith.select %lt3A_965, %jit3A_972, %div3A_971 : f32
    %mul3A_974 = arith.mulf %div3A_962, %select_n3A_973 : f32
    %jit3A_975 = arith.constant 0.000000e+00 : f32
    %select_n3A_976 = arith.select %lt3A_965, %jit3A_975, %mul3A_974 : f32
    %mul3A_977 = arith.mulf %select_n3A_973, %mul3A_920 : f32
    %mul3A_978 = arith.mulf %select_n3A_976, %add3A_908 : f32
    %sub3A_979 = arith.subf %mul3A_977, %mul3A_978 : f32
    %mul3A_980 = arith.mulf %select_n3A_976, %mul3A_920 : f32
    %mul3A_981 = arith.mulf %select_n3A_973, %add3A_908 : f32
    %add3A_982 = arith.addf %mul3A_980, %mul3A_981 : f32
    %mul3A_983 = arith.mulf %select_n3A_973, %sub3A_911 : f32
    %mul3A_984 = arith.mulf %select_n3A_976, %mul3A_846 : f32
    %sub3A_985 = arith.subf %mul3A_983, %mul3A_984 : f32
    %mul3A_986 = arith.mulf %select_n3A_976, %sub3A_911 : f32
    %mul3A_987 = arith.mulf %select_n3A_973, %mul3A_846 : f32
    %add3A_988 = arith.addf %mul3A_986, %mul3A_987 : f32
    %mul3A_989 = arith.mulf %div3A_962, %sub3A_905 : f32
    %sub3A_990 = arith.subf %sub3A_916, %mul3A_989 : f32
    %mul3A_991 = arith.mulf %div3A_962, %sub3A_905 : f32
    %add3A_992 = arith.addf %sub3A_842, %mul3A_991 : f32
    %mul3A_993 = arith.constant 0.000000e+00 : f32
    %mul3A_994 = arith.mulf %mul3A_993, %sub3A_905 : f32
    %mul3A_995 = arith.mulf %select_n3A_973, %sub3A_923 : f32
    %mul3A_996 = arith.mulf %select_n3A_976, %sub3A_849 : f32
    %sub3A_997 = arith.subf %mul3A_995, %mul3A_996 : f32
    %mul3A_998 = arith.mulf %select_n3A_976, %sub3A_923 : f32
    %mul3A_999 = arith.mulf %select_n3A_973, %sub3A_849 : f32
    %add3A_1000 = arith.addf %mul3A_998, %mul3A_999 : f32
    %mul3A_1001 = arith.mulf %select_n3A_973, %sub3A_929 : f32
    %mul3A_1002 = arith.mulf %select_n3A_976, %sub3A_855 : f32
    %sub3A_1003 = arith.subf %mul3A_1001, %mul3A_1002 : f32
    %mul3A_1004 = arith.mulf %select_n3A_976, %sub3A_929 : f32
    %mul3A_1005 = arith.mulf %select_n3A_973, %sub3A_855 : f32
    %add3A_1006 = arith.addf %mul3A_1004, %mul3A_1005 : f32
    %mul3A_1007 = arith.mulf %select_n3A_973, %sub3A_935 : f32
    %mul3A_1008 = arith.mulf %select_n3A_976, %sub3A_861 : f32
    %sub3A_1009 = arith.subf %mul3A_1007, %mul3A_1008 : f32
    %mul3A_1010 = arith.mulf %select_n3A_976, %sub3A_935 : f32
    %mul3A_1011 = arith.mulf %select_n3A_973, %sub3A_861 : f32
    %add3A_1012 = arith.addf %mul3A_1010, %mul3A_1011 : f32
    %mul3A_1013 = arith.mulf %select_n3A_973, %sub3A_941 : f32
    %mul3A_1014 = arith.mulf %select_n3A_976, %sub3A_867 : f32
    %sub3A_1015 = arith.subf %mul3A_1013, %mul3A_1014 : f32
    %mul3A_1016 = arith.mulf %select_n3A_976, %sub3A_941 : f32
    %mul3A_1017 = arith.mulf %select_n3A_973, %sub3A_867 : f32
    %add3A_1018 = arith.addf %mul3A_1016, %mul3A_1017 : f32
    %sub3A_1019 = arith.subf %add3A_844, %sub3A_990 : f32
    %mul3A_1020 = arith.constant 2.000000e+00 : f32
    %mul3A_1021 = arith.mulf %mul3A_1020, %sub3A_985 : f32
    %add3A_1022 = arith.constant 1.000000e-30 : f32
    %add3A_1023 = arith.addf %mul3A_1021, %add3A_1022 : f32
    %div3A_1024 = arith.divf %sub3A_1019, %add3A_1023 : f32
    %ge3A_1025 = arith.constant 0.000000e+00 : f32
    %ge3A_1026 = arith.cmpf oge, %div3A_1024, %ge3A_1025 : f32
    %jit3A_1027 = arith.constant 1.000000e+00 : f32
    %jit3A_1028 = arith.constant -1.000000e+00 : f32
    %select_n3A_1029 = arith.select %ge3A_1026, %jit3A_1027, %jit3A_1028 : f32
    %abs3A_1030 = math.absf %div3A_1024 : f32
    %mul3A_1031 = arith.mulf %div3A_1024, %div3A_1024 : f32
    %add3A_1032 = arith.constant 1.000000e+00 : f32
    %add3A_1033 = arith.addf %add3A_1032, %mul3A_1031 : f32
    %sqrt3A_1034 = math.sqrt %add3A_1033 : f32
    %add3A_1035 = arith.addf %abs3A_1030, %sqrt3A_1034 : f32
    %div3A_1036 = arith.divf %select_n3A_1029, %add3A_1035 : f32
    %abs3A_1037 = math.absf %sub3A_985 : f32
    %lt3A_1038 = arith.constant 9.99999996E-13 : f32
    %lt3A_1039 = arith.cmpf olt, %abs3A_1037, %lt3A_1038 : f32
    %mul3A_1040 = arith.mulf %div3A_1036, %div3A_1036 : f32
    %add3A_1041 = arith.constant 1.000000e+00 : f32
    %add3A_1042 = arith.addf %add3A_1041, %mul3A_1040 : f32
    %sqrt3A_1043 = math.sqrt %add3A_1042 : f32
    %div3A_1044 = arith.constant 1.000000e+00 : f32
    %div3A_1045 = arith.divf %div3A_1044, %sqrt3A_1043 : f32
    %jit3A_1046 = arith.constant 1.000000e+00 : f32
    %select_n3A_1047 = arith.select %lt3A_1039, %jit3A_1046, %div3A_1045 : f32
    %mul3A_1048 = arith.mulf %div3A_1036, %select_n3A_1047 : f32
    %jit3A_1049 = arith.constant 0.000000e+00 : f32
    %select_n3A_1050 = arith.select %lt3A_1039, %jit3A_1049, %mul3A_1048 : f32
    %mul3A_1051 = arith.mulf %select_n3A_1047, %sub3A_979 : f32
    %mul3A_1052 = arith.mulf %select_n3A_1050, %add3A_914 : f32
    %sub3A_1053 = arith.subf %mul3A_1051, %mul3A_1052 : f32
    %mul3A_1054 = arith.mulf %select_n3A_1050, %sub3A_979 : f32
    %mul3A_1055 = arith.mulf %select_n3A_1047, %add3A_914 : f32
    %add3A_1056 = arith.addf %mul3A_1054, %mul3A_1055 : f32
    %mul3A_1057 = arith.mulf %select_n3A_1047, %mul3A_994 : f32
    %mul3A_1058 = arith.mulf %select_n3A_1050, %add3A_988 : f32
    %sub3A_1059 = arith.subf %mul3A_1057, %mul3A_1058 : f32
    %mul3A_1060 = arith.mulf %select_n3A_1050, %mul3A_994 : f32
    %mul3A_1061 = arith.mulf %select_n3A_1047, %add3A_988 : f32
    %add3A_1062 = arith.addf %mul3A_1060, %mul3A_1061 : f32
    %mul3A_1063 = arith.mulf %div3A_1036, %sub3A_985 : f32
    %sub3A_1064 = arith.subf %sub3A_990, %mul3A_1063 : f32
    %mul3A_1065 = arith.mulf %div3A_1036, %sub3A_985 : f32
    %add3A_1066 = arith.addf %add3A_844, %mul3A_1065 : f32
    %mul3A_1067 = arith.constant 0.000000e+00 : f32
    %mul3A_1068 = arith.mulf %mul3A_1067, %sub3A_985 : f32
    %mul3A_1069 = arith.mulf %select_n3A_1047, %sub3A_997 : f32
    %mul3A_1070 = arith.mulf %select_n3A_1050, %add3A_852 : f32
    %sub3A_1071 = arith.subf %mul3A_1069, %mul3A_1070 : f32
    %mul3A_1072 = arith.mulf %select_n3A_1050, %sub3A_997 : f32
    %mul3A_1073 = arith.mulf %select_n3A_1047, %add3A_852 : f32
    %add3A_1074 = arith.addf %mul3A_1072, %mul3A_1073 : f32
    %mul3A_1075 = arith.mulf %select_n3A_1047, %sub3A_1003 : f32
    %mul3A_1076 = arith.mulf %select_n3A_1050, %add3A_858 : f32
    %sub3A_1077 = arith.subf %mul3A_1075, %mul3A_1076 : f32
    %mul3A_1078 = arith.mulf %select_n3A_1050, %sub3A_1003 : f32
    %mul3A_1079 = arith.mulf %select_n3A_1047, %add3A_858 : f32
    %add3A_1080 = arith.addf %mul3A_1078, %mul3A_1079 : f32
    %mul3A_1081 = arith.mulf %select_n3A_1047, %sub3A_1009 : f32
    %mul3A_1082 = arith.mulf %select_n3A_1050, %add3A_864 : f32
    %sub3A_1083 = arith.subf %mul3A_1081, %mul3A_1082 : f32
    %mul3A_1084 = arith.mulf %select_n3A_1050, %sub3A_1009 : f32
    %mul3A_1085 = arith.mulf %select_n3A_1047, %add3A_864 : f32
    %add3A_1086 = arith.addf %mul3A_1084, %mul3A_1085 : f32
    %mul3A_1087 = arith.mulf %select_n3A_1047, %sub3A_1015 : f32
    %mul3A_1088 = arith.mulf %select_n3A_1050, %add3A_870 : f32
    %sub3A_1089 = arith.subf %mul3A_1087, %mul3A_1088 : f32
    %mul3A_1090 = arith.mulf %select_n3A_1050, %sub3A_1015 : f32
    %mul3A_1091 = arith.mulf %select_n3A_1047, %add3A_870 : f32
    %add3A_1092 = arith.addf %mul3A_1090, %mul3A_1091 : f32
    %sub3A_1093 = arith.subf %add3A_992, %add3A_918 : f32
    %mul3A_1094 = arith.constant 2.000000e+00 : f32
    %mul3A_1095 = arith.mulf %mul3A_1094, %add3A_982 : f32
    %add3A_1096 = arith.constant 1.000000e-30 : f32
    %add3A_1097 = arith.addf %mul3A_1095, %add3A_1096 : f32
    %div3A_1098 = arith.divf %sub3A_1093, %add3A_1097 : f32
    %ge3A_1099 = arith.constant 0.000000e+00 : f32
    %ge3A_1100 = arith.cmpf oge, %div3A_1098, %ge3A_1099 : f32
    %jit3A_1101 = arith.constant 1.000000e+00 : f32
    %jit3A_1102 = arith.constant -1.000000e+00 : f32
    %select_n3A_1103 = arith.select %ge3A_1100, %jit3A_1101, %jit3A_1102 : f32
    %abs3A_1104 = math.absf %div3A_1098 : f32
    %mul3A_1105 = arith.mulf %div3A_1098, %div3A_1098 : f32
    %add3A_1106 = arith.constant 1.000000e+00 : f32
    %add3A_1107 = arith.addf %add3A_1106, %mul3A_1105 : f32
    %sqrt3A_1108 = math.sqrt %add3A_1107 : f32
    %add3A_1109 = arith.addf %abs3A_1104, %sqrt3A_1108 : f32
    %div3A_1110 = arith.divf %select_n3A_1103, %add3A_1109 : f32
    %abs3A_1111 = math.absf %add3A_982 : f32
    %lt3A_1112 = arith.constant 9.99999996E-13 : f32
    %lt3A_1113 = arith.cmpf olt, %abs3A_1111, %lt3A_1112 : f32
    %mul3A_1114 = arith.mulf %div3A_1110, %div3A_1110 : f32
    %add3A_1115 = arith.constant 1.000000e+00 : f32
    %add3A_1116 = arith.addf %add3A_1115, %mul3A_1114 : f32
    %sqrt3A_1117 = math.sqrt %add3A_1116 : f32
    %div3A_1118 = arith.constant 1.000000e+00 : f32
    %div3A_1119 = arith.divf %div3A_1118, %sqrt3A_1117 : f32
    %jit3A_1120 = arith.constant 1.000000e+00 : f32
    %select_n3A_1121 = arith.select %lt3A_1113, %jit3A_1120, %div3A_1119 : f32
    %mul3A_1122 = arith.mulf %div3A_1110, %select_n3A_1121 : f32
    %jit3A_1123 = arith.constant 0.000000e+00 : f32
    %select_n3A_1124 = arith.select %lt3A_1113, %jit3A_1123, %mul3A_1122 : f32
    %mul3A_1125 = arith.mulf %select_n3A_1121, %sub3A_1053 : f32
    %mul3A_1126 = arith.mulf %select_n3A_1124, %sub3A_1059 : f32
    %sub3A_1127 = arith.subf %mul3A_1125, %mul3A_1126 : f32
    %mul3A_1128 = arith.mulf %select_n3A_1124, %sub3A_1053 : f32
    %mul3A_1129 = arith.mulf %select_n3A_1121, %sub3A_1059 : f32
    %add3A_1130 = arith.addf %mul3A_1128, %mul3A_1129 : f32
    %mul3A_1131 = arith.mulf %select_n3A_1121, %add3A_1056 : f32
    %mul3A_1132 = arith.mulf %select_n3A_1124, %add3A_1062 : f32
    %sub3A_1133 = arith.subf %mul3A_1131, %mul3A_1132 : f32
    %mul3A_1134 = arith.mulf %select_n3A_1124, %add3A_1056 : f32
    %mul3A_1135 = arith.mulf %select_n3A_1121, %add3A_1062 : f32
    %add3A_1136 = arith.addf %mul3A_1134, %mul3A_1135 : f32
    %mul3A_1137 = arith.mulf %div3A_1110, %add3A_982 : f32
    %sub3A_1138 = arith.subf %add3A_918, %mul3A_1137 : f32
    %mul3A_1139 = arith.mulf %div3A_1110, %add3A_982 : f32
    %add3A_1140 = arith.addf %add3A_992, %mul3A_1139 : f32
    %mul3A_1141 = arith.constant 0.000000e+00 : f32
    %mul3A_1142 = arith.mulf %mul3A_1141, %add3A_982 : f32
    %mul3A_1143 = arith.mulf %select_n3A_1121, %add3A_926 : f32
    %mul3A_1144 = arith.mulf %select_n3A_1124, %add3A_1000 : f32
    %sub3A_1145 = arith.subf %mul3A_1143, %mul3A_1144 : f32
    %mul3A_1146 = arith.mulf %select_n3A_1124, %add3A_926 : f32
    %mul3A_1147 = arith.mulf %select_n3A_1121, %add3A_1000 : f32
    %add3A_1148 = arith.addf %mul3A_1146, %mul3A_1147 : f32
    %mul3A_1149 = arith.mulf %select_n3A_1121, %add3A_932 : f32
    %mul3A_1150 = arith.mulf %select_n3A_1124, %add3A_1006 : f32
    %sub3A_1151 = arith.subf %mul3A_1149, %mul3A_1150 : f32
    %mul3A_1152 = arith.mulf %select_n3A_1124, %add3A_932 : f32
    %mul3A_1153 = arith.mulf %select_n3A_1121, %add3A_1006 : f32
    %add3A_1154 = arith.addf %mul3A_1152, %mul3A_1153 : f32
    %mul3A_1155 = arith.mulf %select_n3A_1121, %add3A_938 : f32
    %mul3A_1156 = arith.mulf %select_n3A_1124, %add3A_1012 : f32
    %sub3A_1157 = arith.subf %mul3A_1155, %mul3A_1156 : f32
    %mul3A_1158 = arith.mulf %select_n3A_1124, %add3A_938 : f32
    %mul3A_1159 = arith.mulf %select_n3A_1121, %add3A_1012 : f32
    %add3A_1160 = arith.addf %mul3A_1158, %mul3A_1159 : f32
    %mul3A_1161 = arith.mulf %select_n3A_1121, %add3A_944 : f32
    %mul3A_1162 = arith.mulf %select_n3A_1124, %add3A_1018 : f32
    %sub3A_1163 = arith.subf %mul3A_1161, %mul3A_1162 : f32
    %mul3A_1164 = arith.mulf %select_n3A_1124, %add3A_944 : f32
    %mul3A_1165 = arith.mulf %select_n3A_1121, %add3A_1018 : f32
    %add3A_1166 = arith.addf %mul3A_1164, %mul3A_1165 : f32
    %sub3A_1167 = arith.subf %add3A_1066, %sub3A_1138 : f32
    %mul3A_1168 = arith.constant 2.000000e+00 : f32
    %mul3A_1169 = arith.mulf %mul3A_1168, %sub3A_1133 : f32
    %add3A_1170 = arith.constant 1.000000e-30 : f32
    %add3A_1171 = arith.addf %mul3A_1169, %add3A_1170 : f32
    %div3A_1172 = arith.divf %sub3A_1167, %add3A_1171 : f32
    %ge3A_1173 = arith.constant 0.000000e+00 : f32
    %ge3A_1174 = arith.cmpf oge, %div3A_1172, %ge3A_1173 : f32
    %jit3A_1175 = arith.constant 1.000000e+00 : f32
    %jit3A_1176 = arith.constant -1.000000e+00 : f32
    %select_n3A_1177 = arith.select %ge3A_1174, %jit3A_1175, %jit3A_1176 : f32
    %abs3A_1178 = math.absf %div3A_1172 : f32
    %mul3A_1179 = arith.mulf %div3A_1172, %div3A_1172 : f32
    %add3A_1180 = arith.constant 1.000000e+00 : f32
    %add3A_1181 = arith.addf %add3A_1180, %mul3A_1179 : f32
    %sqrt3A_1182 = math.sqrt %add3A_1181 : f32
    %add3A_1183 = arith.addf %abs3A_1178, %sqrt3A_1182 : f32
    %div3A_1184 = arith.divf %select_n3A_1177, %add3A_1183 : f32
    %abs3A_1185 = math.absf %sub3A_1133 : f32
    %lt3A_1186 = arith.constant 9.99999996E-13 : f32
    %lt3A_1187 = arith.cmpf olt, %abs3A_1185, %lt3A_1186 : f32
    %mul3A_1188 = arith.mulf %div3A_1184, %div3A_1184 : f32
    %add3A_1189 = arith.constant 1.000000e+00 : f32
    %add3A_1190 = arith.addf %add3A_1189, %mul3A_1188 : f32
    %sqrt3A_1191 = math.sqrt %add3A_1190 : f32
    %div3A_1192 = arith.constant 1.000000e+00 : f32
    %div3A_1193 = arith.divf %div3A_1192, %sqrt3A_1191 : f32
    %jit3A_1194 = arith.constant 1.000000e+00 : f32
    %select_n3A_1195 = arith.select %lt3A_1187, %jit3A_1194, %div3A_1193 : f32
    %mul3A_1196 = arith.mulf %div3A_1184, %select_n3A_1195 : f32
    %jit3A_1197 = arith.constant 0.000000e+00 : f32
    %select_n3A_1198 = arith.select %lt3A_1187, %jit3A_1197, %mul3A_1196 : f32
    %mul3A_1199 = arith.mulf %select_n3A_1195, %sub3A_1127 : f32
    %mul3A_1200 = arith.mulf %select_n3A_1198, %mul3A_1068 : f32
    %sub3A_1201 = arith.subf %mul3A_1199, %mul3A_1200 : f32
    %mul3A_1202 = arith.mulf %select_n3A_1198, %sub3A_1127 : f32
    %mul3A_1203 = arith.mulf %select_n3A_1195, %mul3A_1068 : f32
    %add3A_1204 = arith.addf %mul3A_1202, %mul3A_1203 : f32
    %mul3A_1205 = arith.mulf %select_n3A_1195, %mul3A_1142 : f32
    %mul3A_1206 = arith.mulf %select_n3A_1198, %add3A_1136 : f32
    %sub3A_1207 = arith.subf %mul3A_1205, %mul3A_1206 : f32
    %mul3A_1208 = arith.mulf %select_n3A_1198, %mul3A_1142 : f32
    %mul3A_1209 = arith.mulf %select_n3A_1195, %add3A_1136 : f32
    %add3A_1210 = arith.addf %mul3A_1208, %mul3A_1209 : f32
    %mul3A_1211 = arith.mulf %div3A_1184, %sub3A_1133 : f32
    %sub3A_1212 = arith.subf %sub3A_1138, %mul3A_1211 : f32
    %mul3A_1213 = arith.mulf %div3A_1184, %sub3A_1133 : f32
    %add3A_1214 = arith.addf %add3A_1066, %mul3A_1213 : f32
    %mul3A_1215 = arith.constant 0.000000e+00 : f32
    %mul3A_1216 = arith.mulf %mul3A_1215, %sub3A_1133 : f32
    %mul3A_1217 = arith.mulf %select_n3A_1195, %sub3A_1145 : f32
    %mul3A_1218 = arith.mulf %select_n3A_1198, %add3A_1074 : f32
    %sub3A_1219 = arith.subf %mul3A_1217, %mul3A_1218 : f32
    %mul3A_1220 = arith.mulf %select_n3A_1198, %sub3A_1145 : f32
    %mul3A_1221 = arith.mulf %select_n3A_1195, %add3A_1074 : f32
    %add3A_1222 = arith.addf %mul3A_1220, %mul3A_1221 : f32
    %mul3A_1223 = arith.mulf %select_n3A_1195, %sub3A_1151 : f32
    %mul3A_1224 = arith.mulf %select_n3A_1198, %add3A_1080 : f32
    %sub3A_1225 = arith.subf %mul3A_1223, %mul3A_1224 : f32
    %mul3A_1226 = arith.mulf %select_n3A_1198, %sub3A_1151 : f32
    %mul3A_1227 = arith.mulf %select_n3A_1195, %add3A_1080 : f32
    %add3A_1228 = arith.addf %mul3A_1226, %mul3A_1227 : f32
    %mul3A_1229 = arith.mulf %select_n3A_1195, %sub3A_1157 : f32
    %mul3A_1230 = arith.mulf %select_n3A_1198, %add3A_1086 : f32
    %sub3A_1231 = arith.subf %mul3A_1229, %mul3A_1230 : f32
    %mul3A_1232 = arith.mulf %select_n3A_1198, %sub3A_1157 : f32
    %mul3A_1233 = arith.mulf %select_n3A_1195, %add3A_1086 : f32
    %add3A_1234 = arith.addf %mul3A_1232, %mul3A_1233 : f32
    %mul3A_1235 = arith.mulf %select_n3A_1195, %sub3A_1163 : f32
    %mul3A_1236 = arith.mulf %select_n3A_1198, %add3A_1092 : f32
    %sub3A_1237 = arith.subf %mul3A_1235, %mul3A_1236 : f32
    %mul3A_1238 = arith.mulf %select_n3A_1198, %sub3A_1163 : f32
    %mul3A_1239 = arith.mulf %select_n3A_1195, %add3A_1092 : f32
    %add3A_1240 = arith.addf %mul3A_1238, %mul3A_1239 : f32
    %sub3A_1241 = arith.subf %add3A_1214, %add3A_1140 : f32
    %mul3A_1242 = arith.constant 2.000000e+00 : f32
    %mul3A_1243 = arith.mulf %mul3A_1242, %add3A_1210 : f32
    %add3A_1244 = arith.constant 1.000000e-30 : f32
    %add3A_1245 = arith.addf %mul3A_1243, %add3A_1244 : f32
    %div3A_1246 = arith.divf %sub3A_1241, %add3A_1245 : f32
    %ge3A_1247 = arith.constant 0.000000e+00 : f32
    %ge3A_1248 = arith.cmpf oge, %div3A_1246, %ge3A_1247 : f32
    %jit3A_1249 = arith.constant 1.000000e+00 : f32
    %jit3A_1250 = arith.constant -1.000000e+00 : f32
    %select_n3A_1251 = arith.select %ge3A_1248, %jit3A_1249, %jit3A_1250 : f32
    %abs3A_1252 = math.absf %div3A_1246 : f32
    %mul3A_1253 = arith.mulf %div3A_1246, %div3A_1246 : f32
    %add3A_1254 = arith.constant 1.000000e+00 : f32
    %add3A_1255 = arith.addf %add3A_1254, %mul3A_1253 : f32
    %sqrt3A_1256 = math.sqrt %add3A_1255 : f32
    %add3A_1257 = arith.addf %abs3A_1252, %sqrt3A_1256 : f32
    %div3A_1258 = arith.divf %select_n3A_1251, %add3A_1257 : f32
    %abs3A_1259 = math.absf %add3A_1210 : f32
    %lt3A_1260 = arith.constant 9.99999996E-13 : f32
    %lt3A_1261 = arith.cmpf olt, %abs3A_1259, %lt3A_1260 : f32
    %mul3A_1262 = arith.mulf %div3A_1258, %div3A_1258 : f32
    %add3A_1263 = arith.constant 1.000000e+00 : f32
    %add3A_1264 = arith.addf %add3A_1263, %mul3A_1262 : f32
    %sqrt3A_1265 = math.sqrt %add3A_1264 : f32
    %div3A_1266 = arith.constant 1.000000e+00 : f32
    %div3A_1267 = arith.divf %div3A_1266, %sqrt3A_1265 : f32
    %jit3A_1268 = arith.constant 1.000000e+00 : f32
    %select_n3A_1269 = arith.select %lt3A_1261, %jit3A_1268, %div3A_1267 : f32
    %mul3A_1270 = arith.mulf %div3A_1258, %select_n3A_1269 : f32
    %jit3A_1271 = arith.constant 0.000000e+00 : f32
    %select_n3A_1272 = arith.select %lt3A_1261, %jit3A_1271, %mul3A_1270 : f32
    %mul3A_1273 = arith.mulf %select_n3A_1269, %add3A_1130 : f32
    %mul3A_1274 = arith.mulf %select_n3A_1272, %add3A_1204 : f32
    %sub3A_1275 = arith.subf %mul3A_1273, %mul3A_1274 : f32
    %mul3A_1276 = arith.mulf %select_n3A_1272, %add3A_1130 : f32
    %mul3A_1277 = arith.mulf %select_n3A_1269, %add3A_1204 : f32
    %add3A_1278 = arith.addf %mul3A_1276, %mul3A_1277 : f32
    %mul3A_1279 = arith.mulf %select_n3A_1269, %sub3A_1207 : f32
    %mul3A_1280 = arith.mulf %select_n3A_1272, %mul3A_1216 : f32
    %sub3A_1281 = arith.subf %mul3A_1279, %mul3A_1280 : f32
    %mul3A_1282 = arith.mulf %select_n3A_1272, %sub3A_1207 : f32
    %mul3A_1283 = arith.mulf %select_n3A_1269, %mul3A_1216 : f32
    %add3A_1284 = arith.addf %mul3A_1282, %mul3A_1283 : f32
    %mul3A_1285 = arith.mulf %div3A_1258, %add3A_1210 : f32
    %sub3A_1286 = arith.subf %add3A_1140, %mul3A_1285 : f32
    %mul3A_1287 = arith.mulf %div3A_1258, %add3A_1210 : f32
    %add3A_1288 = arith.addf %add3A_1214, %mul3A_1287 : f32
    %mul3A_1289 = arith.constant 0.000000e+00 : f32
    %mul3A_1290 = arith.mulf %mul3A_1289, %add3A_1210 : f32
    %mul3A_1291 = arith.mulf %select_n3A_1269, %add3A_1148 : f32
    %mul3A_1292 = arith.mulf %select_n3A_1272, %add3A_1222 : f32
    %sub3A_1293 = arith.subf %mul3A_1291, %mul3A_1292 : f32
    %mul3A_1294 = arith.mulf %select_n3A_1272, %add3A_1148 : f32
    %mul3A_1295 = arith.mulf %select_n3A_1269, %add3A_1222 : f32
    %add3A_1296 = arith.addf %mul3A_1294, %mul3A_1295 : f32
    %mul3A_1297 = arith.mulf %select_n3A_1269, %add3A_1154 : f32
    %mul3A_1298 = arith.mulf %select_n3A_1272, %add3A_1228 : f32
    %sub3A_1299 = arith.subf %mul3A_1297, %mul3A_1298 : f32
    %mul3A_1300 = arith.mulf %select_n3A_1272, %add3A_1154 : f32
    %mul3A_1301 = arith.mulf %select_n3A_1269, %add3A_1228 : f32
    %add3A_1302 = arith.addf %mul3A_1300, %mul3A_1301 : f32
    %mul3A_1303 = arith.mulf %select_n3A_1269, %add3A_1160 : f32
    %mul3A_1304 = arith.mulf %select_n3A_1272, %add3A_1234 : f32
    %sub3A_1305 = arith.subf %mul3A_1303, %mul3A_1304 : f32
    %mul3A_1306 = arith.mulf %select_n3A_1272, %add3A_1160 : f32
    %mul3A_1307 = arith.mulf %select_n3A_1269, %add3A_1234 : f32
    %add3A_1308 = arith.addf %mul3A_1306, %mul3A_1307 : f32
    %mul3A_1309 = arith.mulf %select_n3A_1269, %add3A_1166 : f32
    %mul3A_1310 = arith.mulf %select_n3A_1272, %add3A_1240 : f32
    %sub3A_1311 = arith.subf %mul3A_1309, %mul3A_1310 : f32
    %mul3A_1312 = arith.mulf %select_n3A_1272, %add3A_1166 : f32
    %mul3A_1313 = arith.mulf %select_n3A_1269, %add3A_1240 : f32
    %add3A_1314 = arith.addf %mul3A_1312, %mul3A_1313 : f32
    %sub3A_1315 = arith.subf %sub3A_1212, %sub3A_1064 : f32
    %mul3A_1316 = arith.constant 2.000000e+00 : f32
    %mul3A_1317 = arith.mulf %mul3A_1316, %sub3A_1201 : f32
    %add3A_1318 = arith.constant 1.000000e-30 : f32
    %add3A_1319 = arith.addf %mul3A_1317, %add3A_1318 : f32
    %div3A_1320 = arith.divf %sub3A_1315, %add3A_1319 : f32
    %ge3A_1321 = arith.constant 0.000000e+00 : f32
    %ge3A_1322 = arith.cmpf oge, %div3A_1320, %ge3A_1321 : f32
    %jit3A_1323 = arith.constant 1.000000e+00 : f32
    %jit3A_1324 = arith.constant -1.000000e+00 : f32
    %select_n3A_1325 = arith.select %ge3A_1322, %jit3A_1323, %jit3A_1324 : f32
    %abs3A_1326 = math.absf %div3A_1320 : f32
    %mul3A_1327 = arith.mulf %div3A_1320, %div3A_1320 : f32
    %add3A_1328 = arith.constant 1.000000e+00 : f32
    %add3A_1329 = arith.addf %add3A_1328, %mul3A_1327 : f32
    %sqrt3A_1330 = math.sqrt %add3A_1329 : f32
    %add3A_1331 = arith.addf %abs3A_1326, %sqrt3A_1330 : f32
    %div3A_1332 = arith.divf %select_n3A_1325, %add3A_1331 : f32
    %abs3A_1333 = math.absf %sub3A_1201 : f32
    %lt3A_1334 = arith.constant 9.99999996E-13 : f32
    %lt3A_1335 = arith.cmpf olt, %abs3A_1333, %lt3A_1334 : f32
    %mul3A_1336 = arith.mulf %div3A_1332, %div3A_1332 : f32
    %add3A_1337 = arith.constant 1.000000e+00 : f32
    %add3A_1338 = arith.addf %add3A_1337, %mul3A_1336 : f32
    %sqrt3A_1339 = math.sqrt %add3A_1338 : f32
    %div3A_1340 = arith.constant 1.000000e+00 : f32
    %div3A_1341 = arith.divf %div3A_1340, %sqrt3A_1339 : f32
    %jit3A_1342 = arith.constant 1.000000e+00 : f32
    %select_n3A_1343 = arith.select %lt3A_1335, %jit3A_1342, %div3A_1341 : f32
    %mul3A_1344 = arith.mulf %div3A_1332, %select_n3A_1343 : f32
    %jit3A_1345 = arith.constant 0.000000e+00 : f32
    %select_n3A_1346 = arith.select %lt3A_1335, %jit3A_1345, %mul3A_1344 : f32
    %mul3A_1347 = arith.mulf %select_n3A_1343, %sub3A_1275 : f32
    %mul3A_1348 = arith.mulf %select_n3A_1346, %sub3A_1281 : f32
    %sub3A_1349 = arith.subf %mul3A_1347, %mul3A_1348 : f32
    %mul3A_1350 = arith.mulf %select_n3A_1346, %sub3A_1275 : f32
    %mul3A_1351 = arith.mulf %select_n3A_1343, %sub3A_1281 : f32
    %add3A_1352 = arith.addf %mul3A_1350, %mul3A_1351 : f32
    %mul3A_1353 = arith.mulf %select_n3A_1343, %add3A_1278 : f32
    %mul3A_1354 = arith.mulf %select_n3A_1346, %add3A_1284 : f32
    %sub3A_1355 = arith.subf %mul3A_1353, %mul3A_1354 : f32
    %mul3A_1356 = arith.mulf %select_n3A_1346, %add3A_1278 : f32
    %mul3A_1357 = arith.mulf %select_n3A_1343, %add3A_1284 : f32
    %add3A_1358 = arith.addf %mul3A_1356, %mul3A_1357 : f32
    %mul3A_1359 = arith.mulf %div3A_1332, %sub3A_1201 : f32
    %sub3A_1360 = arith.subf %sub3A_1064, %mul3A_1359 : f32
    %mul3A_1361 = arith.mulf %div3A_1332, %sub3A_1201 : f32
    %add3A_1362 = arith.addf %sub3A_1212, %mul3A_1361 : f32
    %mul3A_1363 = arith.constant 0.000000e+00 : f32
    %mul3A_1364 = arith.mulf %mul3A_1363, %sub3A_1201 : f32
    %mul3A_1365 = arith.mulf %select_n3A_1343, %sub3A_1071 : f32
    %mul3A_1366 = arith.mulf %select_n3A_1346, %sub3A_1219 : f32
    %sub3A_1367 = arith.subf %mul3A_1365, %mul3A_1366 : f32
    %mul3A_1368 = arith.mulf %select_n3A_1346, %sub3A_1071 : f32
    %mul3A_1369 = arith.mulf %select_n3A_1343, %sub3A_1219 : f32
    %add3A_1370 = arith.addf %mul3A_1368, %mul3A_1369 : f32
    %mul3A_1371 = arith.mulf %select_n3A_1343, %sub3A_1077 : f32
    %mul3A_1372 = arith.mulf %select_n3A_1346, %sub3A_1225 : f32
    %sub3A_1373 = arith.subf %mul3A_1371, %mul3A_1372 : f32
    %mul3A_1374 = arith.mulf %select_n3A_1346, %sub3A_1077 : f32
    %mul3A_1375 = arith.mulf %select_n3A_1343, %sub3A_1225 : f32
    %add3A_1376 = arith.addf %mul3A_1374, %mul3A_1375 : f32
    %mul3A_1377 = arith.mulf %select_n3A_1343, %sub3A_1083 : f32
    %mul3A_1378 = arith.mulf %select_n3A_1346, %sub3A_1231 : f32
    %sub3A_1379 = arith.subf %mul3A_1377, %mul3A_1378 : f32
    %mul3A_1380 = arith.mulf %select_n3A_1346, %sub3A_1083 : f32
    %mul3A_1381 = arith.mulf %select_n3A_1343, %sub3A_1231 : f32
    %add3A_1382 = arith.addf %mul3A_1380, %mul3A_1381 : f32
    %mul3A_1383 = arith.mulf %select_n3A_1343, %sub3A_1089 : f32
    %mul3A_1384 = arith.mulf %select_n3A_1346, %sub3A_1237 : f32
    %sub3A_1385 = arith.subf %mul3A_1383, %mul3A_1384 : f32
    %mul3A_1386 = arith.mulf %select_n3A_1346, %sub3A_1089 : f32
    %mul3A_1387 = arith.mulf %select_n3A_1343, %sub3A_1237 : f32
    %add3A_1388 = arith.addf %mul3A_1386, %mul3A_1387 : f32
    %sub3A_1389 = arith.subf %sub3A_1286, %sub3A_1360 : f32
    %mul3A_1390 = arith.constant 2.000000e+00 : f32
    %mul3A_1391 = arith.mulf %mul3A_1390, %sub3A_1349 : f32
    %add3A_1392 = arith.constant 1.000000e-30 : f32
    %add3A_1393 = arith.addf %mul3A_1391, %add3A_1392 : f32
    %div3A_1394 = arith.divf %sub3A_1389, %add3A_1393 : f32
    %ge3A_1395 = arith.constant 0.000000e+00 : f32
    %ge3A_1396 = arith.cmpf oge, %div3A_1394, %ge3A_1395 : f32
    %jit3A_1397 = arith.constant 1.000000e+00 : f32
    %jit3A_1398 = arith.constant -1.000000e+00 : f32
    %select_n3A_1399 = arith.select %ge3A_1396, %jit3A_1397, %jit3A_1398 : f32
    %abs3A_1400 = math.absf %div3A_1394 : f32
    %mul3A_1401 = arith.mulf %div3A_1394, %div3A_1394 : f32
    %add3A_1402 = arith.constant 1.000000e+00 : f32
    %add3A_1403 = arith.addf %add3A_1402, %mul3A_1401 : f32
    %sqrt3A_1404 = math.sqrt %add3A_1403 : f32
    %add3A_1405 = arith.addf %abs3A_1400, %sqrt3A_1404 : f32
    %div3A_1406 = arith.divf %select_n3A_1399, %add3A_1405 : f32
    %abs3A_1407 = math.absf %sub3A_1349 : f32
    %lt3A_1408 = arith.constant 9.99999996E-13 : f32
    %lt3A_1409 = arith.cmpf olt, %abs3A_1407, %lt3A_1408 : f32
    %mul3A_1410 = arith.mulf %div3A_1406, %div3A_1406 : f32
    %add3A_1411 = arith.constant 1.000000e+00 : f32
    %add3A_1412 = arith.addf %add3A_1411, %mul3A_1410 : f32
    %sqrt3A_1413 = math.sqrt %add3A_1412 : f32
    %div3A_1414 = arith.constant 1.000000e+00 : f32
    %div3A_1415 = arith.divf %div3A_1414, %sqrt3A_1413 : f32
    %jit3A_1416 = arith.constant 1.000000e+00 : f32
    %select_n3A_1417 = arith.select %lt3A_1409, %jit3A_1416, %div3A_1415 : f32
    %mul3A_1418 = arith.mulf %div3A_1406, %select_n3A_1417 : f32
    %jit3A_1419 = arith.constant 0.000000e+00 : f32
    %select_n3A_1420 = arith.select %lt3A_1409, %jit3A_1419, %mul3A_1418 : f32
    %mul3A_1421 = arith.mulf %select_n3A_1417, %mul3A_1364 : f32
    %mul3A_1422 = arith.mulf %select_n3A_1420, %add3A_1352 : f32
    %sub3A_1423 = arith.subf %mul3A_1421, %mul3A_1422 : f32
    %mul3A_1424 = arith.mulf %select_n3A_1420, %mul3A_1364 : f32
    %mul3A_1425 = arith.mulf %select_n3A_1417, %add3A_1352 : f32
    %add3A_1426 = arith.addf %mul3A_1424, %mul3A_1425 : f32
    %mul3A_1427 = arith.mulf %select_n3A_1417, %sub3A_1355 : f32
    %mul3A_1428 = arith.mulf %select_n3A_1420, %mul3A_1290 : f32
    %sub3A_1429 = arith.subf %mul3A_1427, %mul3A_1428 : f32
    %mul3A_1430 = arith.mulf %select_n3A_1420, %sub3A_1355 : f32
    %mul3A_1431 = arith.mulf %select_n3A_1417, %mul3A_1290 : f32
    %add3A_1432 = arith.addf %mul3A_1430, %mul3A_1431 : f32
    %mul3A_1433 = arith.mulf %div3A_1406, %sub3A_1349 : f32
    %sub3A_1434 = arith.subf %sub3A_1360, %mul3A_1433 : f32
    %mul3A_1435 = arith.mulf %div3A_1406, %sub3A_1349 : f32
    %add3A_1436 = arith.addf %sub3A_1286, %mul3A_1435 : f32
    %mul3A_1437 = arith.constant 0.000000e+00 : f32
    %mul3A_1438 = arith.mulf %mul3A_1437, %sub3A_1349 : f32
    %mul3A_1439 = arith.mulf %select_n3A_1417, %sub3A_1367 : f32
    %mul3A_1440 = arith.mulf %select_n3A_1420, %sub3A_1293 : f32
    %sub3A_1441 = arith.subf %mul3A_1439, %mul3A_1440 : f32
    %mul3A_1442 = arith.mulf %select_n3A_1420, %sub3A_1367 : f32
    %mul3A_1443 = arith.mulf %select_n3A_1417, %sub3A_1293 : f32
    %add3A_1444 = arith.addf %mul3A_1442, %mul3A_1443 : f32
    %mul3A_1445 = arith.mulf %select_n3A_1417, %sub3A_1373 : f32
    %mul3A_1446 = arith.mulf %select_n3A_1420, %sub3A_1299 : f32
    %sub3A_1447 = arith.subf %mul3A_1445, %mul3A_1446 : f32
    %mul3A_1448 = arith.mulf %select_n3A_1420, %sub3A_1373 : f32
    %mul3A_1449 = arith.mulf %select_n3A_1417, %sub3A_1299 : f32
    %add3A_1450 = arith.addf %mul3A_1448, %mul3A_1449 : f32
    %mul3A_1451 = arith.mulf %select_n3A_1417, %sub3A_1379 : f32
    %mul3A_1452 = arith.mulf %select_n3A_1420, %sub3A_1305 : f32
    %sub3A_1453 = arith.subf %mul3A_1451, %mul3A_1452 : f32
    %mul3A_1454 = arith.mulf %select_n3A_1420, %sub3A_1379 : f32
    %mul3A_1455 = arith.mulf %select_n3A_1417, %sub3A_1305 : f32
    %add3A_1456 = arith.addf %mul3A_1454, %mul3A_1455 : f32
    %mul3A_1457 = arith.mulf %select_n3A_1417, %sub3A_1385 : f32
    %mul3A_1458 = arith.mulf %select_n3A_1420, %sub3A_1311 : f32
    %sub3A_1459 = arith.subf %mul3A_1457, %mul3A_1458 : f32
    %mul3A_1460 = arith.mulf %select_n3A_1420, %sub3A_1385 : f32
    %mul3A_1461 = arith.mulf %select_n3A_1417, %sub3A_1311 : f32
    %add3A_1462 = arith.addf %mul3A_1460, %mul3A_1461 : f32
    %sub3A_1463 = arith.subf %add3A_1288, %sub3A_1434 : f32
    %mul3A_1464 = arith.constant 2.000000e+00 : f32
    %mul3A_1465 = arith.mulf %mul3A_1464, %sub3A_1429 : f32
    %add3A_1466 = arith.constant 1.000000e-30 : f32
    %add3A_1467 = arith.addf %mul3A_1465, %add3A_1466 : f32
    %div3A_1468 = arith.divf %sub3A_1463, %add3A_1467 : f32
    %ge3A_1469 = arith.constant 0.000000e+00 : f32
    %ge3A_1470 = arith.cmpf oge, %div3A_1468, %ge3A_1469 : f32
    %jit3A_1471 = arith.constant 1.000000e+00 : f32
    %jit3A_1472 = arith.constant -1.000000e+00 : f32
    %select_n3A_1473 = arith.select %ge3A_1470, %jit3A_1471, %jit3A_1472 : f32
    %abs3A_1474 = math.absf %div3A_1468 : f32
    %mul3A_1475 = arith.mulf %div3A_1468, %div3A_1468 : f32
    %add3A_1476 = arith.constant 1.000000e+00 : f32
    %add3A_1477 = arith.addf %add3A_1476, %mul3A_1475 : f32
    %sqrt3A_1478 = math.sqrt %add3A_1477 : f32
    %add3A_1479 = arith.addf %abs3A_1474, %sqrt3A_1478 : f32
    %div3A_1480 = arith.divf %select_n3A_1473, %add3A_1479 : f32
    %abs3A_1481 = math.absf %sub3A_1429 : f32
    %lt3A_1482 = arith.constant 9.99999996E-13 : f32
    %lt3A_1483 = arith.cmpf olt, %abs3A_1481, %lt3A_1482 : f32
    %mul3A_1484 = arith.mulf %div3A_1480, %div3A_1480 : f32
    %add3A_1485 = arith.constant 1.000000e+00 : f32
    %add3A_1486 = arith.addf %add3A_1485, %mul3A_1484 : f32
    %sqrt3A_1487 = math.sqrt %add3A_1486 : f32
    %div3A_1488 = arith.constant 1.000000e+00 : f32
    %div3A_1489 = arith.divf %div3A_1488, %sqrt3A_1487 : f32
    %jit3A_1490 = arith.constant 1.000000e+00 : f32
    %select_n3A_1491 = arith.select %lt3A_1483, %jit3A_1490, %div3A_1489 : f32
    %mul3A_1492 = arith.mulf %div3A_1480, %select_n3A_1491 : f32
    %jit3A_1493 = arith.constant 0.000000e+00 : f32
    %select_n3A_1494 = arith.select %lt3A_1483, %jit3A_1493, %mul3A_1492 : f32
    %mul3A_1495 = arith.mulf %select_n3A_1491, %sub3A_1423 : f32
    %mul3A_1496 = arith.mulf %select_n3A_1494, %add3A_1358 : f32
    %sub3A_1497 = arith.subf %mul3A_1495, %mul3A_1496 : f32
    %mul3A_1498 = arith.mulf %select_n3A_1494, %sub3A_1423 : f32
    %mul3A_1499 = arith.mulf %select_n3A_1491, %add3A_1358 : f32
    %add3A_1500 = arith.addf %mul3A_1498, %mul3A_1499 : f32
    %mul3A_1501 = arith.mulf %select_n3A_1491, %mul3A_1438 : f32
    %mul3A_1502 = arith.mulf %select_n3A_1494, %add3A_1432 : f32
    %sub3A_1503 = arith.subf %mul3A_1501, %mul3A_1502 : f32
    %mul3A_1504 = arith.mulf %select_n3A_1494, %mul3A_1438 : f32
    %mul3A_1505 = arith.mulf %select_n3A_1491, %add3A_1432 : f32
    %add3A_1506 = arith.addf %mul3A_1504, %mul3A_1505 : f32
    %mul3A_1507 = arith.mulf %div3A_1480, %sub3A_1429 : f32
    %sub3A_1508 = arith.subf %sub3A_1434, %mul3A_1507 : f32
    %mul3A_1509 = arith.mulf %div3A_1480, %sub3A_1429 : f32
    %add3A_1510 = arith.addf %add3A_1288, %mul3A_1509 : f32
    %mul3A_1511 = arith.constant 0.000000e+00 : f32
    %mul3A_1512 = arith.mulf %mul3A_1511, %sub3A_1429 : f32
    %mul3A_1513 = arith.mulf %select_n3A_1491, %sub3A_1441 : f32
    %mul3A_1514 = arith.mulf %select_n3A_1494, %add3A_1296 : f32
    %sub3A_1515 = arith.subf %mul3A_1513, %mul3A_1514 : f32
    %mul3A_1516 = arith.mulf %select_n3A_1494, %sub3A_1441 : f32
    %mul3A_1517 = arith.mulf %select_n3A_1491, %add3A_1296 : f32
    %add3A_1518 = arith.addf %mul3A_1516, %mul3A_1517 : f32
    %mul3A_1519 = arith.mulf %select_n3A_1491, %sub3A_1447 : f32
    %mul3A_1520 = arith.mulf %select_n3A_1494, %add3A_1302 : f32
    %sub3A_1521 = arith.subf %mul3A_1519, %mul3A_1520 : f32
    %mul3A_1522 = arith.mulf %select_n3A_1494, %sub3A_1447 : f32
    %mul3A_1523 = arith.mulf %select_n3A_1491, %add3A_1302 : f32
    %add3A_1524 = arith.addf %mul3A_1522, %mul3A_1523 : f32
    %mul3A_1525 = arith.mulf %select_n3A_1491, %sub3A_1453 : f32
    %mul3A_1526 = arith.mulf %select_n3A_1494, %add3A_1308 : f32
    %sub3A_1527 = arith.subf %mul3A_1525, %mul3A_1526 : f32
    %mul3A_1528 = arith.mulf %select_n3A_1494, %sub3A_1453 : f32
    %mul3A_1529 = arith.mulf %select_n3A_1491, %add3A_1308 : f32
    %add3A_1530 = arith.addf %mul3A_1528, %mul3A_1529 : f32
    %mul3A_1531 = arith.mulf %select_n3A_1491, %sub3A_1459 : f32
    %mul3A_1532 = arith.mulf %select_n3A_1494, %add3A_1314 : f32
    %sub3A_1533 = arith.subf %mul3A_1531, %mul3A_1532 : f32
    %mul3A_1534 = arith.mulf %select_n3A_1494, %sub3A_1459 : f32
    %mul3A_1535 = arith.mulf %select_n3A_1491, %add3A_1314 : f32
    %add3A_1536 = arith.addf %mul3A_1534, %mul3A_1535 : f32
    %sub3A_1537 = arith.subf %add3A_1436, %add3A_1362 : f32
    %mul3A_1538 = arith.constant 2.000000e+00 : f32
    %mul3A_1539 = arith.mulf %mul3A_1538, %add3A_1426 : f32
    %add3A_1540 = arith.constant 1.000000e-30 : f32
    %add3A_1541 = arith.addf %mul3A_1539, %add3A_1540 : f32
    %div3A_1542 = arith.divf %sub3A_1537, %add3A_1541 : f32
    %ge3A_1543 = arith.constant 0.000000e+00 : f32
    %ge3A_1544 = arith.cmpf oge, %div3A_1542, %ge3A_1543 : f32
    %jit3A_1545 = arith.constant 1.000000e+00 : f32
    %jit3A_1546 = arith.constant -1.000000e+00 : f32
    %select_n3A_1547 = arith.select %ge3A_1544, %jit3A_1545, %jit3A_1546 : f32
    %abs3A_1548 = math.absf %div3A_1542 : f32
    %mul3A_1549 = arith.mulf %div3A_1542, %div3A_1542 : f32
    %add3A_1550 = arith.constant 1.000000e+00 : f32
    %add3A_1551 = arith.addf %add3A_1550, %mul3A_1549 : f32
    %sqrt3A_1552 = math.sqrt %add3A_1551 : f32
    %add3A_1553 = arith.addf %abs3A_1548, %sqrt3A_1552 : f32
    %div3A_1554 = arith.divf %select_n3A_1547, %add3A_1553 : f32
    %abs3A_1555 = math.absf %add3A_1426 : f32
    %lt3A_1556 = arith.constant 9.99999996E-13 : f32
    %lt3A_1557 = arith.cmpf olt, %abs3A_1555, %lt3A_1556 : f32
    %mul3A_1558 = arith.mulf %div3A_1554, %div3A_1554 : f32
    %add3A_1559 = arith.constant 1.000000e+00 : f32
    %add3A_1560 = arith.addf %add3A_1559, %mul3A_1558 : f32
    %sqrt3A_1561 = math.sqrt %add3A_1560 : f32
    %div3A_1562 = arith.constant 1.000000e+00 : f32
    %div3A_1563 = arith.divf %div3A_1562, %sqrt3A_1561 : f32
    %jit3A_1564 = arith.constant 1.000000e+00 : f32
    %select_n3A_1565 = arith.select %lt3A_1557, %jit3A_1564, %div3A_1563 : f32
    %mul3A_1566 = arith.mulf %div3A_1554, %select_n3A_1565 : f32
    %jit3A_1567 = arith.constant 0.000000e+00 : f32
    %select_n3A_1568 = arith.select %lt3A_1557, %jit3A_1567, %mul3A_1566 : f32
    %mul3A_1569 = arith.mulf %select_n3A_1565, %sub3A_1497 : f32
    %mul3A_1570 = arith.mulf %select_n3A_1568, %sub3A_1503 : f32
    %sub3A_1571 = arith.subf %mul3A_1569, %mul3A_1570 : f32
    %mul3A_1572 = arith.mulf %select_n3A_1568, %sub3A_1497 : f32
    %mul3A_1573 = arith.mulf %select_n3A_1565, %sub3A_1503 : f32
    %add3A_1574 = arith.addf %mul3A_1572, %mul3A_1573 : f32
    %mul3A_1575 = arith.mulf %select_n3A_1565, %add3A_1500 : f32
    %mul3A_1576 = arith.mulf %select_n3A_1568, %add3A_1506 : f32
    %sub3A_1577 = arith.subf %mul3A_1575, %mul3A_1576 : f32
    %mul3A_1578 = arith.mulf %select_n3A_1568, %add3A_1500 : f32
    %mul3A_1579 = arith.mulf %select_n3A_1565, %add3A_1506 : f32
    %add3A_1580 = arith.addf %mul3A_1578, %mul3A_1579 : f32
    %mul3A_1581 = arith.mulf %div3A_1554, %add3A_1426 : f32
    %sub3A_1582 = arith.subf %add3A_1362, %mul3A_1581 : f32
    %mul3A_1583 = arith.mulf %div3A_1554, %add3A_1426 : f32
    %add3A_1584 = arith.addf %add3A_1436, %mul3A_1583 : f32
    %mul3A_1585 = arith.constant 0.000000e+00 : f32
    %mul3A_1586 = arith.mulf %mul3A_1585, %add3A_1426 : f32
    %mul3A_1587 = arith.mulf %select_n3A_1565, %add3A_1370 : f32
    %mul3A_1588 = arith.mulf %select_n3A_1568, %add3A_1444 : f32
    %sub3A_1589 = arith.subf %mul3A_1587, %mul3A_1588 : f32
    %mul3A_1590 = arith.mulf %select_n3A_1568, %add3A_1370 : f32
    %mul3A_1591 = arith.mulf %select_n3A_1565, %add3A_1444 : f32
    %add3A_1592 = arith.addf %mul3A_1590, %mul3A_1591 : f32
    %mul3A_1593 = arith.mulf %select_n3A_1565, %add3A_1376 : f32
    %mul3A_1594 = arith.mulf %select_n3A_1568, %add3A_1450 : f32
    %sub3A_1595 = arith.subf %mul3A_1593, %mul3A_1594 : f32
    %mul3A_1596 = arith.mulf %select_n3A_1568, %add3A_1376 : f32
    %mul3A_1597 = arith.mulf %select_n3A_1565, %add3A_1450 : f32
    %add3A_1598 = arith.addf %mul3A_1596, %mul3A_1597 : f32
    %mul3A_1599 = arith.mulf %select_n3A_1565, %add3A_1382 : f32
    %mul3A_1600 = arith.mulf %select_n3A_1568, %add3A_1456 : f32
    %sub3A_1601 = arith.subf %mul3A_1599, %mul3A_1600 : f32
    %mul3A_1602 = arith.mulf %select_n3A_1568, %add3A_1382 : f32
    %mul3A_1603 = arith.mulf %select_n3A_1565, %add3A_1456 : f32
    %add3A_1604 = arith.addf %mul3A_1602, %mul3A_1603 : f32
    %mul3A_1605 = arith.mulf %select_n3A_1565, %add3A_1388 : f32
    %mul3A_1606 = arith.mulf %select_n3A_1568, %add3A_1462 : f32
    %sub3A_1607 = arith.subf %mul3A_1605, %mul3A_1606 : f32
    %mul3A_1608 = arith.mulf %select_n3A_1568, %add3A_1388 : f32
    %mul3A_1609 = arith.mulf %select_n3A_1565, %add3A_1462 : f32
    %add3A_1610 = arith.addf %mul3A_1608, %mul3A_1609 : f32
    %sub3A_1611 = arith.subf %add3A_1510, %sub3A_1582 : f32
    %mul3A_1612 = arith.constant 2.000000e+00 : f32
    %mul3A_1613 = arith.mulf %mul3A_1612, %sub3A_1577 : f32
    %add3A_1614 = arith.constant 1.000000e-30 : f32
    %add3A_1615 = arith.addf %mul3A_1613, %add3A_1614 : f32
    %div3A_1616 = arith.divf %sub3A_1611, %add3A_1615 : f32
    %ge3A_1617 = arith.constant 0.000000e+00 : f32
    %ge3A_1618 = arith.cmpf oge, %div3A_1616, %ge3A_1617 : f32
    %jit3A_1619 = arith.constant 1.000000e+00 : f32
    %jit3A_1620 = arith.constant -1.000000e+00 : f32
    %select_n3A_1621 = arith.select %ge3A_1618, %jit3A_1619, %jit3A_1620 : f32
    %abs3A_1622 = math.absf %div3A_1616 : f32
    %mul3A_1623 = arith.mulf %div3A_1616, %div3A_1616 : f32
    %add3A_1624 = arith.constant 1.000000e+00 : f32
    %add3A_1625 = arith.addf %add3A_1624, %mul3A_1623 : f32
    %sqrt3A_1626 = math.sqrt %add3A_1625 : f32
    %add3A_1627 = arith.addf %abs3A_1622, %sqrt3A_1626 : f32
    %div3A_1628 = arith.divf %select_n3A_1621, %add3A_1627 : f32
    %abs3A_1629 = math.absf %sub3A_1577 : f32
    %lt3A_1630 = arith.constant 9.99999996E-13 : f32
    %lt3A_1631 = arith.cmpf olt, %abs3A_1629, %lt3A_1630 : f32
    %mul3A_1632 = arith.mulf %div3A_1628, %div3A_1628 : f32
    %add3A_1633 = arith.constant 1.000000e+00 : f32
    %add3A_1634 = arith.addf %add3A_1633, %mul3A_1632 : f32
    %sqrt3A_1635 = math.sqrt %add3A_1634 : f32
    %div3A_1636 = arith.constant 1.000000e+00 : f32
    %div3A_1637 = arith.divf %div3A_1636, %sqrt3A_1635 : f32
    %jit3A_1638 = arith.constant 1.000000e+00 : f32
    %select_n3A_1639 = arith.select %lt3A_1631, %jit3A_1638, %div3A_1637 : f32
    %mul3A_1640 = arith.mulf %div3A_1628, %select_n3A_1639 : f32
    %jit3A_1641 = arith.constant 0.000000e+00 : f32
    %select_n3A_1642 = arith.select %lt3A_1631, %jit3A_1641, %mul3A_1640 : f32
    %mul3A_1643 = arith.mulf %select_n3A_1639, %sub3A_1571 : f32
    %mul3A_1644 = arith.mulf %select_n3A_1642, %mul3A_1512 : f32
    %sub3A_1645 = arith.subf %mul3A_1643, %mul3A_1644 : f32
    %mul3A_1646 = arith.mulf %select_n3A_1642, %sub3A_1571 : f32
    %mul3A_1647 = arith.mulf %select_n3A_1639, %mul3A_1512 : f32
    %add3A_1648 = arith.addf %mul3A_1646, %mul3A_1647 : f32
    %mul3A_1649 = arith.mulf %select_n3A_1639, %mul3A_1586 : f32
    %mul3A_1650 = arith.mulf %select_n3A_1642, %add3A_1580 : f32
    %sub3A_1651 = arith.subf %mul3A_1649, %mul3A_1650 : f32
    %mul3A_1652 = arith.mulf %select_n3A_1642, %mul3A_1586 : f32
    %mul3A_1653 = arith.mulf %select_n3A_1639, %add3A_1580 : f32
    %add3A_1654 = arith.addf %mul3A_1652, %mul3A_1653 : f32
    %mul3A_1655 = arith.mulf %div3A_1628, %sub3A_1577 : f32
    %sub3A_1656 = arith.subf %sub3A_1582, %mul3A_1655 : f32
    %mul3A_1657 = arith.mulf %div3A_1628, %sub3A_1577 : f32
    %add3A_1658 = arith.addf %add3A_1510, %mul3A_1657 : f32
    %mul3A_1659 = arith.constant 0.000000e+00 : f32
    %mul3A_1660 = arith.mulf %mul3A_1659, %sub3A_1577 : f32
    %mul3A_1661 = arith.mulf %select_n3A_1639, %sub3A_1589 : f32
    %mul3A_1662 = arith.mulf %select_n3A_1642, %add3A_1518 : f32
    %sub3A_1663 = arith.subf %mul3A_1661, %mul3A_1662 : f32
    %mul3A_1664 = arith.mulf %select_n3A_1642, %sub3A_1589 : f32
    %mul3A_1665 = arith.mulf %select_n3A_1639, %add3A_1518 : f32
    %add3A_1666 = arith.addf %mul3A_1664, %mul3A_1665 : f32
    %mul3A_1667 = arith.mulf %select_n3A_1639, %sub3A_1595 : f32
    %mul3A_1668 = arith.mulf %select_n3A_1642, %add3A_1524 : f32
    %sub3A_1669 = arith.subf %mul3A_1667, %mul3A_1668 : f32
    %mul3A_1670 = arith.mulf %select_n3A_1642, %sub3A_1595 : f32
    %mul3A_1671 = arith.mulf %select_n3A_1639, %add3A_1524 : f32
    %add3A_1672 = arith.addf %mul3A_1670, %mul3A_1671 : f32
    %mul3A_1673 = arith.mulf %select_n3A_1639, %sub3A_1601 : f32
    %mul3A_1674 = arith.mulf %select_n3A_1642, %add3A_1530 : f32
    %sub3A_1675 = arith.subf %mul3A_1673, %mul3A_1674 : f32
    %mul3A_1676 = arith.mulf %select_n3A_1642, %sub3A_1601 : f32
    %mul3A_1677 = arith.mulf %select_n3A_1639, %add3A_1530 : f32
    %add3A_1678 = arith.addf %mul3A_1676, %mul3A_1677 : f32
    %mul3A_1679 = arith.mulf %select_n3A_1639, %sub3A_1607 : f32
    %mul3A_1680 = arith.mulf %select_n3A_1642, %add3A_1536 : f32
    %sub3A_1681 = arith.subf %mul3A_1679, %mul3A_1680 : f32
    %mul3A_1682 = arith.mulf %select_n3A_1642, %sub3A_1607 : f32
    %mul3A_1683 = arith.mulf %select_n3A_1639, %add3A_1536 : f32
    %add3A_1684 = arith.addf %mul3A_1682, %mul3A_1683 : f32
    %sub3A_1685 = arith.subf %add3A_1658, %add3A_1584 : f32
    %mul3A_1686 = arith.constant 2.000000e+00 : f32
    %mul3A_1687 = arith.mulf %mul3A_1686, %add3A_1654 : f32
    %add3A_1688 = arith.constant 1.000000e-30 : f32
    %add3A_1689 = arith.addf %mul3A_1687, %add3A_1688 : f32
    %div3A_1690 = arith.divf %sub3A_1685, %add3A_1689 : f32
    %ge3A_1691 = arith.constant 0.000000e+00 : f32
    %ge3A_1692 = arith.cmpf oge, %div3A_1690, %ge3A_1691 : f32
    %jit3A_1693 = arith.constant 1.000000e+00 : f32
    %jit3A_1694 = arith.constant -1.000000e+00 : f32
    %select_n3A_1695 = arith.select %ge3A_1692, %jit3A_1693, %jit3A_1694 : f32
    %abs3A_1696 = math.absf %div3A_1690 : f32
    %mul3A_1697 = arith.mulf %div3A_1690, %div3A_1690 : f32
    %add3A_1698 = arith.constant 1.000000e+00 : f32
    %add3A_1699 = arith.addf %add3A_1698, %mul3A_1697 : f32
    %sqrt3A_1700 = math.sqrt %add3A_1699 : f32
    %add3A_1701 = arith.addf %abs3A_1696, %sqrt3A_1700 : f32
    %div3A_1702 = arith.divf %select_n3A_1695, %add3A_1701 : f32
    %abs3A_1703 = math.absf %add3A_1654 : f32
    %lt3A_1704 = arith.constant 9.99999996E-13 : f32
    %lt3A_1705 = arith.cmpf olt, %abs3A_1703, %lt3A_1704 : f32
    %mul3A_1706 = arith.mulf %div3A_1702, %div3A_1702 : f32
    %add3A_1707 = arith.constant 1.000000e+00 : f32
    %add3A_1708 = arith.addf %add3A_1707, %mul3A_1706 : f32
    %sqrt3A_1709 = math.sqrt %add3A_1708 : f32
    %div3A_1710 = arith.constant 1.000000e+00 : f32
    %div3A_1711 = arith.divf %div3A_1710, %sqrt3A_1709 : f32
    %jit3A_1712 = arith.constant 1.000000e+00 : f32
    %select_n3A_1713 = arith.select %lt3A_1705, %jit3A_1712, %div3A_1711 : f32
    %mul3A_1714 = arith.mulf %div3A_1702, %select_n3A_1713 : f32
    %jit3A_1715 = arith.constant 0.000000e+00 : f32
    %select_n3A_1716 = arith.select %lt3A_1705, %jit3A_1715, %mul3A_1714 : f32
    %mul3A_1717 = arith.mulf %select_n3A_1713, %add3A_1574 : f32
    %mul3A_1718 = arith.mulf %select_n3A_1716, %add3A_1648 : f32
    %sub3A_1719 = arith.subf %mul3A_1717, %mul3A_1718 : f32
    %mul3A_1720 = arith.mulf %select_n3A_1716, %add3A_1574 : f32
    %mul3A_1721 = arith.mulf %select_n3A_1713, %add3A_1648 : f32
    %add3A_1722 = arith.addf %mul3A_1720, %mul3A_1721 : f32
    %mul3A_1723 = arith.mulf %select_n3A_1713, %sub3A_1651 : f32
    %mul3A_1724 = arith.mulf %select_n3A_1716, %mul3A_1660 : f32
    %sub3A_1725 = arith.subf %mul3A_1723, %mul3A_1724 : f32
    %mul3A_1726 = arith.mulf %select_n3A_1716, %sub3A_1651 : f32
    %mul3A_1727 = arith.mulf %select_n3A_1713, %mul3A_1660 : f32
    %add3A_1728 = arith.addf %mul3A_1726, %mul3A_1727 : f32
    %mul3A_1729 = arith.mulf %div3A_1702, %add3A_1654 : f32
    %sub3A_1730 = arith.subf %add3A_1584, %mul3A_1729 : f32
    %mul3A_1731 = arith.mulf %div3A_1702, %add3A_1654 : f32
    %add3A_1732 = arith.addf %add3A_1658, %mul3A_1731 : f32
    %mul3A_1733 = arith.constant 0.000000e+00 : f32
    %mul3A_1734 = arith.mulf %mul3A_1733, %add3A_1654 : f32
    %mul3A_1735 = arith.mulf %select_n3A_1713, %add3A_1592 : f32
    %mul3A_1736 = arith.mulf %select_n3A_1716, %add3A_1666 : f32
    %sub3A_1737 = arith.subf %mul3A_1735, %mul3A_1736 : f32
    %mul3A_1738 = arith.mulf %select_n3A_1716, %add3A_1592 : f32
    %mul3A_1739 = arith.mulf %select_n3A_1713, %add3A_1666 : f32
    %add3A_1740 = arith.addf %mul3A_1738, %mul3A_1739 : f32
    %mul3A_1741 = arith.mulf %select_n3A_1713, %add3A_1598 : f32
    %mul3A_1742 = arith.mulf %select_n3A_1716, %add3A_1672 : f32
    %sub3A_1743 = arith.subf %mul3A_1741, %mul3A_1742 : f32
    %mul3A_1744 = arith.mulf %select_n3A_1716, %add3A_1598 : f32
    %mul3A_1745 = arith.mulf %select_n3A_1713, %add3A_1672 : f32
    %add3A_1746 = arith.addf %mul3A_1744, %mul3A_1745 : f32
    %mul3A_1747 = arith.mulf %select_n3A_1713, %add3A_1604 : f32
    %mul3A_1748 = arith.mulf %select_n3A_1716, %add3A_1678 : f32
    %sub3A_1749 = arith.subf %mul3A_1747, %mul3A_1748 : f32
    %mul3A_1750 = arith.mulf %select_n3A_1716, %add3A_1604 : f32
    %mul3A_1751 = arith.mulf %select_n3A_1713, %add3A_1678 : f32
    %add3A_1752 = arith.addf %mul3A_1750, %mul3A_1751 : f32
    %mul3A_1753 = arith.mulf %select_n3A_1713, %add3A_1610 : f32
    %mul3A_1754 = arith.mulf %select_n3A_1716, %add3A_1684 : f32
    %sub3A_1755 = arith.subf %mul3A_1753, %mul3A_1754 : f32
    %mul3A_1756 = arith.mulf %select_n3A_1716, %add3A_1610 : f32
    %mul3A_1757 = arith.mulf %select_n3A_1713, %add3A_1684 : f32
    %add3A_1758 = arith.addf %mul3A_1756, %mul3A_1757 : f32
    %sub3A_1759 = arith.subf %sub3A_1656, %sub3A_1508 : f32
    %mul3A_1760 = arith.constant 2.000000e+00 : f32
    %mul3A_1761 = arith.mulf %mul3A_1760, %sub3A_1645 : f32
    %add3A_1762 = arith.constant 1.000000e-30 : f32
    %add3A_1763 = arith.addf %mul3A_1761, %add3A_1762 : f32
    %div3A_1764 = arith.divf %sub3A_1759, %add3A_1763 : f32
    %ge3A_1765 = arith.constant 0.000000e+00 : f32
    %ge3A_1766 = arith.cmpf oge, %div3A_1764, %ge3A_1765 : f32
    %jit3A_1767 = arith.constant 1.000000e+00 : f32
    %jit3A_1768 = arith.constant -1.000000e+00 : f32
    %select_n3A_1769 = arith.select %ge3A_1766, %jit3A_1767, %jit3A_1768 : f32
    %abs3A_1770 = math.absf %div3A_1764 : f32
    %mul3A_1771 = arith.mulf %div3A_1764, %div3A_1764 : f32
    %add3A_1772 = arith.constant 1.000000e+00 : f32
    %add3A_1773 = arith.addf %add3A_1772, %mul3A_1771 : f32
    %sqrt3A_1774 = math.sqrt %add3A_1773 : f32
    %add3A_1775 = arith.addf %abs3A_1770, %sqrt3A_1774 : f32
    %div3A_1776 = arith.divf %select_n3A_1769, %add3A_1775 : f32
    %abs3A_1777 = math.absf %sub3A_1645 : f32
    %lt3A_1778 = arith.constant 9.99999996E-13 : f32
    %lt3A_1779 = arith.cmpf olt, %abs3A_1777, %lt3A_1778 : f32
    %mul3A_1780 = arith.mulf %div3A_1776, %div3A_1776 : f32
    %add3A_1781 = arith.constant 1.000000e+00 : f32
    %add3A_1782 = arith.addf %add3A_1781, %mul3A_1780 : f32
    %sqrt3A_1783 = math.sqrt %add3A_1782 : f32
    %div3A_1784 = arith.constant 1.000000e+00 : f32
    %div3A_1785 = arith.divf %div3A_1784, %sqrt3A_1783 : f32
    %jit3A_1786 = arith.constant 1.000000e+00 : f32
    %select_n3A_1787 = arith.select %lt3A_1779, %jit3A_1786, %div3A_1785 : f32
    %mul3A_1788 = arith.mulf %div3A_1776, %select_n3A_1787 : f32
    %jit3A_1789 = arith.constant 0.000000e+00 : f32
    %select_n3A_1790 = arith.select %lt3A_1779, %jit3A_1789, %mul3A_1788 : f32
    %mul3A_1791 = arith.mulf %select_n3A_1787, %sub3A_1719 : f32
    %mul3A_1792 = arith.mulf %select_n3A_1790, %sub3A_1725 : f32
    %sub3A_1793 = arith.subf %mul3A_1791, %mul3A_1792 : f32
    %mul3A_1794 = arith.mulf %select_n3A_1790, %sub3A_1719 : f32
    %mul3A_1795 = arith.mulf %select_n3A_1787, %sub3A_1725 : f32
    %add3A_1796 = arith.addf %mul3A_1794, %mul3A_1795 : f32
    %mul3A_1797 = arith.mulf %select_n3A_1787, %add3A_1722 : f32
    %mul3A_1798 = arith.mulf %select_n3A_1790, %add3A_1728 : f32
    %sub3A_1799 = arith.subf %mul3A_1797, %mul3A_1798 : f32
    %mul3A_1800 = arith.mulf %select_n3A_1790, %add3A_1722 : f32
    %mul3A_1801 = arith.mulf %select_n3A_1787, %add3A_1728 : f32
    %add3A_1802 = arith.addf %mul3A_1800, %mul3A_1801 : f32
    %mul3A_1803 = arith.mulf %div3A_1776, %sub3A_1645 : f32
    %sub3A_1804 = arith.subf %sub3A_1508, %mul3A_1803 : f32
    %mul3A_1805 = arith.mulf %div3A_1776, %sub3A_1645 : f32
    %add3A_1806 = arith.addf %sub3A_1656, %mul3A_1805 : f32
    %mul3A_1807 = arith.constant 0.000000e+00 : f32
    %mul3A_1808 = arith.mulf %mul3A_1807, %sub3A_1645 : f32
    %mul3A_1809 = arith.mulf %select_n3A_1787, %sub3A_1515 : f32
    %mul3A_1810 = arith.mulf %select_n3A_1790, %sub3A_1663 : f32
    %sub3A_1811 = arith.subf %mul3A_1809, %mul3A_1810 : f32
    %mul3A_1812 = arith.mulf %select_n3A_1790, %sub3A_1515 : f32
    %mul3A_1813 = arith.mulf %select_n3A_1787, %sub3A_1663 : f32
    %add3A_1814 = arith.addf %mul3A_1812, %mul3A_1813 : f32
    %mul3A_1815 = arith.mulf %select_n3A_1787, %sub3A_1521 : f32
    %mul3A_1816 = arith.mulf %select_n3A_1790, %sub3A_1669 : f32
    %sub3A_1817 = arith.subf %mul3A_1815, %mul3A_1816 : f32
    %mul3A_1818 = arith.mulf %select_n3A_1790, %sub3A_1521 : f32
    %mul3A_1819 = arith.mulf %select_n3A_1787, %sub3A_1669 : f32
    %add3A_1820 = arith.addf %mul3A_1818, %mul3A_1819 : f32
    %mul3A_1821 = arith.mulf %select_n3A_1787, %sub3A_1527 : f32
    %mul3A_1822 = arith.mulf %select_n3A_1790, %sub3A_1675 : f32
    %sub3A_1823 = arith.subf %mul3A_1821, %mul3A_1822 : f32
    %mul3A_1824 = arith.mulf %select_n3A_1790, %sub3A_1527 : f32
    %mul3A_1825 = arith.mulf %select_n3A_1787, %sub3A_1675 : f32
    %add3A_1826 = arith.addf %mul3A_1824, %mul3A_1825 : f32
    %mul3A_1827 = arith.mulf %select_n3A_1787, %sub3A_1533 : f32
    %mul3A_1828 = arith.mulf %select_n3A_1790, %sub3A_1681 : f32
    %sub3A_1829 = arith.subf %mul3A_1827, %mul3A_1828 : f32
    %mul3A_1830 = arith.mulf %select_n3A_1790, %sub3A_1533 : f32
    %mul3A_1831 = arith.mulf %select_n3A_1787, %sub3A_1681 : f32
    %add3A_1832 = arith.addf %mul3A_1830, %mul3A_1831 : f32
    %sub3A_1833 = arith.subf %sub3A_1730, %sub3A_1804 : f32
    %mul3A_1834 = arith.constant 2.000000e+00 : f32
    %mul3A_1835 = arith.mulf %mul3A_1834, %sub3A_1793 : f32
    %add3A_1836 = arith.constant 1.000000e-30 : f32
    %add3A_1837 = arith.addf %mul3A_1835, %add3A_1836 : f32
    %div3A_1838 = arith.divf %sub3A_1833, %add3A_1837 : f32
    %ge3A_1839 = arith.constant 0.000000e+00 : f32
    %ge3A_1840 = arith.cmpf oge, %div3A_1838, %ge3A_1839 : f32
    %jit3A_1841 = arith.constant 1.000000e+00 : f32
    %jit3A_1842 = arith.constant -1.000000e+00 : f32
    %select_n3A_1843 = arith.select %ge3A_1840, %jit3A_1841, %jit3A_1842 : f32
    %abs3A_1844 = math.absf %div3A_1838 : f32
    %mul3A_1845 = arith.mulf %div3A_1838, %div3A_1838 : f32
    %add3A_1846 = arith.constant 1.000000e+00 : f32
    %add3A_1847 = arith.addf %add3A_1846, %mul3A_1845 : f32
    %sqrt3A_1848 = math.sqrt %add3A_1847 : f32
    %add3A_1849 = arith.addf %abs3A_1844, %sqrt3A_1848 : f32
    %div3A_1850 = arith.divf %select_n3A_1843, %add3A_1849 : f32
    %abs3A_1851 = math.absf %sub3A_1793 : f32
    %lt3A_1852 = arith.constant 9.99999996E-13 : f32
    %lt3A_1853 = arith.cmpf olt, %abs3A_1851, %lt3A_1852 : f32
    %mul3A_1854 = arith.mulf %div3A_1850, %div3A_1850 : f32
    %add3A_1855 = arith.constant 1.000000e+00 : f32
    %add3A_1856 = arith.addf %add3A_1855, %mul3A_1854 : f32
    %sqrt3A_1857 = math.sqrt %add3A_1856 : f32
    %div3A_1858 = arith.constant 1.000000e+00 : f32
    %div3A_1859 = arith.divf %div3A_1858, %sqrt3A_1857 : f32
    %jit3A_1860 = arith.constant 1.000000e+00 : f32
    %select_n3A_1861 = arith.select %lt3A_1853, %jit3A_1860, %div3A_1859 : f32
    %mul3A_1862 = arith.mulf %div3A_1850, %select_n3A_1861 : f32
    %jit3A_1863 = arith.constant 0.000000e+00 : f32
    %select_n3A_1864 = arith.select %lt3A_1853, %jit3A_1863, %mul3A_1862 : f32
    %mul3A_1865 = arith.mulf %select_n3A_1861, %mul3A_1808 : f32
    %mul3A_1866 = arith.mulf %select_n3A_1864, %add3A_1796 : f32
    %sub3A_1867 = arith.subf %mul3A_1865, %mul3A_1866 : f32
    %mul3A_1868 = arith.mulf %select_n3A_1864, %mul3A_1808 : f32
    %mul3A_1869 = arith.mulf %select_n3A_1861, %add3A_1796 : f32
    %add3A_1870 = arith.addf %mul3A_1868, %mul3A_1869 : f32
    %mul3A_1871 = arith.mulf %select_n3A_1861, %sub3A_1799 : f32
    %mul3A_1872 = arith.mulf %select_n3A_1864, %mul3A_1734 : f32
    %sub3A_1873 = arith.subf %mul3A_1871, %mul3A_1872 : f32
    %mul3A_1874 = arith.mulf %select_n3A_1864, %sub3A_1799 : f32
    %mul3A_1875 = arith.mulf %select_n3A_1861, %mul3A_1734 : f32
    %add3A_1876 = arith.addf %mul3A_1874, %mul3A_1875 : f32
    %mul3A_1877 = arith.mulf %div3A_1850, %sub3A_1793 : f32
    %sub3A_1878 = arith.subf %sub3A_1804, %mul3A_1877 : f32
    %mul3A_1879 = arith.mulf %div3A_1850, %sub3A_1793 : f32
    %add3A_1880 = arith.addf %sub3A_1730, %mul3A_1879 : f32
    %mul3A_1881 = arith.constant 0.000000e+00 : f32
    %mul3A_1882 = arith.mulf %mul3A_1881, %sub3A_1793 : f32
    %mul3A_1883 = arith.mulf %select_n3A_1861, %sub3A_1811 : f32
    %mul3A_1884 = arith.mulf %select_n3A_1864, %sub3A_1737 : f32
    %sub3A_1885 = arith.subf %mul3A_1883, %mul3A_1884 : f32
    %mul3A_1886 = arith.mulf %select_n3A_1864, %sub3A_1811 : f32
    %mul3A_1887 = arith.mulf %select_n3A_1861, %sub3A_1737 : f32
    %add3A_1888 = arith.addf %mul3A_1886, %mul3A_1887 : f32
    %mul3A_1889 = arith.mulf %select_n3A_1861, %sub3A_1817 : f32
    %mul3A_1890 = arith.mulf %select_n3A_1864, %sub3A_1743 : f32
    %sub3A_1891 = arith.subf %mul3A_1889, %mul3A_1890 : f32
    %mul3A_1892 = arith.mulf %select_n3A_1864, %sub3A_1817 : f32
    %mul3A_1893 = arith.mulf %select_n3A_1861, %sub3A_1743 : f32
    %add3A_1894 = arith.addf %mul3A_1892, %mul3A_1893 : f32
    %mul3A_1895 = arith.mulf %select_n3A_1861, %sub3A_1823 : f32
    %mul3A_1896 = arith.mulf %select_n3A_1864, %sub3A_1749 : f32
    %sub3A_1897 = arith.subf %mul3A_1895, %mul3A_1896 : f32
    %mul3A_1898 = arith.mulf %select_n3A_1864, %sub3A_1823 : f32
    %mul3A_1899 = arith.mulf %select_n3A_1861, %sub3A_1749 : f32
    %add3A_1900 = arith.addf %mul3A_1898, %mul3A_1899 : f32
    %mul3A_1901 = arith.mulf %select_n3A_1861, %sub3A_1829 : f32
    %mul3A_1902 = arith.mulf %select_n3A_1864, %sub3A_1755 : f32
    %sub3A_1903 = arith.subf %mul3A_1901, %mul3A_1902 : f32
    %mul3A_1904 = arith.mulf %select_n3A_1864, %sub3A_1829 : f32
    %mul3A_1905 = arith.mulf %select_n3A_1861, %sub3A_1755 : f32
    %add3A_1906 = arith.addf %mul3A_1904, %mul3A_1905 : f32
    %sub3A_1907 = arith.subf %add3A_1732, %sub3A_1878 : f32
    %mul3A_1908 = arith.constant 2.000000e+00 : f32
    %mul3A_1909 = arith.mulf %mul3A_1908, %sub3A_1873 : f32
    %add3A_1910 = arith.constant 1.000000e-30 : f32
    %add3A_1911 = arith.addf %mul3A_1909, %add3A_1910 : f32
    %div3A_1912 = arith.divf %sub3A_1907, %add3A_1911 : f32
    %ge3A_1913 = arith.constant 0.000000e+00 : f32
    %ge3A_1914 = arith.cmpf oge, %div3A_1912, %ge3A_1913 : f32
    %jit3A_1915 = arith.constant 1.000000e+00 : f32
    %jit3A_1916 = arith.constant -1.000000e+00 : f32
    %select_n3A_1917 = arith.select %ge3A_1914, %jit3A_1915, %jit3A_1916 : f32
    %abs3A_1918 = math.absf %div3A_1912 : f32
    %mul3A_1919 = arith.mulf %div3A_1912, %div3A_1912 : f32
    %add3A_1920 = arith.constant 1.000000e+00 : f32
    %add3A_1921 = arith.addf %add3A_1920, %mul3A_1919 : f32
    %sqrt3A_1922 = math.sqrt %add3A_1921 : f32
    %add3A_1923 = arith.addf %abs3A_1918, %sqrt3A_1922 : f32
    %div3A_1924 = arith.divf %select_n3A_1917, %add3A_1923 : f32
    %abs3A_1925 = math.absf %sub3A_1873 : f32
    %lt3A_1926 = arith.constant 9.99999996E-13 : f32
    %lt3A_1927 = arith.cmpf olt, %abs3A_1925, %lt3A_1926 : f32
    %mul3A_1928 = arith.mulf %div3A_1924, %div3A_1924 : f32
    %add3A_1929 = arith.constant 1.000000e+00 : f32
    %add3A_1930 = arith.addf %add3A_1929, %mul3A_1928 : f32
    %sqrt3A_1931 = math.sqrt %add3A_1930 : f32
    %div3A_1932 = arith.constant 1.000000e+00 : f32
    %div3A_1933 = arith.divf %div3A_1932, %sqrt3A_1931 : f32
    %jit3A_1934 = arith.constant 1.000000e+00 : f32
    %select_n3A_1935 = arith.select %lt3A_1927, %jit3A_1934, %div3A_1933 : f32
    %mul3A_1936 = arith.mulf %div3A_1924, %select_n3A_1935 : f32
    %jit3A_1937 = arith.constant 0.000000e+00 : f32
    %select_n3A_1938 = arith.select %lt3A_1927, %jit3A_1937, %mul3A_1936 : f32
    %mul3A_1939 = arith.mulf %select_n3A_1935, %sub3A_1867 : f32
    %mul3A_1940 = arith.mulf %select_n3A_1938, %add3A_1802 : f32
    %sub3A_1941 = arith.subf %mul3A_1939, %mul3A_1940 : f32
    %mul3A_1942 = arith.mulf %select_n3A_1938, %sub3A_1867 : f32
    %mul3A_1943 = arith.mulf %select_n3A_1935, %add3A_1802 : f32
    %add3A_1944 = arith.addf %mul3A_1942, %mul3A_1943 : f32
    %mul3A_1945 = arith.mulf %select_n3A_1935, %mul3A_1882 : f32
    %mul3A_1946 = arith.mulf %select_n3A_1938, %add3A_1876 : f32
    %sub3A_1947 = arith.subf %mul3A_1945, %mul3A_1946 : f32
    %mul3A_1948 = arith.mulf %select_n3A_1938, %mul3A_1882 : f32
    %mul3A_1949 = arith.mulf %select_n3A_1935, %add3A_1876 : f32
    %add3A_1950 = arith.addf %mul3A_1948, %mul3A_1949 : f32
    %mul3A_1951 = arith.mulf %div3A_1924, %sub3A_1873 : f32
    %sub3A_1952 = arith.subf %sub3A_1878, %mul3A_1951 : f32
    %mul3A_1953 = arith.mulf %div3A_1924, %sub3A_1873 : f32
    %add3A_1954 = arith.addf %add3A_1732, %mul3A_1953 : f32
    %mul3A_1955 = arith.constant 0.000000e+00 : f32
    %mul3A_1956 = arith.mulf %mul3A_1955, %sub3A_1873 : f32
    %mul3A_1957 = arith.mulf %select_n3A_1935, %sub3A_1885 : f32
    %mul3A_1958 = arith.mulf %select_n3A_1938, %add3A_1740 : f32
    %sub3A_1959 = arith.subf %mul3A_1957, %mul3A_1958 : f32
    %mul3A_1960 = arith.mulf %select_n3A_1938, %sub3A_1885 : f32
    %mul3A_1961 = arith.mulf %select_n3A_1935, %add3A_1740 : f32
    %add3A_1962 = arith.addf %mul3A_1960, %mul3A_1961 : f32
    %mul3A_1963 = arith.mulf %select_n3A_1935, %sub3A_1891 : f32
    %mul3A_1964 = arith.mulf %select_n3A_1938, %add3A_1746 : f32
    %sub3A_1965 = arith.subf %mul3A_1963, %mul3A_1964 : f32
    %mul3A_1966 = arith.mulf %select_n3A_1938, %sub3A_1891 : f32
    %mul3A_1967 = arith.mulf %select_n3A_1935, %add3A_1746 : f32
    %add3A_1968 = arith.addf %mul3A_1966, %mul3A_1967 : f32
    %mul3A_1969 = arith.mulf %select_n3A_1935, %sub3A_1897 : f32
    %mul3A_1970 = arith.mulf %select_n3A_1938, %add3A_1752 : f32
    %sub3A_1971 = arith.subf %mul3A_1969, %mul3A_1970 : f32
    %mul3A_1972 = arith.mulf %select_n3A_1938, %sub3A_1897 : f32
    %mul3A_1973 = arith.mulf %select_n3A_1935, %add3A_1752 : f32
    %add3A_1974 = arith.addf %mul3A_1972, %mul3A_1973 : f32
    %mul3A_1975 = arith.mulf %select_n3A_1935, %sub3A_1903 : f32
    %mul3A_1976 = arith.mulf %select_n3A_1938, %add3A_1758 : f32
    %sub3A_1977 = arith.subf %mul3A_1975, %mul3A_1976 : f32
    %mul3A_1978 = arith.mulf %select_n3A_1938, %sub3A_1903 : f32
    %mul3A_1979 = arith.mulf %select_n3A_1935, %add3A_1758 : f32
    %add3A_1980 = arith.addf %mul3A_1978, %mul3A_1979 : f32
    %sub3A_1981 = arith.subf %add3A_1880, %add3A_1806 : f32
    %mul3A_1982 = arith.constant 2.000000e+00 : f32
    %mul3A_1983 = arith.mulf %mul3A_1982, %add3A_1870 : f32
    %add3A_1984 = arith.constant 1.000000e-30 : f32
    %add3A_1985 = arith.addf %mul3A_1983, %add3A_1984 : f32
    %div3A_1986 = arith.divf %sub3A_1981, %add3A_1985 : f32
    %ge3A_1987 = arith.constant 0.000000e+00 : f32
    %ge3A_1988 = arith.cmpf oge, %div3A_1986, %ge3A_1987 : f32
    %jit3A_1989 = arith.constant 1.000000e+00 : f32
    %jit3A_1990 = arith.constant -1.000000e+00 : f32
    %select_n3A_1991 = arith.select %ge3A_1988, %jit3A_1989, %jit3A_1990 : f32
    %abs3A_1992 = math.absf %div3A_1986 : f32
    %mul3A_1993 = arith.mulf %div3A_1986, %div3A_1986 : f32
    %add3A_1994 = arith.constant 1.000000e+00 : f32
    %add3A_1995 = arith.addf %add3A_1994, %mul3A_1993 : f32
    %sqrt3A_1996 = math.sqrt %add3A_1995 : f32
    %add3A_1997 = arith.addf %abs3A_1992, %sqrt3A_1996 : f32
    %div3A_1998 = arith.divf %select_n3A_1991, %add3A_1997 : f32
    %abs3A_1999 = math.absf %add3A_1870 : f32
    %lt3A_2000 = arith.constant 9.99999996E-13 : f32
    %lt3A_2001 = arith.cmpf olt, %abs3A_1999, %lt3A_2000 : f32
    %mul3A_2002 = arith.mulf %div3A_1998, %div3A_1998 : f32
    %add3A_2003 = arith.constant 1.000000e+00 : f32
    %add3A_2004 = arith.addf %add3A_2003, %mul3A_2002 : f32
    %sqrt3A_2005 = math.sqrt %add3A_2004 : f32
    %div3A_2006 = arith.constant 1.000000e+00 : f32
    %div3A_2007 = arith.divf %div3A_2006, %sqrt3A_2005 : f32
    %jit3A_2008 = arith.constant 1.000000e+00 : f32
    %select_n3A_2009 = arith.select %lt3A_2001, %jit3A_2008, %div3A_2007 : f32
    %mul3A_2010 = arith.mulf %div3A_1998, %select_n3A_2009 : f32
    %jit3A_2011 = arith.constant 0.000000e+00 : f32
    %select_n3A_2012 = arith.select %lt3A_2001, %jit3A_2011, %mul3A_2010 : f32
    %mul3A_2013 = arith.mulf %select_n3A_2009, %sub3A_1941 : f32
    %mul3A_2014 = arith.mulf %select_n3A_2012, %sub3A_1947 : f32
    %sub3A_2015 = arith.subf %mul3A_2013, %mul3A_2014 : f32
    %mul3A_2016 = arith.mulf %select_n3A_2012, %sub3A_1941 : f32
    %mul3A_2017 = arith.mulf %select_n3A_2009, %sub3A_1947 : f32
    %add3A_2018 = arith.addf %mul3A_2016, %mul3A_2017 : f32
    %mul3A_2019 = arith.mulf %select_n3A_2009, %add3A_1944 : f32
    %mul3A_2020 = arith.mulf %select_n3A_2012, %add3A_1950 : f32
    %sub3A_2021 = arith.subf %mul3A_2019, %mul3A_2020 : f32
    %mul3A_2022 = arith.mulf %select_n3A_2012, %add3A_1944 : f32
    %mul3A_2023 = arith.mulf %select_n3A_2009, %add3A_1950 : f32
    %add3A_2024 = arith.addf %mul3A_2022, %mul3A_2023 : f32
    %mul3A_2025 = arith.mulf %div3A_1998, %add3A_1870 : f32
    %sub3A_2026 = arith.subf %add3A_1806, %mul3A_2025 : f32
    %mul3A_2027 = arith.mulf %div3A_1998, %add3A_1870 : f32
    %add3A_2028 = arith.addf %add3A_1880, %mul3A_2027 : f32
    %mul3A_2029 = arith.constant 0.000000e+00 : f32
    %mul3A_2030 = arith.mulf %mul3A_2029, %add3A_1870 : f32
    %mul3A_2031 = arith.mulf %select_n3A_2009, %add3A_1814 : f32
    %mul3A_2032 = arith.mulf %select_n3A_2012, %add3A_1888 : f32
    %sub3A_2033 = arith.subf %mul3A_2031, %mul3A_2032 : f32
    %mul3A_2034 = arith.mulf %select_n3A_2012, %add3A_1814 : f32
    %mul3A_2035 = arith.mulf %select_n3A_2009, %add3A_1888 : f32
    %add3A_2036 = arith.addf %mul3A_2034, %mul3A_2035 : f32
    %mul3A_2037 = arith.mulf %select_n3A_2009, %add3A_1820 : f32
    %mul3A_2038 = arith.mulf %select_n3A_2012, %add3A_1894 : f32
    %sub3A_2039 = arith.subf %mul3A_2037, %mul3A_2038 : f32
    %mul3A_2040 = arith.mulf %select_n3A_2012, %add3A_1820 : f32
    %mul3A_2041 = arith.mulf %select_n3A_2009, %add3A_1894 : f32
    %add3A_2042 = arith.addf %mul3A_2040, %mul3A_2041 : f32
    %mul3A_2043 = arith.mulf %select_n3A_2009, %add3A_1826 : f32
    %mul3A_2044 = arith.mulf %select_n3A_2012, %add3A_1900 : f32
    %sub3A_2045 = arith.subf %mul3A_2043, %mul3A_2044 : f32
    %mul3A_2046 = arith.mulf %select_n3A_2012, %add3A_1826 : f32
    %mul3A_2047 = arith.mulf %select_n3A_2009, %add3A_1900 : f32
    %add3A_2048 = arith.addf %mul3A_2046, %mul3A_2047 : f32
    %mul3A_2049 = arith.mulf %select_n3A_2009, %add3A_1832 : f32
    %mul3A_2050 = arith.mulf %select_n3A_2012, %add3A_1906 : f32
    %sub3A_2051 = arith.subf %mul3A_2049, %mul3A_2050 : f32
    %mul3A_2052 = arith.mulf %select_n3A_2012, %add3A_1832 : f32
    %mul3A_2053 = arith.mulf %select_n3A_2009, %add3A_1906 : f32
    %add3A_2054 = arith.addf %mul3A_2052, %mul3A_2053 : f32
    %sub3A_2055 = arith.subf %add3A_1954, %sub3A_2026 : f32
    %mul3A_2056 = arith.constant 2.000000e+00 : f32
    %mul3A_2057 = arith.mulf %mul3A_2056, %sub3A_2021 : f32
    %add3A_2058 = arith.constant 1.000000e-30 : f32
    %add3A_2059 = arith.addf %mul3A_2057, %add3A_2058 : f32
    %div3A_2060 = arith.divf %sub3A_2055, %add3A_2059 : f32
    %ge3A_2061 = arith.constant 0.000000e+00 : f32
    %ge3A_2062 = arith.cmpf oge, %div3A_2060, %ge3A_2061 : f32
    %jit3A_2063 = arith.constant 1.000000e+00 : f32
    %jit3A_2064 = arith.constant -1.000000e+00 : f32
    %select_n3A_2065 = arith.select %ge3A_2062, %jit3A_2063, %jit3A_2064 : f32
    %abs3A_2066 = math.absf %div3A_2060 : f32
    %mul3A_2067 = arith.mulf %div3A_2060, %div3A_2060 : f32
    %add3A_2068 = arith.constant 1.000000e+00 : f32
    %add3A_2069 = arith.addf %add3A_2068, %mul3A_2067 : f32
    %sqrt3A_2070 = math.sqrt %add3A_2069 : f32
    %add3A_2071 = arith.addf %abs3A_2066, %sqrt3A_2070 : f32
    %div3A_2072 = arith.divf %select_n3A_2065, %add3A_2071 : f32
    %abs3A_2073 = math.absf %sub3A_2021 : f32
    %lt3A_2074 = arith.constant 9.99999996E-13 : f32
    %lt3A_2075 = arith.cmpf olt, %abs3A_2073, %lt3A_2074 : f32
    %mul3A_2076 = arith.mulf %div3A_2072, %div3A_2072 : f32
    %add3A_2077 = arith.constant 1.000000e+00 : f32
    %add3A_2078 = arith.addf %add3A_2077, %mul3A_2076 : f32
    %sqrt3A_2079 = math.sqrt %add3A_2078 : f32
    %div3A_2080 = arith.constant 1.000000e+00 : f32
    %div3A_2081 = arith.divf %div3A_2080, %sqrt3A_2079 : f32
    %jit3A_2082 = arith.constant 1.000000e+00 : f32
    %select_n3A_2083 = arith.select %lt3A_2075, %jit3A_2082, %div3A_2081 : f32
    %mul3A_2084 = arith.mulf %div3A_2072, %select_n3A_2083 : f32
    %jit3A_2085 = arith.constant 0.000000e+00 : f32
    %select_n3A_2086 = arith.select %lt3A_2075, %jit3A_2085, %mul3A_2084 : f32
    %mul3A_2087 = arith.mulf %select_n3A_2083, %sub3A_2015 : f32
    %mul3A_2088 = arith.mulf %select_n3A_2086, %mul3A_1956 : f32
    %sub3A_2089 = arith.subf %mul3A_2087, %mul3A_2088 : f32
    %mul3A_2090 = arith.mulf %select_n3A_2086, %sub3A_2015 : f32
    %mul3A_2091 = arith.mulf %select_n3A_2083, %mul3A_1956 : f32
    %add3A_2092 = arith.addf %mul3A_2090, %mul3A_2091 : f32
    %mul3A_2093 = arith.mulf %select_n3A_2083, %mul3A_2030 : f32
    %mul3A_2094 = arith.mulf %select_n3A_2086, %add3A_2024 : f32
    %sub3A_2095 = arith.subf %mul3A_2093, %mul3A_2094 : f32
    %mul3A_2096 = arith.mulf %select_n3A_2086, %mul3A_2030 : f32
    %mul3A_2097 = arith.mulf %select_n3A_2083, %add3A_2024 : f32
    %add3A_2098 = arith.addf %mul3A_2096, %mul3A_2097 : f32
    %mul3A_2099 = arith.mulf %div3A_2072, %sub3A_2021 : f32
    %sub3A_2100 = arith.subf %sub3A_2026, %mul3A_2099 : f32
    %mul3A_2101 = arith.mulf %div3A_2072, %sub3A_2021 : f32
    %add3A_2102 = arith.addf %add3A_1954, %mul3A_2101 : f32
    %mul3A_2103 = arith.constant 0.000000e+00 : f32
    %mul3A_2104 = arith.mulf %mul3A_2103, %sub3A_2021 : f32
    %mul3A_2105 = arith.mulf %select_n3A_2083, %sub3A_2033 : f32
    %mul3A_2106 = arith.mulf %select_n3A_2086, %add3A_1962 : f32
    %sub3A_2107 = arith.subf %mul3A_2105, %mul3A_2106 : f32
    %mul3A_2108 = arith.mulf %select_n3A_2086, %sub3A_2033 : f32
    %mul3A_2109 = arith.mulf %select_n3A_2083, %add3A_1962 : f32
    %add3A_2110 = arith.addf %mul3A_2108, %mul3A_2109 : f32
    %mul3A_2111 = arith.mulf %select_n3A_2083, %sub3A_2039 : f32
    %mul3A_2112 = arith.mulf %select_n3A_2086, %add3A_1968 : f32
    %sub3A_2113 = arith.subf %mul3A_2111, %mul3A_2112 : f32
    %mul3A_2114 = arith.mulf %select_n3A_2086, %sub3A_2039 : f32
    %mul3A_2115 = arith.mulf %select_n3A_2083, %add3A_1968 : f32
    %add3A_2116 = arith.addf %mul3A_2114, %mul3A_2115 : f32
    %mul3A_2117 = arith.mulf %select_n3A_2083, %sub3A_2045 : f32
    %mul3A_2118 = arith.mulf %select_n3A_2086, %add3A_1974 : f32
    %sub3A_2119 = arith.subf %mul3A_2117, %mul3A_2118 : f32
    %mul3A_2120 = arith.mulf %select_n3A_2086, %sub3A_2045 : f32
    %mul3A_2121 = arith.mulf %select_n3A_2083, %add3A_1974 : f32
    %add3A_2122 = arith.addf %mul3A_2120, %mul3A_2121 : f32
    %mul3A_2123 = arith.mulf %select_n3A_2083, %sub3A_2051 : f32
    %mul3A_2124 = arith.mulf %select_n3A_2086, %add3A_1980 : f32
    %sub3A_2125 = arith.subf %mul3A_2123, %mul3A_2124 : f32
    %mul3A_2126 = arith.mulf %select_n3A_2086, %sub3A_2051 : f32
    %mul3A_2127 = arith.mulf %select_n3A_2083, %add3A_1980 : f32
    %add3A_2128 = arith.addf %mul3A_2126, %mul3A_2127 : f32
    %sub3A_2129 = arith.subf %add3A_2102, %add3A_2028 : f32
    %mul3A_2130 = arith.constant 2.000000e+00 : f32
    %mul3A_2131 = arith.mulf %mul3A_2130, %add3A_2098 : f32
    %add3A_2132 = arith.constant 1.000000e-30 : f32
    %add3A_2133 = arith.addf %mul3A_2131, %add3A_2132 : f32
    %div3A_2134 = arith.divf %sub3A_2129, %add3A_2133 : f32
    %ge3A_2135 = arith.constant 0.000000e+00 : f32
    %ge3A_2136 = arith.cmpf oge, %div3A_2134, %ge3A_2135 : f32
    %jit3A_2137 = arith.constant 1.000000e+00 : f32
    %jit3A_2138 = arith.constant -1.000000e+00 : f32
    %select_n3A_2139 = arith.select %ge3A_2136, %jit3A_2137, %jit3A_2138 : f32
    %abs3A_2140 = math.absf %div3A_2134 : f32
    %mul3A_2141 = arith.mulf %div3A_2134, %div3A_2134 : f32
    %add3A_2142 = arith.constant 1.000000e+00 : f32
    %add3A_2143 = arith.addf %add3A_2142, %mul3A_2141 : f32
    %sqrt3A_2144 = math.sqrt %add3A_2143 : f32
    %add3A_2145 = arith.addf %abs3A_2140, %sqrt3A_2144 : f32
    %div3A_2146 = arith.divf %select_n3A_2139, %add3A_2145 : f32
    %abs3A_2147 = math.absf %add3A_2098 : f32
    %lt3A_2148 = arith.constant 9.99999996E-13 : f32
    %lt3A_2149 = arith.cmpf olt, %abs3A_2147, %lt3A_2148 : f32
    %mul3A_2150 = arith.mulf %div3A_2146, %div3A_2146 : f32
    %add3A_2151 = arith.constant 1.000000e+00 : f32
    %add3A_2152 = arith.addf %add3A_2151, %mul3A_2150 : f32
    %sqrt3A_2153 = math.sqrt %add3A_2152 : f32
    %div3A_2154 = arith.constant 1.000000e+00 : f32
    %div3A_2155 = arith.divf %div3A_2154, %sqrt3A_2153 : f32
    %jit3A_2156 = arith.constant 1.000000e+00 : f32
    %select_n3A_2157 = arith.select %lt3A_2149, %jit3A_2156, %div3A_2155 : f32
    %mul3A_2158 = arith.mulf %div3A_2146, %select_n3A_2157 : f32
    %jit3A_2159 = arith.constant 0.000000e+00 : f32
    %select_n3A_2160 = arith.select %lt3A_2149, %jit3A_2159, %mul3A_2158 : f32
    %mul3A_2161 = arith.mulf %select_n3A_2157, %add3A_2018 : f32
    %mul3A_2162 = arith.mulf %select_n3A_2160, %add3A_2092 : f32
    %sub3A_2163 = arith.subf %mul3A_2161, %mul3A_2162 : f32
    %mul3A_2164 = arith.mulf %select_n3A_2160, %add3A_2018 : f32
    %mul3A_2165 = arith.mulf %select_n3A_2157, %add3A_2092 : f32
    %add3A_2166 = arith.addf %mul3A_2164, %mul3A_2165 : f32
    %mul3A_2167 = arith.mulf %select_n3A_2157, %sub3A_2095 : f32
    %mul3A_2168 = arith.mulf %select_n3A_2160, %mul3A_2104 : f32
    %sub3A_2169 = arith.subf %mul3A_2167, %mul3A_2168 : f32
    %mul3A_2170 = arith.mulf %select_n3A_2160, %sub3A_2095 : f32
    %mul3A_2171 = arith.mulf %select_n3A_2157, %mul3A_2104 : f32
    %add3A_2172 = arith.addf %mul3A_2170, %mul3A_2171 : f32
    %mul3A_2173 = arith.mulf %div3A_2146, %add3A_2098 : f32
    %sub3A_2174 = arith.subf %add3A_2028, %mul3A_2173 : f32
    %mul3A_2175 = arith.mulf %div3A_2146, %add3A_2098 : f32
    %add3A_2176 = arith.addf %add3A_2102, %mul3A_2175 : f32
    %mul3A_2177 = arith.constant 0.000000e+00 : f32
    %mul3A_2178 = arith.mulf %mul3A_2177, %add3A_2098 : f32
    %mul3A_2179 = arith.mulf %select_n3A_2157, %add3A_2036 : f32
    %mul3A_2180 = arith.mulf %select_n3A_2160, %add3A_2110 : f32
    %sub3A_2181 = arith.subf %mul3A_2179, %mul3A_2180 : f32
    %mul3A_2182 = arith.mulf %select_n3A_2160, %add3A_2036 : f32
    %mul3A_2183 = arith.mulf %select_n3A_2157, %add3A_2110 : f32
    %add3A_2184 = arith.addf %mul3A_2182, %mul3A_2183 : f32
    %mul3A_2185 = arith.mulf %select_n3A_2157, %add3A_2042 : f32
    %mul3A_2186 = arith.mulf %select_n3A_2160, %add3A_2116 : f32
    %sub3A_2187 = arith.subf %mul3A_2185, %mul3A_2186 : f32
    %mul3A_2188 = arith.mulf %select_n3A_2160, %add3A_2042 : f32
    %mul3A_2189 = arith.mulf %select_n3A_2157, %add3A_2116 : f32
    %add3A_2190 = arith.addf %mul3A_2188, %mul3A_2189 : f32
    %mul3A_2191 = arith.mulf %select_n3A_2157, %add3A_2048 : f32
    %mul3A_2192 = arith.mulf %select_n3A_2160, %add3A_2122 : f32
    %sub3A_2193 = arith.subf %mul3A_2191, %mul3A_2192 : f32
    %mul3A_2194 = arith.mulf %select_n3A_2160, %add3A_2048 : f32
    %mul3A_2195 = arith.mulf %select_n3A_2157, %add3A_2122 : f32
    %add3A_2196 = arith.addf %mul3A_2194, %mul3A_2195 : f32
    %mul3A_2197 = arith.mulf %select_n3A_2157, %add3A_2054 : f32
    %mul3A_2198 = arith.mulf %select_n3A_2160, %add3A_2128 : f32
    %sub3A_2199 = arith.subf %mul3A_2197, %mul3A_2198 : f32
    %mul3A_2200 = arith.mulf %select_n3A_2160, %add3A_2054 : f32
    %mul3A_2201 = arith.mulf %select_n3A_2157, %add3A_2128 : f32
    %add3A_2202 = arith.addf %mul3A_2200, %mul3A_2201 : f32
    %sub3A_2203 = arith.subf %sub3A_2100, %sub3A_1952 : f32
    %mul3A_2204 = arith.constant 2.000000e+00 : f32
    %mul3A_2205 = arith.mulf %mul3A_2204, %sub3A_2089 : f32
    %add3A_2206 = arith.constant 1.000000e-30 : f32
    %add3A_2207 = arith.addf %mul3A_2205, %add3A_2206 : f32
    %div3A_2208 = arith.divf %sub3A_2203, %add3A_2207 : f32
    %ge3A_2209 = arith.constant 0.000000e+00 : f32
    %ge3A_2210 = arith.cmpf oge, %div3A_2208, %ge3A_2209 : f32
    %jit3A_2211 = arith.constant 1.000000e+00 : f32
    %jit3A_2212 = arith.constant -1.000000e+00 : f32
    %select_n3A_2213 = arith.select %ge3A_2210, %jit3A_2211, %jit3A_2212 : f32
    %abs3A_2214 = math.absf %div3A_2208 : f32
    %mul3A_2215 = arith.mulf %div3A_2208, %div3A_2208 : f32
    %add3A_2216 = arith.constant 1.000000e+00 : f32
    %add3A_2217 = arith.addf %add3A_2216, %mul3A_2215 : f32
    %sqrt3A_2218 = math.sqrt %add3A_2217 : f32
    %add3A_2219 = arith.addf %abs3A_2214, %sqrt3A_2218 : f32
    %div3A_2220 = arith.divf %select_n3A_2213, %add3A_2219 : f32
    %abs3A_2221 = math.absf %sub3A_2089 : f32
    %lt3A_2222 = arith.constant 9.99999996E-13 : f32
    %lt3A_2223 = arith.cmpf olt, %abs3A_2221, %lt3A_2222 : f32
    %mul3A_2224 = arith.mulf %div3A_2220, %div3A_2220 : f32
    %add3A_2225 = arith.constant 1.000000e+00 : f32
    %add3A_2226 = arith.addf %add3A_2225, %mul3A_2224 : f32
    %sqrt3A_2227 = math.sqrt %add3A_2226 : f32
    %div3A_2228 = arith.constant 1.000000e+00 : f32
    %div3A_2229 = arith.divf %div3A_2228, %sqrt3A_2227 : f32
    %jit3A_2230 = arith.constant 1.000000e+00 : f32
    %select_n3A_2231 = arith.select %lt3A_2223, %jit3A_2230, %div3A_2229 : f32
    %mul3A_2232 = arith.mulf %div3A_2220, %select_n3A_2231 : f32
    %jit3A_2233 = arith.constant 0.000000e+00 : f32
    %select_n3A_2234 = arith.select %lt3A_2223, %jit3A_2233, %mul3A_2232 : f32
    %mul3A_2235 = arith.mulf %select_n3A_2231, %sub3A_2163 : f32
    %mul3A_2236 = arith.mulf %select_n3A_2234, %sub3A_2169 : f32
    %sub3A_2237 = arith.subf %mul3A_2235, %mul3A_2236 : f32
    %mul3A_2238 = arith.mulf %select_n3A_2234, %sub3A_2163 : f32
    %mul3A_2239 = arith.mulf %select_n3A_2231, %sub3A_2169 : f32
    %add3A_2240 = arith.addf %mul3A_2238, %mul3A_2239 : f32
    %mul3A_2241 = arith.mulf %select_n3A_2231, %add3A_2166 : f32
    %mul3A_2242 = arith.mulf %select_n3A_2234, %add3A_2172 : f32
    %sub3A_2243 = arith.subf %mul3A_2241, %mul3A_2242 : f32
    %mul3A_2244 = arith.mulf %select_n3A_2234, %add3A_2166 : f32
    %mul3A_2245 = arith.mulf %select_n3A_2231, %add3A_2172 : f32
    %add3A_2246 = arith.addf %mul3A_2244, %mul3A_2245 : f32
    %mul3A_2247 = arith.mulf %div3A_2220, %sub3A_2089 : f32
    %sub3A_2248 = arith.subf %sub3A_1952, %mul3A_2247 : f32
    %mul3A_2249 = arith.mulf %div3A_2220, %sub3A_2089 : f32
    %add3A_2250 = arith.addf %sub3A_2100, %mul3A_2249 : f32
    %mul3A_2251 = arith.constant 0.000000e+00 : f32
    %mul3A_2252 = arith.mulf %mul3A_2251, %sub3A_2089 : f32
    %mul3A_2253 = arith.mulf %select_n3A_2231, %sub3A_1959 : f32
    %mul3A_2254 = arith.mulf %select_n3A_2234, %sub3A_2107 : f32
    %sub3A_2255 = arith.subf %mul3A_2253, %mul3A_2254 : f32
    %mul3A_2256 = arith.mulf %select_n3A_2234, %sub3A_1959 : f32
    %mul3A_2257 = arith.mulf %select_n3A_2231, %sub3A_2107 : f32
    %add3A_2258 = arith.addf %mul3A_2256, %mul3A_2257 : f32
    %mul3A_2259 = arith.mulf %select_n3A_2231, %sub3A_1965 : f32
    %mul3A_2260 = arith.mulf %select_n3A_2234, %sub3A_2113 : f32
    %sub3A_2261 = arith.subf %mul3A_2259, %mul3A_2260 : f32
    %mul3A_2262 = arith.mulf %select_n3A_2234, %sub3A_1965 : f32
    %mul3A_2263 = arith.mulf %select_n3A_2231, %sub3A_2113 : f32
    %add3A_2264 = arith.addf %mul3A_2262, %mul3A_2263 : f32
    %mul3A_2265 = arith.mulf %select_n3A_2231, %sub3A_1971 : f32
    %mul3A_2266 = arith.mulf %select_n3A_2234, %sub3A_2119 : f32
    %sub3A_2267 = arith.subf %mul3A_2265, %mul3A_2266 : f32
    %mul3A_2268 = arith.mulf %select_n3A_2234, %sub3A_1971 : f32
    %mul3A_2269 = arith.mulf %select_n3A_2231, %sub3A_2119 : f32
    %add3A_2270 = arith.addf %mul3A_2268, %mul3A_2269 : f32
    %mul3A_2271 = arith.mulf %select_n3A_2231, %sub3A_1977 : f32
    %mul3A_2272 = arith.mulf %select_n3A_2234, %sub3A_2125 : f32
    %sub3A_2273 = arith.subf %mul3A_2271, %mul3A_2272 : f32
    %mul3A_2274 = arith.mulf %select_n3A_2234, %sub3A_1977 : f32
    %mul3A_2275 = arith.mulf %select_n3A_2231, %sub3A_2125 : f32
    %add3A_2276 = arith.addf %mul3A_2274, %mul3A_2275 : f32
    %sub3A_2277 = arith.subf %sub3A_2174, %sub3A_2248 : f32
    %mul3A_2278 = arith.constant 2.000000e+00 : f32
    %mul3A_2279 = arith.mulf %mul3A_2278, %sub3A_2237 : f32
    %add3A_2280 = arith.constant 1.000000e-30 : f32
    %add3A_2281 = arith.addf %mul3A_2279, %add3A_2280 : f32
    %div3A_2282 = arith.divf %sub3A_2277, %add3A_2281 : f32
    %ge3A_2283 = arith.constant 0.000000e+00 : f32
    %ge3A_2284 = arith.cmpf oge, %div3A_2282, %ge3A_2283 : f32
    %jit3A_2285 = arith.constant 1.000000e+00 : f32
    %jit3A_2286 = arith.constant -1.000000e+00 : f32
    %select_n3A_2287 = arith.select %ge3A_2284, %jit3A_2285, %jit3A_2286 : f32
    %abs3A_2288 = math.absf %div3A_2282 : f32
    %mul3A_2289 = arith.mulf %div3A_2282, %div3A_2282 : f32
    %add3A_2290 = arith.constant 1.000000e+00 : f32
    %add3A_2291 = arith.addf %add3A_2290, %mul3A_2289 : f32
    %sqrt3A_2292 = math.sqrt %add3A_2291 : f32
    %add3A_2293 = arith.addf %abs3A_2288, %sqrt3A_2292 : f32
    %div3A_2294 = arith.divf %select_n3A_2287, %add3A_2293 : f32
    %abs3A_2295 = math.absf %sub3A_2237 : f32
    %lt3A_2296 = arith.constant 9.99999996E-13 : f32
    %lt3A_2297 = arith.cmpf olt, %abs3A_2295, %lt3A_2296 : f32
    %mul3A_2298 = arith.mulf %div3A_2294, %div3A_2294 : f32
    %add3A_2299 = arith.constant 1.000000e+00 : f32
    %add3A_2300 = arith.addf %add3A_2299, %mul3A_2298 : f32
    %sqrt3A_2301 = math.sqrt %add3A_2300 : f32
    %div3A_2302 = arith.constant 1.000000e+00 : f32
    %div3A_2303 = arith.divf %div3A_2302, %sqrt3A_2301 : f32
    %jit3A_2304 = arith.constant 1.000000e+00 : f32
    %select_n3A_2305 = arith.select %lt3A_2297, %jit3A_2304, %div3A_2303 : f32
    %mul3A_2306 = arith.mulf %div3A_2294, %select_n3A_2305 : f32
    %jit3A_2307 = arith.constant 0.000000e+00 : f32
    %select_n3A_2308 = arith.select %lt3A_2297, %jit3A_2307, %mul3A_2306 : f32
    %mul3A_2309 = arith.mulf %select_n3A_2305, %mul3A_2252 : f32
    %mul3A_2310 = arith.mulf %select_n3A_2308, %add3A_2240 : f32
    %sub3A_2311 = arith.subf %mul3A_2309, %mul3A_2310 : f32
    %mul3A_2312 = arith.mulf %select_n3A_2308, %mul3A_2252 : f32
    %mul3A_2313 = arith.mulf %select_n3A_2305, %add3A_2240 : f32
    %add3A_2314 = arith.addf %mul3A_2312, %mul3A_2313 : f32
    %mul3A_2315 = arith.mulf %select_n3A_2305, %sub3A_2243 : f32
    %mul3A_2316 = arith.mulf %select_n3A_2308, %mul3A_2178 : f32
    %sub3A_2317 = arith.subf %mul3A_2315, %mul3A_2316 : f32
    %mul3A_2318 = arith.mulf %select_n3A_2308, %sub3A_2243 : f32
    %mul3A_2319 = arith.mulf %select_n3A_2305, %mul3A_2178 : f32
    %add3A_2320 = arith.addf %mul3A_2318, %mul3A_2319 : f32
    %mul3A_2321 = arith.mulf %div3A_2294, %sub3A_2237 : f32
    %sub3A_2322 = arith.subf %sub3A_2248, %mul3A_2321 : f32
    %mul3A_2323 = arith.mulf %div3A_2294, %sub3A_2237 : f32
    %add3A_2324 = arith.addf %sub3A_2174, %mul3A_2323 : f32
    %mul3A_2325 = arith.constant 0.000000e+00 : f32
    %mul3A_2326 = arith.mulf %mul3A_2325, %sub3A_2237 : f32
    %mul3A_2327 = arith.mulf %select_n3A_2305, %sub3A_2255 : f32
    %mul3A_2328 = arith.mulf %select_n3A_2308, %sub3A_2181 : f32
    %sub3A_2329 = arith.subf %mul3A_2327, %mul3A_2328 : f32
    %mul3A_2330 = arith.mulf %select_n3A_2308, %sub3A_2255 : f32
    %mul3A_2331 = arith.mulf %select_n3A_2305, %sub3A_2181 : f32
    %add3A_2332 = arith.addf %mul3A_2330, %mul3A_2331 : f32
    %mul3A_2333 = arith.mulf %select_n3A_2305, %sub3A_2261 : f32
    %mul3A_2334 = arith.mulf %select_n3A_2308, %sub3A_2187 : f32
    %sub3A_2335 = arith.subf %mul3A_2333, %mul3A_2334 : f32
    %mul3A_2336 = arith.mulf %select_n3A_2308, %sub3A_2261 : f32
    %mul3A_2337 = arith.mulf %select_n3A_2305, %sub3A_2187 : f32
    %add3A_2338 = arith.addf %mul3A_2336, %mul3A_2337 : f32
    %mul3A_2339 = arith.mulf %select_n3A_2305, %sub3A_2267 : f32
    %mul3A_2340 = arith.mulf %select_n3A_2308, %sub3A_2193 : f32
    %sub3A_2341 = arith.subf %mul3A_2339, %mul3A_2340 : f32
    %mul3A_2342 = arith.mulf %select_n3A_2308, %sub3A_2267 : f32
    %mul3A_2343 = arith.mulf %select_n3A_2305, %sub3A_2193 : f32
    %add3A_2344 = arith.addf %mul3A_2342, %mul3A_2343 : f32
    %mul3A_2345 = arith.mulf %select_n3A_2305, %sub3A_2273 : f32
    %mul3A_2346 = arith.mulf %select_n3A_2308, %sub3A_2199 : f32
    %sub3A_2347 = arith.subf %mul3A_2345, %mul3A_2346 : f32
    %mul3A_2348 = arith.mulf %select_n3A_2308, %sub3A_2273 : f32
    %mul3A_2349 = arith.mulf %select_n3A_2305, %sub3A_2199 : f32
    %add3A_2350 = arith.addf %mul3A_2348, %mul3A_2349 : f32
    %sub3A_2351 = arith.subf %add3A_2176, %sub3A_2322 : f32
    %mul3A_2352 = arith.constant 2.000000e+00 : f32
    %mul3A_2353 = arith.mulf %mul3A_2352, %sub3A_2317 : f32
    %add3A_2354 = arith.constant 1.000000e-30 : f32
    %add3A_2355 = arith.addf %mul3A_2353, %add3A_2354 : f32
    %div3A_2356 = arith.divf %sub3A_2351, %add3A_2355 : f32
    %ge3A_2357 = arith.constant 0.000000e+00 : f32
    %ge3A_2358 = arith.cmpf oge, %div3A_2356, %ge3A_2357 : f32
    %jit3A_2359 = arith.constant 1.000000e+00 : f32
    %jit3A_2360 = arith.constant -1.000000e+00 : f32
    %select_n3A_2361 = arith.select %ge3A_2358, %jit3A_2359, %jit3A_2360 : f32
    %abs3A_2362 = math.absf %div3A_2356 : f32
    %mul3A_2363 = arith.mulf %div3A_2356, %div3A_2356 : f32
    %add3A_2364 = arith.constant 1.000000e+00 : f32
    %add3A_2365 = arith.addf %add3A_2364, %mul3A_2363 : f32
    %sqrt3A_2366 = math.sqrt %add3A_2365 : f32
    %add3A_2367 = arith.addf %abs3A_2362, %sqrt3A_2366 : f32
    %div3A_2368 = arith.divf %select_n3A_2361, %add3A_2367 : f32
    %abs3A_2369 = math.absf %sub3A_2317 : f32
    %lt3A_2370 = arith.constant 9.99999996E-13 : f32
    %lt3A_2371 = arith.cmpf olt, %abs3A_2369, %lt3A_2370 : f32
    %mul3A_2372 = arith.mulf %div3A_2368, %div3A_2368 : f32
    %add3A_2373 = arith.constant 1.000000e+00 : f32
    %add3A_2374 = arith.addf %add3A_2373, %mul3A_2372 : f32
    %sqrt3A_2375 = math.sqrt %add3A_2374 : f32
    %div3A_2376 = arith.constant 1.000000e+00 : f32
    %div3A_2377 = arith.divf %div3A_2376, %sqrt3A_2375 : f32
    %jit3A_2378 = arith.constant 1.000000e+00 : f32
    %select_n3A_2379 = arith.select %lt3A_2371, %jit3A_2378, %div3A_2377 : f32
    %mul3A_2380 = arith.mulf %div3A_2368, %select_n3A_2379 : f32
    %jit3A_2381 = arith.constant 0.000000e+00 : f32
    %select_n3A_2382 = arith.select %lt3A_2371, %jit3A_2381, %mul3A_2380 : f32
    %mul3A_2383 = arith.mulf %select_n3A_2379, %sub3A_2311 : f32
    %mul3A_2384 = arith.mulf %select_n3A_2382, %add3A_2246 : f32
    %sub3A_2385 = arith.subf %mul3A_2383, %mul3A_2384 : f32
    %mul3A_2386 = arith.mulf %select_n3A_2382, %sub3A_2311 : f32
    %mul3A_2387 = arith.mulf %select_n3A_2379, %add3A_2246 : f32
    %add3A_2388 = arith.addf %mul3A_2386, %mul3A_2387 : f32
    %mul3A_2389 = arith.mulf %select_n3A_2379, %mul3A_2326 : f32
    %mul3A_2390 = arith.mulf %select_n3A_2382, %add3A_2320 : f32
    %sub3A_2391 = arith.subf %mul3A_2389, %mul3A_2390 : f32
    %mul3A_2392 = arith.mulf %select_n3A_2382, %mul3A_2326 : f32
    %mul3A_2393 = arith.mulf %select_n3A_2379, %add3A_2320 : f32
    %add3A_2394 = arith.addf %mul3A_2392, %mul3A_2393 : f32
    %mul3A_2395 = arith.mulf %div3A_2368, %sub3A_2317 : f32
    %sub3A_2396 = arith.subf %sub3A_2322, %mul3A_2395 : f32
    %mul3A_2397 = arith.mulf %div3A_2368, %sub3A_2317 : f32
    %add3A_2398 = arith.addf %add3A_2176, %mul3A_2397 : f32
    %mul3A_2399 = arith.constant 0.000000e+00 : f32
    %mul3A_2400 = arith.mulf %mul3A_2399, %sub3A_2317 : f32
    %mul3A_2401 = arith.mulf %select_n3A_2379, %sub3A_2329 : f32
    %mul3A_2402 = arith.mulf %select_n3A_2382, %add3A_2184 : f32
    %sub3A_2403 = arith.subf %mul3A_2401, %mul3A_2402 : f32
    %mul3A_2404 = arith.mulf %select_n3A_2382, %sub3A_2329 : f32
    %mul3A_2405 = arith.mulf %select_n3A_2379, %add3A_2184 : f32
    %add3A_2406 = arith.addf %mul3A_2404, %mul3A_2405 : f32
    %mul3A_2407 = arith.mulf %select_n3A_2379, %sub3A_2335 : f32
    %mul3A_2408 = arith.mulf %select_n3A_2382, %add3A_2190 : f32
    %sub3A_2409 = arith.subf %mul3A_2407, %mul3A_2408 : f32
    %mul3A_2410 = arith.mulf %select_n3A_2382, %sub3A_2335 : f32
    %mul3A_2411 = arith.mulf %select_n3A_2379, %add3A_2190 : f32
    %add3A_2412 = arith.addf %mul3A_2410, %mul3A_2411 : f32
    %mul3A_2413 = arith.mulf %select_n3A_2379, %sub3A_2341 : f32
    %mul3A_2414 = arith.mulf %select_n3A_2382, %add3A_2196 : f32
    %sub3A_2415 = arith.subf %mul3A_2413, %mul3A_2414 : f32
    %mul3A_2416 = arith.mulf %select_n3A_2382, %sub3A_2341 : f32
    %mul3A_2417 = arith.mulf %select_n3A_2379, %add3A_2196 : f32
    %add3A_2418 = arith.addf %mul3A_2416, %mul3A_2417 : f32
    %mul3A_2419 = arith.mulf %select_n3A_2379, %sub3A_2347 : f32
    %mul3A_2420 = arith.mulf %select_n3A_2382, %add3A_2202 : f32
    %sub3A_2421 = arith.subf %mul3A_2419, %mul3A_2420 : f32
    %mul3A_2422 = arith.mulf %select_n3A_2382, %sub3A_2347 : f32
    %mul3A_2423 = arith.mulf %select_n3A_2379, %add3A_2202 : f32
    %add3A_2424 = arith.addf %mul3A_2422, %mul3A_2423 : f32
    %sub3A_2425 = arith.subf %add3A_2324, %add3A_2250 : f32
    %mul3A_2426 = arith.constant 2.000000e+00 : f32
    %mul3A_2427 = arith.mulf %mul3A_2426, %add3A_2314 : f32
    %add3A_2428 = arith.constant 1.000000e-30 : f32
    %add3A_2429 = arith.addf %mul3A_2427, %add3A_2428 : f32
    %div3A_2430 = arith.divf %sub3A_2425, %add3A_2429 : f32
    %ge3A_2431 = arith.constant 0.000000e+00 : f32
    %ge3A_2432 = arith.cmpf oge, %div3A_2430, %ge3A_2431 : f32
    %jit3A_2433 = arith.constant 1.000000e+00 : f32
    %jit3A_2434 = arith.constant -1.000000e+00 : f32
    %select_n3A_2435 = arith.select %ge3A_2432, %jit3A_2433, %jit3A_2434 : f32
    %abs3A_2436 = math.absf %div3A_2430 : f32
    %mul3A_2437 = arith.mulf %div3A_2430, %div3A_2430 : f32
    %add3A_2438 = arith.constant 1.000000e+00 : f32
    %add3A_2439 = arith.addf %add3A_2438, %mul3A_2437 : f32
    %sqrt3A_2440 = math.sqrt %add3A_2439 : f32
    %add3A_2441 = arith.addf %abs3A_2436, %sqrt3A_2440 : f32
    %div3A_2442 = arith.divf %select_n3A_2435, %add3A_2441 : f32
    %abs3A_2443 = math.absf %add3A_2314 : f32
    %lt3A_2444 = arith.constant 9.99999996E-13 : f32
    %lt3A_2445 = arith.cmpf olt, %abs3A_2443, %lt3A_2444 : f32
    %mul3A_2446 = arith.mulf %div3A_2442, %div3A_2442 : f32
    %add3A_2447 = arith.constant 1.000000e+00 : f32
    %add3A_2448 = arith.addf %add3A_2447, %mul3A_2446 : f32
    %sqrt3A_2449 = math.sqrt %add3A_2448 : f32
    %div3A_2450 = arith.constant 1.000000e+00 : f32
    %div3A_2451 = arith.divf %div3A_2450, %sqrt3A_2449 : f32
    %jit3A_2452 = arith.constant 1.000000e+00 : f32
    %select_n3A_2453 = arith.select %lt3A_2445, %jit3A_2452, %div3A_2451 : f32
    %mul3A_2454 = arith.mulf %div3A_2442, %select_n3A_2453 : f32
    %jit3A_2455 = arith.constant 0.000000e+00 : f32
    %select_n3A_2456 = arith.select %lt3A_2445, %jit3A_2455, %mul3A_2454 : f32
    %mul3A_2457 = arith.mulf %select_n3A_2453, %sub3A_2385 : f32
    %mul3A_2458 = arith.mulf %select_n3A_2456, %sub3A_2391 : f32
    %sub3A_2459 = arith.subf %mul3A_2457, %mul3A_2458 : f32
    %mul3A_2460 = arith.mulf %select_n3A_2456, %sub3A_2385 : f32
    %mul3A_2461 = arith.mulf %select_n3A_2453, %sub3A_2391 : f32
    %add3A_2462 = arith.addf %mul3A_2460, %mul3A_2461 : f32
    %mul3A_2463 = arith.mulf %select_n3A_2453, %add3A_2388 : f32
    %mul3A_2464 = arith.mulf %select_n3A_2456, %add3A_2394 : f32
    %sub3A_2465 = arith.subf %mul3A_2463, %mul3A_2464 : f32
    %mul3A_2466 = arith.mulf %select_n3A_2456, %add3A_2388 : f32
    %mul3A_2467 = arith.mulf %select_n3A_2453, %add3A_2394 : f32
    %add3A_2468 = arith.addf %mul3A_2466, %mul3A_2467 : f32
    %mul3A_2469 = arith.mulf %div3A_2442, %add3A_2314 : f32
    %sub3A_2470 = arith.subf %add3A_2250, %mul3A_2469 : f32
    %mul3A_2471 = arith.mulf %div3A_2442, %add3A_2314 : f32
    %add3A_2472 = arith.addf %add3A_2324, %mul3A_2471 : f32
    %mul3A_2473 = arith.constant 0.000000e+00 : f32
    %mul3A_2474 = arith.mulf %mul3A_2473, %add3A_2314 : f32
    %mul3A_2475 = arith.mulf %select_n3A_2453, %add3A_2258 : f32
    %mul3A_2476 = arith.mulf %select_n3A_2456, %add3A_2332 : f32
    %sub3A_2477 = arith.subf %mul3A_2475, %mul3A_2476 : f32
    %mul3A_2478 = arith.mulf %select_n3A_2456, %add3A_2258 : f32
    %mul3A_2479 = arith.mulf %select_n3A_2453, %add3A_2332 : f32
    %add3A_2480 = arith.addf %mul3A_2478, %mul3A_2479 : f32
    %mul3A_2481 = arith.mulf %select_n3A_2453, %add3A_2264 : f32
    %mul3A_2482 = arith.mulf %select_n3A_2456, %add3A_2338 : f32
    %sub3A_2483 = arith.subf %mul3A_2481, %mul3A_2482 : f32
    %mul3A_2484 = arith.mulf %select_n3A_2456, %add3A_2264 : f32
    %mul3A_2485 = arith.mulf %select_n3A_2453, %add3A_2338 : f32
    %add3A_2486 = arith.addf %mul3A_2484, %mul3A_2485 : f32
    %mul3A_2487 = arith.mulf %select_n3A_2453, %add3A_2270 : f32
    %mul3A_2488 = arith.mulf %select_n3A_2456, %add3A_2344 : f32
    %sub3A_2489 = arith.subf %mul3A_2487, %mul3A_2488 : f32
    %mul3A_2490 = arith.mulf %select_n3A_2456, %add3A_2270 : f32
    %mul3A_2491 = arith.mulf %select_n3A_2453, %add3A_2344 : f32
    %add3A_2492 = arith.addf %mul3A_2490, %mul3A_2491 : f32
    %mul3A_2493 = arith.mulf %select_n3A_2453, %add3A_2276 : f32
    %mul3A_2494 = arith.mulf %select_n3A_2456, %add3A_2350 : f32
    %sub3A_2495 = arith.subf %mul3A_2493, %mul3A_2494 : f32
    %mul3A_2496 = arith.mulf %select_n3A_2456, %add3A_2276 : f32
    %mul3A_2497 = arith.mulf %select_n3A_2453, %add3A_2350 : f32
    %add3A_2498 = arith.addf %mul3A_2496, %mul3A_2497 : f32
    %sub3A_2499 = arith.subf %add3A_2398, %sub3A_2470 : f32
    %mul3A_2500 = arith.constant 2.000000e+00 : f32
    %mul3A_2501 = arith.mulf %mul3A_2500, %sub3A_2465 : f32
    %add3A_2502 = arith.constant 1.000000e-30 : f32
    %add3A_2503 = arith.addf %mul3A_2501, %add3A_2502 : f32
    %div3A_2504 = arith.divf %sub3A_2499, %add3A_2503 : f32
    %ge3A_2505 = arith.constant 0.000000e+00 : f32
    %ge3A_2506 = arith.cmpf oge, %div3A_2504, %ge3A_2505 : f32
    %jit3A_2507 = arith.constant 1.000000e+00 : f32
    %jit3A_2508 = arith.constant -1.000000e+00 : f32
    %select_n3A_2509 = arith.select %ge3A_2506, %jit3A_2507, %jit3A_2508 : f32
    %abs3A_2510 = math.absf %div3A_2504 : f32
    %mul3A_2511 = arith.mulf %div3A_2504, %div3A_2504 : f32
    %add3A_2512 = arith.constant 1.000000e+00 : f32
    %add3A_2513 = arith.addf %add3A_2512, %mul3A_2511 : f32
    %sqrt3A_2514 = math.sqrt %add3A_2513 : f32
    %add3A_2515 = arith.addf %abs3A_2510, %sqrt3A_2514 : f32
    %div3A_2516 = arith.divf %select_n3A_2509, %add3A_2515 : f32
    %abs3A_2517 = math.absf %sub3A_2465 : f32
    %lt3A_2518 = arith.constant 9.99999996E-13 : f32
    %lt3A_2519 = arith.cmpf olt, %abs3A_2517, %lt3A_2518 : f32
    %mul3A_2520 = arith.mulf %div3A_2516, %div3A_2516 : f32
    %add3A_2521 = arith.constant 1.000000e+00 : f32
    %add3A_2522 = arith.addf %add3A_2521, %mul3A_2520 : f32
    %sqrt3A_2523 = math.sqrt %add3A_2522 : f32
    %div3A_2524 = arith.constant 1.000000e+00 : f32
    %div3A_2525 = arith.divf %div3A_2524, %sqrt3A_2523 : f32
    %jit3A_2526 = arith.constant 1.000000e+00 : f32
    %select_n3A_2527 = arith.select %lt3A_2519, %jit3A_2526, %div3A_2525 : f32
    %mul3A_2528 = arith.mulf %div3A_2516, %select_n3A_2527 : f32
    %jit3A_2529 = arith.constant 0.000000e+00 : f32
    %select_n3A_2530 = arith.select %lt3A_2519, %jit3A_2529, %mul3A_2528 : f32
    %mul3A_2531 = arith.mulf %select_n3A_2527, %sub3A_2459 : f32
    %mul3A_2532 = arith.mulf %select_n3A_2530, %mul3A_2400 : f32
    %sub3A_2533 = arith.subf %mul3A_2531, %mul3A_2532 : f32
    %mul3A_2534 = arith.mulf %select_n3A_2530, %sub3A_2459 : f32
    %mul3A_2535 = arith.mulf %select_n3A_2527, %mul3A_2400 : f32
    %add3A_2536 = arith.addf %mul3A_2534, %mul3A_2535 : f32
    %mul3A_2537 = arith.mulf %select_n3A_2527, %mul3A_2474 : f32
    %mul3A_2538 = arith.mulf %select_n3A_2530, %add3A_2468 : f32
    %sub3A_2539 = arith.subf %mul3A_2537, %mul3A_2538 : f32
    %mul3A_2540 = arith.mulf %select_n3A_2530, %mul3A_2474 : f32
    %mul3A_2541 = arith.mulf %select_n3A_2527, %add3A_2468 : f32
    %add3A_2542 = arith.addf %mul3A_2540, %mul3A_2541 : f32
    %mul3A_2543 = arith.mulf %div3A_2516, %sub3A_2465 : f32
    %sub3A_2544 = arith.subf %sub3A_2470, %mul3A_2543 : f32
    %mul3A_2545 = arith.mulf %div3A_2516, %sub3A_2465 : f32
    %add3A_2546 = arith.addf %add3A_2398, %mul3A_2545 : f32
    %mul3A_2547 = arith.constant 0.000000e+00 : f32
    %mul3A_2548 = arith.mulf %mul3A_2547, %sub3A_2465 : f32
    %mul3A_2549 = arith.mulf %select_n3A_2527, %sub3A_2477 : f32
    %mul3A_2550 = arith.mulf %select_n3A_2530, %add3A_2406 : f32
    %sub3A_2551 = arith.subf %mul3A_2549, %mul3A_2550 : f32
    %mul3A_2552 = arith.mulf %select_n3A_2530, %sub3A_2477 : f32
    %mul3A_2553 = arith.mulf %select_n3A_2527, %add3A_2406 : f32
    %add3A_2554 = arith.addf %mul3A_2552, %mul3A_2553 : f32
    %mul3A_2555 = arith.mulf %select_n3A_2527, %sub3A_2483 : f32
    %mul3A_2556 = arith.mulf %select_n3A_2530, %add3A_2412 : f32
    %sub3A_2557 = arith.subf %mul3A_2555, %mul3A_2556 : f32
    %mul3A_2558 = arith.mulf %select_n3A_2530, %sub3A_2483 : f32
    %mul3A_2559 = arith.mulf %select_n3A_2527, %add3A_2412 : f32
    %add3A_2560 = arith.addf %mul3A_2558, %mul3A_2559 : f32
    %mul3A_2561 = arith.mulf %select_n3A_2527, %sub3A_2489 : f32
    %mul3A_2562 = arith.mulf %select_n3A_2530, %add3A_2418 : f32
    %sub3A_2563 = arith.subf %mul3A_2561, %mul3A_2562 : f32
    %mul3A_2564 = arith.mulf %select_n3A_2530, %sub3A_2489 : f32
    %mul3A_2565 = arith.mulf %select_n3A_2527, %add3A_2418 : f32
    %add3A_2566 = arith.addf %mul3A_2564, %mul3A_2565 : f32
    %mul3A_2567 = arith.mulf %select_n3A_2527, %sub3A_2495 : f32
    %mul3A_2568 = arith.mulf %select_n3A_2530, %add3A_2424 : f32
    %sub3A_2569 = arith.subf %mul3A_2567, %mul3A_2568 : f32
    %mul3A_2570 = arith.mulf %select_n3A_2530, %sub3A_2495 : f32
    %mul3A_2571 = arith.mulf %select_n3A_2527, %add3A_2424 : f32
    %add3A_2572 = arith.addf %mul3A_2570, %mul3A_2571 : f32
    %sub3A_2573 = arith.subf %add3A_2546, %add3A_2472 : f32
    %mul3A_2574 = arith.constant 2.000000e+00 : f32
    %mul3A_2575 = arith.mulf %mul3A_2574, %add3A_2542 : f32
    %add3A_2576 = arith.constant 1.000000e-30 : f32
    %add3A_2577 = arith.addf %mul3A_2575, %add3A_2576 : f32
    %div3A_2578 = arith.divf %sub3A_2573, %add3A_2577 : f32
    %ge3A_2579 = arith.constant 0.000000e+00 : f32
    %ge3A_2580 = arith.cmpf oge, %div3A_2578, %ge3A_2579 : f32
    %jit3A_2581 = arith.constant 1.000000e+00 : f32
    %jit3A_2582 = arith.constant -1.000000e+00 : f32
    %select_n3A_2583 = arith.select %ge3A_2580, %jit3A_2581, %jit3A_2582 : f32
    %abs3A_2584 = math.absf %div3A_2578 : f32
    %mul3A_2585 = arith.mulf %div3A_2578, %div3A_2578 : f32
    %add3A_2586 = arith.constant 1.000000e+00 : f32
    %add3A_2587 = arith.addf %add3A_2586, %mul3A_2585 : f32
    %sqrt3A_2588 = math.sqrt %add3A_2587 : f32
    %add3A_2589 = arith.addf %abs3A_2584, %sqrt3A_2588 : f32
    %div3A_2590 = arith.divf %select_n3A_2583, %add3A_2589 : f32
    %abs3A_2591 = math.absf %add3A_2542 : f32
    %lt3A_2592 = arith.constant 9.99999996E-13 : f32
    %lt3A_2593 = arith.cmpf olt, %abs3A_2591, %lt3A_2592 : f32
    %mul3A_2594 = arith.mulf %div3A_2590, %div3A_2590 : f32
    %add3A_2595 = arith.constant 1.000000e+00 : f32
    %add3A_2596 = arith.addf %add3A_2595, %mul3A_2594 : f32
    %sqrt3A_2597 = math.sqrt %add3A_2596 : f32
    %div3A_2598 = arith.constant 1.000000e+00 : f32
    %div3A_2599 = arith.divf %div3A_2598, %sqrt3A_2597 : f32
    %jit3A_2600 = arith.constant 1.000000e+00 : f32
    %select_n3A_2601 = arith.select %lt3A_2593, %jit3A_2600, %div3A_2599 : f32
    %mul3A_2602 = arith.mulf %div3A_2590, %select_n3A_2601 : f32
    %jit3A_2603 = arith.constant 0.000000e+00 : f32
    %select_n3A_2604 = arith.select %lt3A_2593, %jit3A_2603, %mul3A_2602 : f32
    %mul3A_2605 = arith.mulf %select_n3A_2601, %add3A_2462 : f32
    %mul3A_2606 = arith.mulf %select_n3A_2604, %add3A_2536 : f32
    %sub3A_2607 = arith.subf %mul3A_2605, %mul3A_2606 : f32
    %mul3A_2608 = arith.mulf %select_n3A_2604, %add3A_2462 : f32
    %mul3A_2609 = arith.mulf %select_n3A_2601, %add3A_2536 : f32
    %add3A_2610 = arith.addf %mul3A_2608, %mul3A_2609 : f32
    %mul3A_2611 = arith.mulf %select_n3A_2601, %sub3A_2539 : f32
    %mul3A_2612 = arith.mulf %select_n3A_2604, %mul3A_2548 : f32
    %sub3A_2613 = arith.subf %mul3A_2611, %mul3A_2612 : f32
    %mul3A_2614 = arith.mulf %select_n3A_2604, %sub3A_2539 : f32
    %mul3A_2615 = arith.mulf %select_n3A_2601, %mul3A_2548 : f32
    %add3A_2616 = arith.addf %mul3A_2614, %mul3A_2615 : f32
    %mul3A_2617 = arith.mulf %div3A_2590, %add3A_2542 : f32
    %sub3A_2618 = arith.subf %add3A_2472, %mul3A_2617 : f32
    %mul3A_2619 = arith.mulf %div3A_2590, %add3A_2542 : f32
    %add3A_2620 = arith.addf %add3A_2546, %mul3A_2619 : f32
    %mul3A_2621 = arith.constant 0.000000e+00 : f32
    %mul3A_2622 = arith.mulf %mul3A_2621, %add3A_2542 : f32
    %mul3A_2623 = arith.mulf %select_n3A_2601, %add3A_2480 : f32
    %mul3A_2624 = arith.mulf %select_n3A_2604, %add3A_2554 : f32
    %sub3A_2625 = arith.subf %mul3A_2623, %mul3A_2624 : f32
    %mul3A_2626 = arith.mulf %select_n3A_2604, %add3A_2480 : f32
    %mul3A_2627 = arith.mulf %select_n3A_2601, %add3A_2554 : f32
    %add3A_2628 = arith.addf %mul3A_2626, %mul3A_2627 : f32
    %mul3A_2629 = arith.mulf %select_n3A_2601, %add3A_2486 : f32
    %mul3A_2630 = arith.mulf %select_n3A_2604, %add3A_2560 : f32
    %sub3A_2631 = arith.subf %mul3A_2629, %mul3A_2630 : f32
    %mul3A_2632 = arith.mulf %select_n3A_2604, %add3A_2486 : f32
    %mul3A_2633 = arith.mulf %select_n3A_2601, %add3A_2560 : f32
    %add3A_2634 = arith.addf %mul3A_2632, %mul3A_2633 : f32
    %mul3A_2635 = arith.mulf %select_n3A_2601, %add3A_2492 : f32
    %mul3A_2636 = arith.mulf %select_n3A_2604, %add3A_2566 : f32
    %sub3A_2637 = arith.subf %mul3A_2635, %mul3A_2636 : f32
    %mul3A_2638 = arith.mulf %select_n3A_2604, %add3A_2492 : f32
    %mul3A_2639 = arith.mulf %select_n3A_2601, %add3A_2566 : f32
    %add3A_2640 = arith.addf %mul3A_2638, %mul3A_2639 : f32
    %mul3A_2641 = arith.mulf %select_n3A_2601, %add3A_2498 : f32
    %mul3A_2642 = arith.mulf %select_n3A_2604, %add3A_2572 : f32
    %sub3A_2643 = arith.subf %mul3A_2641, %mul3A_2642 : f32
    %mul3A_2644 = arith.mulf %select_n3A_2604, %add3A_2498 : f32
    %mul3A_2645 = arith.mulf %select_n3A_2601, %add3A_2572 : f32
    %add3A_2646 = arith.addf %mul3A_2644, %mul3A_2645 : f32
    %sub3A_2647 = arith.subf %sub3A_2544, %sub3A_2396 : f32
    %mul3A_2648 = arith.constant 2.000000e+00 : f32
    %mul3A_2649 = arith.mulf %mul3A_2648, %sub3A_2533 : f32
    %add3A_2650 = arith.constant 1.000000e-30 : f32
    %add3A_2651 = arith.addf %mul3A_2649, %add3A_2650 : f32
    %div3A_2652 = arith.divf %sub3A_2647, %add3A_2651 : f32
    %ge3A_2653 = arith.constant 0.000000e+00 : f32
    %ge3A_2654 = arith.cmpf oge, %div3A_2652, %ge3A_2653 : f32
    %jit3A_2655 = arith.constant 1.000000e+00 : f32
    %jit3A_2656 = arith.constant -1.000000e+00 : f32
    %select_n3A_2657 = arith.select %ge3A_2654, %jit3A_2655, %jit3A_2656 : f32
    %abs3A_2658 = math.absf %div3A_2652 : f32
    %mul3A_2659 = arith.mulf %div3A_2652, %div3A_2652 : f32
    %add3A_2660 = arith.constant 1.000000e+00 : f32
    %add3A_2661 = arith.addf %add3A_2660, %mul3A_2659 : f32
    %sqrt3A_2662 = math.sqrt %add3A_2661 : f32
    %add3A_2663 = arith.addf %abs3A_2658, %sqrt3A_2662 : f32
    %div3A_2664 = arith.divf %select_n3A_2657, %add3A_2663 : f32
    %abs3A_2665 = math.absf %sub3A_2533 : f32
    %lt3A_2666 = arith.constant 9.99999996E-13 : f32
    %lt3A_2667 = arith.cmpf olt, %abs3A_2665, %lt3A_2666 : f32
    %mul3A_2668 = arith.mulf %div3A_2664, %div3A_2664 : f32
    %add3A_2669 = arith.constant 1.000000e+00 : f32
    %add3A_2670 = arith.addf %add3A_2669, %mul3A_2668 : f32
    %sqrt3A_2671 = math.sqrt %add3A_2670 : f32
    %div3A_2672 = arith.constant 1.000000e+00 : f32
    %div3A_2673 = arith.divf %div3A_2672, %sqrt3A_2671 : f32
    %jit3A_2674 = arith.constant 1.000000e+00 : f32
    %select_n3A_2675 = arith.select %lt3A_2667, %jit3A_2674, %div3A_2673 : f32
    %mul3A_2676 = arith.mulf %div3A_2664, %select_n3A_2675 : f32
    %jit3A_2677 = arith.constant 0.000000e+00 : f32
    %select_n3A_2678 = arith.select %lt3A_2667, %jit3A_2677, %mul3A_2676 : f32
    %mul3A_2679 = arith.mulf %select_n3A_2675, %sub3A_2607 : f32
    %mul3A_2680 = arith.mulf %select_n3A_2678, %sub3A_2613 : f32
    %sub3A_2681 = arith.subf %mul3A_2679, %mul3A_2680 : f32
    %mul3A_2682 = arith.mulf %select_n3A_2678, %sub3A_2607 : f32
    %mul3A_2683 = arith.mulf %select_n3A_2675, %sub3A_2613 : f32
    %add3A_2684 = arith.addf %mul3A_2682, %mul3A_2683 : f32
    %mul3A_2685 = arith.mulf %select_n3A_2675, %add3A_2610 : f32
    %mul3A_2686 = arith.mulf %select_n3A_2678, %add3A_2616 : f32
    %sub3A_2687 = arith.subf %mul3A_2685, %mul3A_2686 : f32
    %mul3A_2688 = arith.mulf %select_n3A_2678, %add3A_2610 : f32
    %mul3A_2689 = arith.mulf %select_n3A_2675, %add3A_2616 : f32
    %add3A_2690 = arith.addf %mul3A_2688, %mul3A_2689 : f32
    %mul3A_2691 = arith.mulf %div3A_2664, %sub3A_2533 : f32
    %sub3A_2692 = arith.subf %sub3A_2396, %mul3A_2691 : f32
    %mul3A_2693 = arith.mulf %div3A_2664, %sub3A_2533 : f32
    %add3A_2694 = arith.addf %sub3A_2544, %mul3A_2693 : f32
    %mul3A_2695 = arith.constant 0.000000e+00 : f32
    %mul3A_2696 = arith.mulf %mul3A_2695, %sub3A_2533 : f32
    %mul3A_2697 = arith.mulf %select_n3A_2675, %sub3A_2403 : f32
    %mul3A_2698 = arith.mulf %select_n3A_2678, %sub3A_2551 : f32
    %sub3A_2699 = arith.subf %mul3A_2697, %mul3A_2698 : f32
    %mul3A_2700 = arith.mulf %select_n3A_2678, %sub3A_2403 : f32
    %mul3A_2701 = arith.mulf %select_n3A_2675, %sub3A_2551 : f32
    %add3A_2702 = arith.addf %mul3A_2700, %mul3A_2701 : f32
    %mul3A_2703 = arith.mulf %select_n3A_2675, %sub3A_2409 : f32
    %mul3A_2704 = arith.mulf %select_n3A_2678, %sub3A_2557 : f32
    %sub3A_2705 = arith.subf %mul3A_2703, %mul3A_2704 : f32
    %mul3A_2706 = arith.mulf %select_n3A_2678, %sub3A_2409 : f32
    %mul3A_2707 = arith.mulf %select_n3A_2675, %sub3A_2557 : f32
    %add3A_2708 = arith.addf %mul3A_2706, %mul3A_2707 : f32
    %mul3A_2709 = arith.mulf %select_n3A_2675, %sub3A_2415 : f32
    %mul3A_2710 = arith.mulf %select_n3A_2678, %sub3A_2563 : f32
    %sub3A_2711 = arith.subf %mul3A_2709, %mul3A_2710 : f32
    %mul3A_2712 = arith.mulf %select_n3A_2678, %sub3A_2415 : f32
    %mul3A_2713 = arith.mulf %select_n3A_2675, %sub3A_2563 : f32
    %add3A_2714 = arith.addf %mul3A_2712, %mul3A_2713 : f32
    %mul3A_2715 = arith.mulf %select_n3A_2675, %sub3A_2421 : f32
    %mul3A_2716 = arith.mulf %select_n3A_2678, %sub3A_2569 : f32
    %sub3A_2717 = arith.subf %mul3A_2715, %mul3A_2716 : f32
    %mul3A_2718 = arith.mulf %select_n3A_2678, %sub3A_2421 : f32
    %mul3A_2719 = arith.mulf %select_n3A_2675, %sub3A_2569 : f32
    %add3A_2720 = arith.addf %mul3A_2718, %mul3A_2719 : f32
    %sub3A_2721 = arith.subf %sub3A_2618, %sub3A_2692 : f32
    %mul3A_2722 = arith.constant 2.000000e+00 : f32
    %mul3A_2723 = arith.mulf %mul3A_2722, %sub3A_2681 : f32
    %add3A_2724 = arith.constant 1.000000e-30 : f32
    %add3A_2725 = arith.addf %mul3A_2723, %add3A_2724 : f32
    %div3A_2726 = arith.divf %sub3A_2721, %add3A_2725 : f32
    %ge3A_2727 = arith.constant 0.000000e+00 : f32
    %ge3A_2728 = arith.cmpf oge, %div3A_2726, %ge3A_2727 : f32
    %jit3A_2729 = arith.constant 1.000000e+00 : f32
    %jit3A_2730 = arith.constant -1.000000e+00 : f32
    %select_n3A_2731 = arith.select %ge3A_2728, %jit3A_2729, %jit3A_2730 : f32
    %abs3A_2732 = math.absf %div3A_2726 : f32
    %mul3A_2733 = arith.mulf %div3A_2726, %div3A_2726 : f32
    %add3A_2734 = arith.constant 1.000000e+00 : f32
    %add3A_2735 = arith.addf %add3A_2734, %mul3A_2733 : f32
    %sqrt3A_2736 = math.sqrt %add3A_2735 : f32
    %add3A_2737 = arith.addf %abs3A_2732, %sqrt3A_2736 : f32
    %div3A_2738 = arith.divf %select_n3A_2731, %add3A_2737 : f32
    %abs3A_2739 = math.absf %sub3A_2681 : f32
    %lt3A_2740 = arith.constant 9.99999996E-13 : f32
    %lt3A_2741 = arith.cmpf olt, %abs3A_2739, %lt3A_2740 : f32
    %mul3A_2742 = arith.mulf %div3A_2738, %div3A_2738 : f32
    %add3A_2743 = arith.constant 1.000000e+00 : f32
    %add3A_2744 = arith.addf %add3A_2743, %mul3A_2742 : f32
    %sqrt3A_2745 = math.sqrt %add3A_2744 : f32
    %div3A_2746 = arith.constant 1.000000e+00 : f32
    %div3A_2747 = arith.divf %div3A_2746, %sqrt3A_2745 : f32
    %jit3A_2748 = arith.constant 1.000000e+00 : f32
    %select_n3A_2749 = arith.select %lt3A_2741, %jit3A_2748, %div3A_2747 : f32
    %mul3A_2750 = arith.mulf %div3A_2738, %select_n3A_2749 : f32
    %jit3A_2751 = arith.constant 0.000000e+00 : f32
    %select_n3A_2752 = arith.select %lt3A_2741, %jit3A_2751, %mul3A_2750 : f32
    %mul3A_2753 = arith.mulf %select_n3A_2749, %mul3A_2696 : f32
    %mul3A_2754 = arith.mulf %select_n3A_2752, %add3A_2684 : f32
    %sub3A_2755 = arith.subf %mul3A_2753, %mul3A_2754 : f32
    %mul3A_2756 = arith.mulf %select_n3A_2752, %mul3A_2696 : f32
    %mul3A_2757 = arith.mulf %select_n3A_2749, %add3A_2684 : f32
    %add3A_2758 = arith.addf %mul3A_2756, %mul3A_2757 : f32
    %mul3A_2759 = arith.mulf %select_n3A_2749, %sub3A_2687 : f32
    %mul3A_2760 = arith.mulf %select_n3A_2752, %mul3A_2622 : f32
    %sub3A_2761 = arith.subf %mul3A_2759, %mul3A_2760 : f32
    %mul3A_2762 = arith.mulf %select_n3A_2752, %sub3A_2687 : f32
    %mul3A_2763 = arith.mulf %select_n3A_2749, %mul3A_2622 : f32
    %add3A_2764 = arith.addf %mul3A_2762, %mul3A_2763 : f32
    %mul3A_2765 = arith.mulf %div3A_2738, %sub3A_2681 : f32
    %sub3A_2766 = arith.subf %sub3A_2692, %mul3A_2765 : f32
    %mul3A_2767 = arith.mulf %div3A_2738, %sub3A_2681 : f32
    %add3A_2768 = arith.addf %sub3A_2618, %mul3A_2767 : f32
    %mul3A_2769 = arith.constant 0.000000e+00 : f32
    %mul3A_2770 = arith.mulf %mul3A_2769, %sub3A_2681 : f32
    %mul3A_2771 = arith.mulf %select_n3A_2749, %sub3A_2699 : f32
    %mul3A_2772 = arith.mulf %select_n3A_2752, %sub3A_2625 : f32
    %sub3A_2773 = arith.subf %mul3A_2771, %mul3A_2772 : f32
    %mul3A_2774 = arith.mulf %select_n3A_2752, %sub3A_2699 : f32
    %mul3A_2775 = arith.mulf %select_n3A_2749, %sub3A_2625 : f32
    %add3A_2776 = arith.addf %mul3A_2774, %mul3A_2775 : f32
    %mul3A_2777 = arith.mulf %select_n3A_2749, %sub3A_2705 : f32
    %mul3A_2778 = arith.mulf %select_n3A_2752, %sub3A_2631 : f32
    %sub3A_2779 = arith.subf %mul3A_2777, %mul3A_2778 : f32
    %mul3A_2780 = arith.mulf %select_n3A_2752, %sub3A_2705 : f32
    %mul3A_2781 = arith.mulf %select_n3A_2749, %sub3A_2631 : f32
    %add3A_2782 = arith.addf %mul3A_2780, %mul3A_2781 : f32
    %mul3A_2783 = arith.mulf %select_n3A_2749, %sub3A_2711 : f32
    %mul3A_2784 = arith.mulf %select_n3A_2752, %sub3A_2637 : f32
    %sub3A_2785 = arith.subf %mul3A_2783, %mul3A_2784 : f32
    %mul3A_2786 = arith.mulf %select_n3A_2752, %sub3A_2711 : f32
    %mul3A_2787 = arith.mulf %select_n3A_2749, %sub3A_2637 : f32
    %add3A_2788 = arith.addf %mul3A_2786, %mul3A_2787 : f32
    %mul3A_2789 = arith.mulf %select_n3A_2749, %sub3A_2717 : f32
    %mul3A_2790 = arith.mulf %select_n3A_2752, %sub3A_2643 : f32
    %sub3A_2791 = arith.subf %mul3A_2789, %mul3A_2790 : f32
    %mul3A_2792 = arith.mulf %select_n3A_2752, %sub3A_2717 : f32
    %mul3A_2793 = arith.mulf %select_n3A_2749, %sub3A_2643 : f32
    %add3A_2794 = arith.addf %mul3A_2792, %mul3A_2793 : f32
    %sub3A_2795 = arith.subf %add3A_2620, %sub3A_2766 : f32
    %mul3A_2796 = arith.constant 2.000000e+00 : f32
    %mul3A_2797 = arith.mulf %mul3A_2796, %sub3A_2761 : f32
    %add3A_2798 = arith.constant 1.000000e-30 : f32
    %add3A_2799 = arith.addf %mul3A_2797, %add3A_2798 : f32
    %div3A_2800 = arith.divf %sub3A_2795, %add3A_2799 : f32
    %ge3A_2801 = arith.constant 0.000000e+00 : f32
    %ge3A_2802 = arith.cmpf oge, %div3A_2800, %ge3A_2801 : f32
    %jit3A_2803 = arith.constant 1.000000e+00 : f32
    %jit3A_2804 = arith.constant -1.000000e+00 : f32
    %select_n3A_2805 = arith.select %ge3A_2802, %jit3A_2803, %jit3A_2804 : f32
    %abs3A_2806 = math.absf %div3A_2800 : f32
    %mul3A_2807 = arith.mulf %div3A_2800, %div3A_2800 : f32
    %add3A_2808 = arith.constant 1.000000e+00 : f32
    %add3A_2809 = arith.addf %add3A_2808, %mul3A_2807 : f32
    %sqrt3A_2810 = math.sqrt %add3A_2809 : f32
    %add3A_2811 = arith.addf %abs3A_2806, %sqrt3A_2810 : f32
    %div3A_2812 = arith.divf %select_n3A_2805, %add3A_2811 : f32
    %abs3A_2813 = math.absf %sub3A_2761 : f32
    %lt3A_2814 = arith.constant 9.99999996E-13 : f32
    %lt3A_2815 = arith.cmpf olt, %abs3A_2813, %lt3A_2814 : f32
    %mul3A_2816 = arith.mulf %div3A_2812, %div3A_2812 : f32
    %add3A_2817 = arith.constant 1.000000e+00 : f32
    %add3A_2818 = arith.addf %add3A_2817, %mul3A_2816 : f32
    %sqrt3A_2819 = math.sqrt %add3A_2818 : f32
    %div3A_2820 = arith.constant 1.000000e+00 : f32
    %div3A_2821 = arith.divf %div3A_2820, %sqrt3A_2819 : f32
    %jit3A_2822 = arith.constant 1.000000e+00 : f32
    %select_n3A_2823 = arith.select %lt3A_2815, %jit3A_2822, %div3A_2821 : f32
    %mul3A_2824 = arith.mulf %div3A_2812, %select_n3A_2823 : f32
    %jit3A_2825 = arith.constant 0.000000e+00 : f32
    %select_n3A_2826 = arith.select %lt3A_2815, %jit3A_2825, %mul3A_2824 : f32
    %mul3A_2827 = arith.mulf %select_n3A_2826, %sub3A_2755 : f32
    %mul3A_2828 = arith.mulf %select_n3A_2823, %add3A_2690 : f32
    %add3A_2829 = arith.addf %mul3A_2827, %mul3A_2828 : f32
    %mul3A_2830 = arith.mulf %select_n3A_2826, %mul3A_2770 : f32
    %mul3A_2831 = arith.mulf %select_n3A_2823, %add3A_2764 : f32
    %add3A_2832 = arith.addf %mul3A_2830, %mul3A_2831 : f32
    %mul3A_2833 = arith.mulf %div3A_2812, %sub3A_2761 : f32
    %sub3A_2834 = arith.subf %sub3A_2766, %mul3A_2833 : f32
    %mul3A_2835 = arith.mulf %div3A_2812, %sub3A_2761 : f32
    %add3A_2836 = arith.addf %add3A_2620, %mul3A_2835 : f32
    %mul3A_2837 = arith.mulf %select_n3A_2823, %sub3A_2773 : f32
    %mul3A_2838 = arith.mulf %select_n3A_2826, %add3A_2628 : f32
    %sub3A_2839 = arith.subf %mul3A_2837, %mul3A_2838 : f32
    %mul3A_2840 = arith.mulf %select_n3A_2826, %sub3A_2773 : f32
    %mul3A_2841 = arith.mulf %select_n3A_2823, %add3A_2628 : f32
    %add3A_2842 = arith.addf %mul3A_2840, %mul3A_2841 : f32
    %mul3A_2843 = arith.mulf %select_n3A_2823, %sub3A_2779 : f32
    %mul3A_2844 = arith.mulf %select_n3A_2826, %add3A_2634 : f32
    %sub3A_2845 = arith.subf %mul3A_2843, %mul3A_2844 : f32
    %mul3A_2846 = arith.mulf %select_n3A_2826, %sub3A_2779 : f32
    %mul3A_2847 = arith.mulf %select_n3A_2823, %add3A_2634 : f32
    %add3A_2848 = arith.addf %mul3A_2846, %mul3A_2847 : f32
    %mul3A_2849 = arith.mulf %select_n3A_2823, %sub3A_2785 : f32
    %mul3A_2850 = arith.mulf %select_n3A_2826, %add3A_2640 : f32
    %sub3A_2851 = arith.subf %mul3A_2849, %mul3A_2850 : f32
    %mul3A_2852 = arith.mulf %select_n3A_2826, %sub3A_2785 : f32
    %mul3A_2853 = arith.mulf %select_n3A_2823, %add3A_2640 : f32
    %add3A_2854 = arith.addf %mul3A_2852, %mul3A_2853 : f32
    %mul3A_2855 = arith.mulf %select_n3A_2823, %sub3A_2791 : f32
    %mul3A_2856 = arith.mulf %select_n3A_2826, %add3A_2646 : f32
    %sub3A_2857 = arith.subf %mul3A_2855, %mul3A_2856 : f32
    %mul3A_2858 = arith.mulf %select_n3A_2826, %sub3A_2791 : f32
    %mul3A_2859 = arith.mulf %select_n3A_2823, %add3A_2646 : f32
    %add3A_2860 = arith.addf %mul3A_2858, %mul3A_2859 : f32
    %sub3A_2861 = arith.subf %add3A_2768, %add3A_2694 : f32
    %mul3A_2862 = arith.constant 2.000000e+00 : f32
    %mul3A_2863 = arith.mulf %mul3A_2862, %add3A_2758 : f32
    %add3A_2864 = arith.constant 1.000000e-30 : f32
    %add3A_2865 = arith.addf %mul3A_2863, %add3A_2864 : f32
    %div3A_2866 = arith.divf %sub3A_2861, %add3A_2865 : f32
    %ge3A_2867 = arith.constant 0.000000e+00 : f32
    %ge3A_2868 = arith.cmpf oge, %div3A_2866, %ge3A_2867 : f32
    %jit3A_2869 = arith.constant 1.000000e+00 : f32
    %jit3A_2870 = arith.constant -1.000000e+00 : f32
    %select_n3A_2871 = arith.select %ge3A_2868, %jit3A_2869, %jit3A_2870 : f32
    %abs3A_2872 = math.absf %div3A_2866 : f32
    %mul3A_2873 = arith.mulf %div3A_2866, %div3A_2866 : f32
    %add3A_2874 = arith.constant 1.000000e+00 : f32
    %add3A_2875 = arith.addf %add3A_2874, %mul3A_2873 : f32
    %sqrt3A_2876 = math.sqrt %add3A_2875 : f32
    %add3A_2877 = arith.addf %abs3A_2872, %sqrt3A_2876 : f32
    %div3A_2878 = arith.divf %select_n3A_2871, %add3A_2877 : f32
    %abs3A_2879 = math.absf %add3A_2758 : f32
    %lt3A_2880 = arith.constant 9.99999996E-13 : f32
    %lt3A_2881 = arith.cmpf olt, %abs3A_2879, %lt3A_2880 : f32
    %mul3A_2882 = arith.mulf %div3A_2878, %div3A_2878 : f32
    %add3A_2883 = arith.constant 1.000000e+00 : f32
    %add3A_2884 = arith.addf %add3A_2883, %mul3A_2882 : f32
    %sqrt3A_2885 = math.sqrt %add3A_2884 : f32
    %div3A_2886 = arith.constant 1.000000e+00 : f32
    %div3A_2887 = arith.divf %div3A_2886, %sqrt3A_2885 : f32
    %jit3A_2888 = arith.constant 1.000000e+00 : f32
    %select_n3A_2889 = arith.select %lt3A_2881, %jit3A_2888, %div3A_2887 : f32
    %mul3A_2890 = arith.mulf %div3A_2878, %select_n3A_2889 : f32
    %jit3A_2891 = arith.constant 0.000000e+00 : f32
    %select_n3A_2892 = arith.select %lt3A_2881, %jit3A_2891, %mul3A_2890 : f32
    %mul3A_2893 = arith.mulf %select_n3A_2889, %add3A_2829 : f32
    %mul3A_2894 = arith.mulf %select_n3A_2892, %add3A_2832 : f32
    %sub3A_2895 = arith.subf %mul3A_2893, %mul3A_2894 : f32
    %mul3A_2896 = arith.mulf %select_n3A_2892, %add3A_2829 : f32
    %mul3A_2897 = arith.mulf %select_n3A_2889, %add3A_2832 : f32
    %add3A_2898 = arith.addf %mul3A_2896, %mul3A_2897 : f32
    %mul3A_2899 = arith.mulf %div3A_2878, %add3A_2758 : f32
    %sub3A_2900 = arith.subf %add3A_2694, %mul3A_2899 : f32
    %mul3A_2901 = arith.mulf %div3A_2878, %add3A_2758 : f32
    %add3A_2902 = arith.addf %add3A_2768, %mul3A_2901 : f32
    %mul3A_2903 = arith.constant 0.000000e+00 : f32
    %mul3A_2904 = arith.mulf %mul3A_2903, %add3A_2758 : f32
    %mul3A_2905 = arith.mulf %select_n3A_2889, %add3A_2702 : f32
    %mul3A_2906 = arith.mulf %select_n3A_2892, %add3A_2776 : f32
    %sub3A_2907 = arith.subf %mul3A_2905, %mul3A_2906 : f32
    %mul3A_2908 = arith.mulf %select_n3A_2892, %add3A_2702 : f32
    %mul3A_2909 = arith.mulf %select_n3A_2889, %add3A_2776 : f32
    %add3A_2910 = arith.addf %mul3A_2908, %mul3A_2909 : f32
    %mul3A_2911 = arith.mulf %select_n3A_2889, %add3A_2708 : f32
    %mul3A_2912 = arith.mulf %select_n3A_2892, %add3A_2782 : f32
    %sub3A_2913 = arith.subf %mul3A_2911, %mul3A_2912 : f32
    %mul3A_2914 = arith.mulf %select_n3A_2892, %add3A_2708 : f32
    %mul3A_2915 = arith.mulf %select_n3A_2889, %add3A_2782 : f32
    %add3A_2916 = arith.addf %mul3A_2914, %mul3A_2915 : f32
    %mul3A_2917 = arith.mulf %select_n3A_2889, %add3A_2714 : f32
    %mul3A_2918 = arith.mulf %select_n3A_2892, %add3A_2788 : f32
    %sub3A_2919 = arith.subf %mul3A_2917, %mul3A_2918 : f32
    %mul3A_2920 = arith.mulf %select_n3A_2892, %add3A_2714 : f32
    %mul3A_2921 = arith.mulf %select_n3A_2889, %add3A_2788 : f32
    %add3A_2922 = arith.addf %mul3A_2920, %mul3A_2921 : f32
    %mul3A_2923 = arith.mulf %select_n3A_2889, %add3A_2720 : f32
    %mul3A_2924 = arith.mulf %select_n3A_2892, %add3A_2794 : f32
    %sub3A_2925 = arith.subf %mul3A_2923, %mul3A_2924 : f32
    %mul3A_2926 = arith.mulf %select_n3A_2892, %add3A_2720 : f32
    %mul3A_2927 = arith.mulf %select_n3A_2889, %add3A_2794 : f32
    %add3A_2928 = arith.addf %mul3A_2926, %mul3A_2927 : f32
    %sub3A_2929 = arith.subf %add3A_2836, %sub3A_2900 : f32
    %mul3A_2930 = arith.constant 2.000000e+00 : f32
    %mul3A_2931 = arith.mulf %mul3A_2930, %sub3A_2895 : f32
    %add3A_2932 = arith.constant 1.000000e-30 : f32
    %add3A_2933 = arith.addf %mul3A_2931, %add3A_2932 : f32
    %div3A_2934 = arith.divf %sub3A_2929, %add3A_2933 : f32
    %ge3A_2935 = arith.constant 0.000000e+00 : f32
    %ge3A_2936 = arith.cmpf oge, %div3A_2934, %ge3A_2935 : f32
    %jit3A_2937 = arith.constant 1.000000e+00 : f32
    %jit3A_2938 = arith.constant -1.000000e+00 : f32
    %select_n3A_2939 = arith.select %ge3A_2936, %jit3A_2937, %jit3A_2938 : f32
    %abs3A_2940 = math.absf %div3A_2934 : f32
    %mul3A_2941 = arith.mulf %div3A_2934, %div3A_2934 : f32
    %add3A_2942 = arith.constant 1.000000e+00 : f32
    %add3A_2943 = arith.addf %add3A_2942, %mul3A_2941 : f32
    %sqrt3A_2944 = math.sqrt %add3A_2943 : f32
    %add3A_2945 = arith.addf %abs3A_2940, %sqrt3A_2944 : f32
    %div3A_2946 = arith.divf %select_n3A_2939, %add3A_2945 : f32
    %abs3A_2947 = math.absf %sub3A_2895 : f32
    %lt3A_2948 = arith.constant 9.99999996E-13 : f32
    %lt3A_2949 = arith.cmpf olt, %abs3A_2947, %lt3A_2948 : f32
    %mul3A_2950 = arith.mulf %div3A_2946, %div3A_2946 : f32
    %add3A_2951 = arith.constant 1.000000e+00 : f32
    %add3A_2952 = arith.addf %add3A_2951, %mul3A_2950 : f32
    %sqrt3A_2953 = math.sqrt %add3A_2952 : f32
    %div3A_2954 = arith.constant 1.000000e+00 : f32
    %div3A_2955 = arith.divf %div3A_2954, %sqrt3A_2953 : f32
    %jit3A_2956 = arith.constant 1.000000e+00 : f32
    %select_n3A_2957 = arith.select %lt3A_2949, %jit3A_2956, %div3A_2955 : f32
    %mul3A_2958 = arith.mulf %div3A_2946, %select_n3A_2957 : f32
    %jit3A_2959 = arith.constant 0.000000e+00 : f32
    %select_n3A_2960 = arith.select %lt3A_2949, %jit3A_2959, %mul3A_2958 : f32
    %mul3A_2961 = arith.mulf %select_n3A_2960, %mul3A_2904 : f32
    %mul3A_2962 = arith.mulf %select_n3A_2957, %add3A_2898 : f32
    %add3A_2963 = arith.addf %mul3A_2961, %mul3A_2962 : f32
    %mul3A_2964 = arith.mulf %div3A_2946, %sub3A_2895 : f32
    %sub3A_2965 = arith.subf %sub3A_2900, %mul3A_2964 : f32
    %mul3A_2966 = arith.mulf %div3A_2946, %sub3A_2895 : f32
    %add3A_2967 = arith.addf %add3A_2836, %mul3A_2966 : f32
    %mul3A_2968 = arith.mulf %select_n3A_2957, %sub3A_2907 : f32
    %mul3A_2969 = arith.mulf %select_n3A_2960, %add3A_2842 : f32
    %sub3A_2970 = arith.subf %mul3A_2968, %mul3A_2969 : f32
    %mul3A_2971 = arith.mulf %select_n3A_2960, %sub3A_2907 : f32
    %mul3A_2972 = arith.mulf %select_n3A_2957, %add3A_2842 : f32
    %add3A_2973 = arith.addf %mul3A_2971, %mul3A_2972 : f32
    %mul3A_2974 = arith.mulf %select_n3A_2957, %sub3A_2913 : f32
    %mul3A_2975 = arith.mulf %select_n3A_2960, %add3A_2848 : f32
    %sub3A_2976 = arith.subf %mul3A_2974, %mul3A_2975 : f32
    %mul3A_2977 = arith.mulf %select_n3A_2960, %sub3A_2913 : f32
    %mul3A_2978 = arith.mulf %select_n3A_2957, %add3A_2848 : f32
    %add3A_2979 = arith.addf %mul3A_2977, %mul3A_2978 : f32
    %mul3A_2980 = arith.mulf %select_n3A_2957, %sub3A_2919 : f32
    %mul3A_2981 = arith.mulf %select_n3A_2960, %add3A_2854 : f32
    %sub3A_2982 = arith.subf %mul3A_2980, %mul3A_2981 : f32
    %mul3A_2983 = arith.mulf %select_n3A_2960, %sub3A_2919 : f32
    %mul3A_2984 = arith.mulf %select_n3A_2957, %add3A_2854 : f32
    %add3A_2985 = arith.addf %mul3A_2983, %mul3A_2984 : f32
    %mul3A_2986 = arith.mulf %select_n3A_2957, %sub3A_2925 : f32
    %mul3A_2987 = arith.mulf %select_n3A_2960, %add3A_2860 : f32
    %sub3A_2988 = arith.subf %mul3A_2986, %mul3A_2987 : f32
    %mul3A_2989 = arith.mulf %select_n3A_2960, %sub3A_2925 : f32
    %mul3A_2990 = arith.mulf %select_n3A_2957, %add3A_2860 : f32
    %add3A_2991 = arith.addf %mul3A_2989, %mul3A_2990 : f32
    %sub3A_2992 = arith.subf %add3A_2967, %add3A_2902 : f32
    %mul3A_2993 = arith.constant 2.000000e+00 : f32
    %mul3A_2994 = arith.mulf %mul3A_2993, %add3A_2963 : f32
    %add3A_2995 = arith.constant 1.000000e-30 : f32
    %add3A_2996 = arith.addf %mul3A_2994, %add3A_2995 : f32
    %div3A_2997 = arith.divf %sub3A_2992, %add3A_2996 : f32
    %ge3A_2998 = arith.constant 0.000000e+00 : f32
    %ge3A_2999 = arith.cmpf oge, %div3A_2997, %ge3A_2998 : f32
    %jit3A_3000 = arith.constant 1.000000e+00 : f32
    %jit3A_3001 = arith.constant -1.000000e+00 : f32
    %select_n3A_3002 = arith.select %ge3A_2999, %jit3A_3000, %jit3A_3001 : f32
    %abs3A_3003 = math.absf %div3A_2997 : f32
    %mul3A_3004 = arith.mulf %div3A_2997, %div3A_2997 : f32
    %add3A_3005 = arith.constant 1.000000e+00 : f32
    %add3A_3006 = arith.addf %add3A_3005, %mul3A_3004 : f32
    %sqrt3A_3007 = math.sqrt %add3A_3006 : f32
    %add3A_3008 = arith.addf %abs3A_3003, %sqrt3A_3007 : f32
    %div3A_3009 = arith.divf %select_n3A_3002, %add3A_3008 : f32
    %abs3A_3010 = math.absf %add3A_2963 : f32
    %lt3A_3011 = arith.constant 9.99999996E-13 : f32
    %lt3A_3012 = arith.cmpf olt, %abs3A_3010, %lt3A_3011 : f32
    %mul3A_3013 = arith.mulf %div3A_3009, %div3A_3009 : f32
    %add3A_3014 = arith.constant 1.000000e+00 : f32
    %add3A_3015 = arith.addf %add3A_3014, %mul3A_3013 : f32
    %sqrt3A_3016 = math.sqrt %add3A_3015 : f32
    %div3A_3017 = arith.constant 1.000000e+00 : f32
    %div3A_3018 = arith.divf %div3A_3017, %sqrt3A_3016 : f32
    %jit3A_3019 = arith.constant 1.000000e+00 : f32
    %select_n3A_3020 = arith.select %lt3A_3012, %jit3A_3019, %div3A_3018 : f32
    %mul3A_3021 = arith.mulf %div3A_3009, %select_n3A_3020 : f32
    %jit3A_3022 = arith.constant 0.000000e+00 : f32
    %select_n3A_3023 = arith.select %lt3A_3012, %jit3A_3022, %mul3A_3021 : f32
    %mul3A_3024 = arith.mulf %div3A_3009, %add3A_2963 : f32
    %sub3A_3025 = arith.subf %add3A_2902, %mul3A_3024 : f32
    %mul3A_3026 = arith.mulf %div3A_3009, %add3A_2963 : f32
    %add3A_3027 = arith.addf %add3A_2967, %mul3A_3026 : f32
    %mul3A_3028 = arith.mulf %select_n3A_3020, %add3A_2910 : f32
    %mul3A_3029 = arith.mulf %select_n3A_3023, %add3A_2973 : f32
    %sub3A_3030 = arith.subf %mul3A_3028, %mul3A_3029 : f32
    %mul3A_3031 = arith.mulf %select_n3A_3023, %add3A_2910 : f32
    %mul3A_3032 = arith.mulf %select_n3A_3020, %add3A_2973 : f32
    %add3A_3033 = arith.addf %mul3A_3031, %mul3A_3032 : f32
    %mul3A_3034 = arith.mulf %select_n3A_3020, %add3A_2916 : f32
    %mul3A_3035 = arith.mulf %select_n3A_3023, %add3A_2979 : f32
    %sub3A_3036 = arith.subf %mul3A_3034, %mul3A_3035 : f32
    %mul3A_3037 = arith.mulf %select_n3A_3023, %add3A_2916 : f32
    %mul3A_3038 = arith.mulf %select_n3A_3020, %add3A_2979 : f32
    %add3A_3039 = arith.addf %mul3A_3037, %mul3A_3038 : f32
    %mul3A_3040 = arith.mulf %select_n3A_3020, %add3A_2922 : f32
    %mul3A_3041 = arith.mulf %select_n3A_3023, %add3A_2985 : f32
    %sub3A_3042 = arith.subf %mul3A_3040, %mul3A_3041 : f32
    %mul3A_3043 = arith.mulf %select_n3A_3023, %add3A_2922 : f32
    %mul3A_3044 = arith.mulf %select_n3A_3020, %add3A_2985 : f32
    %add3A_3045 = arith.addf %mul3A_3043, %mul3A_3044 : f32
    %mul3A_3046 = arith.mulf %select_n3A_3020, %add3A_2928 : f32
    %mul3A_3047 = arith.mulf %select_n3A_3023, %add3A_2991 : f32
    %sub3A_3048 = arith.subf %mul3A_3046, %mul3A_3047 : f32
    %mul3A_3049 = arith.mulf %select_n3A_3023, %add3A_2928 : f32
    %mul3A_3050 = arith.mulf %select_n3A_3020, %add3A_2991 : f32
    %add3A_3051 = arith.addf %mul3A_3049, %mul3A_3050 : f32
    %gt3A_3052 = arith.cmpf ogt, %sub3A_2965, %sub3A_2834 : f32
    %select_n3A_3053 = arith.select %gt3A_3052, %sub3A_2970, %sub3A_2839 : f32
    %select_n3A_3054 = arith.select %gt3A_3052, %sub3A_2976, %sub3A_2845 : f32
    %select_n3A_3055 = arith.select %gt3A_3052, %sub3A_2982, %sub3A_2851 : f32
    %select_n3A_3056 = arith.select %gt3A_3052, %sub3A_2988, %sub3A_2857 : f32
    %select_n3A_3057 = arith.select %gt3A_3052, %sub3A_2965, %sub3A_2834 : f32
    %gt3A_3058 = arith.cmpf ogt, %sub3A_3025, %select_n3A_3057 : f32
    %select_n3A_3059 = arith.select %gt3A_3058, %sub3A_3030, %select_n3A_3053 : f32
    %select_n3A_3060 = arith.select %gt3A_3058, %sub3A_3036, %select_n3A_3054 : f32
    %select_n3A_3061 = arith.select %gt3A_3058, %sub3A_3042, %select_n3A_3055 : f32
    %select_n3A_3062 = arith.select %gt3A_3058, %sub3A_3048, %select_n3A_3056 : f32
    %select_n3A_3063 = arith.select %gt3A_3058, %sub3A_3025, %select_n3A_3057 : f32
    %gt3A_3064 = arith.cmpf ogt, %add3A_3027, %select_n3A_3063 : f32
    %select_n3A_3065 = arith.select %gt3A_3064, %add3A_3033, %select_n3A_3059 : f32
    %select_n3A_3066 = arith.select %gt3A_3064, %add3A_3039, %select_n3A_3060 : f32
    %select_n3A_3067 = arith.select %gt3A_3064, %add3A_3045, %select_n3A_3061 : f32
    %select_n3A_3068 = arith.select %gt3A_3064, %add3A_3051, %select_n3A_3062 : f32
    %integer_pow3A = arith.mulf %select_n3A_3065, %select_n3A_3065 : f32
    %integer_pow3A_3069 = arith.mulf %select_n3A_3066, %select_n3A_3066 : f32
    %add3A_3070 = arith.addf %integer_pow3A, %integer_pow3A_3069 : f32
    %integer_pow3A_3071 = arith.mulf %select_n3A_3067, %select_n3A_3067 : f32
    %add3A_3072 = arith.addf %add3A_3070, %integer_pow3A_3071 : f32
    %integer_pow3A_3073 = arith.mulf %select_n3A_3068, %select_n3A_3068 : f32
    %add3A_3074 = arith.addf %add3A_3072, %integer_pow3A_3073 : f32
    %sqrt3A_3075 = math.sqrt %add3A_3074 : f32
    %div3A_3076 = arith.constant 1.000000e+00 : f32
    %div3A_3077 = arith.divf %div3A_3076, %sqrt3A_3075 : f32
    %mul3A_3078 = arith.mulf %select_n3A_3065, %div3A_3077 : f32
    %mul3A_3079 = arith.mulf %select_n3A_3066, %div3A_3077 : f32
    %mul3A_3080 = arith.mulf %select_n3A_3067, %div3A_3077 : f32
    %mul3A_3081 = arith.mulf %select_n3A_3068, %div3A_3077 : f32
    %mul3A_3082 = arith.mulf %mul3A_3080, %mul3A_3080 : f32
    %mul3A_3083 = arith.mulf %mul3A_3081, %mul3A_3081 : f32
    %add3A_3084 = arith.addf %mul3A_3082, %mul3A_3083 : f32
    %mul3A_3085 = arith.constant 2.000000e+00 : f32
    %mul3A_3086 = arith.mulf %mul3A_3085, %add3A_3084 : f32
    %sub3A_3087 = arith.constant 1.000000e+00 : f32
    %sub3A_3088 = arith.subf %sub3A_3087, %mul3A_3086 : f32
    %mul3A_3089 = arith.mulf %mul3A_3079, %mul3A_3080 : f32
    %mul3A_3090 = arith.mulf %mul3A_3078, %mul3A_3081 : f32
    %sub3A_3091 = arith.subf %mul3A_3089, %mul3A_3090 : f32
    %mul3A_3092 = arith.constant 2.000000e+00 : f32
    %mul3A_3093 = arith.mulf %mul3A_3092, %sub3A_3091 : f32
    %mul3A_3094 = arith.mulf %mul3A_3079, %mul3A_3081 : f32
    %mul3A_3095 = arith.mulf %mul3A_3078, %mul3A_3080 : f32
    %add3A_3096 = arith.addf %mul3A_3094, %mul3A_3095 : f32
    %mul3A_3097 = arith.constant 2.000000e+00 : f32
    %mul3A_3098 = arith.mulf %mul3A_3097, %add3A_3096 : f32
    %mul3A_3099 = arith.mulf %mul3A_3079, %mul3A_3080 : f32
    %mul3A_3100 = arith.mulf %mul3A_3078, %mul3A_3081 : f32
    %add3A_3101 = arith.addf %mul3A_3099, %mul3A_3100 : f32
    %mul3A_3102 = arith.constant 2.000000e+00 : f32
    %mul3A_3103 = arith.mulf %mul3A_3102, %add3A_3101 : f32
    %mul3A_3104 = arith.mulf %mul3A_3079, %mul3A_3079 : f32
    %mul3A_3105 = arith.mulf %mul3A_3081, %mul3A_3081 : f32
    %add3A_3106 = arith.addf %mul3A_3104, %mul3A_3105 : f32
    %mul3A_3107 = arith.constant 2.000000e+00 : f32
    %mul3A_3108 = arith.mulf %mul3A_3107, %add3A_3106 : f32
    %sub3A_3109 = arith.constant 1.000000e+00 : f32
    %sub3A_3110 = arith.subf %sub3A_3109, %mul3A_3108 : f32
    %mul3A_3111 = arith.mulf %mul3A_3080, %mul3A_3081 : f32
    %mul3A_3112 = arith.mulf %mul3A_3078, %mul3A_3079 : f32
    %sub3A_3113 = arith.subf %mul3A_3111, %mul3A_3112 : f32
    %mul3A_3114 = arith.constant 2.000000e+00 : f32
    %mul3A_3115 = arith.mulf %mul3A_3114, %sub3A_3113 : f32
    %mul3A_3116 = arith.mulf %mul3A_3079, %mul3A_3081 : f32
    %mul3A_3117 = arith.mulf %mul3A_3078, %mul3A_3080 : f32
    %sub3A_3118 = arith.subf %mul3A_3116, %mul3A_3117 : f32
    %mul3A_3119 = arith.constant 2.000000e+00 : f32
    %mul3A_3120 = arith.mulf %mul3A_3119, %sub3A_3118 : f32
    %mul3A_3121 = arith.mulf %mul3A_3080, %mul3A_3081 : f32
    %mul3A_3122 = arith.mulf %mul3A_3078, %mul3A_3079 : f32
    %add3A_3123 = arith.addf %mul3A_3121, %mul3A_3122 : f32
    %mul3A_3124 = arith.constant 2.000000e+00 : f32
    %mul3A_3125 = arith.mulf %mul3A_3124, %add3A_3123 : f32
    %mul3A_3126 = arith.mulf %mul3A_3079, %mul3A_3079 : f32
    %mul3A_3127 = arith.mulf %mul3A_3080, %mul3A_3080 : f32
    %add3A_3128 = arith.addf %mul3A_3126, %mul3A_3127 : f32
    %mul3A_3129 = arith.constant 2.000000e+00 : f32
    %mul3A_3130 = arith.mulf %mul3A_3129, %add3A_3128 : f32
    %sub3A_3131 = arith.constant 1.000000e+00 : f32
    %sub3A_3132 = arith.subf %sub3A_3131, %mul3A_3130 : f32
    %mul3A_3133 = arith.mulf %sub3A_3088, %div3A_316 : f32
    %mul3A_3134 = arith.mulf %mul3A_3093, %div3A_317 : f32
    %add3A_3135 = arith.addf %mul3A_3133, %mul3A_3134 : f32
    %mul3A_3136 = arith.mulf %mul3A_3098, %div3A_318 : f32
    %add3A_3137 = arith.addf %add3A_3135, %mul3A_3136 : f32
    %sub3A_3138 = arith.subf %div3A, %add3A_3137 : f32
    %mul3A_3139 = arith.mulf %mul3A_3103, %div3A_316 : f32
    %mul3A_3140 = arith.mulf %sub3A_3110, %div3A_317 : f32
    %add3A_3141 = arith.addf %mul3A_3139, %mul3A_3140 : f32
    %mul3A_3142 = arith.mulf %mul3A_3115, %div3A_318 : f32
    %add3A_3143 = arith.addf %add3A_3141, %mul3A_3142 : f32
    %sub3A_3144 = arith.subf %div3A_314, %add3A_3143 : f32
    %mul3A_3145 = arith.mulf %mul3A_3120, %div3A_316 : f32
    %mul3A_3146 = arith.mulf %mul3A_3125, %div3A_317 : f32
    %add3A_3147 = arith.addf %mul3A_3145, %mul3A_3146 : f32
    %mul3A_3148 = arith.mulf %sub3A_3132, %div3A_318 : f32
    %add3A_3149 = arith.addf %add3A_3147, %mul3A_3148 : f32
    %sub3A_3150 = arith.subf %div3A_315, %add3A_3149 : f32
    %iota3A_3151 = tpu.iota {dimensions = array<i32: 0>} : vector<4x4xi32>
    %iota3A_3152 = tpu.iota {dimensions = array<i32: 1>} : vector<4x4xi32>
    %eq3A_3153 = arith.constant 3 : i32
    %eq3A_3154 = vector.broadcast %eq3A_3153 : i32 to vector<4x4xi32>
    %eq3A_3155 = arith.cmpi eq, %iota3A_3151, %eq3A_3154 : vector<4x4xi32>
    %eq3A_3156 = arith.constant 3 : i32
    %eq3A_3157 = vector.broadcast %eq3A_3156 : i32 to vector<4x4xi32>
    %eq3A_3158 = arith.cmpi eq, %iota3A_3152, %eq3A_3157 : vector<4x4xi32>
    %and3A_3159 = arith.andi %eq3A_3155, %eq3A_3158 : vector<4x4xi1>
    %jit3A_3160 = arith.constant 1.000000e+00 : f32
    %jit3A_3161 = arith.constant 0.000000e+00 : f32
    %broadcast_in_dim3A_3162 = vector.broadcast %jit3A_3160 : f32 to vector<4x4xf32>
    %broadcast_in_dim3A_3163 = vector.broadcast %jit3A_3161 : f32 to vector<4x4xf32>
    %select_n3A_3164 = arith.select %and3A_3159, %broadcast_in_dim3A_3162, %broadcast_in_dim3A_3163 : vector<4x4xi1>, vector<4x4xf32>
    %eq3A_3165 = arith.constant 0 : i32
    %eq3A_3166 = vector.broadcast %eq3A_3165 : i32 to vector<4x4xi32>
    %eq3A_3167 = arith.cmpi eq, %iota3A_3151, %eq3A_3166 : vector<4x4xi32>
    %eq3A_3168 = arith.constant 0 : i32
    %eq3A_3169 = vector.broadcast %eq3A_3168 : i32 to vector<4x4xi32>
    %eq3A_3170 = arith.cmpi eq, %iota3A_3152, %eq3A_3169 : vector<4x4xi32>
    %and3A_3171 = arith.andi %eq3A_3167, %eq3A_3170 : vector<4x4xi1>
    %broadcast_in_dim3A_3172 = vector.broadcast %sub3A_3088 : f32 to vector<4x4xf32>
    %select_n3A_3173 = arith.select %and3A_3171, %broadcast_in_dim3A_3172, %select_n3A_3164 : vector<4x4xi1>, vector<4x4xf32>
    %eq3A_3174 = arith.constant 0 : i32
    %eq3A_3175 = vector.broadcast %eq3A_3174 : i32 to vector<4x4xi32>
    %eq3A_3176 = arith.cmpi eq, %iota3A_3151, %eq3A_3175 : vector<4x4xi32>
    %eq3A_3177 = arith.constant 1 : i32
    %eq3A_3178 = vector.broadcast %eq3A_3177 : i32 to vector<4x4xi32>
    %eq3A_3179 = arith.cmpi eq, %iota3A_3152, %eq3A_3178 : vector<4x4xi32>
    %and3A_3180 = arith.andi %eq3A_3176, %eq3A_3179 : vector<4x4xi1>
    %broadcast_in_dim3A_3181 = vector.broadcast %mul3A_3093 : f32 to vector<4x4xf32>
    %select_n3A_3182 = arith.select %and3A_3180, %broadcast_in_dim3A_3181, %select_n3A_3173 : vector<4x4xi1>, vector<4x4xf32>
    %eq3A_3183 = arith.constant 0 : i32
    %eq3A_3184 = vector.broadcast %eq3A_3183 : i32 to vector<4x4xi32>
    %eq3A_3185 = arith.cmpi eq, %iota3A_3151, %eq3A_3184 : vector<4x4xi32>
    %eq3A_3186 = arith.constant 2 : i32
    %eq3A_3187 = vector.broadcast %eq3A_3186 : i32 to vector<4x4xi32>
    %eq3A_3188 = arith.cmpi eq, %iota3A_3152, %eq3A_3187 : vector<4x4xi32>
    %and3A_3189 = arith.andi %eq3A_3185, %eq3A_3188 : vector<4x4xi1>
    %broadcast_in_dim3A_3190 = vector.broadcast %mul3A_3098 : f32 to vector<4x4xf32>
    %select_n3A_3191 = arith.select %and3A_3189, %broadcast_in_dim3A_3190, %select_n3A_3182 : vector<4x4xi1>, vector<4x4xf32>
    %eq3A_3192 = arith.constant 0 : i32
    %eq3A_3193 = vector.broadcast %eq3A_3192 : i32 to vector<4x4xi32>
    %eq3A_3194 = arith.cmpi eq, %iota3A_3151, %eq3A_3193 : vector<4x4xi32>
    %eq3A_3195 = arith.constant 3 : i32
    %eq3A_3196 = vector.broadcast %eq3A_3195 : i32 to vector<4x4xi32>
    %eq3A_3197 = arith.cmpi eq, %iota3A_3152, %eq3A_3196 : vector<4x4xi32>
    %and3A_3198 = arith.andi %eq3A_3194, %eq3A_3197 : vector<4x4xi1>
    %broadcast_in_dim3A_3199 = vector.broadcast %sub3A_3138 : f32 to vector<4x4xf32>
    %select_n3A_3200 = arith.select %and3A_3198, %broadcast_in_dim3A_3199, %select_n3A_3191 : vector<4x4xi1>, vector<4x4xf32>
    %eq3A_3201 = arith.constant 1 : i32
    %eq3A_3202 = vector.broadcast %eq3A_3201 : i32 to vector<4x4xi32>
    %eq3A_3203 = arith.cmpi eq, %iota3A_3151, %eq3A_3202 : vector<4x4xi32>
    %eq3A_3204 = arith.constant 0 : i32
    %eq3A_3205 = vector.broadcast %eq3A_3204 : i32 to vector<4x4xi32>
    %eq3A_3206 = arith.cmpi eq, %iota3A_3152, %eq3A_3205 : vector<4x4xi32>
    %and3A_3207 = arith.andi %eq3A_3203, %eq3A_3206 : vector<4x4xi1>
    %broadcast_in_dim3A_3208 = vector.broadcast %mul3A_3103 : f32 to vector<4x4xf32>
    %select_n3A_3209 = arith.select %and3A_3207, %broadcast_in_dim3A_3208, %select_n3A_3200 : vector<4x4xi1>, vector<4x4xf32>
    %eq3A_3210 = arith.constant 1 : i32
    %eq3A_3211 = vector.broadcast %eq3A_3210 : i32 to vector<4x4xi32>
    %eq3A_3212 = arith.cmpi eq, %iota3A_3151, %eq3A_3211 : vector<4x4xi32>
    %eq3A_3213 = arith.constant 1 : i32
    %eq3A_3214 = vector.broadcast %eq3A_3213 : i32 to vector<4x4xi32>
    %eq3A_3215 = arith.cmpi eq, %iota3A_3152, %eq3A_3214 : vector<4x4xi32>
    %and3A_3216 = arith.andi %eq3A_3212, %eq3A_3215 : vector<4x4xi1>
    %broadcast_in_dim3A_3217 = vector.broadcast %sub3A_3110 : f32 to vector<4x4xf32>
    %select_n3A_3218 = arith.select %and3A_3216, %broadcast_in_dim3A_3217, %select_n3A_3209 : vector<4x4xi1>, vector<4x4xf32>
    %eq3A_3219 = arith.constant 1 : i32
    %eq3A_3220 = vector.broadcast %eq3A_3219 : i32 to vector<4x4xi32>
    %eq3A_3221 = arith.cmpi eq, %iota3A_3151, %eq3A_3220 : vector<4x4xi32>
    %eq3A_3222 = arith.constant 2 : i32
    %eq3A_3223 = vector.broadcast %eq3A_3222 : i32 to vector<4x4xi32>
    %eq3A_3224 = arith.cmpi eq, %iota3A_3152, %eq3A_3223 : vector<4x4xi32>
    %and3A_3225 = arith.andi %eq3A_3221, %eq3A_3224 : vector<4x4xi1>
    %broadcast_in_dim3A_3226 = vector.broadcast %mul3A_3115 : f32 to vector<4x4xf32>
    %select_n3A_3227 = arith.select %and3A_3225, %broadcast_in_dim3A_3226, %select_n3A_3218 : vector<4x4xi1>, vector<4x4xf32>
    %eq3A_3228 = arith.constant 1 : i32
    %eq3A_3229 = vector.broadcast %eq3A_3228 : i32 to vector<4x4xi32>
    %eq3A_3230 = arith.cmpi eq, %iota3A_3151, %eq3A_3229 : vector<4x4xi32>
    %eq3A_3231 = arith.constant 3 : i32
    %eq3A_3232 = vector.broadcast %eq3A_3231 : i32 to vector<4x4xi32>
    %eq3A_3233 = arith.cmpi eq, %iota3A_3152, %eq3A_3232 : vector<4x4xi32>
    %and3A_3234 = arith.andi %eq3A_3230, %eq3A_3233 : vector<4x4xi1>
    %broadcast_in_dim3A_3235 = vector.broadcast %sub3A_3144 : f32 to vector<4x4xf32>
    %select_n3A_3236 = arith.select %and3A_3234, %broadcast_in_dim3A_3235, %select_n3A_3227 : vector<4x4xi1>, vector<4x4xf32>
    %eq3A_3237 = arith.constant 2 : i32
    %eq3A_3238 = vector.broadcast %eq3A_3237 : i32 to vector<4x4xi32>
    %eq3A_3239 = arith.cmpi eq, %iota3A_3151, %eq3A_3238 : vector<4x4xi32>
    %eq3A_3240 = arith.constant 0 : i32
    %eq3A_3241 = vector.broadcast %eq3A_3240 : i32 to vector<4x4xi32>
    %eq3A_3242 = arith.cmpi eq, %iota3A_3152, %eq3A_3241 : vector<4x4xi32>
    %and3A_3243 = arith.andi %eq3A_3239, %eq3A_3242 : vector<4x4xi1>
    %broadcast_in_dim3A_3244 = vector.broadcast %mul3A_3120 : f32 to vector<4x4xf32>
    %select_n3A_3245 = arith.select %and3A_3243, %broadcast_in_dim3A_3244, %select_n3A_3236 : vector<4x4xi1>, vector<4x4xf32>
    %eq3A_3246 = arith.constant 2 : i32
    %eq3A_3247 = vector.broadcast %eq3A_3246 : i32 to vector<4x4xi32>
    %eq3A_3248 = arith.cmpi eq, %iota3A_3151, %eq3A_3247 : vector<4x4xi32>
    %eq3A_3249 = arith.constant 1 : i32
    %eq3A_3250 = vector.broadcast %eq3A_3249 : i32 to vector<4x4xi32>
    %eq3A_3251 = arith.cmpi eq, %iota3A_3152, %eq3A_3250 : vector<4x4xi32>
    %and3A_3252 = arith.andi %eq3A_3248, %eq3A_3251 : vector<4x4xi1>
    %broadcast_in_dim3A_3253 = vector.broadcast %mul3A_3125 : f32 to vector<4x4xf32>
    %select_n3A_3254 = arith.select %and3A_3252, %broadcast_in_dim3A_3253, %select_n3A_3245 : vector<4x4xi1>, vector<4x4xf32>
    %eq3A_3255 = arith.constant 2 : i32
    %eq3A_3256 = vector.broadcast %eq3A_3255 : i32 to vector<4x4xi32>
    %eq3A_3257 = arith.cmpi eq, %iota3A_3151, %eq3A_3256 : vector<4x4xi32>
    %eq3A_3258 = arith.constant 2 : i32
    %eq3A_3259 = vector.broadcast %eq3A_3258 : i32 to vector<4x4xi32>
    %eq3A_3260 = arith.cmpi eq, %iota3A_3152, %eq3A_3259 : vector<4x4xi32>
    %and3A_3261 = arith.andi %eq3A_3257, %eq3A_3260 : vector<4x4xi1>
    %broadcast_in_dim3A_3262 = vector.broadcast %sub3A_3132 : f32 to vector<4x4xf32>
    %select_n3A_3263 = arith.select %and3A_3261, %broadcast_in_dim3A_3262, %select_n3A_3254 : vector<4x4xi1>, vector<4x4xf32>
    %eq3A_3264 = arith.constant 2 : i32
    %eq3A_3265 = vector.broadcast %eq3A_3264 : i32 to vector<4x4xi32>
    %eq3A_3266 = arith.cmpi eq, %iota3A_3151, %eq3A_3265 : vector<4x4xi32>
    %eq3A_3267 = arith.constant 3 : i32
    %eq3A_3268 = vector.broadcast %eq3A_3267 : i32 to vector<4x4xi32>
    %eq3A_3269 = arith.cmpi eq, %iota3A_3152, %eq3A_3268 : vector<4x4xi32>
    %and3A_3270 = arith.andi %eq3A_3266, %eq3A_3269 : vector<4x4xi1>
    %broadcast_in_dim3A_3271 = vector.broadcast %sub3A_3150 : f32 to vector<4x4xf32>
    %select_n3A_3272 = arith.select %and3A_3270, %broadcast_in_dim3A_3271, %select_n3A_3263 : vector<4x4xi1>, vector<4x4xf32>
    %swap3A = arith.constant 0 : index
    %swap3A_3273 = arith.constant 0 : index
    %swap3A_3274 = vector.load %arg5[%swap3A, %swap3A_3273] : memref<4x4xf32, #tpu.memory_space<vmem>>, vector<4x4xf32>
    tpu.vector_store %arg5[%swap3A, %swap3A_3273], %select_n3A_3272 {strides = array<i32>} : memref<4x4xf32, #tpu.memory_space<vmem>>, vector<4x4xf32>,
    return
  }
}

</mosaic_0001>

<sc_bundles>
// kernel: kernel.4.cloned.1.call-start
scs
__scs_entry_jumppad:
0x0: {  	(pc) =	sbr.rel $0x88, $3  }
0x1: {  	(tag) =	ssettag $0x0;
	lr =	simm.s32 $0x1  }
0x2: {  	[smem:$0x3F99] =	sst lr;
	_ =	strace $0xD0000000  }
0x3: {  	_ = 	snop  }
0x4: {  	_ = 	snop  }
0x5: {  	_ = 	snop  }
0x6: {  	_ = 	snop  }
0x7: {  	_ = 	snop  }
__scs_overlays_trampoline_lowered:
0x8: {  	[smem:$0x3FA8] =	sst s0  }
0x9: {  	[smem:$0x3FA9] =	sst s1  }
0xa: {  	[smem:$0x3FAA] =	sst s2  }
0xb: {  	[smem:$0x3FAB] =	sst s3  }
0xc: {  	[smem:$0x3FAC] =	sst s4  }
0xd: {  	[smem:$0x3FAD] =	sst s5  }
0xe: {  	[smem:$0x3FAE] =	sst s6  }
0xf: {  	[smem:$0x3FAF] =	sst s7  }
0x10: {  	[smem:$0x3FB0] =	sst s8  }
0x11: {  	[smem:$0x3FB1] =	sst s9;
	s0 =	simm.s32 @!p0 $0x0  }
0x12: {  	s1 =	sld [smem:$0x3F97];
	s0 =	simm.s32 @p0 $0x1  }
0x13: {  	[smem:$0x3FB2] =	sst s0;
	s0 =	simm.s32 @!p1 $0x0  }
0x14: {  	s2 =	sld [smem:$0x3F96];
	s0 =	simm.s32 @p1 $0x1  }
0x15: {  	[smem:$0x3FB3] =	sst s0;
	s0 =	simm.s32 @!p2 $0x0  }
0x16: {  	s3 =	sld [smem:$0x3FDB];
	s0 =	simm.s32 @p2 $0x1  }
0x17: {  	s4 =	simm.s32 $0x1BF5;
	[smem:$0x3FB5] =	sst s0  }
0x18: {  	s0 =	sld [smem:$0x3F98];
	_ =	swait.ge [sflag:s4], $0x0  }
0x19: {  	s7 =	sld [smem:$0x3F99]  }
0x1a: {  	s8 =	sadd.s32 $0xFFFFE003, lr  }
0x1b: {  	s9 =	sadd.s32 $0xFFFFFEF7, lr;
	s5 =	simm.s32 $0xFFFFFFFF;
	p2 =	slt.u32 s8, $0xFFFFF086  }
0x1c: {  	p1 =	slt.u32 s9, $0xF7A;
	s5 =	simm.s32 @!p2 $0x0  }
0x1d: {  	s5 =	simm.s32 @p1 $0x1;
	p0 =	seq.s32 s7, s2  }
0x1e: {  	s7 =	smul.u32 @!p0 $0xF7A, s2;
	p2 =	seq.s32 @!p0 s5, $0x0  }
0x1f: {  	s9 =	smul.u32 $0xF7A, s1;
	s8 =	simm.s32 @!p0 $0x1BF5;
	p2 =	por !p2, p0  }
0x20: {  	[sflag:s8] =	ssyncset.s32 @!p0 $0xFFFFF086;
	s6 =	sadd.s32 @!p0 s3, s7;
	s7 =	simm.s32 @!p0 $0x108  }
0x21: {  	s3 =	sadd.s32 s3, s9;
	s6 =	sadd.s32 @!p0 $0x88, s6;
	s7 =	simm.s32 @p2 $0x1082  }
0x22: {  	[simem:s7], [sflag:s8] =	dma.local @!p0 [hbm:s6], $0xF7A  }
0x23: {  	s9 =	sor.u32 $0xD0000000, s2;
	s6 =	simm.s32 $0x108;
	_ =	swait.ge @!p0 [sflag:s8], $0x0  }
0x24: {  	s3 =	sadd.s32 $0x88, s3;
	s6 =	simm.s32 @!p1 $0x1082;
	[sflag:s4] =	ssyncset.s32 $0xFFFFF086  }
0x25: {  	[simem:s6], [sflag:s4] =	dma.local [hbm:s3], $0xF7A  }
0x26: {  	[smem:$0x3F99] =	sst s1;
	(tag) =	ssettag s2;
	_ =	strace s9  }
0x27: {  	s1 =	sld [smem:$0x3FA9]  }
0x28: {  	s2 =	sld [smem:$0x3FAA]  }
0x29: {  	s4 =	sld [smem:$0x3FAC]  }
0x2a: {  	p0 =	seq.s32 s5, $0x0;
	s5 =	sld [smem:$0x3FAD]  }
0x2b: {  	s6 =	sld [smem:$0x3FAE]  }
0x2c: {  	s7 =	sld [smem:$0x3FAF]  }
0x2d: {  	s3 =	simm.s32 $0x108;
	s8 =	sld [smem:$0x3FB0]  }
0x2e: {  	s3 =	simm.s32 @!p0 $0x1082;
	s9 =	sld [smem:$0x3FB1]  }
0x2f: {  	lr =	sadd.s32 s0, s3;
	s0 =	sld [smem:$0x3FA8]  }
0x30: {  	s3 =	sld [smem:$0x3FAB]  }
0x31: {  	[smem:$0x3FB4] =	sst s10  }
0x32: {  	s10 =	sld [smem:$0x3FB2];
	_ =	sdelay $0x3  }
0x33: {  	p0 =	seq.s32 s10, $0x1;
	s10 =	sld [smem:$0x3FB4];
	_ =	sdelay $0x3  }
0x34: {  	[smem:$0x3FB4] =	sst s10  }
0x35: {  	s10 =	sld [smem:$0x3FB3];
	_ =	sdelay $0x3  }
0x36: {  	p1 =	seq.s32 s10, $0x1;
	s10 =	sld [smem:$0x3FB4];
	_ =	sdelay $0x3  }
0x37: {  	[smem:$0x3FB4] =	sst s10  }
0x38: {  	s10 =	sld [smem:$0x3FB5]  }
0x39: {  	_ = 	snop;
	(pc) =	sbr.ind lr, $3  }
0x3a: {  	_ = 	snop  }
0x3b: {  	_ = 	snop  }
0x3c: {  	p2 =	seq.s32 s10, $0x1;
	s10 =	sld [smem:$0x3FB4]  }
0x3d: {  	_ =	shalt  }
0x3e: {  	_ =	shalt  }
0x3f: {  	_ =	shalt  }
0x40: {  	_ =	shalt  }
0x41: {  	_ =	shalt  }
0x42: {  	_ =	shalt  }
0x43: {  	_ =	shalt  }
0x44: {  	_ =	shalt  }
0x45: {  	_ =	shalt  }
0x46: {  	_ =	shalt  }
0x47: {  	_ =	shalt  }
0x48: {  	_ =	shalt  }
0x49: {  	_ =	shalt  }
0x4a: {  	_ =	shalt  }
0x4b: {  	_ =	shalt  }
0x4c: {  	_ =	shalt  }
0x4d: {  	_ =	shalt  }
0x4e: {  	_ =	shalt  }
0x4f: {  	_ =	shalt  }
0x50: {  	_ =	shalt  }
0x51: {  	_ =	shalt  }
0x52: {  	_ =	shalt  }
0x53: {  	_ =	shalt  }
0x54: {  	_ =	shalt  }
0x55: {  	_ =	shalt  }
0x56: {  	_ =	shalt  }
0x57: {  	_ =	shalt  }
0x58: {  	_ =	shalt  }
0x59: {  	_ =	shalt  }
0x5a: {  	_ =	shalt  }
0x5b: {  	_ =	shalt  }
0x5c: {  	_ =	shalt  }
0x5d: {  	_ =	shalt  }
0x5e: {  	_ =	shalt  }
0x5f: {  	_ =	shalt  }
0x60: {  	_ =	shalt  }
0x61: {  	_ =	shalt  }
0x62: {  	_ =	shalt  }
0x63: {  	_ =	shalt  }
0x64: {  	_ =	shalt  }
0x65: {  	_ =	shalt  }
0x66: {  	_ =	shalt  }
0x67: {  	_ =	shalt  }
0x68: {  	_ =	shalt  }
0x69: {  	_ =	shalt  }
0x6a: {  	_ =	shalt  }
0x6b: {  	_ =	shalt  }
0x6c: {  	_ =	shalt  }
0x6d: {  	_ =	shalt  }
0x6e: {  	_ =	shalt  }
0x6f: {  	_ =	shalt  }
0x70: {  	_ =	shalt  }
0x71: {  	_ =	shalt  }
0x72: {  	_ =	shalt  }
0x73: {  	_ =	shalt  }
0x74: {  	_ =	shalt  }
0x75: {  	_ =	shalt  }
0x76: {  	_ =	shalt  }
0x77: {  	_ =	shalt  }
0x78: {  	_ =	shalt  }
0x79: {  	_ =	shalt  }
0x7a: {  	_ =	shalt  }
0x7b: {  	_ =	shalt  }
0x7c: {  	_ =	shalt  }
0x7d: {  	_ =	shalt  }
0x7e: {  	_ =	shalt  }
0x7f: {  	_ =	shalt  }
0x80: {  	_ =	shalt  }
0x81: {  	_ =	shalt  }
0x82: {  	_ =	shalt  }
0x83: {  	_ =	shalt  }
0x84: {  	_ =	shalt  }
0x85: {  	_ =	shalt  }
0x86: {  	_ =	shalt  }
0x87: {  	_ =	shalt  }
.Lfunc_end0:
.L_simem_size_0:
called_computation_lowered:
.L_overlay_start_0:
0x88: {  	s2 =	sld [smem:$0x3FD9]  }
0x89: {  	s3 =	sld [smem:$0x3FFE];
	_ =	sdelay $0x1  }
0x8a: {  	s1 =	srdreg.scid  }
0x8b: {  	s0 =	sand.u32 $0x1, s1  }
0x8c: {  	s16 =	sshll.u32 s0, $0xA;
	s2 =	sadd.s32 s3, s2  }
0x8d: {  	s2 =	sadd.s32 s2, s16  }
0x8e: {  	[smem:$0x3FC0] =	sst s2  }
0x8f: {  	_ = 	snop  }
0x90: {  	(tm) =	ssettm $0x1  }
0x91: {  	s17 =	sld [smem:$0x3FFB];
	_ =	sdelay $0x3  }
0x92: {  	_ =	strace s17  }
0x93: {  	s2 =	sld [smem:$0x3FFC];
	_ =	sdelay $0x3  }
0x94: {  	_ =	strace s2  }
0x95: {  	s2 =	sld [smem:$0x3FFD];
	_ =	sdelay $0x3  }
0x96: {  	_ =	strace s2  }
0x97: {  	_ =	strace $0x8FFFFFFF  }
0x98: {  	s18 =	sld [smem:$0x3FDB];
	_ =	sdelay $0x1  }
0x99: {  	s19 =	simm.s32 $_scs_section_size  }
0x9a: {  	s4 =	simm.s32 $_size__tile_overlayer_lowered;
	s5 =	simm.s32 $_tile_overlayer_lowered  }
0x9b: {  	s22 =	simm.s32 $0x1BFF;
	s21 =	sshll.u32 s5, $0x1;
	s2 =	sadd.s32 s19, s18  }
0x9c: {  	s6 =	simm.s32 $0x0;
	s20 =	sshll.u32 s4, $0x1;
	s4 =	sadd.s32 s21, s2  }
0x9d: {  	[timem:s6], [sflag:s22] =	dma.local [hbm:s4], s20  }
0x9e: {  	_ =	swait.ge [sflag:s22], s20  }
0x9f: {  	s3 =	ssub.s32 $0x0, s20;
	[sflag:s22] =	ssyncset.done $0x0  }
0xa0: {  	[sflag:s22] =	ssyncadd.s32 s3;
	_ =	sdelay $0x1  }
0xa1: {  	s23 =	simm.s32 $0x1B8B  }
0xa2: {  	_ =	swait.ge [sflag:s23], $0x1  }
0xa3: {  	[sflag:s23] =	ssyncset.done $0x0  }
0xa4: {  	s25 =	simm.s32 $0x1B8E;
	s24 =	sld [smem:$0x3FFE];
	[sflag:s23] =	ssyncadd.s32 $0xFFFFFFFF  }
0xa5: {  	s26 =	simm.s32 $execute0_lowered;
	[smem:$0x3FD2] =	sst s25  }
0xa6: {  	s4 =	sshll.u32 s26, $0x1;
	_ =	strace $0x80000046;
	[dreg:$0x1] =	wrdreg $0xFFFFFFFF  }
0xa7: {  	s28 =	simm.s32 $_size_execute0_lowered;
	s2 =	sadd.s32 s2, s4;
	[dreg:$0x0] =	wrdreg $0x0  }
0xa8: {  	s4 =	sshll.u32 s28, $0x1;
	[dreg:$0x2] =	wrdreg s2  }
0xa9: {  	[dreg:$0x3] =	wrdreg s4  }
0xaa: {  	[dreg:$0x4] =	wrdreg $0xC0  }
0xab: {  	_ =	task [dreg:s6], $0x5FFFF  }
0xac: {  	[dreg:$0x1] =	wrdreg $0xFFFFFFFF  }
0xad: {  	[dreg:$0x0] =	wrdreg $0x60  }
0xae: {  	[dreg:$0x2] =	wrdreg s24  }
0xaf: {  	[dreg:$0x3] =	wrdreg $0x9  }
0xb0: {  	_ =	task.clear_ibuf [dreg:s6], $0x4FFFF;
	_ =	strace $0x90000046  }
0xb1: {  	s29 =	simm.s32 $0x9;
	_ =	strace $0x80000048  }
0xb2: {  	_ =	swait.ge [sflag:s29], $0x1  }
0xb3: {  	[sflag:s29] =	ssyncadd.s32 $0xFFFFFFFF  }
0xb4: {  	_ =	strace $0x90000048  }
0xb5: {  	_ =	sfence  }
0xb6: {  	s30 =	sld [smem:$0x0];
	_ =	sdelay $0x2  }
0xb7: {  	s31 =	sshll.u32 s1, $0xD;
	s1 =	sshrl.u32 s1, $0x2  }
0xb8: {  	s3 =	sand.u32 $0x4000, s31;
	s1 =	sadd.s32 s1, s30  }
0xb9: {  	s0 =	sor.u32 s3, s0;
	s1 =	sshll.u32 s1, $0x11  }
0xba: {  	s0 =	sor.u32 s1, s0  }
0xbb: {  	s0 =	sadd.s32 $0x8F2B, s0  }
0xbc: {  	[sflag:s0] =	ssyncadd.remote.s32 $0x1  }
0xbd: {  	_ =	sfence.sel $0xFFFF  }
0xbe: {  	[dreg:$0x0] =	wrdreg $0xFFFFFFFF;
	(pc) =	sbr.abs _section_cstart, $3  }
0xbf: {  	[dreg:$0x1] =	wrdreg $0xFFFFFFFF  }
0xc0: {  	_ =	task.clear_ibuf [dreg:s6], $0x2FFFF;
	_ =	strace $0x9FFFFFFF  }
0xc1: {  	(tm) =	ssettm $0x7FFFFFFF  }
tec
execute0_lowered:
.L_overlay_start_1:
0x0: {  	(tag) =	ssettag $0x1  }
0x1: {  	s4 =	rddreg [dreg:$0x0]  }
0x2: {  	s0 =	rddreg [dreg:$0x1];
	s2 =	simm.s32 $0x0;
	s3 =	srdreg.scid  }
0x3: {  	s1 =	stileid.u32;
	s13 =	simm.s32 $0x200;
	s14 =	simm.s32 $0x1  }
0x4: {  	s15 =	simm.s32 $0x400;
	s16 =	simm.s32 $0x1000;
	s17 =	simm.s32 $0x600  }
0x5: {  	s18 =	simm.s32 $0x1200;
	s19 =	simm.s32 $0x800;
	s20 =	simm.s32 $0x1400  }
0x6: {  	s21 =	simm.s32 $0xA00;
	s22 =	simm.s32 $0x1600;
	s23 =	simm.s32 $0xC00  }
0x7: {  	s24 =	simm.s32 $0x1800;
	s25 =	simm.s32 $0xE00;
	s26 =	simm.s32 $0x1A00  }
0x8: {  	s28 =	simm.s32 $0x2;
	[smem:$0x7FF] =	sst s2;
	s3 =	sand.u32 $0x1, s3  }
0x9: {  	s5 =	sshll.u32 s1, $0x7;
	s6 =	sshll.u32 s3, $0x6;
	s7 =	ssub.s32 $0x2, s3  }
0xa: {  	_ =	strace $0x80000047;
	s5 =	sor.u32 s6, s5;
	s31 =	sshrl.u32 s7, $0x1  }
0xb: {  	s3 =	sadd.s32 $0x1C00, s4;
	s11 =	sadd.s32 s5, s4;
	s12 =	ssub.s32 s7, s31  }
0xc: {  	s4 =	sadd.s32 $0xC00, s11;
	s5 =	sadd.s32 $0x1400, s11;
	s6 =	sadd.s32 $0x5800, s11  }
0xd: {  	s7 =	sadd.s32 $0x6000, s11;
	s8 =	sadd.s32 $0x6800, s11;
	s9 =	sadd.s32 $0x7000, s11  }
0xe: {  	s10 =	sadd.s32 $0x7800, s11;
	s11 =	sadd.s32 $0x8000, s11;
	s12 =	smax.u32 s12, $0x1  }
.LBB2_1:
0xf: {  	[tilespmem:s2], [sflag:$0x1] =	stream.linear.gather [hbm4b:s4+s2], $0x200, $0x38;
	[tilespmem:$0x1C00] =	vst v63  }
0x10: {  	_ = 	snop  }
0x11: {  	[tilespmem:s13], [sflag:$0x1] =	stream.linear.gather [hbm4b:s5+s2], $0x200, $0x38;
	[tilespmem:$0x1C00] =	vst v63  }
0x12: {  	_ =	swait.ge [sflag:s14], $0x200  }
0x13: {  	[sflag:s14] =	ssyncset.done $0x0  }
0x14: {  	[sflag:s14] =	ssyncadd.s32 $0xFFFFFE00  }
0x15: {  	_ =	swait.ge [sflag:s14], $0x200  }
0x16: {  	[sflag:s14] =	ssyncset.done $0x0  }
0x17: {  	[sflag:s14] =	ssyncadd.s32 $0xFFFFFE00  }
0x18: {  	v0 =	vld [tilespmem:$0x0]  }
0x19: {  	v1 =	vld [tilespmem:$0x10]  }
0x1a: {  	v2 =	vld [tilespmem:$0x20]  }
0x1b: {  	v3 =	vld [tilespmem:$0x30]  }
0x1c: {  	v4 =	vld [tilespmem:$0x40]  }
0x1d: {  	v61 =	vld [tilespmem:$0x50];
	[tilespmem:$0x400] =	vst v0  }
0x1e: {  	v62 =	vld [tilespmem:$0x60];
	[tilespmem:$0x410] =	vst v1  }
0x1f: {  	v63 =	vld [tilespmem:$0x70];
	[tilespmem:$0x420] =	vst v2  }
0x20: {  	v8 =	vld [tilespmem:$0x80];
	[tilespmem:$0x430] =	vst v3  }
0x21: {  	v9 =	vld [tilespmem:$0x90];
	[tilespmem:$0x440] =	vst v4  }
0x22: {  	v10 =	vld [tilespmem:$0xA0];
	[tilespmem:$0x450] =	vst v61  }
0x23: {  	v11 =	vld [tilespmem:$0xB0];
	[tilespmem:$0x460] =	vst v62  }
0x24: {  	v12 =	vld [tilespmem:$0xC0];
	[tilespmem:$0x470] =	vst v63  }
0x25: {  	v13 =	vld [tilespmem:$0xD0];
	[tilespmem:$0x480] =	vst v8  }
0x26: {  	v14 =	vld [tilespmem:$0xE0];
	[tilespmem:$0x490] =	vst v9  }
0x27: {  	v15 =	vld [tilespmem:$0xF0];
	[tilespmem:$0x4A0] =	vst v10  }
0x28: {  	v16 =	vld [tilespmem:$0x100];
	[tilespmem:$0x4B0] =	vst v11  }
0x29: {  	v17 =	vld [tilespmem:$0x110];
	[tilespmem:$0x4C0] =	vst v12  }
0x2a: {  	v18 =	vld [tilespmem:$0x120];
	[tilespmem:$0x4D0] =	vst v13  }
0x2b: {  	v19 =	vld [tilespmem:$0x130];
	[tilespmem:$0x4E0] =	vst v14  }
0x2c: {  	v20 =	vld [tilespmem:$0x140];
	[tilespmem:$0x4F0] =	vst v15  }
0x2d: {  	v21 =	vld [tilespmem:$0x150];
	[tilespmem:$0x500] =	vst v16  }
0x2e: {  	v22 =	vld [tilespmem:$0x160];
	[tilespmem:$0x510] =	vst v17  }
0x2f: {  	v23 =	vld [tilespmem:$0x170];
	[tilespmem:$0x520] =	vst v18  }
0x30: {  	v24 =	vld [tilespmem:$0x180];
	[tilespmem:$0x530] =	vst v19  }
0x31: {  	v25 =	vld [tilespmem:$0x190];
	[tilespmem:$0x540] =	vst v20  }
0x32: {  	v26 =	vld [tilespmem:$0x1A0];
	[tilespmem:$0x550] =	vst v21  }
0x33: {  	v27 =	vld [tilespmem:$0x1B0];
	[tilespmem:$0x560] =	vst v22  }
0x34: {  	v28 =	vld [tilespmem:$0x1C0];
	[tilespmem:$0x570] =	vst v23  }
0x35: {  	v29 =	vld [tilespmem:$0x1D0];
	[tilespmem:$0x580] =	vst v24  }
0x36: {  	v30 =	vld [tilespmem:$0x1E0];
	[tilespmem:$0x590] =	vst v25  }
0x37: {  	v31 =	vld [tilespmem:$0x1F0];
	[tilespmem:$0x5A0] =	vst v26  }
0x38: {  	[tilespmem:$0x5B0] =	vst v27  }
0x39: {  	[tilespmem:$0x5C0] =	vst v28  }
0x3a: {  	[tilespmem:$0x5D0] =	vst v29  }
0x3b: {  	[tilespmem:$0x5E0] =	vst v30  }
0x3c: {  	[tilespmem:$0x5F0] =	vst v31  }
0x3d: {  	[tilespmem:s16], [sflag:$0x1] =	stream.indirect.gather [hbm4b:s3+s13], $0x1, s15, s13, $0xb8;
	[tilespmem:$0x1C00] =	vst v63  }
0x3e: {  	v32 =	vld [tilespmem:$0x0]  }
0x3f: {  	v33 =	vld [tilespmem:$0x10]  }
0x40: {  	v34 =	vld [tilespmem:$0x20]  }
0x41: {  	v35 =	vld [tilespmem:$0x30]  }
0x42: {  	v36 =	vld [tilespmem:$0x40]  }
0x43: {  	v5 =	vld [tilespmem:$0x50];
	v0 =	vadd.s32 $0x4E20, v32  }
0x44: {  	v38 =	vld [tilespmem:$0x60];
	v37 =	vadd.s32 $0x4E20, v33;
	[tilespmem:$0x600] =	vst v0  }
0x45: {  	v40 =	vld [tilespmem:$0x70];
	v39 =	vadd.s32 $0x4E20, v34;
	[tilespmem:$0x610] =	vst v37  }
0x46: {  	v42 =	vld [tilespmem:$0x80];
	v41 =	vadd.s32 $0x4E20, v35;
	[tilespmem:$0x620] =	vst v39  }
0x47: {  	v44 =	vld [tilespmem:$0x90];
	v43 =	vadd.s32 $0x4E20, v36;
	[tilespmem:$0x630] =	vst v41  }
0x48: {  	v46 =	vld [tilespmem:$0xA0];
	v45 =	vadd.s32 $0x4E20, v5;
	[tilespmem:$0x640] =	vst v43  }
0x49: {  	v48 =	vld [tilespmem:$0xB0];
	v47 =	vadd.s32 $0x4E20, v38;
	[tilespmem:$0x650] =	vst v45  }
0x4a: {  	v50 =	vld [tilespmem:$0xC0];
	v49 =	vadd.s32 $0x4E20, v40;
	[tilespmem:$0x660] =	vst v47  }
0x4b: {  	v52 =	vld [tilespmem:$0xD0];
	v51 =	vadd.s32 $0x4E20, v42;
	[tilespmem:$0x670] =	vst v49  }
0x4c: {  	v54 =	vld [tilespmem:$0xE0];
	v53 =	vadd.s32 $0x4E20, v44;
	[tilespmem:$0x680] =	vst v51  }
0x4d: {  	v56 =	vld [tilespmem:$0xF0];
	v55 =	vadd.s32 $0x4E20, v46;
	[tilespmem:$0x690] =	vst v53  }
0x4e: {  	v58 =	vld [tilespmem:$0x100];
	v57 =	vadd.s32 $0x4E20, v48;
	[tilespmem:$0x6A0] =	vst v55  }
0x4f: {  	v60 =	vld [tilespmem:$0x110];
	v59 =	vadd.s32 $0x4E20, v50;
	[tilespmem:$0x6B0] =	vst v57  }
0x50: {  	v62 =	vld [tilespmem:$0x120];
	v61 =	vadd.s32 $0x4E20, v52;
	[tilespmem:$0x6C0] =	vst v59  }
0x51: {  	v8 =	vld [tilespmem:$0x130];
	v63 =	vadd.s32 $0x4E20, v54;
	[tilespmem:$0x6D0] =	vst v61  }
0x52: {  	v10 =	vld [tilespmem:$0x140];
	v9 =	vadd.s32 $0x4E20, v56;
	[tilespmem:$0x6E0] =	vst v63  }
0x53: {  	v12 =	vld [tilespmem:$0x150];
	v11 =	vadd.s32 $0x4E20, v58;
	[tilespmem:$0x6F0] =	vst v9  }
0x54: {  	v14 =	vld [tilespmem:$0x160];
	v13 =	vadd.s32 $0x4E20, v60;
	[tilespmem:$0x700] =	vst v11  }
0x55: {  	v16 =	vld [tilespmem:$0x170];
	v15 =	vadd.s32 $0x4E20, v62;
	[tilespmem:$0x710] =	vst v13  }
0x56: {  	v18 =	vld [tilespmem:$0x180];
	v17 =	vadd.s32 $0x4E20, v8;
	[tilespmem:$0x720] =	vst v15  }
0x57: {  	v20 =	vld [tilespmem:$0x190];
	v19 =	vadd.s32 $0x4E20, v10;
	[tilespmem:$0x730] =	vst v17  }
0x58: {  	v22 =	vld [tilespmem:$0x1A0];
	v21 =	vadd.s32 $0x4E20, v12;
	[tilespmem:$0x740] =	vst v19  }
0x59: {  	v24 =	vld [tilespmem:$0x1B0];
	v23 =	vadd.s32 $0x4E20, v14;
	[tilespmem:$0x750] =	vst v21  }
0x5a: {  	v26 =	vld [tilespmem:$0x1C0];
	v25 =	vadd.s32 $0x4E20, v16;
	[tilespmem:$0x760] =	vst v23  }
0x5b: {  	v28 =	vld [tilespmem:$0x1D0];
	v27 =	vadd.s32 $0x4E20, v18;
	[tilespmem:$0x770] =	vst v25  }
0x5c: {  	v30 =	vld [tilespmem:$0x1E0];
	v29 =	vadd.s32 $0x4E20, v20;
	[tilespmem:$0x780] =	vst v27  }
0x5d: {  	v31 =	vadd.s32 $0x4E20, v22;
	v32 =	vld [tilespmem:$0x1F0];
	[tilespmem:$0x790] =	vst v29  }
0x5e: {  	v33 =	vadd.s32 $0x4E20, v24;
	[tilespmem:$0x7A0] =	vst v31  }
0x5f: {  	v34 =	vadd.s32 $0x4E20, v26;
	[tilespmem:$0x7B0] =	vst v33  }
0x60: {  	v35 =	vadd.s32 $0x4E20, v28;
	[tilespmem:$0x7C0] =	vst v34  }
0x61: {  	v36 =	vadd.s32 $0x4E20, v30;
	[tilespmem:$0x7D0] =	vst v35  }
0x62: {  	[tilespmem:$0x7E0] =	vst v36;
	v37 =	vadd.s32 $0x4E20, v32  }
0x63: {  	[tilespmem:$0x7F0] =	vst v37  }
0x64: {  	[tilespmem:s18], [sflag:$0x1] =	stream.indirect.gather [hbm4b:s3+s13], $0x1, s17, s13, $0xb8;
	[tilespmem:$0x1C00] =	vst v63  }
0x65: {  	v38 =	vld [tilespmem:$0x0]  }
0x66: {  	v39 =	vld [tilespmem:$0x10]  }
0x67: {  	v40 =	vld [tilespmem:$0x20]  }
0x68: {  	v41 =	vld [tilespmem:$0x30]  }
0x69: {  	v42 =	vld [tilespmem:$0x40]  }
0x6a: {  	v43 =	vld [tilespmem:$0x50];
	v0 =	vadd.s32 $0x9C40, v38  }
0x6b: {  	v45 =	vld [tilespmem:$0x60];
	v44 =	vadd.s32 $0x9C40, v39;
	[tilespmem:$0x800] =	vst v0  }
0x6c: {  	v47 =	vld [tilespmem:$0x70];
	v46 =	vadd.s32 $0x9C40, v40;
	[tilespmem:$0x810] =	vst v44  }
0x6d: {  	v49 =	vld [tilespmem:$0x80];
	v48 =	vadd.s32 $0x9C40, v41;
	[tilespmem:$0x820] =	vst v46  }
0x6e: {  	v51 =	vld [tilespmem:$0x90];
	v50 =	vadd.s32 $0x9C40, v42;
	[tilespmem:$0x830] =	vst v48  }
0x6f: {  	v53 =	vld [tilespmem:$0xA0];
	v52 =	vadd.s32 $0x9C40, v43;
	[tilespmem:$0x840] =	vst v50  }
0x70: {  	v55 =	vld [tilespmem:$0xB0];
	v54 =	vadd.s32 $0x9C40, v45;
	[tilespmem:$0x850] =	vst v52  }
0x71: {  	v57 =	vld [tilespmem:$0xC0];
	v56 =	vadd.s32 $0x9C40, v47;
	[tilespmem:$0x860] =	vst v54  }
0x72: {  	v59 =	vld [tilespmem:$0xD0];
	v58 =	vadd.s32 $0x9C40, v49;
	[tilespmem:$0x870] =	vst v56  }
0x73: {  	v61 =	vld [tilespmem:$0xE0];
	v60 =	vadd.s32 $0x9C40, v51;
	[tilespmem:$0x880] =	vst v58  }
0x74: {  	v63 =	vld [tilespmem:$0xF0];
	v62 =	vadd.s32 $0x9C40, v53;
	[tilespmem:$0x890] =	vst v60  }
0x75: {  	v8 =	vld [tilespmem:$0x100];
	v7 =	vadd.s32 $0x9C40, v55;
	[tilespmem:$0x8A0] =	vst v62  }
0x76: {  	v10 =	vld [tilespmem:$0x110];
	v9 =	vadd.s32 $0x9C40, v57;
	[tilespmem:$0x8B0] =	vst v7  }
0x77: {  	v12 =	vld [tilespmem:$0x120];
	v11 =	vadd.s32 $0x9C40, v59;
	[tilespmem:$0x8C0] =	vst v9  }
0x78: {  	v14 =	vld [tilespmem:$0x130];
	v13 =	vadd.s32 $0x9C40, v61;
	[tilespmem:$0x8D0] =	vst v11  }
0x79: {  	v16 =	vld [tilespmem:$0x140];
	v15 =	vadd.s32 $0x9C40, v63;
	[tilespmem:$0x8E0] =	vst v13  }
0x7a: {  	v18 =	vld [tilespmem:$0x150];
	v17 =	vadd.s32 $0x9C40, v8;
	[tilespmem:$0x8F0] =	vst v15  }
0x7b: {  	v20 =	vld [tilespmem:$0x160];
	v19 =	vadd.s32 $0x9C40, v10;
	[tilespmem:$0x900] =	vst v17  }
0x7c: {  	v22 =	vld [tilespmem:$0x170];
	v21 =	vadd.s32 $0x9C40, v12;
	[tilespmem:$0x910] =	vst v19  }
0x7d: {  	v24 =	vld [tilespmem:$0x180];
	v23 =	vadd.s32 $0x9C40, v14;
	[tilespmem:$0x920] =	vst v21  }
0x7e: {  	v26 =	vld [tilespmem:$0x190];
	v25 =	vadd.s32 $0x9C40, v16;
	[tilespmem:$0x930] =	vst v23  }
0x7f: {  	v28 =	vld [tilespmem:$0x1A0];
	v27 =	vadd.s32 $0x9C40, v18;
	[tilespmem:$0x940] =	vst v25  }
0x80: {  	v30 =	vld [tilespmem:$0x1B0];
	v29 =	vadd.s32 $0x9C40, v20;
	[tilespmem:$0x950] =	vst v27  }
0x81: {  	v32 =	vld [tilespmem:$0x1C0];
	v31 =	vadd.s32 $0x9C40, v22;
	[tilespmem:$0x960] =	vst v29  }
0x82: {  	v34 =	vld [tilespmem:$0x1D0];
	v33 =	vadd.s32 $0x9C40, v24;
	[tilespmem:$0x970] =	vst v31  }
0x83: {  	v36 =	vld [tilespmem:$0x1E0];
	v35 =	vadd.s32 $0x9C40, v26;
	[tilespmem:$0x980] =	vst v33  }
0x84: {  	v37 =	vadd.s32 $0x9C40, v28;
	v38 =	vld [tilespmem:$0x1F0];
	[tilespmem:$0x990] =	vst v35  }
0x85: {  	v39 =	vadd.s32 $0x9C40, v30;
	[tilespmem:$0x9A0] =	vst v37  }
0x86: {  	v40 =	vadd.s32 $0x9C40, v32;
	[tilespmem:$0x9B0] =	vst v39  }
0x87: {  	v41 =	vadd.s32 $0x9C40, v34;
	[tilespmem:$0x9C0] =	vst v40  }
0x88: {  	v42 =	vadd.s32 $0x9C40, v36;
	[tilespmem:$0x9D0] =	vst v41  }
0x89: {  	[tilespmem:$0x9E0] =	vst v42;
	v43 =	vadd.s32 $0x9C40, v38  }
0x8a: {  	[tilespmem:$0x9F0] =	vst v43  }
0x8b: {  	[tilespmem:s20], [sflag:$0x1] =	stream.indirect.gather [hbm4b:s3+s13], $0x1, s19, s13, $0xb8;
	[tilespmem:$0x1C00] =	vst v63  }
0x8c: {  	v44 =	vld [tilespmem:$0x200]  }
0x8d: {  	v45 =	vld [tilespmem:$0x210]  }
0x8e: {  	v46 =	vld [tilespmem:$0x220]  }
0x8f: {  	v47 =	vld [tilespmem:$0x230]  }
0x90: {  	v48 =	vld [tilespmem:$0x240]  }
0x91: {  	v49 =	vld [tilespmem:$0x250];
	v0 =	vadd.s32 $0xEA60, v44  }
0x92: {  	v51 =	vld [tilespmem:$0x260];
	v50 =	vadd.s32 $0xEA60, v45;
	[tilespmem:$0xA00] =	vst v0  }
0x93: {  	v53 =	vld [tilespmem:$0x270];
	v52 =	vadd.s32 $0xEA60, v46;
	[tilespmem:$0xA10] =	vst v50  }
0x94: {  	v55 =	vld [tilespmem:$0x280];
	v54 =	vadd.s32 $0xEA60, v47;
	[tilespmem:$0xA20] =	vst v52  }
0x95: {  	v57 =	vld [tilespmem:$0x290];
	v56 =	vadd.s32 $0xEA60, v48;
	[tilespmem:$0xA30] =	vst v54  }
0x96: {  	v59 =	vld [tilespmem:$0x2A0];
	v58 =	vadd.s32 $0xEA60, v49;
	[tilespmem:$0xA40] =	vst v56  }
0x97: {  	v61 =	vld [tilespmem:$0x2B0];
	v60 =	vadd.s32 $0xEA60, v51;
	[tilespmem:$0xA50] =	vst v58  }
0x98: {  	v63 =	vld [tilespmem:$0x2C0];
	v62 =	vadd.s32 $0xEA60, v53;
	[tilespmem:$0xA60] =	vst v60  }
0x99: {  	v9 =	vld [tilespmem:$0x2D0];
	v8 =	vadd.s32 $0xEA60, v55;
	[tilespmem:$0xA70] =	vst v62  }
0x9a: {  	v11 =	vld [tilespmem:$0x2E0];
	v10 =	vadd.s32 $0xEA60, v57;
	[tilespmem:$0xA80] =	vst v8  }
0x9b: {  	v13 =	vld [tilespmem:$0x2F0];
	v12 =	vadd.s32 $0xEA60, v59;
	[tilespmem:$0xA90] =	vst v10  }
0x9c: {  	v15 =	vld [tilespmem:$0x300];
	v14 =	vadd.s32 $0xEA60, v61;
	[tilespmem:$0xAA0] =	vst v12  }
0x9d: {  	v17 =	vld [tilespmem:$0x310];
	v16 =	vadd.s32 $0xEA60, v63;
	[tilespmem:$0xAB0] =	vst v14  }
0x9e: {  	v19 =	vld [tilespmem:$0x320];
	v18 =	vadd.s32 $0xEA60, v9;
	[tilespmem:$0xAC0] =	vst v16  }
0x9f: {  	v21 =	vld [tilespmem:$0x330];
	v20 =	vadd.s32 $0xEA60, v11;
	[tilespmem:$0xAD0] =	vst v18  }
0xa0: {  	v23 =	vld [tilespmem:$0x340];
	v22 =	vadd.s32 $0xEA60, v13;
	[tilespmem:$0xAE0] =	vst v20  }
0xa1: {  	v25 =	vld [tilespmem:$0x350];
	v24 =	vadd.s32 $0xEA60, v15;
	[tilespmem:$0xAF0] =	vst v22  }
0xa2: {  	v27 =	vld [tilespmem:$0x360];
	v26 =	vadd.s32 $0xEA60, v17;
	[tilespmem:$0xB00] =	vst v24  }
0xa3: {  	v29 =	vld [tilespmem:$0x370];
	v28 =	vadd.s32 $0xEA60, v19;
	[tilespmem:$0xB10] =	vst v26  }
0xa4: {  	v31 =	vld [tilespmem:$0x380];
	v30 =	vadd.s32 $0xEA60, v21;
	[tilespmem:$0xB20] =	vst v28  }
0xa5: {  	v33 =	vld [tilespmem:$0x390];
	v32 =	vadd.s32 $0xEA60, v23;
	[tilespmem:$0xB30] =	vst v30  }
0xa6: {  	v35 =	vld [tilespmem:$0x3A0];
	v34 =	vadd.s32 $0xEA60, v25;
	[tilespmem:$0xB40] =	vst v32  }
0xa7: {  	v37 =	vld [tilespmem:$0x3B0];
	v36 =	vadd.s32 $0xEA60, v27;
	[tilespmem:$0xB50] =	vst v34  }
0xa8: {  	v39 =	vld [tilespmem:$0x3C0];
	v38 =	vadd.s32 $0xEA60, v29;
	[tilespmem:$0xB60] =	vst v36  }
0xa9: {  	v41 =	vld [tilespmem:$0x3D0];
	v40 =	vadd.s32 $0xEA60, v31;
	[tilespmem:$0xB70] =	vst v38  }
0xaa: {  	v43 =	vld [tilespmem:$0x3E0];
	v42 =	vadd.s32 $0xEA60, v33;
	[tilespmem:$0xB80] =	vst v40  }
0xab: {  	v44 =	vadd.s32 $0xEA60, v35;
	v45 =	vld [tilespmem:$0x3F0];
	[tilespmem:$0xB90] =	vst v42  }
0xac: {  	v46 =	vadd.s32 $0xEA60, v37;
	[tilespmem:$0xBA0] =	vst v44  }
0xad: {  	v47 =	vadd.s32 $0xEA60, v39;
	[tilespmem:$0xBB0] =	vst v46  }
0xae: {  	v48 =	vadd.s32 $0xEA60, v41;
	[tilespmem:$0xBC0] =	vst v47  }
0xaf: {  	v49 =	vadd.s32 $0xEA60, v43;
	[tilespmem:$0xBD0] =	vst v48  }
0xb0: {  	[tilespmem:$0xBE0] =	vst v49;
	v50 =	vadd.s32 $0xEA60, v45  }
0xb1: {  	[tilespmem:$0xBF0] =	vst v50  }
0xb2: {  	[tilespmem:s22], [sflag:$0x1] =	stream.indirect.gather [hbm4b:s3+s13], $0x1, s21, s13, $0xb8;
	[tilespmem:$0x1C00] =	vst v63  }
0xb3: {  	v51 =	vld [tilespmem:$0x200]  }
0xb4: {  	v52 =	vld [tilespmem:$0x210]  }
0xb5: {  	v53 =	vld [tilespmem:$0x220]  }
0xb6: {  	v54 =	vld [tilespmem:$0x230]  }
0xb7: {  	v55 =	vld [tilespmem:$0x240]  }
0xb8: {  	v56 =	vld [tilespmem:$0x250];
	v0 =	vadd.s32 $0x13880, v51  }
0xb9: {  	v58 =	vld [tilespmem:$0x260];
	v57 =	vadd.s32 $0x13880, v52;
	[tilespmem:$0xC00] =	vst v0  }
0xba: {  	v60 =	vld [tilespmem:$0x270];
	v59 =	vadd.s32 $0x13880, v53;
	[tilespmem:$0xC10] =	vst v57  }
0xbb: {  	v62 =	vld [tilespmem:$0x280];
	v61 =	vadd.s32 $0x13880, v54;
	[tilespmem:$0xC20] =	vst v59  }
0xbc: {  	v8 =	vld [tilespmem:$0x290];
	v63 =	vadd.s32 $0x13880, v55;
	[tilespmem:$0xC30] =	vst v61  }
0xbd: {  	v10 =	vld [tilespmem:$0x2A0];
	v9 =	vadd.s32 $0x13880, v56;
	[tilespmem:$0xC40] =	vst v63  }
0xbe: {  	v12 =	vld [tilespmem:$0x2B0];
	v11 =	vadd.s32 $0x13880, v58;
	[tilespmem:$0xC50] =	vst v9  }
0xbf: {  	v14 =	vld [tilespmem:$0x2C0];
	v13 =	vadd.s32 $0x13880, v60;
	[tilespmem:$0xC60] =	vst v11  }
0xc0: {  	v16 =	vld [tilespmem:$0x2D0];
	v15 =	vadd.s32 $0x13880, v62;
	[tilespmem:$0xC70] =	vst v13  }
0xc1: {  	v18 =	vld [tilespmem:$0x2E0];
	v17 =	vadd.s32 $0x13880, v8;
	[tilespmem:$0xC80] =	vst v15  }
0xc2: {  	v20 =	vld [tilespmem:$0x2F0];
	v19 =	vadd.s32 $0x13880, v10;
	[tilespmem:$0xC90] =	vst v17  }
0xc3: {  	v22 =	vld [tilespmem:$0x300];
	v21 =	vadd.s32 $0x13880, v12;
	[tilespmem:$0xCA0] =	vst v19  }
0xc4: {  	v24 =	vld [tilespmem:$0x310];
	v23 =	vadd.s32 $0x13880, v14;
	[tilespmem:$0xCB0] =	vst v21  }
0xc5: {  	v26 =	vld [tilespmem:$0x320];
	v25 =	vadd.s32 $0x13880, v16;
	[tilespmem:$0xCC0] =	vst v23  }
0xc6: {  	v28 =	vld [tilespmem:$0x330];
	v27 =	vadd.s32 $0x13880, v18;
	[tilespmem:$0xCD0] =	vst v25  }
0xc7: {  	v30 =	vld [tilespmem:$0x340];
	v29 =	vadd.s32 $0x13880, v20;
	[tilespmem:$0xCE0] =	vst v27  }
0xc8: {  	v32 =	vld [tilespmem:$0x350];
	v31 =	vadd.s32 $0x13880, v22;
	[tilespmem:$0xCF0] =	vst v29  }
0xc9: {  	v34 =	vld [tilespmem:$0x360];
	v33 =	vadd.s32 $0x13880, v24;
	[tilespmem:$0xD00] =	vst v31  }
0xca: {  	v36 =	vld [tilespmem:$0x370];
	v35 =	vadd.s32 $0x13880, v26;
	[tilespmem:$0xD10] =	vst v33  }
0xcb: {  	v38 =	vld [tilespmem:$0x380];
	v37 =	vadd.s32 $0x13880, v28;
	[tilespmem:$0xD20] =	vst v35  }
0xcc: {  	v40 =	vld [tilespmem:$0x390];
	v39 =	vadd.s32 $0x13880, v30;
	[tilespmem:$0xD30] =	vst v37  }
0xcd: {  	v42 =	vld [tilespmem:$0x3A0];
	v41 =	vadd.s32 $0x13880, v32;
	[tilespmem:$0xD40] =	vst v39  }
0xce: {  	v44 =	vld [tilespmem:$0x3B0];
	v43 =	vadd.s32 $0x13880, v34;
	[tilespmem:$0xD50] =	vst v41  }
0xcf: {  	v46 =	vld [tilespmem:$0x3C0];
	v45 =	vadd.s32 $0x13880, v36;
	[tilespmem:$0xD60] =	vst v43  }
0xd0: {  	v48 =	vld [tilespmem:$0x3D0];
	v47 =	vadd.s32 $0x13880, v38;
	[tilespmem:$0xD70] =	vst v45  }
0xd1: {  	v50 =	vld [tilespmem:$0x3E0];
	v49 =	vadd.s32 $0x13880, v40;
	[tilespmem:$0xD80] =	vst v47  }
0xd2: {  	v51 =	vadd.s32 $0x13880, v42;
	v52 =	vld [tilespmem:$0x3F0];
	[tilespmem:$0xD90] =	vst v49  }
0xd3: {  	v53 =	vadd.s32 $0x13880, v44;
	[tilespmem:$0xDA0] =	vst v51  }
0xd4: {  	v54 =	vadd.s32 $0x13880, v46;
	[tilespmem:$0xDB0] =	vst v53  }
0xd5: {  	v55 =	vadd.s32 $0x13880, v48;
	[tilespmem:$0xDC0] =	vst v54  }
0xd6: {  	v56 =	vadd.s32 $0x13880, v50;
	[tilespmem:$0xDD0] =	vst v55  }
0xd7: {  	[tilespmem:$0xDE0] =	vst v56;
	v57 =	vadd.s32 $0x13880, v52  }
0xd8: {  	[tilespmem:$0xDF0] =	vst v57  }
0xd9: {  	[tilespmem:s24], [sflag:$0x1] =	stream.indirect.gather [hbm4b:s3+s13], $0x1, s23, s13, $0xb8;
	[tilespmem:$0x1C00] =	vst v63  }
0xda: {  	v58 =	vld [tilespmem:$0x200]  }
0xdb: {  	v59 =	vld [tilespmem:$0x210]  }
0xdc: {  	v60 =	vld [tilespmem:$0x220]  }
0xdd: {  	v61 =	vld [tilespmem:$0x230]  }
0xde: {  	v62 =	vld [tilespmem:$0x240]  }
0xdf: {  	v63 =	vld [tilespmem:$0x250];
	v0 =	vadd.s32 $0x186A0, v58  }
0xe0: {  	v8 =	vld [tilespmem:$0x260];
	v7 =	vadd.s32 $0x186A0, v59;
	[tilespmem:$0xE00] =	vst v0  }
0xe1: {  	v10 =	vld [tilespmem:$0x270];
	v9 =	vadd.s32 $0x186A0, v60;
	[tilespmem:$0xE10] =	vst v7  }
0xe2: {  	v12 =	vld [tilespmem:$0x280];
	v11 =	vadd.s32 $0x186A0, v61;
	[tilespmem:$0xE20] =	vst v9  }
0xe3: {  	v14 =	vld [tilespmem:$0x290];
	v13 =	vadd.s32 $0x186A0, v62;
	[tilespmem:$0xE30] =	vst v11  }
0xe4: {  	v16 =	vld [tilespmem:$0x2A0];
	v15 =	vadd.s32 $0x186A0, v63;
	[tilespmem:$0xE40] =	vst v13  }
0xe5: {  	v18 =	vld [tilespmem:$0x2B0];
	v17 =	vadd.s32 $0x186A0, v8;
	[tilespmem:$0xE50] =	vst v15  }
0xe6: {  	v20 =	vld [tilespmem:$0x2C0];
	v19 =	vadd.s32 $0x186A0, v10;
	[tilespmem:$0xE60] =	vst v17  }
0xe7: {  	v22 =	vld [tilespmem:$0x2D0];
	v21 =	vadd.s32 $0x186A0, v12;
	[tilespmem:$0xE70] =	vst v19  }
0xe8: {  	v24 =	vld [tilespmem:$0x2E0];
	v23 =	vadd.s32 $0x186A0, v14;
	[tilespmem:$0xE80] =	vst v21  }
0xe9: {  	v26 =	vld [tilespmem:$0x2F0];
	v25 =	vadd.s32 $0x186A0, v16;
	[tilespmem:$0xE90] =	vst v23  }
0xea: {  	v28 =	vld [tilespmem:$0x300];
	v27 =	vadd.s32 $0x186A0, v18;
	[tilespmem:$0xEA0] =	vst v25  }
0xeb: {  	v30 =	vld [tilespmem:$0x310];
	v29 =	vadd.s32 $0x186A0, v20;
	[tilespmem:$0xEB0] =	vst v27  }
0xec: {  	v32 =	vld [tilespmem:$0x320];
	v31 =	vadd.s32 $0x186A0, v22;
	[tilespmem:$0xEC0] =	vst v29  }
0xed: {  	v34 =	vld [tilespmem:$0x330];
	v33 =	vadd.s32 $0x186A0, v24;
	[tilespmem:$0xED0] =	vst v31  }
0xee: {  	v36 =	vld [tilespmem:$0x340];
	v35 =	vadd.s32 $0x186A0, v26;
	[tilespmem:$0xEE0] =	vst v33  }
0xef: {  	v38 =	vld [tilespmem:$0x350];
	v37 =	vadd.s32 $0x186A0, v28;
	[tilespmem:$0xEF0] =	vst v35  }
0xf0: {  	v40 =	vld [tilespmem:$0x360];
	v39 =	vadd.s32 $0x186A0, v30;
	[tilespmem:$0xF00] =	vst v37  }
0xf1: {  	v42 =	vld [tilespmem:$0x370];
	v41 =	vadd.s32 $0x186A0, v32;
	[tilespmem:$0xF10] =	vst v39  }
0xf2: {  	v44 =	vld [tilespmem:$0x380];
	v43 =	vadd.s32 $0x186A0, v34;
	[tilespmem:$0xF20] =	vst v41  }
0xf3: {  	v46 =	vld [tilespmem:$0x390];
	v45 =	vadd.s32 $0x186A0, v36;
	[tilespmem:$0xF30] =	vst v43  }
0xf4: {  	v48 =	vld [tilespmem:$0x3A0];
	v47 =	vadd.s32 $0x186A0, v38;
	[tilespmem:$0xF40] =	vst v45  }
0xf5: {  	v50 =	vld [tilespmem:$0x3B0];
	v49 =	vadd.s32 $0x186A0, v40;
	[tilespmem:$0xF50] =	vst v47  }
0xf6: {  	v52 =	vld [tilespmem:$0x3C0];
	v51 =	vadd.s32 $0x186A0, v42;
	[tilespmem:$0xF60] =	vst v49  }
0xf7: {  	v54 =	vld [tilespmem:$0x3D0];
	v53 =	vadd.s32 $0x186A0, v44;
	[tilespmem:$0xF70] =	vst v51  }
0xf8: {  	v56 =	vld [tilespmem:$0x3E0];
	v55 =	vadd.s32 $0x186A0, v46;
	[tilespmem:$0xF80] =	vst v53  }
0xf9: {  	v57 =	vadd.s32 $0x186A0, v48;
	v58 =	vld [tilespmem:$0x3F0];
	[tilespmem:$0xF90] =	vst v55  }
0xfa: {  	v59 =	vadd.s32 $0x186A0, v50;
	[tilespmem:$0xFA0] =	vst v57  }
0xfb: {  	v60 =	vadd.s32 $0x186A0, v52;
	[tilespmem:$0xFB0] =	vst v59  }
0xfc: {  	v61 =	vadd.s32 $0x186A0, v54;
	[tilespmem:$0xFC0] =	vst v60  }
0xfd: {  	v62 =	vadd.s32 $0x186A0, v56;
	[tilespmem:$0xFD0] =	vst v61  }
0xfe: {  	[tilespmem:$0xFE0] =	vst v62;
	v63 =	vadd.s32 $0x186A0, v58  }
0xff: {  	[tilespmem:$0xFF0] =	vst v63  }
0x100: {  	[tilespmem:s26], [sflag:$0x1] =	stream.indirect.gather [hbm4b:s3+s13], $0x1, s25, s13, $0xb8;
	[tilespmem:$0x1C00] =	vst v63  }
0x101: {  	_ =	swait.ge [sflag:s14], $0x200  }
0x102: {  	[sflag:s14] =	ssyncset.done $0x0  }
0x103: {  	[sflag:s14] =	ssyncadd.s32 $0xFFFFFE00  }
0x104: {  	[hbm4b:s6+s2] =	stream.linear.scatter [tilespmem:s16], [sflag:$0x2], $0x200, $0x38;
	[tilespmem:$0x1C00] =	vst v63  }
0x105: {  	_ =	swait.ge [sflag:s28], $0x200  }
0x106: {  	[sflag:s28] =	ssyncset.done $0x0  }
0x107: {  	[sflag:s28] =	ssyncadd.s32 $0xFFFFFE00  }
0x108: {  	_ =	swait.ge [sflag:s14], $0x200  }
0x109: {  	[sflag:s14] =	ssyncset.done $0x0  }
0x10a: {  	[sflag:s14] =	ssyncadd.s32 $0xFFFFFE00  }
0x10b: {  	[hbm4b:s7+s2] =	stream.linear.scatter [tilespmem:s18], [sflag:$0x2], $0x200, $0x38;
	[tilespmem:$0x1C00] =	vst v63  }
0x10c: {  	_ =	swait.ge [sflag:s28], $0x200  }
0x10d: {  	[sflag:s28] =	ssyncset.done $0x0  }
0x10e: {  	[sflag:s28] =	ssyncadd.s32 $0xFFFFFE00  }
0x10f: {  	_ =	swait.ge [sflag:s14], $0x200  }
0x110: {  	[sflag:s14] =	ssyncset.done $0x0  }
0x111: {  	[sflag:s14] =	ssyncadd.s32 $0xFFFFFE00  }
0x112: {  	[hbm4b:s8+s2] =	stream.linear.scatter [tilespmem:s20], [sflag:$0x2], $0x200, $0x38;
	[tilespmem:$0x1C00] =	vst v63  }
0x113: {  	_ =	swait.ge [sflag:s28], $0x200  }
0x114: {  	[sflag:s28] =	ssyncset.done $0x0  }
0x115: {  	[sflag:s28] =	ssyncadd.s32 $0xFFFFFE00  }
0x116: {  	_ =	swait.ge [sflag:s14], $0x200  }
0x117: {  	[sflag:s14] =	ssyncset.done $0x0  }
0x118: {  	[sflag:s14] =	ssyncadd.s32 $0xFFFFFE00  }
0x119: {  	[hbm4b:s9+s2] =	stream.linear.scatter [tilespmem:s22], [sflag:$0x2], $0x200, $0x38;
	[tilespmem:$0x1C00] =	vst v63  }
0x11a: {  	_ =	swait.ge [sflag:s28], $0x200  }
0x11b: {  	[sflag:s28] =	ssyncset.done $0x0  }
0x11c: {  	[sflag:s28] =	ssyncadd.s32 $0xFFFFFE00  }
0x11d: {  	_ =	swait.ge [sflag:s14], $0x200  }
0x11e: {  	[sflag:s14] =	ssyncset.done $0x0  }
0x11f: {  	[sflag:s14] =	ssyncadd.s32 $0xFFFFFE00  }
0x120: {  	[hbm4b:s10+s2] =	stream.linear.scatter [tilespmem:s24], [sflag:$0x2], $0x200, $0x38;
	[tilespmem:$0x1C00] =	vst v63  }
0x121: {  	_ =	swait.ge [sflag:s28], $0x200  }
0x122: {  	[sflag:s28] =	ssyncset.done $0x0  }
0x123: {  	[sflag:s28] =	ssyncadd.s32 $0xFFFFFE00  }
0x124: {  	_ =	swait.ge [sflag:s14], $0x200  }
0x125: {  	p0 =	sne.s32 s12, $0x1;
	[sflag:s14] =	ssyncset.done $0x0  }
.Ltmp0:
0x126: {  	[sflag:s14] =	ssyncadd.s32 $0xFFFFFE00;
	(pc) =	sbr.rel @p0 .LBB2_1-.Ltmp0, $4  }
0x127: {  	[hbm4b:s11+s2] =	stream.linear.scatter [tilespmem:s26], [sflag:$0x2], $0x200, $0x38;
	[tilespmem:$0x1C00] =	vst v63  }
0x128: {  	_ =	swait.ge [sflag:s28], $0x200  }
0x129: {  	[sflag:s28] =	ssyncset.done $0x0  }
0x12a: {  	s12 =	sadd.s32 $0xFFFFFFFF, s12;
	[sflag:s28] =	ssyncadd.s32 $0xFFFFFE00  }
0x12b: {  	_ =	sfence.sel $0x180000  }
0x12c: {  	[bflag:$0x0] =	sbarrier.arrive $0xFFFF  }
0x12d: {  	p0 =	sne.s32 s1, $0x0;
	_ =	strace $0x90000047  }
0x12e: {  	s0 =	sadd.s32 @!p0 $0x100000, s0;
	[bflag:$0x2] =	sbarrier.arrive $0xFFFF  }
0x12f: {  	[sflag:s0] =	ssyncadd.tile.s32 @!p0 $0x1;
	_ =	shalt  }
.Lfunc_end2:
_tile_overlayer_lowered:
.L_overlay_start_2:
0x130: {  	(tag) =	ssettag $0x2  }
0x131: {  	s0 =	rddreg [dreg:$0x0];
	s2 =	stileid.u32  }
0x132: {  	s1 =	rddreg [dreg:$0x1];
	p0 =	sne.s32 s2, $0x0  }
0x133: {  	s3 =	rddreg [dreg:$0x2];
	[bflag:$0x3] =	sbarrier.arrive $0xFFFF;
	s2 =	simm.s32 @!p0 $0x1C02  }
0x134: {  	[timem:s3], [sflag:s2] =	dma.local @!p0 [hbm:s0], s1  }
0x135: {  	s0 =	simm.s32 @!p0 $0x2  }
0x136: {  	_ =	swait.ge @!p0 [sflag:s0], s1  }
0x137: {  	s1 =	ssub.s32 @!p0 $0x0, s1;
	[sflag:s0] =	ssyncset.done @!p0 $0x0  }
0x138: {  	[sflag:s0] =	ssyncadd.s32 @!p0 s1  }
0x139: {  	[bflag:$0x3] =	sbarrier.arrive $0xFFFF  }
0x13a: {  	_ =	shalt  }

</sc_bundles>
